<compile_context>
chip_gen: v7x
topology: tpu7x:2x2x1
jax: 0.10.2.dev20260603
libtpu: 0.0.44.dev20260713+nightly
codegen_flags: <defaults>
</compile_context>

<pallas_src>
import jax
import jax.numpy as jnp
from jax import lax
from jax.experimental import pallas as pl
from jax.experimental.pallas import tpu as pltpu
from jax.experimental.pallas import tpu_sc as plsc

N = 50000
E = 800000
D_IN = 64
QD = 16
N_CLS = 16
EP = 819200
NPAD = N + 8
ZC = 1000
CH = 1024
NCH = 50
NCH2 = 25

_f32 = jnp.float32
_bf16 = jnp.bfloat16


def _mesh():
    return plsc.VectorSubcoreMesh(
        core_axis_name="c", subcore_axis_name="s", num_cores=2, num_subcores=16
    )


def _params():
    return pltpu.CompilerParams(use_tc_tiling_on_sc=False)


def _cnt_body(dsth, z8h, ones8h, cah, cbh, idx_d0, idx_d1, zb8, onev, csh,
              ssem0, ssem1):
    cid = lax.axis_index("c")
    sid = lax.axis_index("s")
    idx_d = [idx_d0, idx_d1]
    ssem = [ssem0, ssem1]
    pltpu.sync_copy(z8h, zb8)
    pltpu.sync_copy(ones8h, onev)
    for k in range(4):
        c = sid + 16 * k

        @pl.when(c < NCH)
        def _():
            pltpu.sync_copy(zb8, csh.at[pl.ds(c * ZC, ZC)])

    plsc.subcore_barrier()

    wid_base = (cid * 16 + sid) * NCH2

    def stage_fire(j, b):
        pltpu.sync_copy(dsth.at[pl.ds((wid_base + j) * CH, CH)], idx_d[b])
        pltpu.async_copy(onev, csh.at[idx_d[b]], ssem[b], add=True)

    def swait(b):
        pltpu.make_async_copy(onev, csh.at[idx_d[b]], ssem[b]).wait()

    stage_fire(0, 0)
    stage_fire(1, 1)

    def body(i, carry):
        for b in (0, 1):
            j = 2 * i + b

            @pl.when(j < NCH2)
            def _():
                swait(b)
                stage_fire(j, b)
        return carry

    lax.fori_loop(1, (NCH2 + 1) // 2, body, 0)
    swait(0)
    swait(1)
    plsc.subcore_barrier()

    def wb(outh):
        for k in range(4):
            c = sid + 16 * k

            @pl.when(c < NCH)
            def _():
                pltpu.sync_copy(csh.at[pl.ds(c * ZC, ZC)], zb8)
                pltpu.sync_copy(zb8, outh.at[pl.ds(c * ZC, ZC)])

    @pl.when(cid == 0)
    def _():
        wb(cah)

    @pl.when(cid == 1)
    def _():
        wb(cbh)


def _make_cnt():
    return pl.kernel(
        _cnt_body,
        out_type=[jax.ShapeDtypeStruct((N, 8), _f32)] * 2,
        compiler_params=_params(),
        mesh=_mesh(),
        scratch_types=[
            pltpu.VMEM((CH,), jnp.int32),
            pltpu.VMEM((CH,), jnp.int32),
            pltpu.VMEM((ZC, 8), _f32),
            pltpu.VMEM((CH, 8), _f32),
            pltpu.VMEM_SHARED((NPAD, 8), _f32),
            pltpu.SemaphoreType.DMA,
            pltpu.SemaphoreType.DMA,
        ],
    )


def _sc1_body(xh0, xh1, srch, dsth, z32h,
              sh0, sh1,
              idx_s0, idx_s1, idx_d0, idx_d1, rows0, rows1, zb16, wb16,
              fsh, gsem0, gsem1, ssem0, ssem1):
    cid = lax.axis_index("c")
    sid = lax.axis_index("s")
    idx_s = [idx_s0, idx_s1]
    idx_d = [idx_d0, idx_d1]
    rows = [rows0, rows1]
    gsem = [gsem0, gsem1]
    ssem = [ssem0, ssem1]
    pltpu.sync_copy(z32h, zb16)

    def phase(xh, outh):
        for k in range(4):
            c = sid + 16 * k

            @pl.when(c < NCH)
            def _():
                pltpu.sync_copy(zb16, fsh.at[pl.ds(c * ZC, ZC)])

        plsc.subcore_barrier()

        def gfire(j, b):
            base = (sid * NCH + j) * CH
            pltpu.sync_copy(srch.at[pl.ds(base, CH)], idx_s[b])
            pltpu.sync_copy(dsth.at[pl.ds(base, CH)], idx_d[b])
            pltpu.async_copy(xh.at[idx_s[b]], rows[b], gsem[b])

        def gwait(b):
            pltpu.make_async_copy(xh.at[idx_s[b]], rows[b], gsem[b]).wait()

        def sfire(b):
            pltpu.async_copy(rows[b], fsh.at[idx_d[b]], ssem[b], add=True)

        def swait(b):
            pltpu.make_async_copy(rows[b], fsh.at[idx_d[b]], ssem[b]).wait()

        gfire(0, 0)

        def pair(i, carry):
            @pl.when(i > 0)
            def _():
                swait(1)
            gfire(2 * i + 1, 1)
            gwait(0)
            sfire(0)
            swait(0)
            @pl.when(2 * i + 2 < NCH)
            def _():
                gfire(2 * i + 2, 0)
            gwait(1)
            sfire(1)
            return carry

        lax.fori_loop(0, NCH // 2, pair, 0)
        swait(1)
        plsc.subcore_barrier()

        for k in range(4):
            c = sid + 16 * k

            @pl.when(c < NCH)
            def _():
                pltpu.sync_copy(fsh.at[pl.ds(c * ZC, ZC)], wb16)
                pltpu.sync_copy(wb16, outh.at[pl.ds(c * ZC, ZC)])

        plsc.subcore_barrier()

    @pl.when(cid == 0)
    def _():
        phase(xh0, sh0)

    @pl.when(cid == 1)
    def _():
        phase(xh1, sh1)


def _make_sc1():
    return pl.kernel(
        _sc1_body,
        out_type=[jax.ShapeDtypeStruct((N, 2 * QD), _bf16)] * 2,
        compiler_params=_params(),
        mesh=_mesh(),
        scratch_types=[
            pltpu.VMEM((CH,), jnp.int32),
            pltpu.VMEM((CH,), jnp.int32),
            pltpu.VMEM((CH,), jnp.int32),
            pltpu.VMEM((CH,), jnp.int32),
            pltpu.VMEM((CH, 2 * QD), _bf16),
            pltpu.VMEM((CH, 2 * QD), _bf16),
            pltpu.VMEM((ZC, 2 * QD), _bf16),
            pltpu.VMEM((ZC, 2 * QD), _bf16),
            pltpu.VMEM_SHARED((NPAD, 2 * QD), _bf16),
            pltpu.SemaphoreType.DMA,
            pltpu.SemaphoreType.DMA,
            pltpu.SemaphoreType.DMA,
            pltpu.SemaphoreType.DMA,
        ],
    )


def _sc2_body(ph, srch, dsth, z16h,
              s2ah, s2bh,
              idx_s0, idx_s1, idx_d0, idx_d1, rows0, rows1, zb16, psh,
              gsem0, gsem1, ssem0, ssem1):
    cid = lax.axis_index("c")
    sid = lax.axis_index("s")
    idx_s = [idx_s0, idx_s1]
    idx_d = [idx_d0, idx_d1]
    rows = [rows0, rows1]
    gsem = [gsem0, gsem1]
    ssem = [ssem0, ssem1]
    pltpu.sync_copy(z16h, zb16)
    for k in range(4):
        c = sid + 16 * k

        @pl.when(c < NCH)
        def _():
            pltpu.sync_copy(zb16, psh.at[pl.ds(c * ZC, ZC)])

    plsc.subcore_barrier()

    wid_base = (cid * 16 + sid) * NCH2

    def gfire(j, b):
        base = (wid_base + j) * CH
        pltpu.sync_copy(srch.at[pl.ds(base, CH)], idx_s[b])
        pltpu.sync_copy(dsth.at[pl.ds(base, CH)], idx_d[b])
        pltpu.async_copy(ph.at[idx_s[b]], rows[b], gsem[b])

    def gwait(b):
        pltpu.make_async_copy(ph.at[idx_s[b]], rows[b], gsem[b]).wait()

    def sfire(b):
        pltpu.async_copy(rows[b], psh.at[idx_d[b]], ssem[b], add=True)

    def swait(b):
        pltpu.make_async_copy(rows[b], psh.at[idx_d[b]], ssem[b]).wait()

    gfire(0, 0)

    def pair(i, carry):
        @pl.when(i > 0)
        def _():
            swait(1)
        gfire(2 * i + 1, 1)
        gwait(0)
        sfire(0)
        swait(0)
        @pl.when(2 * i + 2 < NCH2)
        def _():
            gfire(2 * i + 2, 0)
        gwait(1)
        sfire(1)
        return carry

    lax.fori_loop(0, NCH2 // 2, pair, 0)
    swait(1)
    gwait(0)
    sfire(0)
    swait(0)
    plsc.subcore_barrier()

    def wb(outh):
        for k in range(4):
            c = sid + 16 * k

            @pl.when(c < NCH)
            def _():
                pltpu.sync_copy(psh.at[pl.ds(c * ZC, ZC)], zb16)
                pltpu.sync_copy(zb16, outh.at[pl.ds(c * ZC, ZC)])

    @pl.when(cid == 0)
    def _():
        wb(s2ah)

    @pl.when(cid == 1)
    def _():
        wb(s2bh)


def _make_sc2():
    return pl.kernel(
        _sc2_body,
        out_type=[jax.ShapeDtypeStruct((N, N_CLS), _f32)] * 2,
        compiler_params=_params(),
        mesh=_mesh(),
        scratch_types=[
            pltpu.VMEM((CH,), jnp.int32),
            pltpu.VMEM((CH,), jnp.int32),
            pltpu.VMEM((CH,), jnp.int32),
            pltpu.VMEM((CH,), jnp.int32),
            pltpu.VMEM((CH, N_CLS), _f32),
            pltpu.VMEM((CH, N_CLS), _f32),
            pltpu.VMEM((ZC, N_CLS), _f32),
            pltpu.VMEM_SHARED((NPAD, N_CLS), _f32),
            pltpu.SemaphoreType.DMA,
            pltpu.SemaphoreType.DMA,
            pltpu.SemaphoreType.DMA,
            pltpu.SemaphoreType.DMA,
        ],
    )


def _dense1_body(sh0_r, sh1_r, ca_r, cb_r, x_r,
                 w1la_r, w1lb_r, w1r_r, b1_r,
                 w2l_r, w2r_r, b2_r, p_r, q_r):
    inv = 1.0 / jnp.maximum(ca_r[:, 0:1] + cb_r[:, 0:1], 1.0)
    h = (jnp.dot(sh0_r[...].astype(jnp.float32) * inv, w1la_r[...])
         + jnp.dot(sh1_r[...].astype(jnp.float32) * inv, w1lb_r[...])
         + jnp.dot(x_r[...], w1r_r[...]) + b1_r[0:1, :])
    h = jnp.maximum(h, 0.0)
    p_r[...] = jnp.dot(h, w2l_r[...])
    q_r[...] = jnp.dot(h, w2r_r[...]) + b2_r[0:1, :]


def _dense2_body(a_r, b_r, ca_r, cb_r, q_r, o_r):
    inv = 1.0 / jnp.maximum(ca_r[:, 0:1] + cb_r[:, 0:1], 1.0)
    o_r[...] = (a_r[...] + b_r[...]) * inv + q_r[...]


def kernel(x, edge_index, W1_l, b1, W1_r, W2_l, b2, W2_r):
    src = edge_index[0]
    dst = edge_index[1]
    pad = EP - E
    srcp = jnp.concatenate([src, jnp.zeros((pad,), jnp.int32)])
    dstp = jnp.concatenate([dst, jnp.full((pad,), N, jnp.int32)])
    xb = x.astype(_bf16)
    xh0 = xb[:, :2 * QD]
    xh1 = xb[:, 2 * QD:]
    z8 = jnp.zeros((ZC, 8), _f32)
    z16 = jnp.zeros((ZC, QD), _f32)
    z32b = jnp.zeros((ZC, 2 * QD), _bf16)
    ones8 = jnp.ones((CH, 8), _f32)

    cnta, cntb = _make_cnt()(dstp, z8, ones8)
    sh0, sh1 = _make_sc1()(xh0, xh1, srcp, dstp, z32b)

    B = 2000
    grid = (N // B,)
    row_spec = lambda w: pl.BlockSpec((B, w), lambda i: (i, 0))
    full_spec = lambda a, b: pl.BlockSpec((a, b), lambda i: (0, 0))
    dense1 = pl.pallas_call(
        _dense1_body,
        grid=grid,
        in_specs=[
            row_spec(2 * QD), row_spec(2 * QD),
            row_spec(8), row_spec(8), row_spec(D_IN),
            full_spec(2 * QD, D_IN), full_spec(2 * QD, D_IN),
            full_spec(D_IN, D_IN), full_spec(8, D_IN),
            full_spec(D_IN, N_CLS), full_spec(D_IN, N_CLS), full_spec(8, N_CLS),
        ],
        out_specs=[row_spec(N_CLS), row_spec(N_CLS)],
        out_shape=[jax.ShapeDtypeStruct((N, N_CLS), _f32)] * 2,
    )
    w1la = W1_l[:, :2 * QD].T
    w1lb = W1_l[:, 2 * QD:].T
    b1t = jnp.tile(b1.reshape(1, D_IN), (8, 1))
    b2t = jnp.tile(b2.reshape(1, N_CLS), (8, 1))
    p, q = dense1(sh0, sh1, cnta, cntb, x,
                  w1la, w1lb, W1_r.T, b1t,
                  W2_l.T, W2_r.T, b2t)

    s2a, s2b = _make_sc2()(p, srcp, dstp, z16)

    dense2 = pl.pallas_call(
        _dense2_body,
        grid=grid,
        in_specs=[row_spec(N_CLS), row_spec(N_CLS), row_spec(8), row_spec(8),
                  row_spec(N_CLS)],
        out_specs=row_spec(N_CLS),
        out_shape=jax.ShapeDtypeStruct((N, N_CLS), _f32),
    )
    return dense2(s2a, s2b, cnta, cntb, q)

# --- scband reference (transcript-rebuilt; emitter-appended) ---
"""Pipeline reference for scband-gnnclassifier-23630910063032 (READ-ONLY COPY).

The authoritative reference and input builder live on the scoring server;
editing this copy changes nothing except your own understanding.
"""

import jax, jax.numpy as jnp
import numpy as np

N = 50000
E = 800000
D_IN = 64
D_H = 64
N_CLS = 16


def setup_inputs(seed: int = 0) -> dict:
    key = jax.random.key(seed)
    ks = jax.random.split(key, 8)
    x = jax.random.normal(ks[0], (N, D_IN), dtype=jnp.float32)
    edge_index = jax.random.randint(ks[1], (2, E), 0, N, dtype=jnp.int32)
    # SAGEConv1: lin_l (applied to mean-aggregated neighbors, has bias), lin_r (applied to root, no bias)
    W1_l = jax.random.normal(ks[2], (D_H, D_IN), dtype=jnp.float32) * 0.05
    b1 = jnp.zeros((D_H,), dtype=jnp.float32)
    W1_r = jax.random.normal(ks[3], (D_H, D_IN), dtype=jnp.float32) * 0.05
    # SAGEConv2
    W2_l = jax.random.normal(ks[4], (N_CLS, D_H), dtype=jnp.float32) * 0.05
    b2 = jnp.zeros((N_CLS,), dtype=jnp.float32)
    W2_r = jax.random.normal(ks[5], (N_CLS, D_H), dtype=jnp.float32) * 0.05
    return {"x": x, "edge_index": edge_index, "W1_l": W1_l, "b1": b1, "W1_r": W1_r, "W2_l": W2_l, "b2": b2, "W2_r": W2_r}


def _sage_conv(x, edge_index, W_l, b_l, W_r):
    # PyG SAGEConv with mean aggregation:
    #   out = lin_l(mean_{j in N(i)} x_j) + lin_r(x_i)
    src = edge_index[0]
    dst = edge_index[1]
    msg = jnp.take(x, src, axis=0)                                   # gather: [E, d]
    summed = jax.ops.segment_sum(msg, dst, num_segments=N)           # scatter-add: [N, d]
    cnt = jax.ops.segment_sum(jnp.ones((edge_index.shape[1],), jnp.float32), dst, num_segments=N)
    mean = summed / jnp.clip(cnt, 1.0)[:, None]
    return mean @ W_l.T + b_l + x @ W_r.T


def reference(x, edge_index, W1_l, b1, W1_r, W2_l, b2, W2_r):
    h = _sage_conv(x, edge_index, W1_l, b1, W1_r)
    h = jax.nn.relu(h)
    # dropout is identity in eval mode
    out = _sage_conv(h, edge_index, W2_l, b2, W2_r)
    return out

if __name__ == "__main__":
    import jax
    _d = setup_inputs()
    print(jax.jit(kernel)(*tuple(_d.values())))

</pallas_src>

<mosaic_0001>
#map = affine_map<(d0, d1) -> (0, 0)>
#map1 = affine_map<(d0, d1) -> (0)>
module attributes {stable_mosaic.version = 14 : i64} {
  func.func @_sc2_body(%arg0: i32, %arg1: i32, %arg2: memref<50000x16xf32, #tpu.memory_space<hbm>>, %arg3: memref<819200xi32, #tpu.memory_space<hbm>>, %arg4: memref<819200xi32, #tpu.memory_space<hbm>>, %arg5: memref<1000x16xf32, #tpu.memory_space<hbm>>, %arg6: memref<50000x16xf32, #tpu.memory_space<hbm>>, %arg7: memref<50000x16xf32, #tpu.memory_space<hbm>>, %arg8: memref<1024xi32, #tpu.memory_space<vmem>>, %arg9: memref<1024xi32, #tpu.memory_space<vmem>>, %arg10: memref<1024xi32, #tpu.memory_space<vmem>>, %arg11: memref<1024xi32, #tpu.memory_space<vmem>>, %arg12: memref<1024x16xf32, #tpu.memory_space<vmem>>, %arg13: memref<1024x16xf32, #tpu.memory_space<vmem>>, %arg14: memref<1000x16xf32, #tpu.memory_space<vmem>>, %arg15: memref<50008x16xf32, #tpu.memory_space<vmem_shared>>, %arg16: memref<!tpu.dma_semaphore, #tpu.memory_space<semaphore_mem>>, %arg17: memref<!tpu.dma_semaphore, #tpu.memory_space<semaphore_mem>>, %arg18: memref<!tpu.dma_semaphore, #tpu.memory_space<semaphore_mem>>, %arg19: memref<!tpu.dma_semaphore, #tpu.memory_space<semaphore_mem>>) attributes {dimension_semantics = [#tpu.dimension_semantics<core_parallel>, #tpu.dimension_semantics<subcore_parallel>], iteration_bounds = array<i64: 2, 16>, scalar_prefetch = 0 : i64, scratch_operands = 12 : i64, tpu.core_type = #tpu.core_type<sc_vector_subcore>, window_params = [{transform_indices = #map}, {transform_indices = #map1}, {transform_indices = #map1}, {transform_indices = #map}, {transform_indices = #map}, {transform_indices = #map}]} {
    "tpu.region"() ({
      %run_scoped3A = tpu.sem_alloc : memref<!tpu.dma_semaphore, #tpu.memory_space<semaphore_mem>>
      tpu.enqueue_dma source(%arg5 : memref<1000x16xf32, #tpu.memory_space<hbm>>) target(%arg14 : memref<1000x16xf32, #tpu.memory_space<vmem>>) target_semaphore(%run_scoped3A : memref<!tpu.dma_semaphore, #tpu.memory_space<semaphore_mem>>)
      tpu.wait_dma2 semaphore(%run_scoped3A : memref<!tpu.dma_semaphore, #tpu.memory_space<semaphore_mem>>) src(%arg5 : memref<1000x16xf32, #tpu.memory_space<hbm>>) dst(%arg14 : memref<1000x16xf32, #tpu.memory_space<vmem>>)
      tpu.yield
    }) : () -> ()
    %add3A = arith.constant 0 : i32
    %add3A_0 = arith.addi %arg1, %add3A : i32
    %lt3A = arith.constant 50 : i32
    %lt3A_1 = arith.cmpi slt, %add3A_0, %lt3A : i32
    %convert_element_type3A = arith.extui %lt3A_1 : i1 to i32
    %cond3A = arith.constant 0 : i32
    %cond3A_2 = arith.cmpi ne, %convert_element_type3A, %cond3A : i32
    scf.if %cond3A_2 {
      %mul3A_60 = arith.constant 1000 : i32
      %mul3A_61 = arith.muli %add3A_0, %mul3A_60 : i32
      "tpu.region"() ({
        %run_scoped3A = tpu.sem_alloc : memref<!tpu.dma_semaphore, #tpu.memory_space<semaphore_mem>>
        %dma_start3A_62 = arith.constant 0 : i32
        %dma_start3A_63 = tpu.memref_slice %arg15[%mul3A_61, %dma_start3A_62] : memref<50008x16xf32, #tpu.memory_space<vmem_shared>> -> memref<1000x16xf32, #tpu.memory_space<vmem_shared>>
        %dma_start3A_64 = arith.constant 0 : i32
        %dma_start3A_65 = tpu.memref_slice %arg15[%mul3A_61, %dma_start3A_64] : memref<50008x16xf32, #tpu.memory_space<vmem_shared>> -> memref<1000x16xf32, #tpu.memory_space<vmem_shared>>
        tpu.enqueue_dma source(%arg14 : memref<1000x16xf32, #tpu.memory_space<vmem>>) target(%dma_start3A_65 : memref<1000x16xf32, #tpu.memory_space<vmem_shared>>) target_semaphore(%run_scoped3A : memref<!tpu.dma_semaphore, #tpu.memory_space<semaphore_mem>>)
        %dma_wait3A_66 = arith.constant 0 : i32
        %dma_wait3A_67 = tpu.memref_slice %arg15[%mul3A_61, %dma_wait3A_66] : memref<50008x16xf32, #tpu.memory_space<vmem_shared>> -> memref<1000x16xf32, #tpu.memory_space<vmem_shared>>
        %dma_wait3A_68 = arith.constant 0 : i32
        %dma_wait3A_69 = tpu.memref_slice %arg15[%mul3A_61, %dma_wait3A_68] : memref<50008x16xf32, #tpu.memory_space<vmem_shared>> -> memref<1000x16xf32, #tpu.memory_space<vmem_shared>>
        tpu.wait_dma2 semaphore(%run_scoped3A : memref<!tpu.dma_semaphore, #tpu.memory_space<semaphore_mem>>) src(%arg14 : memref<1000x16xf32, #tpu.memory_space<vmem>>) dst(%dma_wait3A_69 : memref<1000x16xf32, #tpu.memory_space<vmem_shared>>)
        tpu.yield
      }) : () -> ()
    } else {
    }
    %add3A_3 = arith.constant 16 : i32
    %add3A_4 = arith.addi %arg1, %add3A_3 : i32
    %lt3A_5 = arith.constant 50 : i32
    %lt3A_6 = arith.cmpi slt, %add3A_4, %lt3A_5 : i32
    %convert_element_type3A_7 = arith.extui %lt3A_6 : i1 to i32
    %cond3A_8 = arith.constant 0 : i32
    %cond3A_9 = arith.cmpi ne, %convert_element_type3A_7, %cond3A_8 : i32
    scf.if %cond3A_9 {
      %mul3A_60 = arith.constant 1000 : i32
      %mul3A_61 = arith.muli %add3A_4, %mul3A_60 : i32
      "tpu.region"() ({
        %run_scoped3A = tpu.sem_alloc : memref<!tpu.dma_semaphore, #tpu.memory_space<semaphore_mem>>
        %dma_start3A_62 = arith.constant 0 : i32
        %dma_start3A_63 = tpu.memref_slice %arg15[%mul3A_61, %dma_start3A_62] : memref<50008x16xf32, #tpu.memory_space<vmem_shared>> -> memref<1000x16xf32, #tpu.memory_space<vmem_shared>>
        %dma_start3A_64 = arith.constant 0 : i32
        %dma_start3A_65 = tpu.memref_slice %arg15[%mul3A_61, %dma_start3A_64] : memref<50008x16xf32, #tpu.memory_space<vmem_shared>> -> memref<1000x16xf32, #tpu.memory_space<vmem_shared>>
        tpu.enqueue_dma source(%arg14 : memref<1000x16xf32, #tpu.memory_space<vmem>>) target(%dma_start3A_65 : memref<1000x16xf32, #tpu.memory_space<vmem_shared>>) target_semaphore(%run_scoped3A : memref<!tpu.dma_semaphore, #tpu.memory_space<semaphore_mem>>)
        %dma_wait3A_66 = arith.constant 0 : i32
        %dma_wait3A_67 = tpu.memref_slice %arg15[%mul3A_61, %dma_wait3A_66] : memref<50008x16xf32, #tpu.memory_space<vmem_shared>> -> memref<1000x16xf32, #tpu.memory_space<vmem_shared>>
        %dma_wait3A_68 = arith.constant 0 : i32
        %dma_wait3A_69 = tpu.memref_slice %arg15[%mul3A_61, %dma_wait3A_68] : memref<50008x16xf32, #tpu.memory_space<vmem_shared>> -> memref<1000x16xf32, #tpu.memory_space<vmem_shared>>
        tpu.wait_dma2 semaphore(%run_scoped3A : memref<!tpu.dma_semaphore, #tpu.memory_space<semaphore_mem>>) src(%arg14 : memref<1000x16xf32, #tpu.memory_space<vmem>>) dst(%dma_wait3A_69 : memref<1000x16xf32, #tpu.memory_space<vmem_shared>>)
        tpu.yield
      }) : () -> ()
    } else {
    }
    %add3A_10 = arith.constant 32 : i32
    %add3A_11 = arith.addi %arg1, %add3A_10 : i32
    %lt3A_12 = arith.constant 50 : i32
    %lt3A_13 = arith.cmpi slt, %add3A_11, %lt3A_12 : i32
    %convert_element_type3A_14 = arith.extui %lt3A_13 : i1 to i32
    %cond3A_15 = arith.constant 0 : i32
    %cond3A_16 = arith.cmpi ne, %convert_element_type3A_14, %cond3A_15 : i32
    scf.if %cond3A_16 {
      %mul3A_60 = arith.constant 1000 : i32
      %mul3A_61 = arith.muli %add3A_11, %mul3A_60 : i32
      "tpu.region"() ({
        %run_scoped3A = tpu.sem_alloc : memref<!tpu.dma_semaphore, #tpu.memory_space<semaphore_mem>>
        %dma_start3A_62 = arith.constant 0 : i32
        %dma_start3A_63 = tpu.memref_slice %arg15[%mul3A_61, %dma_start3A_62] : memref<50008x16xf32, #tpu.memory_space<vmem_shared>> -> memref<1000x16xf32, #tpu.memory_space<vmem_shared>>
        %dma_start3A_64 = arith.constant 0 : i32
        %dma_start3A_65 = tpu.memref_slice %arg15[%mul3A_61, %dma_start3A_64] : memref<50008x16xf32, #tpu.memory_space<vmem_shared>> -> memref<1000x16xf32, #tpu.memory_space<vmem_shared>>
        tpu.enqueue_dma source(%arg14 : memref<1000x16xf32, #tpu.memory_space<vmem>>) target(%dma_start3A_65 : memref<1000x16xf32, #tpu.memory_space<vmem_shared>>) target_semaphore(%run_scoped3A : memref<!tpu.dma_semaphore, #tpu.memory_space<semaphore_mem>>)
        %dma_wait3A_66 = arith.constant 0 : i32
        %dma_wait3A_67 = tpu.memref_slice %arg15[%mul3A_61, %dma_wait3A_66] : memref<50008x16xf32, #tpu.memory_space<vmem_shared>> -> memref<1000x16xf32, #tpu.memory_space<vmem_shared>>
        %dma_wait3A_68 = arith.constant 0 : i32
        %dma_wait3A_69 = tpu.memref_slice %arg15[%mul3A_61, %dma_wait3A_68] : memref<50008x16xf32, #tpu.memory_space<vmem_shared>> -> memref<1000x16xf32, #tpu.memory_space<vmem_shared>>
        tpu.wait_dma2 semaphore(%run_scoped3A : memref<!tpu.dma_semaphore, #tpu.memory_space<semaphore_mem>>) src(%arg14 : memref<1000x16xf32, #tpu.memory_space<vmem>>) dst(%dma_wait3A_69 : memref<1000x16xf32, #tpu.memory_space<vmem_shared>>)
        tpu.yield
      }) : () -> ()
    } else {
    }
    %add3A_17 = arith.constant 48 : i32
    %add3A_18 = arith.addi %arg1, %add3A_17 : i32
    %lt3A_19 = arith.constant 50 : i32
    %lt3A_20 = arith.cmpi slt, %add3A_18, %lt3A_19 : i32
    %convert_element_type3A_21 = arith.extui %lt3A_20 : i1 to i32
    %cond3A_22 = arith.constant 0 : i32
    %cond3A_23 = arith.cmpi ne, %convert_element_type3A_21, %cond3A_22 : i32
    scf.if %cond3A_23 {
      %mul3A_60 = arith.constant 1000 : i32
      %mul3A_61 = arith.muli %add3A_18, %mul3A_60 : i32
      "tpu.region"() ({
        %run_scoped3A = tpu.sem_alloc : memref<!tpu.dma_semaphore, #tpu.memory_space<semaphore_mem>>
        %dma_start3A_62 = arith.constant 0 : i32
        %dma_start3A_63 = tpu.memref_slice %arg15[%mul3A_61, %dma_start3A_62] : memref<50008x16xf32, #tpu.memory_space<vmem_shared>> -> memref<1000x16xf32, #tpu.memory_space<vmem_shared>>
        %dma_start3A_64 = arith.constant 0 : i32
        %dma_start3A_65 = tpu.memref_slice %arg15[%mul3A_61, %dma_start3A_64] : memref<50008x16xf32, #tpu.memory_space<vmem_shared>> -> memref<1000x16xf32, #tpu.memory_space<vmem_shared>>
        tpu.enqueue_dma source(%arg14 : memref<1000x16xf32, #tpu.memory_space<vmem>>) target(%dma_start3A_65 : memref<1000x16xf32, #tpu.memory_space<vmem_shared>>) target_semaphore(%run_scoped3A : memref<!tpu.dma_semaphore, #tpu.memory_space<semaphore_mem>>)
        %dma_wait3A_66 = arith.constant 0 : i32
        %dma_wait3A_67 = tpu.memref_slice %arg15[%mul3A_61, %dma_wait3A_66] : memref<50008x16xf32, #tpu.memory_space<vmem_shared>> -> memref<1000x16xf32, #tpu.memory_space<vmem_shared>>
        %dma_wait3A_68 = arith.constant 0 : i32
        %dma_wait3A_69 = tpu.memref_slice %arg15[%mul3A_61, %dma_wait3A_68] : memref<50008x16xf32, #tpu.memory_space<vmem_shared>> -> memref<1000x16xf32, #tpu.memory_space<vmem_shared>>
        tpu.wait_dma2 semaphore(%run_scoped3A : memref<!tpu.dma_semaphore, #tpu.memory_space<semaphore_mem>>) src(%arg14 : memref<1000x16xf32, #tpu.memory_space<vmem>>) dst(%dma_wait3A_69 : memref<1000x16xf32, #tpu.memory_space<vmem_shared>>)
        tpu.yield
      }) : () -> ()
    } else {
    }
    %barrier3A = arith.constant 0 : index
    tpu.barrier barrier_id(%barrier3A)
    %mul3A = arith.constant 16 : i32
    %mul3A_24 = arith.muli %arg0, %mul3A : i32
    %add3A_25 = arith.addi %mul3A_24, %arg1 : i32
    %mul3A_26 = arith.constant 25 : i32
    %mul3A_27 = arith.muli %add3A_25, %mul3A_26 : i32
    %add3A_28 = arith.constant 0 : i32
    %add3A_29 = arith.addi %mul3A_27, %add3A_28 : i32
    %mul3A_30 = arith.constant 1024 : i32
    %mul3A_31 = arith.muli %add3A_29, %mul3A_30 : i32
    "tpu.region"() ({
      %run_scoped3A = tpu.sem_alloc : memref<!tpu.dma_semaphore, #tpu.memory_space<semaphore_mem>>
      %dma_start3A_60 = tpu.memref_slice %arg3[%mul3A_31] : memref<819200xi32, #tpu.memory_space<hbm>> -> memref<1024xi32, #tpu.memory_space<hbm>>
      %dma_start3A_61 = tpu.memref_slice %arg3[%mul3A_31] : memref<819200xi32, #tpu.memory_space<hbm>> -> memref<1024xi32, #tpu.memory_space<hbm>>
      tpu.enqueue_dma source(%dma_start3A_61 : memref<1024xi32, #tpu.memory_space<hbm>>) target(%arg8 : memref<1024xi32, #tpu.memory_space<vmem>>) target_semaphore(%run_scoped3A : memref<!tpu.dma_semaphore, #tpu.memory_space<semaphore_mem>>)
      %dma_wait3A_62 = tpu.memref_slice %arg3[%mul3A_31] : memref<819200xi32, #tpu.memory_space<hbm>> -> memref<1024xi32, #tpu.memory_space<hbm>>
      %dma_wait3A_63 = tpu.memref_slice %arg3[%mul3A_31] : memref<819200xi32, #tpu.memory_space<hbm>> -> memref<1024xi32, #tpu.memory_space<hbm>>
      tpu.wait_dma2 semaphore(%run_scoped3A : memref<!tpu.dma_semaphore, #tpu.memory_space<semaphore_mem>>) src(%dma_wait3A_63 : memref<1024xi32, #tpu.memory_space<hbm>>) dst(%arg8 : memref<1024xi32, #tpu.memory_space<vmem>>)
      tpu.yield
    }) : () -> ()
    "tpu.region"() ({
      %run_scoped3A = tpu.sem_alloc : memref<!tpu.dma_semaphore, #tpu.memory_space<semaphore_mem>>
      %dma_start3A_60 = tpu.memref_slice %arg4[%mul3A_31] : memref<819200xi32, #tpu.memory_space<hbm>> -> memref<1024xi32, #tpu.memory_space<hbm>>
      %dma_start3A_61 = tpu.memref_slice %arg4[%mul3A_31] : memref<819200xi32, #tpu.memory_space<hbm>> -> memref<1024xi32, #tpu.memory_space<hbm>>
      tpu.enqueue_dma source(%dma_start3A_61 : memref<1024xi32, #tpu.memory_space<hbm>>) target(%arg10 : memref<1024xi32, #tpu.memory_space<vmem>>) target_semaphore(%run_scoped3A : memref<!tpu.dma_semaphore, #tpu.memory_space<semaphore_mem>>)
      %dma_wait3A_62 = tpu.memref_slice %arg4[%mul3A_31] : memref<819200xi32, #tpu.memory_space<hbm>> -> memref<1024xi32, #tpu.memory_space<hbm>>
      %dma_wait3A_63 = tpu.memref_slice %arg4[%mul3A_31] : memref<819200xi32, #tpu.memory_space<hbm>> -> memref<1024xi32, #tpu.memory_space<hbm>>
      tpu.wait_dma2 semaphore(%run_scoped3A : memref<!tpu.dma_semaphore, #tpu.memory_space<semaphore_mem>>) src(%dma_wait3A_63 : memref<1024xi32, #tpu.memory_space<hbm>>) dst(%arg10 : memref<1024xi32, #tpu.memory_space<vmem>>)
      tpu.yield
    }) : () -> ()
    %dma_start3A = arith.constant 0 : i32
    %dma_start3A_32 = arith.constant 0 : i32
    %dma_start3A_33 = tpu.memref_slice %arg2[%dma_start3A, %dma_start3A_32] : memref<50000x16xf32, #tpu.memory_space<hbm>> -> memref<50000x16xf32, #tpu.memory_space<hbm>>
    tpu.enqueue_indirect_dma source(%dma_start3A_33 : memref<50000x16xf32, #tpu.memory_space<hbm>>) target(%arg12 : memref<1024x16xf32, #tpu.memory_space<vmem>>) offsets(%arg8 : memref<1024xi32, #tpu.memory_space<vmem>>) semaphore(%arg16 : memref<!tpu.dma_semaphore, #tpu.memory_space<semaphore_mem>>)
    %scan3A = arith.constant 0 : i32
    %scan3A_34 = arith.constant 0 : i32
    %scan3A_35 = arith.constant 12 : i32
    %scan3A_36 = arith.addi %scan3A_34, %scan3A_35 : i32
    %scan3A_37 = arith.constant 1 : i32
    scf.for %scan3A_60 = %scan3A_34 to %scan3A_36 step %scan3A_37  : i32 {
      %gt3A = arith.constant 0 : i32
      %gt3A_61 = arith.cmpi sgt, %scan3A_60, %gt3A : i32
      %convert_element_type3A_62 = arith.extui %gt3A_61 : i1 to i32
      %cond3A_63 = arith.constant 0 : i32
      %cond3A_64 = arith.cmpi ne, %convert_element_type3A_62, %cond3A_63 : i32
      scf.if %cond3A_64 {
        %dma_wait3A_99 = arith.constant 0 : i32
        %dma_wait3A_100 = arith.constant 0 : i32
        %dma_wait3A_101 = tpu.memref_slice %arg15[%dma_wait3A_99, %dma_wait3A_100] : memref<50008x16xf32, #tpu.memory_space<vmem_shared>> -> memref<50008x16xf32, #tpu.memory_space<vmem_shared>>
        tpu.wait_indirect_dma semaphore(%arg19 : memref<!tpu.dma_semaphore, #tpu.memory_space<semaphore_mem>>) src(%arg13 : memref<1024x16xf32, #tpu.memory_space<vmem>>) dst(%dma_wait3A_101 : memref<50008x16xf32, #tpu.memory_space<vmem_shared>>)
      } else {
      }
      %mul3A_65 = arith.constant 2 : i32
      %mul3A_66 = arith.muli %mul3A_65, %scan3A_60 : i32
      %add3A_67 = arith.constant 1 : i32
      %add3A_68 = arith.addi %mul3A_66, %add3A_67 : i32
      %add3A_69 = arith.addi %mul3A_27, %add3A_68 : i32
      %mul3A_70 = arith.constant 1024 : i32
      %mul3A_71 = arith.muli %add3A_69, %mul3A_70 : i32
      "tpu.region"() ({
        %run_scoped3A = tpu.sem_alloc : memref<!tpu.dma_semaphore, #tpu.memory_space<semaphore_mem>>
        %dma_start3A_99 = tpu.memref_slice %arg3[%mul3A_71] : memref<819200xi32, #tpu.memory_space<hbm>> -> memref<1024xi32, #tpu.memory_space<hbm>>
        %dma_start3A_100 = tpu.memref_slice %arg3[%mul3A_71] : memref<819200xi32, #tpu.memory_space<hbm>> -> memref<1024xi32, #tpu.memory_space<hbm>>
        tpu.enqueue_dma source(%dma_start3A_100 : memref<1024xi32, #tpu.memory_space<hbm>>) target(%arg9 : memref<1024xi32, #tpu.memory_space<vmem>>) target_semaphore(%run_scoped3A : memref<!tpu.dma_semaphore, #tpu.memory_space<semaphore_mem>>)
        %dma_wait3A_101 = tpu.memref_slice %arg3[%mul3A_71] : memref<819200xi32, #tpu.memory_space<hbm>> -> memref<1024xi32, #tpu.memory_space<hbm>>
        %dma_wait3A_102 = tpu.memref_slice %arg3[%mul3A_71] : memref<819200xi32, #tpu.memory_space<hbm>> -> memref<1024xi32, #tpu.memory_space<hbm>>
        tpu.wait_dma2 semaphore(%run_scoped3A : memref<!tpu.dma_semaphore, #tpu.memory_space<semaphore_mem>>) src(%dma_wait3A_102 : memref<1024xi32, #tpu.memory_space<hbm>>) dst(%arg9 : memref<1024xi32, #tpu.memory_space<vmem>>)
        tpu.yield
      }) : () -> ()
      "tpu.region"() ({
        %run_scoped3A = tpu.sem_alloc : memref<!tpu.dma_semaphore, #tpu.memory_space<semaphore_mem>>
        %dma_start3A_99 = tpu.memref_slice %arg4[%mul3A_71] : memref<819200xi32, #tpu.memory_space<hbm>> -> memref<1024xi32, #tpu.memory_space<hbm>>
        %dma_start3A_100 = tpu.memref_slice %arg4[%mul3A_71] : memref<819200xi32, #tpu.memory_space<hbm>> -> memref<1024xi32, #tpu.memory_space<hbm>>
        tpu.enqueue_dma source(%dma_start3A_100 : memref<1024xi32, #tpu.memory_space<hbm>>) target(%arg11 : memref<1024xi32, #tpu.memory_space<vmem>>) target_semaphore(%run_scoped3A : memref<!tpu.dma_semaphore, #tpu.memory_space<semaphore_mem>>)
        %dma_wait3A_101 = tpu.memref_slice %arg4[%mul3A_71] : memref<819200xi32, #tpu.memory_space<hbm>> -> memref<1024xi32, #tpu.memory_space<hbm>>
        %dma_wait3A_102 = tpu.memref_slice %arg4[%mul3A_71] : memref<819200xi32, #tpu.memory_space<hbm>> -> memref<1024xi32, #tpu.memory_space<hbm>>
        tpu.wait_dma2 semaphore(%run_scoped3A : memref<!tpu.dma_semaphore, #tpu.memory_space<semaphore_mem>>) src(%dma_wait3A_102 : memref<1024xi32, #tpu.memory_space<hbm>>) dst(%arg11 : memref<1024xi32, #tpu.memory_space<vmem>>)
        tpu.yield
      }) : () -> ()
      %dma_start3A_72 = arith.constant 0 : i32
      %dma_start3A_73 = arith.constant 0 : i32
      %dma_start3A_74 = tpu.memref_slice %arg2[%dma_start3A_72, %dma_start3A_73] : memref<50000x16xf32, #tpu.memory_space<hbm>> -> memref<50000x16xf32, #tpu.memory_space<hbm>>
      tpu.enqueue_indirect_dma source(%dma_start3A_74 : memref<50000x16xf32, #tpu.memory_space<hbm>>) target(%arg13 : memref<1024x16xf32, #tpu.memory_space<vmem>>) offsets(%arg9 : memref<1024xi32, #tpu.memory_space<vmem>>) semaphore(%arg17 : memref<!tpu.dma_semaphore, #tpu.memory_space<semaphore_mem>>)
      %dma_wait3A_75 = arith.constant 0 : i32
      %dma_wait3A_76 = arith.constant 0 : i32
      %dma_wait3A_77 = tpu.memref_slice %arg2[%dma_wait3A_75, %dma_wait3A_76] : memref<50000x16xf32, #tpu.memory_space<hbm>> -> memref<50000x16xf32, #tpu.memory_space<hbm>>
      tpu.wait_indirect_dma semaphore(%arg16 : memref<!tpu.dma_semaphore, #tpu.memory_space<semaphore_mem>>) src(%dma_wait3A_77 : memref<50000x16xf32, #tpu.memory_space<hbm>>) dst(%arg12 : memref<1024x16xf32, #tpu.memory_space<vmem>>)
      %dma_start3A_78 = arith.constant 0 : i32
      %dma_start3A_79 = arith.constant 0 : i32
      %dma_start3A_80 = tpu.memref_slice %arg15[%dma_start3A_78, %dma_start3A_79] : memref<50008x16xf32, #tpu.memory_space<vmem_shared>> -> memref<50008x16xf32, #tpu.memory_space<vmem_shared>>
      tpu.enqueue_indirect_dma source(%arg12 : memref<1024x16xf32, #tpu.memory_space<vmem>>) target(%dma_start3A_80 : memref<50008x16xf32, #tpu.memory_space<vmem_shared>>) offsets(%arg10 : memref<1024xi32, #tpu.memory_space<vmem>>) semaphore(%arg18 : memref<!tpu.dma_semaphore, #tpu.memory_space<semaphore_mem>>) {add = true}
      %dma_wait3A_81 = arith.constant 0 : i32
      %dma_wait3A_82 = arith.constant 0 : i32
      %dma_wait3A_83 = tpu.memref_slice %arg15[%dma_wait3A_81, %dma_wait3A_82] : memref<50008x16xf32, #tpu.memory_space<vmem_shared>> -> memref<50008x16xf32, #tpu.memory_space<vmem_shared>>
      tpu.wait_indirect_dma semaphore(%arg18 : memref<!tpu.dma_semaphore, #tpu.memory_space<semaphore_mem>>) src(%arg12 : memref<1024x16xf32, #tpu.memory_space<vmem>>) dst(%dma_wait3A_83 : memref<50008x16xf32, #tpu.memory_space<vmem_shared>>)
      %mul3A_84 = arith.constant 2 : i32
      %mul3A_85 = arith.muli %mul3A_84, %scan3A_60 : i32
      %add3A_86 = arith.constant 2 : i32
      %add3A_87 = arith.addi %mul3A_85, %add3A_86 : i32
      %lt3A_88 = arith.constant 25 : i32
      %lt3A_89 = arith.cmpi slt, %add3A_87, %lt3A_88 : i32
      %convert_element_type3A_90 = arith.extui %lt3A_89 : i1 to i32
      %cond3A_91 = arith.constant 0 : i32
      %cond3A_92 = arith.cmpi ne, %convert_element_type3A_90, %cond3A_91 : i32
      scf.if %cond3A_92 {
        %mul3A_99 = arith.constant 2 : i32
        %mul3A_100 = arith.muli %mul3A_99, %scan3A_60 : i32
        %add3A_101 = arith.constant 2 : i32
        %add3A_102 = arith.addi %mul3A_100, %add3A_101 : i32
        %add3A_103 = arith.addi %mul3A_27, %add3A_102 : i32
        %mul3A_104 = arith.constant 1024 : i32
        %mul3A_105 = arith.muli %add3A_103, %mul3A_104 : i32
        "tpu.region"() ({
          %run_scoped3A = tpu.sem_alloc : memref<!tpu.dma_semaphore, #tpu.memory_space<semaphore_mem>>
          %dma_start3A_109 = tpu.memref_slice %arg3[%mul3A_105] : memref<819200xi32, #tpu.memory_space<hbm>> -> memref<1024xi32, #tpu.memory_space<hbm>>
          %dma_start3A_110 = tpu.memref_slice %arg3[%mul3A_105] : memref<819200xi32, #tpu.memory_space<hbm>> -> memref<1024xi32, #tpu.memory_space<hbm>>
          tpu.enqueue_dma source(%dma_start3A_110 : memref<1024xi32, #tpu.memory_space<hbm>>) target(%arg8 : memref<1024xi32, #tpu.memory_space<vmem>>) target_semaphore(%run_scoped3A : memref<!tpu.dma_semaphore, #tpu.memory_space<semaphore_mem>>)
          %dma_wait3A_111 = tpu.memref_slice %arg3[%mul3A_105] : memref<819200xi32, #tpu.memory_space<hbm>> -> memref<1024xi32, #tpu.memory_space<hbm>>
          %dma_wait3A_112 = tpu.memref_slice %arg3[%mul3A_105] : memref<819200xi32, #tpu.memory_space<hbm>> -> memref<1024xi32, #tpu.memory_space<hbm>>
          tpu.wait_dma2 semaphore(%run_scoped3A : memref<!tpu.dma_semaphore, #tpu.memory_space<semaphore_mem>>) src(%dma_wait3A_112 : memref<1024xi32, #tpu.memory_space<hbm>>) dst(%arg8 : memref<1024xi32, #tpu.memory_space<vmem>>)
          tpu.yield
        }) : () -> ()
        "tpu.region"() ({
          %run_scoped3A = tpu.sem_alloc : memref<!tpu.dma_semaphore, #tpu.memory_space<semaphore_mem>>
          %dma_start3A_109 = tpu.memref_slice %arg4[%mul3A_105] : memref<819200xi32, #tpu.memory_space<hbm>> -> memref<1024xi32, #tpu.memory_space<hbm>>
          %dma_start3A_110 = tpu.memref_slice %arg4[%mul3A_105] : memref<819200xi32, #tpu.memory_space<hbm>> -> memref<1024xi32, #tpu.memory_space<hbm>>
          tpu.enqueue_dma source(%dma_start3A_110 : memref<1024xi32, #tpu.memory_space<hbm>>) target(%arg10 : memref<1024xi32, #tpu.memory_space<vmem>>) target_semaphore(%run_scoped3A : memref<!tpu.dma_semaphore, #tpu.memory_space<semaphore_mem>>)
          %dma_wait3A_111 = tpu.memref_slice %arg4[%mul3A_105] : memref<819200xi32, #tpu.memory_space<hbm>> -> memref<1024xi32, #tpu.memory_space<hbm>>
          %dma_wait3A_112 = tpu.memref_slice %arg4[%mul3A_105] : memref<819200xi32, #tpu.memory_space<hbm>> -> memref<1024xi32, #tpu.memory_space<hbm>>
          tpu.wait_dma2 semaphore(%run_scoped3A : memref<!tpu.dma_semaphore, #tpu.memory_space<semaphore_mem>>) src(%dma_wait3A_112 : memref<1024xi32, #tpu.memory_space<hbm>>) dst(%arg10 : memref<1024xi32, #tpu.memory_space<vmem>>)
          tpu.yield
        }) : () -> ()
        %dma_start3A_106 = arith.constant 0 : i32
        %dma_start3A_107 = arith.constant 0 : i32
        %dma_start3A_108 = tpu.memref_slice %arg2[%dma_start3A_106, %dma_start3A_107] : memref<50000x16xf32, #tpu.memory_space<hbm>> -> memref<50000x16xf32, #tpu.memory_space<hbm>>
        tpu.enqueue_indirect_dma source(%dma_start3A_108 : memref<50000x16xf32, #tpu.memory_space<hbm>>) target(%arg12 : memref<1024x16xf32, #tpu.memory_space<vmem>>) offsets(%arg8 : memref<1024xi32, #tpu.memory_space<vmem>>) semaphore(%arg16 : memref<!tpu.dma_semaphore, #tpu.memory_space<semaphore_mem>>)
      } else {
      }
      %dma_wait3A_93 = arith.constant 0 : i32
      %dma_wait3A_94 = arith.constant 0 : i32
      %dma_wait3A_95 = tpu.memref_slice %arg2[%dma_wait3A_93, %dma_wait3A_94] : memref<50000x16xf32, #tpu.memory_space<hbm>> -> memref<50000x16xf32, #tpu.memory_space<hbm>>
      tpu.wait_indirect_dma semaphore(%arg17 : memref<!tpu.dma_semaphore, #tpu.memory_space<semaphore_mem>>) src(%dma_wait3A_95 : memref<50000x16xf32, #tpu.memory_space<hbm>>) dst(%arg13 : memref<1024x16xf32, #tpu.memory_space<vmem>>)
      %dma_start3A_96 = arith.constant 0 : i32
      %dma_start3A_97 = arith.constant 0 : i32
      %dma_start3A_98 = tpu.memref_slice %arg15[%dma_start3A_96, %dma_start3A_97] : memref<50008x16xf32, #tpu.memory_space<vmem_shared>> -> memref<50008x16xf32, #tpu.memory_space<vmem_shared>>
      tpu.enqueue_indirect_dma source(%arg13 : memref<1024x16xf32, #tpu.memory_space<vmem>>) target(%dma_start3A_98 : memref<50008x16xf32, #tpu.memory_space<vmem_shared>>) offsets(%arg11 : memref<1024xi32, #tpu.memory_space<vmem>>) semaphore(%arg19 : memref<!tpu.dma_semaphore, #tpu.memory_space<semaphore_mem>>) {add = true}
    }
    %scan3A_38 = arith.constant 12 : i32
    %dma_wait3A = arith.constant 0 : i32
    %dma_wait3A_39 = arith.constant 0 : i32
    %dma_wait3A_40 = tpu.memref_slice %arg15[%dma_wait3A, %dma_wait3A_39] : memref<50008x16xf32, #tpu.memory_space<vmem_shared>> -> memref<50008x16xf32, #tpu.memory_space<vmem_shared>>
    tpu.wait_indirect_dma semaphore(%arg19 : memref<!tpu.dma_semaphore, #tpu.memory_space<semaphore_mem>>) src(%arg13 : memref<1024x16xf32, #tpu.memory_space<vmem>>) dst(%dma_wait3A_40 : memref<50008x16xf32, #tpu.memory_space<vmem_shared>>)
    %dma_wait3A_41 = arith.constant 0 : i32
    %dma_wait3A_42 = arith.constant 0 : i32
    %dma_wait3A_43 = tpu.memref_slice %arg2[%dma_wait3A_41, %dma_wait3A_42] : memref<50000x16xf32, #tpu.memory_space<hbm>> -> memref<50000x16xf32, #tpu.memory_space<hbm>>
    tpu.wait_indirect_dma semaphore(%arg16 : memref<!tpu.dma_semaphore, #tpu.memory_space<semaphore_mem>>) src(%dma_wait3A_43 : memref<50000x16xf32, #tpu.memory_space<hbm>>) dst(%arg12 : memref<1024x16xf32, #tpu.memory_space<vmem>>)
    %dma_start3A_44 = arith.constant 0 : i32
    %dma_start3A_45 = arith.constant 0 : i32
    %dma_start3A_46 = tpu.memref_slice %arg15[%dma_start3A_44, %dma_start3A_45] : memref<50008x16xf32, #tpu.memory_space<vmem_shared>> -> memref<50008x16xf32, #tpu.memory_space<vmem_shared>>
    tpu.enqueue_indirect_dma source(%arg12 : memref<1024x16xf32, #tpu.memory_space<vmem>>) target(%dma_start3A_46 : memref<50008x16xf32, #tpu.memory_space<vmem_shared>>) offsets(%arg10 : memref<1024xi32, #tpu.memory_space<vmem>>) semaphore(%arg18 : memref<!tpu.dma_semaphore, #tpu.memory_space<semaphore_mem>>) {add = true}
    %dma_wait3A_47 = arith.constant 0 : i32
    %dma_wait3A_48 = arith.constant 0 : i32
    %dma_wait3A_49 = tpu.memref_slice %arg15[%dma_wait3A_47, %dma_wait3A_48] : memref<50008x16xf32, #tpu.memory_space<vmem_shared>> -> memref<50008x16xf32, #tpu.memory_space<vmem_shared>>
    tpu.wait_indirect_dma semaphore(%arg18 : memref<!tpu.dma_semaphore, #tpu.memory_space<semaphore_mem>>) src(%arg12 : memref<1024x16xf32, #tpu.memory_space<vmem>>) dst(%dma_wait3A_49 : memref<50008x16xf32, #tpu.memory_space<vmem_shared>>)
    %barrier3A_50 = arith.constant 0 : index
    tpu.barrier barrier_id(%barrier3A_50)
    %eq3A = arith.constant 0 : i32
    %eq3A_51 = arith.cmpi eq, %arg0, %eq3A : i32
    %convert_element_type3A_52 = arith.extui %eq3A_51 : i1 to i32
    %cond3A_53 = arith.constant 0 : i32
    %cond3A_54 = arith.cmpi ne, %convert_element_type3A_52, %cond3A_53 : i32
    scf.if %cond3A_54 {
      %add3A_60 = arith.constant 0 : i32
      %add3A_61 = arith.addi %arg1, %add3A_60 : i32
      %lt3A_62 = arith.constant 50 : i32
      %lt3A_63 = arith.cmpi slt, %add3A_61, %lt3A_62 : i32
      %convert_element_type3A_64 = arith.extui %lt3A_63 : i1 to i32
      %cond3A_65 = arith.constant 0 : i32
      %cond3A_66 = arith.cmpi ne, %convert_element_type3A_64, %cond3A_65 : i32
      scf.if %cond3A_66 {
        %mul3A_88 = arith.constant 1000 : i32
        %mul3A_89 = arith.muli %add3A_61, %mul3A_88 : i32
        "tpu.region"() ({
          %run_scoped3A = tpu.sem_alloc : memref<!tpu.dma_semaphore, #tpu.memory_space<semaphore_mem>>
          %dma_start3A_92 = arith.constant 0 : i32
          %dma_start3A_93 = tpu.memref_slice %arg15[%mul3A_89, %dma_start3A_92] : memref<50008x16xf32, #tpu.memory_space<vmem_shared>> -> memref<1000x16xf32, #tpu.memory_space<vmem_shared>>
          %dma_start3A_94 = arith.constant 0 : i32
          %dma_start3A_95 = tpu.memref_slice %arg15[%mul3A_89, %dma_start3A_94] : memref<50008x16xf32, #tpu.memory_space<vmem_shared>> -> memref<1000x16xf32, #tpu.memory_space<vmem_shared>>
          tpu.enqueue_dma source(%dma_start3A_95 : memref<1000x16xf32, #tpu.memory_space<vmem_shared>>) target(%arg14 : memref<1000x16xf32, #tpu.memory_space<vmem>>) target_semaphore(%run_scoped3A : memref<!tpu.dma_semaphore, #tpu.memory_space<semaphore_mem>>)
          %dma_wait3A_96 = arith.constant 0 : i32
          %dma_wait3A_97 = tpu.memref_slice %arg15[%mul3A_89, %dma_wait3A_96] : memref<50008x16xf32, #tpu.memory_space<vmem_shared>> -> memref<1000x16xf32, #tpu.memory_space<vmem_shared>>
          %dma_wait3A_98 = arith.constant 0 : i32
          %dma_wait3A_99 = tpu.memref_slice %arg15[%mul3A_89, %dma_wait3A_98] : memref<50008x16xf32, #tpu.memory_space<vmem_shared>> -> memref<1000x16xf32, #tpu.memory_space<vmem_shared>>
          tpu.wait_dma2 semaphore(%run_scoped3A : memref<!tpu.dma_semaphore, #tpu.memory_space<semaphore_mem>>) src(%dma_wait3A_99 : memref<1000x16xf32, #tpu.memory_space<vmem_shared>>) dst(%arg14 : memref<1000x16xf32, #tpu.memory_space<vmem>>)
          tpu.yield
        }) : () -> ()
        %mul3A_90 = arith.constant 1000 : i32
        %mul3A_91 = arith.muli %add3A_61, %mul3A_90 : i32
        "tpu.region"() ({
          %run_scoped3A = tpu.sem_alloc : memref<!tpu.dma_semaphore, #tpu.memory_space<semaphore_mem>>
          %dma_start3A_92 = arith.constant 0 : i32
          %dma_start3A_93 = tpu.memref_slice %arg6[%mul3A_91, %dma_start3A_92] : memref<50000x16xf32, #tpu.memory_space<hbm>> -> memref<1000x16xf32, #tpu.memory_space<hbm>>
          %dma_start3A_94 = arith.constant 0 : i32
          %dma_start3A_95 = tpu.memref_slice %arg6[%mul3A_91, %dma_start3A_94] : memref<50000x16xf32, #tpu.memory_space<hbm>> -> memref<1000x16xf32, #tpu.memory_space<hbm>>
          tpu.enqueue_dma source(%arg14 : memref<1000x16xf32, #tpu.memory_space<vmem>>) target(%dma_start3A_95 : memref<1000x16xf32, #tpu.memory_space<hbm>>) target_semaphore(%run_scoped3A : memref<!tpu.dma_semaphore, #tpu.memory_space<semaphore_mem>>)
          %dma_wait3A_96 = arith.constant 0 : i32
          %dma_wait3A_97 = tpu.memref_slice %arg6[%mul3A_91, %dma_wait3A_96] : memref<50000x16xf32, #tpu.memory_space<hbm>> -> memref<1000x16xf32, #tpu.memory_space<hbm>>
          %dma_wait3A_98 = arith.constant 0 : i32
          %dma_wait3A_99 = tpu.memref_slice %arg6[%mul3A_91, %dma_wait3A_98] : memref<50000x16xf32, #tpu.memory_space<hbm>> -> memref<1000x16xf32, #tpu.memory_space<hbm>>
          tpu.wait_dma2 semaphore(%run_scoped3A : memref<!tpu.dma_semaphore, #tpu.memory_space<semaphore_mem>>) src(%arg14 : memref<1000x16xf32, #tpu.memory_space<vmem>>) dst(%dma_wait3A_99 : memref<1000x16xf32, #tpu.memory_space<hbm>>)
          tpu.yield
        }) : () -> ()
      } else {
      }
      %add3A_67 = arith.constant 16 : i32
      %add3A_68 = arith.addi %arg1, %add3A_67 : i32
      %lt3A_69 = arith.constant 50 : i32
      %lt3A_70 = arith.cmpi slt, %add3A_68, %lt3A_69 : i32
      %convert_element_type3A_71 = arith.extui %lt3A_70 : i1 to i32
      %cond3A_72 = arith.constant 0 : i32
      %cond3A_73 = arith.cmpi ne, %convert_element_type3A_71, %cond3A_72 : i32
      scf.if %cond3A_73 {
        %mul3A_88 = arith.constant 1000 : i32
        %mul3A_89 = arith.muli %add3A_68, %mul3A_88 : i32
        "tpu.region"() ({
          %run_scoped3A = tpu.sem_alloc : memref<!tpu.dma_semaphore, #tpu.memory_space<semaphore_mem>>
          %dma_start3A_92 = arith.constant 0 : i32
          %dma_start3A_93 = tpu.memref_slice %arg15[%mul3A_89, %dma_start3A_92] : memref<50008x16xf32, #tpu.memory_space<vmem_shared>> -> memref<1000x16xf32, #tpu.memory_space<vmem_shared>>
          %dma_start3A_94 = arith.constant 0 : i32
          %dma_start3A_95 = tpu.memref_slice %arg15[%mul3A_89, %dma_start3A_94] : memref<50008x16xf32, #tpu.memory_space<vmem_shared>> -> memref<1000x16xf32, #tpu.memory_space<vmem_shared>>
          tpu.enqueue_dma source(%dma_start3A_95 : memref<1000x16xf32, #tpu.memory_space<vmem_shared>>) target(%arg14 : memref<1000x16xf32, #tpu.memory_space<vmem>>) target_semaphore(%run_scoped3A : memref<!tpu.dma_semaphore, #tpu.memory_space<semaphore_mem>>)
          %dma_wait3A_96 = arith.constant 0 : i32
          %dma_wait3A_97 = tpu.memref_slice %arg15[%mul3A_89, %dma_wait3A_96] : memref<50008x16xf32, #tpu.memory_space<vmem_shared>> -> memref<1000x16xf32, #tpu.memory_space<vmem_shared>>
          %dma_wait3A_98 = arith.constant 0 : i32
          %dma_wait3A_99 = tpu.memref_slice %arg15[%mul3A_89, %dma_wait3A_98] : memref<50008x16xf32, #tpu.memory_space<vmem_shared>> -> memref<1000x16xf32, #tpu.memory_space<vmem_shared>>
          tpu.wait_dma2 semaphore(%run_scoped3A : memref<!tpu.dma_semaphore, #tpu.memory_space<semaphore_mem>>) src(%dma_wait3A_99 : memref<1000x16xf32, #tpu.memory_space<vmem_shared>>) dst(%arg14 : memref<1000x16xf32, #tpu.memory_space<vmem>>)
          tpu.yield
        }) : () -> ()
        %mul3A_90 = arith.constant 1000 : i32
        %mul3A_91 = arith.muli %add3A_68, %mul3A_90 : i32
        "tpu.region"() ({
          %run_scoped3A = tpu.sem_alloc : memref<!tpu.dma_semaphore, #tpu.memory_space<semaphore_mem>>
          %dma_start3A_92 = arith.constant 0 : i32
          %dma_start3A_93 = tpu.memref_slice %arg6[%mul3A_91, %dma_start3A_92] : memref<50000x16xf32, #tpu.memory_space<hbm>> -> memref<1000x16xf32, #tpu.memory_space<hbm>>
          %dma_start3A_94 = arith.constant 0 : i32
          %dma_start3A_95 = tpu.memref_slice %arg6[%mul3A_91, %dma_start3A_94] : memref<50000x16xf32, #tpu.memory_space<hbm>> -> memref<1000x16xf32, #tpu.memory_space<hbm>>
          tpu.enqueue_dma source(%arg14 : memref<1000x16xf32, #tpu.memory_space<vmem>>) target(%dma_start3A_95 : memref<1000x16xf32, #tpu.memory_space<hbm>>) target_semaphore(%run_scoped3A : memref<!tpu.dma_semaphore, #tpu.memory_space<semaphore_mem>>)
          %dma_wait3A_96 = arith.constant 0 : i32
          %dma_wait3A_97 = tpu.memref_slice %arg6[%mul3A_91, %dma_wait3A_96] : memref<50000x16xf32, #tpu.memory_space<hbm>> -> memref<1000x16xf32, #tpu.memory_space<hbm>>
          %dma_wait3A_98 = arith.constant 0 : i32
          %dma_wait3A_99 = tpu.memref_slice %arg6[%mul3A_91, %dma_wait3A_98] : memref<50000x16xf32, #tpu.memory_space<hbm>> -> memref<1000x16xf32, #tpu.memory_space<hbm>>
          tpu.wait_dma2 semaphore(%run_scoped3A : memref<!tpu.dma_semaphore, #tpu.memory_space<semaphore_mem>>) src(%arg14 : memref<1000x16xf32, #tpu.memory_space<vmem>>) dst(%dma_wait3A_99 : memref<1000x16xf32, #tpu.memory_space<hbm>>)
          tpu.yield
        }) : () -> ()
      } else {
      }
      %add3A_74 = arith.constant 32 : i32
      %add3A_75 = arith.addi %arg1, %add3A_74 : i32
      %lt3A_76 = arith.constant 50 : i32
      %lt3A_77 = arith.cmpi slt, %add3A_75, %lt3A_76 : i32
      %convert_element_type3A_78 = arith.extui %lt3A_77 : i1 to i32
      %cond3A_79 = arith.constant 0 : i32
      %cond3A_80 = arith.cmpi ne, %convert_element_type3A_78, %cond3A_79 : i32
      scf.if %cond3A_80 {
        %mul3A_88 = arith.constant 1000 : i32
        %mul3A_89 = arith.muli %add3A_75, %mul3A_88 : i32
        "tpu.region"() ({
          %run_scoped3A = tpu.sem_alloc : memref<!tpu.dma_semaphore, #tpu.memory_space<semaphore_mem>>
          %dma_start3A_92 = arith.constant 0 : i32
          %dma_start3A_93 = tpu.memref_slice %arg15[%mul3A_89, %dma_start3A_92] : memref<50008x16xf32, #tpu.memory_space<vmem_shared>> -> memref<1000x16xf32, #tpu.memory_space<vmem_shared>>
          %dma_start3A_94 = arith.constant 0 : i32
          %dma_start3A_95 = tpu.memref_slice %arg15[%mul3A_89, %dma_start3A_94] : memref<50008x16xf32, #tpu.memory_space<vmem_shared>> -> memref<1000x16xf32, #tpu.memory_space<vmem_shared>>
          tpu.enqueue_dma source(%dma_start3A_95 : memref<1000x16xf32, #tpu.memory_space<vmem_shared>>) target(%arg14 : memref<1000x16xf32, #tpu.memory_space<vmem>>) target_semaphore(%run_scoped3A : memref<!tpu.dma_semaphore, #tpu.memory_space<semaphore_mem>>)
          %dma_wait3A_96 = arith.constant 0 : i32
          %dma_wait3A_97 = tpu.memref_slice %arg15[%mul3A_89, %dma_wait3A_96] : memref<50008x16xf32, #tpu.memory_space<vmem_shared>> -> memref<1000x16xf32, #tpu.memory_space<vmem_shared>>
          %dma_wait3A_98 = arith.constant 0 : i32
          %dma_wait3A_99 = tpu.memref_slice %arg15[%mul3A_89, %dma_wait3A_98] : memref<50008x16xf32, #tpu.memory_space<vmem_shared>> -> memref<1000x16xf32, #tpu.memory_space<vmem_shared>>
          tpu.wait_dma2 semaphore(%run_scoped3A : memref<!tpu.dma_semaphore, #tpu.memory_space<semaphore_mem>>) src(%dma_wait3A_99 : memref<1000x16xf32, #tpu.memory_space<vmem_shared>>) dst(%arg14 : memref<1000x16xf32, #tpu.memory_space<vmem>>)
          tpu.yield
        }) : () -> ()
        %mul3A_90 = arith.constant 1000 : i32
        %mul3A_91 = arith.muli %add3A_75, %mul3A_90 : i32
        "tpu.region"() ({
          %run_scoped3A = tpu.sem_alloc : memref<!tpu.dma_semaphore, #tpu.memory_space<semaphore_mem>>
          %dma_start3A_92 = arith.constant 0 : i32
          %dma_start3A_93 = tpu.memref_slice %arg6[%mul3A_91, %dma_start3A_92] : memref<50000x16xf32, #tpu.memory_space<hbm>> -> memref<1000x16xf32, #tpu.memory_space<hbm>>
          %dma_start3A_94 = arith.constant 0 : i32
          %dma_start3A_95 = tpu.memref_slice %arg6[%mul3A_91, %dma_start3A_94] : memref<50000x16xf32, #tpu.memory_space<hbm>> -> memref<1000x16xf32, #tpu.memory_space<hbm>>
          tpu.enqueue_dma source(%arg14 : memref<1000x16xf32, #tpu.memory_space<vmem>>) target(%dma_start3A_95 : memref<1000x16xf32, #tpu.memory_space<hbm>>) target_semaphore(%run_scoped3A : memref<!tpu.dma_semaphore, #tpu.memory_space<semaphore_mem>>)
          %dma_wait3A_96 = arith.constant 0 : i32
          %dma_wait3A_97 = tpu.memref_slice %arg6[%mul3A_91, %dma_wait3A_96] : memref<50000x16xf32, #tpu.memory_space<hbm>> -> memref<1000x16xf32, #tpu.memory_space<hbm>>
          %dma_wait3A_98 = arith.constant 0 : i32
          %dma_wait3A_99 = tpu.memref_slice %arg6[%mul3A_91, %dma_wait3A_98] : memref<50000x16xf32, #tpu.memory_space<hbm>> -> memref<1000x16xf32, #tpu.memory_space<hbm>>
          tpu.wait_dma2 semaphore(%run_scoped3A : memref<!tpu.dma_semaphore, #tpu.memory_space<semaphore_mem>>) src(%arg14 : memref<1000x16xf32, #tpu.memory_space<vmem>>) dst(%dma_wait3A_99 : memref<1000x16xf32, #tpu.memory_space<hbm>>)
          tpu.yield
        }) : () -> ()
      } else {
      }
      %add3A_81 = arith.constant 48 : i32
      %add3A_82 = arith.addi %arg1, %add3A_81 : i32
      %lt3A_83 = arith.constant 50 : i32
      %lt3A_84 = arith.cmpi slt, %add3A_82, %lt3A_83 : i32
      %convert_element_type3A_85 = arith.extui %lt3A_84 : i1 to i32
      %cond3A_86 = arith.constant 0 : i32
      %cond3A_87 = arith.cmpi ne, %convert_element_type3A_85, %cond3A_86 : i32
      scf.if %cond3A_87 {
        %mul3A_88 = arith.constant 1000 : i32
        %mul3A_89 = arith.muli %add3A_82, %mul3A_88 : i32
        "tpu.region"() ({
          %run_scoped3A = tpu.sem_alloc : memref<!tpu.dma_semaphore, #tpu.memory_space<semaphore_mem>>
          %dma_start3A_92 = arith.constant 0 : i32
          %dma_start3A_93 = tpu.memref_slice %arg15[%mul3A_89, %dma_start3A_92] : memref<50008x16xf32, #tpu.memory_space<vmem_shared>> -> memref<1000x16xf32, #tpu.memory_space<vmem_shared>>
          %dma_start3A_94 = arith.constant 0 : i32
          %dma_start3A_95 = tpu.memref_slice %arg15[%mul3A_89, %dma_start3A_94] : memref<50008x16xf32, #tpu.memory_space<vmem_shared>> -> memref<1000x16xf32, #tpu.memory_space<vmem_shared>>
          tpu.enqueue_dma source(%dma_start3A_95 : memref<1000x16xf32, #tpu.memory_space<vmem_shared>>) target(%arg14 : memref<1000x16xf32, #tpu.memory_space<vmem>>) target_semaphore(%run_scoped3A : memref<!tpu.dma_semaphore, #tpu.memory_space<semaphore_mem>>)
          %dma_wait3A_96 = arith.constant 0 : i32
          %dma_wait3A_97 = tpu.memref_slice %arg15[%mul3A_89, %dma_wait3A_96] : memref<50008x16xf32, #tpu.memory_space<vmem_shared>> -> memref<1000x16xf32, #tpu.memory_space<vmem_shared>>
          %dma_wait3A_98 = arith.constant 0 : i32
          %dma_wait3A_99 = tpu.memref_slice %arg15[%mul3A_89, %dma_wait3A_98] : memref<50008x16xf32, #tpu.memory_space<vmem_shared>> -> memref<1000x16xf32, #tpu.memory_space<vmem_shared>>
          tpu.wait_dma2 semaphore(%run_scoped3A : memref<!tpu.dma_semaphore, #tpu.memory_space<semaphore_mem>>) src(%dma_wait3A_99 : memref<1000x16xf32, #tpu.memory_space<vmem_shared>>) dst(%arg14 : memref<1000x16xf32, #tpu.memory_space<vmem>>)
          tpu.yield
        }) : () -> ()
        %mul3A_90 = arith.constant 1000 : i32
        %mul3A_91 = arith.muli %add3A_82, %mul3A_90 : i32
        "tpu.region"() ({
          %run_scoped3A = tpu.sem_alloc : memref<!tpu.dma_semaphore, #tpu.memory_space<semaphore_mem>>
          %dma_start3A_92 = arith.constant 0 : i32
          %dma_start3A_93 = tpu.memref_slice %arg6[%mul3A_91, %dma_start3A_92] : memref<50000x16xf32, #tpu.memory_space<hbm>> -> memref<1000x16xf32, #tpu.memory_space<hbm>>
          %dma_start3A_94 = arith.constant 0 : i32
          %dma_start3A_95 = tpu.memref_slice %arg6[%mul3A_91, %dma_start3A_94] : memref<50000x16xf32, #tpu.memory_space<hbm>> -> memref<1000x16xf32, #tpu.memory_space<hbm>>
          tpu.enqueue_dma source(%arg14 : memref<1000x16xf32, #tpu.memory_space<vmem>>) target(%dma_start3A_95 : memref<1000x16xf32, #tpu.memory_space<hbm>>) target_semaphore(%run_scoped3A : memref<!tpu.dma_semaphore, #tpu.memory_space<semaphore_mem>>)
          %dma_wait3A_96 = arith.constant 0 : i32
          %dma_wait3A_97 = tpu.memref_slice %arg6[%mul3A_91, %dma_wait3A_96] : memref<50000x16xf32, #tpu.memory_space<hbm>> -> memref<1000x16xf32, #tpu.memory_space<hbm>>
          %dma_wait3A_98 = arith.constant 0 : i32
          %dma_wait3A_99 = tpu.memref_slice %arg6[%mul3A_91, %dma_wait3A_98] : memref<50000x16xf32, #tpu.memory_space<hbm>> -> memref<1000x16xf32, #tpu.memory_space<hbm>>
          tpu.wait_dma2 semaphore(%run_scoped3A : memref<!tpu.dma_semaphore, #tpu.memory_space<semaphore_mem>>) src(%arg14 : memref<1000x16xf32, #tpu.memory_space<vmem>>) dst(%dma_wait3A_99 : memref<1000x16xf32, #tpu.memory_space<hbm>>)
          tpu.yield
        }) : () -> ()
      } else {
      }
    } else {
    }
    %eq3A_55 = arith.constant 1 : i32
    %eq3A_56 = arith.cmpi eq, %arg0, %eq3A_55 : i32
    %convert_element_type3A_57 = arith.extui %eq3A_56 : i1 to i32
    %cond3A_58 = arith.constant 0 : i32
    %cond3A_59 = arith.cmpi ne, %convert_element_type3A_57, %cond3A_58 : i32
    scf.if %cond3A_59 {
      %add3A_60 = arith.constant 0 : i32
      %add3A_61 = arith.addi %arg1, %add3A_60 : i32
      %lt3A_62 = arith.constant 50 : i32
      %lt3A_63 = arith.cmpi slt, %add3A_61, %lt3A_62 : i32
      %convert_element_type3A_64 = arith.extui %lt3A_63 : i1 to i32
      %cond3A_65 = arith.constant 0 : i32
      %cond3A_66 = arith.cmpi ne, %convert_element_type3A_64, %cond3A_65 : i32
      scf.if %cond3A_66 {
        %mul3A_88 = arith.constant 1000 : i32
        %mul3A_89 = arith.muli %add3A_61, %mul3A_88 : i32
        "tpu.region"() ({
          %run_scoped3A = tpu.sem_alloc : memref<!tpu.dma_semaphore, #tpu.memory_space<semaphore_mem>>
          %dma_start3A_92 = arith.constant 0 : i32
          %dma_start3A_93 = tpu.memref_slice %arg15[%mul3A_89, %dma_start3A_92] : memref<50008x16xf32, #tpu.memory_space<vmem_shared>> -> memref<1000x16xf32, #tpu.memory_space<vmem_shared>>
          %dma_start3A_94 = arith.constant 0 : i32
          %dma_start3A_95 = tpu.memref_slice %arg15[%mul3A_89, %dma_start3A_94] : memref<50008x16xf32, #tpu.memory_space<vmem_shared>> -> memref<1000x16xf32, #tpu.memory_space<vmem_shared>>
          tpu.enqueue_dma source(%dma_start3A_95 : memref<1000x16xf32, #tpu.memory_space<vmem_shared>>) target(%arg14 : memref<1000x16xf32, #tpu.memory_space<vmem>>) target_semaphore(%run_scoped3A : memref<!tpu.dma_semaphore, #tpu.memory_space<semaphore_mem>>)
          %dma_wait3A_96 = arith.constant 0 : i32
          %dma_wait3A_97 = tpu.memref_slice %arg15[%mul3A_89, %dma_wait3A_96] : memref<50008x16xf32, #tpu.memory_space<vmem_shared>> -> memref<1000x16xf32, #tpu.memory_space<vmem_shared>>
          %dma_wait3A_98 = arith.constant 0 : i32
          %dma_wait3A_99 = tpu.memref_slice %arg15[%mul3A_89, %dma_wait3A_98] : memref<50008x16xf32, #tpu.memory_space<vmem_shared>> -> memref<1000x16xf32, #tpu.memory_space<vmem_shared>>
          tpu.wait_dma2 semaphore(%run_scoped3A : memref<!tpu.dma_semaphore, #tpu.memory_space<semaphore_mem>>) src(%dma_wait3A_99 : memref<1000x16xf32, #tpu.memory_space<vmem_shared>>) dst(%arg14 : memref<1000x16xf32, #tpu.memory_space<vmem>>)
          tpu.yield
        }) : () -> ()
        %mul3A_90 = arith.constant 1000 : i32
        %mul3A_91 = arith.muli %add3A_61, %mul3A_90 : i32
        "tpu.region"() ({
          %run_scoped3A = tpu.sem_alloc : memref<!tpu.dma_semaphore, #tpu.memory_space<semaphore_mem>>
          %dma_start3A_92 = arith.constant 0 : i32
          %dma_start3A_93 = tpu.memref_slice %arg7[%mul3A_91, %dma_start3A_92] : memref<50000x16xf32, #tpu.memory_space<hbm>> -> memref<1000x16xf32, #tpu.memory_space<hbm>>
          %dma_start3A_94 = arith.constant 0 : i32
          %dma_start3A_95 = tpu.memref_slice %arg7[%mul3A_91, %dma_start3A_94] : memref<50000x16xf32, #tpu.memory_space<hbm>> -> memref<1000x16xf32, #tpu.memory_space<hbm>>
          tpu.enqueue_dma source(%arg14 : memref<1000x16xf32, #tpu.memory_space<vmem>>) target(%dma_start3A_95 : memref<1000x16xf32, #tpu.memory_space<hbm>>) target_semaphore(%run_scoped3A : memref<!tpu.dma_semaphore, #tpu.memory_space<semaphore_mem>>)
          %dma_wait3A_96 = arith.constant 0 : i32
          %dma_wait3A_97 = tpu.memref_slice %arg7[%mul3A_91, %dma_wait3A_96] : memref<50000x16xf32, #tpu.memory_space<hbm>> -> memref<1000x16xf32, #tpu.memory_space<hbm>>
          %dma_wait3A_98 = arith.constant 0 : i32
          %dma_wait3A_99 = tpu.memref_slice %arg7[%mul3A_91, %dma_wait3A_98] : memref<50000x16xf32, #tpu.memory_space<hbm>> -> memref<1000x16xf32, #tpu.memory_space<hbm>>
          tpu.wait_dma2 semaphore(%run_scoped3A : memref<!tpu.dma_semaphore, #tpu.memory_space<semaphore_mem>>) src(%arg14 : memref<1000x16xf32, #tpu.memory_space<vmem>>) dst(%dma_wait3A_99 : memref<1000x16xf32, #tpu.memory_space<hbm>>)
          tpu.yield
        }) : () -> ()
      } else {
      }
      %add3A_67 = arith.constant 16 : i32
      %add3A_68 = arith.addi %arg1, %add3A_67 : i32
      %lt3A_69 = arith.constant 50 : i32
      %lt3A_70 = arith.cmpi slt, %add3A_68, %lt3A_69 : i32
      %convert_element_type3A_71 = arith.extui %lt3A_70 : i1 to i32
      %cond3A_72 = arith.constant 0 : i32
      %cond3A_73 = arith.cmpi ne, %convert_element_type3A_71, %cond3A_72 : i32
      scf.if %cond3A_73 {
        %mul3A_88 = arith.constant 1000 : i32
        %mul3A_89 = arith.muli %add3A_68, %mul3A_88 : i32
        "tpu.region"() ({
          %run_scoped3A = tpu.sem_alloc : memref<!tpu.dma_semaphore, #tpu.memory_space<semaphore_mem>>
          %dma_start3A_92 = arith.constant 0 : i32
          %dma_start3A_93 = tpu.memref_slice %arg15[%mul3A_89, %dma_start3A_92] : memref<50008x16xf32, #tpu.memory_space<vmem_shared>> -> memref<1000x16xf32, #tpu.memory_space<vmem_shared>>
          %dma_start3A_94 = arith.constant 0 : i32
          %dma_start3A_95 = tpu.memref_slice %arg15[%mul3A_89, %dma_start3A_94] : memref<50008x16xf32, #tpu.memory_space<vmem_shared>> -> memref<1000x16xf32, #tpu.memory_space<vmem_shared>>
          tpu.enqueue_dma source(%dma_start3A_95 : memref<1000x16xf32, #tpu.memory_space<vmem_shared>>) target(%arg14 : memref<1000x16xf32, #tpu.memory_space<vmem>>) target_semaphore(%run_scoped3A : memref<!tpu.dma_semaphore, #tpu.memory_space<semaphore_mem>>)
          %dma_wait3A_96 = arith.constant 0 : i32
          %dma_wait3A_97 = tpu.memref_slice %arg15[%mul3A_89, %dma_wait3A_96] : memref<50008x16xf32, #tpu.memory_space<vmem_shared>> -> memref<1000x16xf32, #tpu.memory_space<vmem_shared>>
          %dma_wait3A_98 = arith.constant 0 : i32
          %dma_wait3A_99 = tpu.memref_slice %arg15[%mul3A_89, %dma_wait3A_98] : memref<50008x16xf32, #tpu.memory_space<vmem_shared>> -> memref<1000x16xf32, #tpu.memory_space<vmem_shared>>
          tpu.wait_dma2 semaphore(%run_scoped3A : memref<!tpu.dma_semaphore, #tpu.memory_space<semaphore_mem>>) src(%dma_wait3A_99 : memref<1000x16xf32, #tpu.memory_space<vmem_shared>>) dst(%arg14 : memref<1000x16xf32, #tpu.memory_space<vmem>>)
          tpu.yield
        }) : () -> ()
        %mul3A_90 = arith.constant 1000 : i32
        %mul3A_91 = arith.muli %add3A_68, %mul3A_90 : i32
        "tpu.region"() ({
          %run_scoped3A = tpu.sem_alloc : memref<!tpu.dma_semaphore, #tpu.memory_space<semaphore_mem>>
          %dma_start3A_92 = arith.constant 0 : i32
          %dma_start3A_93 = tpu.memref_slice %arg7[%mul3A_91, %dma_start3A_92] : memref<50000x16xf32, #tpu.memory_space<hbm>> -> memref<1000x16xf32, #tpu.memory_space<hbm>>
          %dma_start3A_94 = arith.constant 0 : i32
          %dma_start3A_95 = tpu.memref_slice %arg7[%mul3A_91, %dma_start3A_94] : memref<50000x16xf32, #tpu.memory_space<hbm>> -> memref<1000x16xf32, #tpu.memory_space<hbm>>
          tpu.enqueue_dma source(%arg14 : memref<1000x16xf32, #tpu.memory_space<vmem>>) target(%dma_start3A_95 : memref<1000x16xf32, #tpu.memory_space<hbm>>) target_semaphore(%run_scoped3A : memref<!tpu.dma_semaphore, #tpu.memory_space<semaphore_mem>>)
          %dma_wait3A_96 = arith.constant 0 : i32
          %dma_wait3A_97 = tpu.memref_slice %arg7[%mul3A_91, %dma_wait3A_96] : memref<50000x16xf32, #tpu.memory_space<hbm>> -> memref<1000x16xf32, #tpu.memory_space<hbm>>
          %dma_wait3A_98 = arith.constant 0 : i32
          %dma_wait3A_99 = tpu.memref_slice %arg7[%mul3A_91, %dma_wait3A_98] : memref<50000x16xf32, #tpu.memory_space<hbm>> -> memref<1000x16xf32, #tpu.memory_space<hbm>>
          tpu.wait_dma2 semaphore(%run_scoped3A : memref<!tpu.dma_semaphore, #tpu.memory_space<semaphore_mem>>) src(%arg14 : memref<1000x16xf32, #tpu.memory_space<vmem>>) dst(%dma_wait3A_99 : memref<1000x16xf32, #tpu.memory_space<hbm>>)
          tpu.yield
        }) : () -> ()
      } else {
      }
      %add3A_74 = arith.constant 32 : i32
      %add3A_75 = arith.addi %arg1, %add3A_74 : i32
      %lt3A_76 = arith.constant 50 : i32
      %lt3A_77 = arith.cmpi slt, %add3A_75, %lt3A_76 : i32
      %convert_element_type3A_78 = arith.extui %lt3A_77 : i1 to i32
      %cond3A_79 = arith.constant 0 : i32
      %cond3A_80 = arith.cmpi ne, %convert_element_type3A_78, %cond3A_79 : i32
      scf.if %cond3A_80 {
        %mul3A_88 = arith.constant 1000 : i32
        %mul3A_89 = arith.muli %add3A_75, %mul3A_88 : i32
        "tpu.region"() ({
          %run_scoped3A = tpu.sem_alloc : memref<!tpu.dma_semaphore, #tpu.memory_space<semaphore_mem>>
          %dma_start3A_92 = arith.constant 0 : i32
          %dma_start3A_93 = tpu.memref_slice %arg15[%mul3A_89, %dma_start3A_92] : memref<50008x16xf32, #tpu.memory_space<vmem_shared>> -> memref<1000x16xf32, #tpu.memory_space<vmem_shared>>
          %dma_start3A_94 = arith.constant 0 : i32
          %dma_start3A_95 = tpu.memref_slice %arg15[%mul3A_89, %dma_start3A_94] : memref<50008x16xf32, #tpu.memory_space<vmem_shared>> -> memref<1000x16xf32, #tpu.memory_space<vmem_shared>>
          tpu.enqueue_dma source(%dma_start3A_95 : memref<1000x16xf32, #tpu.memory_space<vmem_shared>>) target(%arg14 : memref<1000x16xf32, #tpu.memory_space<vmem>>) target_semaphore(%run_scoped3A : memref<!tpu.dma_semaphore, #tpu.memory_space<semaphore_mem>>)
          %dma_wait3A_96 = arith.constant 0 : i32
          %dma_wait3A_97 = tpu.memref_slice %arg15[%mul3A_89, %dma_wait3A_96] : memref<50008x16xf32, #tpu.memory_space<vmem_shared>> -> memref<1000x16xf32, #tpu.memory_space<vmem_shared>>
          %dma_wait3A_98 = arith.constant 0 : i32
          %dma_wait3A_99 = tpu.memref_slice %arg15[%mul3A_89, %dma_wait3A_98] : memref<50008x16xf32, #tpu.memory_space<vmem_shared>> -> memref<1000x16xf32, #tpu.memory_space<vmem_shared>>
          tpu.wait_dma2 semaphore(%run_scoped3A : memref<!tpu.dma_semaphore, #tpu.memory_space<semaphore_mem>>) src(%dma_wait3A_99 : memref<1000x16xf32, #tpu.memory_space<vmem_shared>>) dst(%arg14 : memref<1000x16xf32, #tpu.memory_space<vmem>>)
          tpu.yield
        }) : () -> ()
        %mul3A_90 = arith.constant 1000 : i32
        %mul3A_91 = arith.muli %add3A_75, %mul3A_90 : i32
        "tpu.region"() ({
          %run_scoped3A = tpu.sem_alloc : memref<!tpu.dma_semaphore, #tpu.memory_space<semaphore_mem>>
          %dma_start3A_92 = arith.constant 0 : i32
          %dma_start3A_93 = tpu.memref_slice %arg7[%mul3A_91, %dma_start3A_92] : memref<50000x16xf32, #tpu.memory_space<hbm>> -> memref<1000x16xf32, #tpu.memory_space<hbm>>
          %dma_start3A_94 = arith.constant 0 : i32
          %dma_start3A_95 = tpu.memref_slice %arg7[%mul3A_91, %dma_start3A_94] : memref<50000x16xf32, #tpu.memory_space<hbm>> -> memref<1000x16xf32, #tpu.memory_space<hbm>>
          tpu.enqueue_dma source(%arg14 : memref<1000x16xf32, #tpu.memory_space<vmem>>) target(%dma_start3A_95 : memref<1000x16xf32, #tpu.memory_space<hbm>>) target_semaphore(%run_scoped3A : memref<!tpu.dma_semaphore, #tpu.memory_space<semaphore_mem>>)
          %dma_wait3A_96 = arith.constant 0 : i32
          %dma_wait3A_97 = tpu.memref_slice %arg7[%mul3A_91, %dma_wait3A_96] : memref<50000x16xf32, #tpu.memory_space<hbm>> -> memref<1000x16xf32, #tpu.memory_space<hbm>>
          %dma_wait3A_98 = arith.constant 0 : i32
          %dma_wait3A_99 = tpu.memref_slice %arg7[%mul3A_91, %dma_wait3A_98] : memref<50000x16xf32, #tpu.memory_space<hbm>> -> memref<1000x16xf32, #tpu.memory_space<hbm>>
          tpu.wait_dma2 semaphore(%run_scoped3A : memref<!tpu.dma_semaphore, #tpu.memory_space<semaphore_mem>>) src(%arg14 : memref<1000x16xf32, #tpu.memory_space<vmem>>) dst(%dma_wait3A_99 : memref<1000x16xf32, #tpu.memory_space<hbm>>)
          tpu.yield
        }) : () -> ()
      } else {
      }
      %add3A_81 = arith.constant 48 : i32
      %add3A_82 = arith.addi %arg1, %add3A_81 : i32
      %lt3A_83 = arith.constant 50 : i32
      %lt3A_84 = arith.cmpi slt, %add3A_82, %lt3A_83 : i32
      %convert_element_type3A_85 = arith.extui %lt3A_84 : i1 to i32
      %cond3A_86 = arith.constant 0 : i32
      %cond3A_87 = arith.cmpi ne, %convert_element_type3A_85, %cond3A_86 : i32
      scf.if %cond3A_87 {
        %mul3A_88 = arith.constant 1000 : i32
        %mul3A_89 = arith.muli %add3A_82, %mul3A_88 : i32
        "tpu.region"() ({
          %run_scoped3A = tpu.sem_alloc : memref<!tpu.dma_semaphore, #tpu.memory_space<semaphore_mem>>
          %dma_start3A_92 = arith.constant 0 : i32
          %dma_start3A_93 = tpu.memref_slice %arg15[%mul3A_89, %dma_start3A_92] : memref<50008x16xf32, #tpu.memory_space<vmem_shared>> -> memref<1000x16xf32, #tpu.memory_space<vmem_shared>>
          %dma_start3A_94 = arith.constant 0 : i32
          %dma_start3A_95 = tpu.memref_slice %arg15[%mul3A_89, %dma_start3A_94] : memref<50008x16xf32, #tpu.memory_space<vmem_shared>> -> memref<1000x16xf32, #tpu.memory_space<vmem_shared>>
          tpu.enqueue_dma source(%dma_start3A_95 : memref<1000x16xf32, #tpu.memory_space<vmem_shared>>) target(%arg14 : memref<1000x16xf32, #tpu.memory_space<vmem>>) target_semaphore(%run_scoped3A : memref<!tpu.dma_semaphore, #tpu.memory_space<semaphore_mem>>)
          %dma_wait3A_96 = arith.constant 0 : i32
          %dma_wait3A_97 = tpu.memref_slice %arg15[%mul3A_89, %dma_wait3A_96] : memref<50008x16xf32, #tpu.memory_space<vmem_shared>> -> memref<1000x16xf32, #tpu.memory_space<vmem_shared>>
          %dma_wait3A_98 = arith.constant 0 : i32
          %dma_wait3A_99 = tpu.memref_slice %arg15[%mul3A_89, %dma_wait3A_98] : memref<50008x16xf32, #tpu.memory_space<vmem_shared>> -> memref<1000x16xf32, #tpu.memory_space<vmem_shared>>
          tpu.wait_dma2 semaphore(%run_scoped3A : memref<!tpu.dma_semaphore, #tpu.memory_space<semaphore_mem>>) src(%dma_wait3A_99 : memref<1000x16xf32, #tpu.memory_space<vmem_shared>>) dst(%arg14 : memref<1000x16xf32, #tpu.memory_space<vmem>>)
          tpu.yield
        }) : () -> ()
        %mul3A_90 = arith.constant 1000 : i32
        %mul3A_91 = arith.muli %add3A_82, %mul3A_90 : i32
        "tpu.region"() ({
          %run_scoped3A = tpu.sem_alloc : memref<!tpu.dma_semaphore, #tpu.memory_space<semaphore_mem>>
          %dma_start3A_92 = arith.constant 0 : i32
          %dma_start3A_93 = tpu.memref_slice %arg7[%mul3A_91, %dma_start3A_92] : memref<50000x16xf32, #tpu.memory_space<hbm>> -> memref<1000x16xf32, #tpu.memory_space<hbm>>
          %dma_start3A_94 = arith.constant 0 : i32
          %dma_start3A_95 = tpu.memref_slice %arg7[%mul3A_91, %dma_start3A_94] : memref<50000x16xf32, #tpu.memory_space<hbm>> -> memref<1000x16xf32, #tpu.memory_space<hbm>>
          tpu.enqueue_dma source(%arg14 : memref<1000x16xf32, #tpu.memory_space<vmem>>) target(%dma_start3A_95 : memref<1000x16xf32, #tpu.memory_space<hbm>>) target_semaphore(%run_scoped3A : memref<!tpu.dma_semaphore, #tpu.memory_space<semaphore_mem>>)
          %dma_wait3A_96 = arith.constant 0 : i32
          %dma_wait3A_97 = tpu.memref_slice %arg7[%mul3A_91, %dma_wait3A_96] : memref<50000x16xf32, #tpu.memory_space<hbm>> -> memref<1000x16xf32, #tpu.memory_space<hbm>>
          %dma_wait3A_98 = arith.constant 0 : i32
          %dma_wait3A_99 = tpu.memref_slice %arg7[%mul3A_91, %dma_wait3A_98] : memref<50000x16xf32, #tpu.memory_space<hbm>> -> memref<1000x16xf32, #tpu.memory_space<hbm>>
          tpu.wait_dma2 semaphore(%run_scoped3A : memref<!tpu.dma_semaphore, #tpu.memory_space<semaphore_mem>>) src(%arg14 : memref<1000x16xf32, #tpu.memory_space<vmem>>) dst(%dma_wait3A_99 : memref<1000x16xf32, #tpu.memory_space<hbm>>)
          tpu.yield
        }) : () -> ()
      } else {
      }
    } else {
    }
    return
  }
}

#map = affine_map<(d0, d1) -> (0, 0)>
#map1 = affine_map<(d0, d1) -> (0)>
module attributes {stable_mosaic.version = 14 : i64} {
  func.func @_sc1_body(%arg0: i32, %arg1: i32, %arg2: memref<50000x32xbf16, #tpu.memory_space<hbm>>, %arg3: memref<50000x32xbf16, #tpu.memory_space<hbm>>, %arg4: memref<819200xi32, #tpu.memory_space<hbm>>, %arg5: memref<819200xi32, #tpu.memory_space<hbm>>, %arg6: memref<1000x32xbf16, #tpu.memory_space<hbm>>, %arg7: memref<50000x32xbf16, #tpu.memory_space<hbm>>, %arg8: memref<50000x32xbf16, #tpu.memory_space<hbm>>, %arg9: memref<1024xi32, #tpu.memory_space<vmem>>, %arg10: memref<1024xi32, #tpu.memory_space<vmem>>, %arg11: memref<1024xi32, #tpu.memory_space<vmem>>, %arg12: memref<1024xi32, #tpu.memory_space<vmem>>, %arg13: memref<1024x32xbf16, #tpu.memory_space<vmem>>, %arg14: memref<1024x32xbf16, #tpu.memory_space<vmem>>, %arg15: memref<1000x32xbf16, #tpu.memory_space<vmem>>, %arg16: memref<1000x32xbf16, #tpu.memory_space<vmem>>, %arg17: memref<50008x32xbf16, #tpu.memory_space<vmem_shared>>, %arg18: memref<!tpu.dma_semaphore, #tpu.memory_space<semaphore_mem>>, %arg19: memref<!tpu.dma_semaphore, #tpu.memory_space<semaphore_mem>>, %arg20: memref<!tpu.dma_semaphore, #tpu.memory_space<semaphore_mem>>, %arg21: memref<!tpu.dma_semaphore, #tpu.memory_space<semaphore_mem>>) attributes {dimension_semantics = [#tpu.dimension_semantics<core_parallel>, #tpu.dimension_semantics<subcore_parallel>], iteration_bounds = array<i64: 2, 16>, scalar_prefetch = 0 : i64, scratch_operands = 13 : i64, tpu.core_type = #tpu.core_type<sc_vector_subcore>, window_params = [{transform_indices = #map}, {transform_indices = #map}, {transform_indices = #map1}, {transform_indices = #map1}, {transform_indices = #map}, {transform_indices = #map}, {transform_indices = #map}]} {
    "tpu.region"() ({
      %run_scoped3A = tpu.sem_alloc : memref<!tpu.dma_semaphore, #tpu.memory_space<semaphore_mem>>
      tpu.enqueue_dma source(%arg6 : memref<1000x32xbf16, #tpu.memory_space<hbm>>) target(%arg15 : memref<1000x32xbf16, #tpu.memory_space<vmem>>) target_semaphore(%run_scoped3A : memref<!tpu.dma_semaphore, #tpu.memory_space<semaphore_mem>>)
      tpu.wait_dma2 semaphore(%run_scoped3A : memref<!tpu.dma_semaphore, #tpu.memory_space<semaphore_mem>>) src(%arg6 : memref<1000x32xbf16, #tpu.memory_space<hbm>>) dst(%arg15 : memref<1000x32xbf16, #tpu.memory_space<vmem>>)
      tpu.yield
    }) : () -> ()
    %eq3A = arith.constant 0 : i32
    %eq3A_0 = arith.cmpi eq, %arg0, %eq3A : i32
    %convert_element_type3A = arith.extui %eq3A_0 : i1 to i32
    %cond3A = arith.constant 0 : i32
    %cond3A_1 = arith.cmpi ne, %convert_element_type3A, %cond3A : i32
    scf.if %cond3A_1 {
      %add3A = arith.constant 0 : i32
      %add3A_7 = arith.addi %arg1, %add3A : i32
      %lt3A = arith.constant 50 : i32
      %lt3A_8 = arith.cmpi slt, %add3A_7, %lt3A : i32
      %convert_element_type3A_9 = arith.extui %lt3A_8 : i1 to i32
      %cond3A_10 = arith.constant 0 : i32
      %cond3A_11 = arith.cmpi ne, %convert_element_type3A_9, %cond3A_10 : i32
      scf.if %cond3A_11 {
        %mul3A_77 = arith.constant 1000 : i32
        %mul3A_78 = arith.muli %add3A_7, %mul3A_77 : i32
        "tpu.region"() ({
          %run_scoped3A = tpu.sem_alloc : memref<!tpu.dma_semaphore, #tpu.memory_space<semaphore_mem>>
          %dma_start3A_79 = arith.constant 0 : i32
          %dma_start3A_80 = tpu.memref_slice %arg17[%mul3A_78, %dma_start3A_79] : memref<50008x32xbf16, #tpu.memory_space<vmem_shared>> -> memref<1000x32xbf16, #tpu.memory_space<vmem_shared>>
          %dma_start3A_81 = arith.constant 0 : i32
          %dma_start3A_82 = tpu.memref_slice %arg17[%mul3A_78, %dma_start3A_81] : memref<50008x32xbf16, #tpu.memory_space<vmem_shared>> -> memref<1000x32xbf16, #tpu.memory_space<vmem_shared>>
          tpu.enqueue_dma source(%arg15 : memref<1000x32xbf16, #tpu.memory_space<vmem>>) target(%dma_start3A_82 : memref<1000x32xbf16, #tpu.memory_space<vmem_shared>>) target_semaphore(%run_scoped3A : memref<!tpu.dma_semaphore, #tpu.memory_space<semaphore_mem>>)
          %dma_wait3A_83 = arith.constant 0 : i32
          %dma_wait3A_84 = tpu.memref_slice %arg17[%mul3A_78, %dma_wait3A_83] : memref<50008x32xbf16, #tpu.memory_space<vmem_shared>> -> memref<1000x32xbf16, #tpu.memory_space<vmem_shared>>
          %dma_wait3A_85 = arith.constant 0 : i32
          %dma_wait3A_86 = tpu.memref_slice %arg17[%mul3A_78, %dma_wait3A_85] : memref<50008x32xbf16, #tpu.memory_space<vmem_shared>> -> memref<1000x32xbf16, #tpu.memory_space<vmem_shared>>
          tpu.wait_dma2 semaphore(%run_scoped3A : memref<!tpu.dma_semaphore, #tpu.memory_space<semaphore_mem>>) src(%arg15 : memref<1000x32xbf16, #tpu.memory_space<vmem>>) dst(%dma_wait3A_86 : memref<1000x32xbf16, #tpu.memory_space<vmem_shared>>)
          tpu.yield
        }) : () -> ()
      } else {
      }
      %add3A_12 = arith.constant 16 : i32
      %add3A_13 = arith.addi %arg1, %add3A_12 : i32
      %lt3A_14 = arith.constant 50 : i32
      %lt3A_15 = arith.cmpi slt, %add3A_13, %lt3A_14 : i32
      %convert_element_type3A_16 = arith.extui %lt3A_15 : i1 to i32
      %cond3A_17 = arith.constant 0 : i32
      %cond3A_18 = arith.cmpi ne, %convert_element_type3A_16, %cond3A_17 : i32
      scf.if %cond3A_18 {
        %mul3A_77 = arith.constant 1000 : i32
        %mul3A_78 = arith.muli %add3A_13, %mul3A_77 : i32
        "tpu.region"() ({
          %run_scoped3A = tpu.sem_alloc : memref<!tpu.dma_semaphore, #tpu.memory_space<semaphore_mem>>
          %dma_start3A_79 = arith.constant 0 : i32
          %dma_start3A_80 = tpu.memref_slice %arg17[%mul3A_78, %dma_start3A_79] : memref<50008x32xbf16, #tpu.memory_space<vmem_shared>> -> memref<1000x32xbf16, #tpu.memory_space<vmem_shared>>
          %dma_start3A_81 = arith.constant 0 : i32
          %dma_start3A_82 = tpu.memref_slice %arg17[%mul3A_78, %dma_start3A_81] : memref<50008x32xbf16, #tpu.memory_space<vmem_shared>> -> memref<1000x32xbf16, #tpu.memory_space<vmem_shared>>
          tpu.enqueue_dma source(%arg15 : memref<1000x32xbf16, #tpu.memory_space<vmem>>) target(%dma_start3A_82 : memref<1000x32xbf16, #tpu.memory_space<vmem_shared>>) target_semaphore(%run_scoped3A : memref<!tpu.dma_semaphore, #tpu.memory_space<semaphore_mem>>)
          %dma_wait3A_83 = arith.constant 0 : i32
          %dma_wait3A_84 = tpu.memref_slice %arg17[%mul3A_78, %dma_wait3A_83] : memref<50008x32xbf16, #tpu.memory_space<vmem_shared>> -> memref<1000x32xbf16, #tpu.memory_space<vmem_shared>>
          %dma_wait3A_85 = arith.constant 0 : i32
          %dma_wait3A_86 = tpu.memref_slice %arg17[%mul3A_78, %dma_wait3A_85] : memref<50008x32xbf16, #tpu.memory_space<vmem_shared>> -> memref<1000x32xbf16, #tpu.memory_space<vmem_shared>>
          tpu.wait_dma2 semaphore(%run_scoped3A : memref<!tpu.dma_semaphore, #tpu.memory_space<semaphore_mem>>) src(%arg15 : memref<1000x32xbf16, #tpu.memory_space<vmem>>) dst(%dma_wait3A_86 : memref<1000x32xbf16, #tpu.memory_space<vmem_shared>>)
          tpu.yield
        }) : () -> ()
      } else {
      }
      %add3A_19 = arith.constant 32 : i32
      %add3A_20 = arith.addi %arg1, %add3A_19 : i32
      %lt3A_21 = arith.constant 50 : i32
      %lt3A_22 = arith.cmpi slt, %add3A_20, %lt3A_21 : i32
      %convert_element_type3A_23 = arith.extui %lt3A_22 : i1 to i32
      %cond3A_24 = arith.constant 0 : i32
      %cond3A_25 = arith.cmpi ne, %convert_element_type3A_23, %cond3A_24 : i32
      scf.if %cond3A_25 {
        %mul3A_77 = arith.constant 1000 : i32
        %mul3A_78 = arith.muli %add3A_20, %mul3A_77 : i32
        "tpu.region"() ({
          %run_scoped3A = tpu.sem_alloc : memref<!tpu.dma_semaphore, #tpu.memory_space<semaphore_mem>>
          %dma_start3A_79 = arith.constant 0 : i32
          %dma_start3A_80 = tpu.memref_slice %arg17[%mul3A_78, %dma_start3A_79] : memref<50008x32xbf16, #tpu.memory_space<vmem_shared>> -> memref<1000x32xbf16, #tpu.memory_space<vmem_shared>>
          %dma_start3A_81 = arith.constant 0 : i32
          %dma_start3A_82 = tpu.memref_slice %arg17[%mul3A_78, %dma_start3A_81] : memref<50008x32xbf16, #tpu.memory_space<vmem_shared>> -> memref<1000x32xbf16, #tpu.memory_space<vmem_shared>>
          tpu.enqueue_dma source(%arg15 : memref<1000x32xbf16, #tpu.memory_space<vmem>>) target(%dma_start3A_82 : memref<1000x32xbf16, #tpu.memory_space<vmem_shared>>) target_semaphore(%run_scoped3A : memref<!tpu.dma_semaphore, #tpu.memory_space<semaphore_mem>>)
          %dma_wait3A_83 = arith.constant 0 : i32
          %dma_wait3A_84 = tpu.memref_slice %arg17[%mul3A_78, %dma_wait3A_83] : memref<50008x32xbf16, #tpu.memory_space<vmem_shared>> -> memref<1000x32xbf16, #tpu.memory_space<vmem_shared>>
          %dma_wait3A_85 = arith.constant 0 : i32
          %dma_wait3A_86 = tpu.memref_slice %arg17[%mul3A_78, %dma_wait3A_85] : memref<50008x32xbf16, #tpu.memory_space<vmem_shared>> -> memref<1000x32xbf16, #tpu.memory_space<vmem_shared>>
          tpu.wait_dma2 semaphore(%run_scoped3A : memref<!tpu.dma_semaphore, #tpu.memory_space<semaphore_mem>>) src(%arg15 : memref<1000x32xbf16, #tpu.memory_space<vmem>>) dst(%dma_wait3A_86 : memref<1000x32xbf16, #tpu.memory_space<vmem_shared>>)
          tpu.yield
        }) : () -> ()
      } else {
      }
      %add3A_26 = arith.constant 48 : i32
      %add3A_27 = arith.addi %arg1, %add3A_26 : i32
      %lt3A_28 = arith.constant 50 : i32
      %lt3A_29 = arith.cmpi slt, %add3A_27, %lt3A_28 : i32
      %convert_element_type3A_30 = arith.extui %lt3A_29 : i1 to i32
      %cond3A_31 = arith.constant 0 : i32
      %cond3A_32 = arith.cmpi ne, %convert_element_type3A_30, %cond3A_31 : i32
      scf.if %cond3A_32 {
        %mul3A_77 = arith.constant 1000 : i32
        %mul3A_78 = arith.muli %add3A_27, %mul3A_77 : i32
        "tpu.region"() ({
          %run_scoped3A = tpu.sem_alloc : memref<!tpu.dma_semaphore, #tpu.memory_space<semaphore_mem>>
          %dma_start3A_79 = arith.constant 0 : i32
          %dma_start3A_80 = tpu.memref_slice %arg17[%mul3A_78, %dma_start3A_79] : memref<50008x32xbf16, #tpu.memory_space<vmem_shared>> -> memref<1000x32xbf16, #tpu.memory_space<vmem_shared>>
          %dma_start3A_81 = arith.constant 0 : i32
          %dma_start3A_82 = tpu.memref_slice %arg17[%mul3A_78, %dma_start3A_81] : memref<50008x32xbf16, #tpu.memory_space<vmem_shared>> -> memref<1000x32xbf16, #tpu.memory_space<vmem_shared>>
          tpu.enqueue_dma source(%arg15 : memref<1000x32xbf16, #tpu.memory_space<vmem>>) target(%dma_start3A_82 : memref<1000x32xbf16, #tpu.memory_space<vmem_shared>>) target_semaphore(%run_scoped3A : memref<!tpu.dma_semaphore, #tpu.memory_space<semaphore_mem>>)
          %dma_wait3A_83 = arith.constant 0 : i32
          %dma_wait3A_84 = tpu.memref_slice %arg17[%mul3A_78, %dma_wait3A_83] : memref<50008x32xbf16, #tpu.memory_space<vmem_shared>> -> memref<1000x32xbf16, #tpu.memory_space<vmem_shared>>
          %dma_wait3A_85 = arith.constant 0 : i32
          %dma_wait3A_86 = tpu.memref_slice %arg17[%mul3A_78, %dma_wait3A_85] : memref<50008x32xbf16, #tpu.memory_space<vmem_shared>> -> memref<1000x32xbf16, #tpu.memory_space<vmem_shared>>
          tpu.wait_dma2 semaphore(%run_scoped3A : memref<!tpu.dma_semaphore, #tpu.memory_space<semaphore_mem>>) src(%arg15 : memref<1000x32xbf16, #tpu.memory_space<vmem>>) dst(%dma_wait3A_86 : memref<1000x32xbf16, #tpu.memory_space<vmem_shared>>)
          tpu.yield
        }) : () -> ()
      } else {
      }
      %barrier3A = arith.constant 0 : index
      tpu.barrier barrier_id(%barrier3A)
      %mul3A = arith.constant 50 : i32
      %mul3A_33 = arith.muli %arg1, %mul3A : i32
      %add3A_34 = arith.constant 0 : i32
      %add3A_35 = arith.addi %mul3A_33, %add3A_34 : i32
      %mul3A_36 = arith.constant 1024 : i32
      %mul3A_37 = arith.muli %add3A_35, %mul3A_36 : i32
      "tpu.region"() ({
        %run_scoped3A = tpu.sem_alloc : memref<!tpu.dma_semaphore, #tpu.memory_space<semaphore_mem>>
        %dma_start3A_77 = tpu.memref_slice %arg4[%mul3A_37] : memref<819200xi32, #tpu.memory_space<hbm>> -> memref<1024xi32, #tpu.memory_space<hbm>>
        %dma_start3A_78 = tpu.memref_slice %arg4[%mul3A_37] : memref<819200xi32, #tpu.memory_space<hbm>> -> memref<1024xi32, #tpu.memory_space<hbm>>
        tpu.enqueue_dma source(%dma_start3A_78 : memref<1024xi32, #tpu.memory_space<hbm>>) target(%arg9 : memref<1024xi32, #tpu.memory_space<vmem>>) target_semaphore(%run_scoped3A : memref<!tpu.dma_semaphore, #tpu.memory_space<semaphore_mem>>)
        %dma_wait3A_79 = tpu.memref_slice %arg4[%mul3A_37] : memref<819200xi32, #tpu.memory_space<hbm>> -> memref<1024xi32, #tpu.memory_space<hbm>>
        %dma_wait3A_80 = tpu.memref_slice %arg4[%mul3A_37] : memref<819200xi32, #tpu.memory_space<hbm>> -> memref<1024xi32, #tpu.memory_space<hbm>>
        tpu.wait_dma2 semaphore(%run_scoped3A : memref<!tpu.dma_semaphore, #tpu.memory_space<semaphore_mem>>) src(%dma_wait3A_80 : memref<1024xi32, #tpu.memory_space<hbm>>) dst(%arg9 : memref<1024xi32, #tpu.memory_space<vmem>>)
        tpu.yield
      }) : () -> ()
      "tpu.region"() ({
        %run_scoped3A = tpu.sem_alloc : memref<!tpu.dma_semaphore, #tpu.memory_space<semaphore_mem>>
        %dma_start3A_77 = tpu.memref_slice %arg5[%mul3A_37] : memref<819200xi32, #tpu.memory_space<hbm>> -> memref<1024xi32, #tpu.memory_space<hbm>>
        %dma_start3A_78 = tpu.memref_slice %arg5[%mul3A_37] : memref<819200xi32, #tpu.memory_space<hbm>> -> memref<1024xi32, #tpu.memory_space<hbm>>
        tpu.enqueue_dma source(%dma_start3A_78 : memref<1024xi32, #tpu.memory_space<hbm>>) target(%arg11 : memref<1024xi32, #tpu.memory_space<vmem>>) target_semaphore(%run_scoped3A : memref<!tpu.dma_semaphore, #tpu.memory_space<semaphore_mem>>)
        %dma_wait3A_79 = tpu.memref_slice %arg5[%mul3A_37] : memref<819200xi32, #tpu.memory_space<hbm>> -> memref<1024xi32, #tpu.memory_space<hbm>>
        %dma_wait3A_80 = tpu.memref_slice %arg5[%mul3A_37] : memref<819200xi32, #tpu.memory_space<hbm>> -> memref<1024xi32, #tpu.memory_space<hbm>>
        tpu.wait_dma2 semaphore(%run_scoped3A : memref<!tpu.dma_semaphore, #tpu.memory_space<semaphore_mem>>) src(%dma_wait3A_80 : memref<1024xi32, #tpu.memory_space<hbm>>) dst(%arg11 : memref<1024xi32, #tpu.memory_space<vmem>>)
        tpu.yield
      }) : () -> ()
      %dma_start3A = arith.constant 0 : i32
      %dma_start3A_38 = arith.constant 0 : i32
      %dma_start3A_39 = tpu.memref_slice %arg2[%dma_start3A, %dma_start3A_38] : memref<50000x32xbf16, #tpu.memory_space<hbm>> -> memref<50000x32xbf16, #tpu.memory_space<hbm>>
      tpu.enqueue_indirect_dma source(%dma_start3A_39 : memref<50000x32xbf16, #tpu.memory_space<hbm>>) target(%arg13 : memref<1024x32xbf16, #tpu.memory_space<vmem>>) offsets(%arg9 : memref<1024xi32, #tpu.memory_space<vmem>>) semaphore(%arg18 : memref<!tpu.dma_semaphore, #tpu.memory_space<semaphore_mem>>)
      %scan3A = arith.constant 0 : i32
      %scan3A_40 = arith.constant 0 : i32
      %scan3A_41 = arith.constant 25 : i32
      %scan3A_42 = arith.addi %scan3A_40, %scan3A_41 : i32
      %scan3A_43 = arith.constant 1 : i32
      scf.for %scan3A_77 = %scan3A_40 to %scan3A_42 step %scan3A_43  : i32 {
        %gt3A = arith.constant 0 : i32
        %gt3A_78 = arith.cmpi sgt, %scan3A_77, %gt3A : i32
        %convert_element_type3A_79 = arith.extui %gt3A_78 : i1 to i32
        %cond3A_80 = arith.constant 0 : i32
        %cond3A_81 = arith.cmpi ne, %convert_element_type3A_79, %cond3A_80 : i32
        scf.if %cond3A_81 {
          %dma_wait3A_118 = arith.constant 0 : i32
          %dma_wait3A_119 = arith.constant 0 : i32
          %dma_wait3A_120 = tpu.memref_slice %arg17[%dma_wait3A_118, %dma_wait3A_119] : memref<50008x32xbf16, #tpu.memory_space<vmem_shared>> -> memref<50008x32xbf16, #tpu.memory_space<vmem_shared>>
          tpu.wait_indirect_dma semaphore(%arg21 : memref<!tpu.dma_semaphore, #tpu.memory_space<semaphore_mem>>) src(%arg14 : memref<1024x32xbf16, #tpu.memory_space<vmem>>) dst(%dma_wait3A_120 : memref<50008x32xbf16, #tpu.memory_space<vmem_shared>>)
        } else {
        }
        %mul3A_82 = arith.constant 2 : i32
        %mul3A_83 = arith.muli %mul3A_82, %scan3A_77 : i32
        %add3A_84 = arith.constant 1 : i32
        %add3A_85 = arith.addi %mul3A_83, %add3A_84 : i32
        %mul3A_86 = arith.constant 50 : i32
        %mul3A_87 = arith.muli %arg1, %mul3A_86 : i32
        %add3A_88 = arith.addi %mul3A_87, %add3A_85 : i32
        %mul3A_89 = arith.constant 1024 : i32
        %mul3A_90 = arith.muli %add3A_88, %mul3A_89 : i32
        "tpu.region"() ({
          %run_scoped3A = tpu.sem_alloc : memref<!tpu.dma_semaphore, #tpu.memory_space<semaphore_mem>>
          %dma_start3A_118 = tpu.memref_slice %arg4[%mul3A_90] : memref<819200xi32, #tpu.memory_space<hbm>> -> memref<1024xi32, #tpu.memory_space<hbm>>
          %dma_start3A_119 = tpu.memref_slice %arg4[%mul3A_90] : memref<819200xi32, #tpu.memory_space<hbm>> -> memref<1024xi32, #tpu.memory_space<hbm>>
          tpu.enqueue_dma source(%dma_start3A_119 : memref<1024xi32, #tpu.memory_space<hbm>>) target(%arg10 : memref<1024xi32, #tpu.memory_space<vmem>>) target_semaphore(%run_scoped3A : memref<!tpu.dma_semaphore, #tpu.memory_space<semaphore_mem>>)
          %dma_wait3A_120 = tpu.memref_slice %arg4[%mul3A_90] : memref<819200xi32, #tpu.memory_space<hbm>> -> memref<1024xi32, #tpu.memory_space<hbm>>
          %dma_wait3A_121 = tpu.memref_slice %arg4[%mul3A_90] : memref<819200xi32, #tpu.memory_space<hbm>> -> memref<1024xi32, #tpu.memory_space<hbm>>
          tpu.wait_dma2 semaphore(%run_scoped3A : memref<!tpu.dma_semaphore, #tpu.memory_space<semaphore_mem>>) src(%dma_wait3A_121 : memref<1024xi32, #tpu.memory_space<hbm>>) dst(%arg10 : memref<1024xi32, #tpu.memory_space<vmem>>)
          tpu.yield
        }) : () -> ()
        "tpu.region"() ({
          %run_scoped3A = tpu.sem_alloc : memref<!tpu.dma_semaphore, #tpu.memory_space<semaphore_mem>>
          %dma_start3A_118 = tpu.memref_slice %arg5[%mul3A_90] : memref<819200xi32, #tpu.memory_space<hbm>> -> memref<1024xi32, #tpu.memory_space<hbm>>
          %dma_start3A_119 = tpu.memref_slice %arg5[%mul3A_90] : memref<819200xi32, #tpu.memory_space<hbm>> -> memref<1024xi32, #tpu.memory_space<hbm>>
          tpu.enqueue_dma source(%dma_start3A_119 : memref<1024xi32, #tpu.memory_space<hbm>>) target(%arg12 : memref<1024xi32, #tpu.memory_space<vmem>>) target_semaphore(%run_scoped3A : memref<!tpu.dma_semaphore, #tpu.memory_space<semaphore_mem>>)
          %dma_wait3A_120 = tpu.memref_slice %arg5[%mul3A_90] : memref<819200xi32, #tpu.memory_space<hbm>> -> memref<1024xi32, #tpu.memory_space<hbm>>
          %dma_wait3A_121 = tpu.memref_slice %arg5[%mul3A_90] : memref<819200xi32, #tpu.memory_space<hbm>> -> memref<1024xi32, #tpu.memory_space<hbm>>
          tpu.wait_dma2 semaphore(%run_scoped3A : memref<!tpu.dma_semaphore, #tpu.memory_space<semaphore_mem>>) src(%dma_wait3A_121 : memref<1024xi32, #tpu.memory_space<hbm>>) dst(%arg12 : memref<1024xi32, #tpu.memory_space<vmem>>)
          tpu.yield
        }) : () -> ()
        %dma_start3A_91 = arith.constant 0 : i32
        %dma_start3A_92 = arith.constant 0 : i32
        %dma_start3A_93 = tpu.memref_slice %arg2[%dma_start3A_91, %dma_start3A_92] : memref<50000x32xbf16, #tpu.memory_space<hbm>> -> memref<50000x32xbf16, #tpu.memory_space<hbm>>
        tpu.enqueue_indirect_dma source(%dma_start3A_93 : memref<50000x32xbf16, #tpu.memory_space<hbm>>) target(%arg14 : memref<1024x32xbf16, #tpu.memory_space<vmem>>) offsets(%arg10 : memref<1024xi32, #tpu.memory_space<vmem>>) semaphore(%arg19 : memref<!tpu.dma_semaphore, #tpu.memory_space<semaphore_mem>>)
        %dma_wait3A_94 = arith.constant 0 : i32
        %dma_wait3A_95 = arith.constant 0 : i32
        %dma_wait3A_96 = tpu.memref_slice %arg2[%dma_wait3A_94, %dma_wait3A_95] : memref<50000x32xbf16, #tpu.memory_space<hbm>> -> memref<50000x32xbf16, #tpu.memory_space<hbm>>
        tpu.wait_indirect_dma semaphore(%arg18 : memref<!tpu.dma_semaphore, #tpu.memory_space<semaphore_mem>>) src(%dma_wait3A_96 : memref<50000x32xbf16, #tpu.memory_space<hbm>>) dst(%arg13 : memref<1024x32xbf16, #tpu.memory_space<vmem>>)
        %dma_start3A_97 = arith.constant 0 : i32
        %dma_start3A_98 = arith.constant 0 : i32
        %dma_start3A_99 = tpu.memref_slice %arg17[%dma_start3A_97, %dma_start3A_98] : memref<50008x32xbf16, #tpu.memory_space<vmem_shared>> -> memref<50008x32xbf16, #tpu.memory_space<vmem_shared>>
        tpu.enqueue_indirect_dma source(%arg13 : memref<1024x32xbf16, #tpu.memory_space<vmem>>) target(%dma_start3A_99 : memref<50008x32xbf16, #tpu.memory_space<vmem_shared>>) offsets(%arg11 : memref<1024xi32, #tpu.memory_space<vmem>>) semaphore(%arg20 : memref<!tpu.dma_semaphore, #tpu.memory_space<semaphore_mem>>) {add = true}
        %dma_wait3A_100 = arith.constant 0 : i32
        %dma_wait3A_101 = arith.constant 0 : i32
        %dma_wait3A_102 = tpu.memref_slice %arg17[%dma_wait3A_100, %dma_wait3A_101] : memref<50008x32xbf16, #tpu.memory_space<vmem_shared>> -> memref<50008x32xbf16, #tpu.memory_space<vmem_shared>>
        tpu.wait_indirect_dma semaphore(%arg20 : memref<!tpu.dma_semaphore, #tpu.memory_space<semaphore_mem>>) src(%arg13 : memref<1024x32xbf16, #tpu.memory_space<vmem>>) dst(%dma_wait3A_102 : memref<50008x32xbf16, #tpu.memory_space<vmem_shared>>)
        %mul3A_103 = arith.constant 2 : i32
        %mul3A_104 = arith.muli %mul3A_103, %scan3A_77 : i32
        %add3A_105 = arith.constant 2 : i32
        %add3A_106 = arith.addi %mul3A_104, %add3A_105 : i32
        %lt3A_107 = arith.constant 50 : i32
        %lt3A_108 = arith.cmpi slt, %add3A_106, %lt3A_107 : i32
        %convert_element_type3A_109 = arith.extui %lt3A_108 : i1 to i32
        %cond3A_110 = arith.constant 0 : i32
        %cond3A_111 = arith.cmpi ne, %convert_element_type3A_109, %cond3A_110 : i32
        scf.if %cond3A_111 {
          %mul3A_118 = arith.constant 2 : i32
          %mul3A_119 = arith.muli %mul3A_118, %scan3A_77 : i32
          %add3A_120 = arith.constant 2 : i32
          %add3A_121 = arith.addi %mul3A_119, %add3A_120 : i32
          %mul3A_122 = arith.constant 50 : i32
          %mul3A_123 = arith.muli %arg1, %mul3A_122 : i32
          %add3A_124 = arith.addi %mul3A_123, %add3A_121 : i32
          %mul3A_125 = arith.constant 1024 : i32
          %mul3A_126 = arith.muli %add3A_124, %mul3A_125 : i32
          "tpu.region"() ({
            %run_scoped3A = tpu.sem_alloc : memref<!tpu.dma_semaphore, #tpu.memory_space<semaphore_mem>>
            %dma_start3A_130 = tpu.memref_slice %arg4[%mul3A_126] : memref<819200xi32, #tpu.memory_space<hbm>> -> memref<1024xi32, #tpu.memory_space<hbm>>
            %dma_start3A_131 = tpu.memref_slice %arg4[%mul3A_126] : memref<819200xi32, #tpu.memory_space<hbm>> -> memref<1024xi32, #tpu.memory_space<hbm>>
            tpu.enqueue_dma source(%dma_start3A_131 : memref<1024xi32, #tpu.memory_space<hbm>>) target(%arg9 : memref<1024xi32, #tpu.memory_space<vmem>>) target_semaphore(%run_scoped3A : memref<!tpu.dma_semaphore, #tpu.memory_space<semaphore_mem>>)
            %dma_wait3A_132 = tpu.memref_slice %arg4[%mul3A_126] : memref<819200xi32, #tpu.memory_space<hbm>> -> memref<1024xi32, #tpu.memory_space<hbm>>
            %dma_wait3A_133 = tpu.memref_slice %arg4[%mul3A_126] : memref<819200xi32, #tpu.memory_space<hbm>> -> memref<1024xi32, #tpu.memory_space<hbm>>
            tpu.wait_dma2 semaphore(%run_scoped3A : memref<!tpu.dma_semaphore, #tpu.memory_space<semaphore_mem>>) src(%dma_wait3A_133 : memref<1024xi32, #tpu.memory_space<hbm>>) dst(%arg9 : memref<1024xi32, #tpu.memory_space<vmem>>)
            tpu.yield
          }) : () -> ()
          "tpu.region"() ({
            %run_scoped3A = tpu.sem_alloc : memref<!tpu.dma_semaphore, #tpu.memory_space<semaphore_mem>>
            %dma_start3A_130 = tpu.memref_slice %arg5[%mul3A_126] : memref<819200xi32, #tpu.memory_space<hbm>> -> memref<1024xi32, #tpu.memory_space<hbm>>
            %dma_start3A_131 = tpu.memref_slice %arg5[%mul3A_126] : memref<819200xi32, #tpu.memory_space<hbm>> -> memref<1024xi32, #tpu.memory_space<hbm>>
            tpu.enqueue_dma source(%dma_start3A_131 : memref<1024xi32, #tpu.memory_space<hbm>>) target(%arg11 : memref<1024xi32, #tpu.memory_space<vmem>>) target_semaphore(%run_scoped3A : memref<!tpu.dma_semaphore, #tpu.memory_space<semaphore_mem>>)
            %dma_wait3A_132 = tpu.memref_slice %arg5[%mul3A_126] : memref<819200xi32, #tpu.memory_space<hbm>> -> memref<1024xi32, #tpu.memory_space<hbm>>
            %dma_wait3A_133 = tpu.memref_slice %arg5[%mul3A_126] : memref<819200xi32, #tpu.memory_space<hbm>> -> memref<1024xi32, #tpu.memory_space<hbm>>
            tpu.wait_dma2 semaphore(%run_scoped3A : memref<!tpu.dma_semaphore, #tpu.memory_space<semaphore_mem>>) src(%dma_wait3A_133 : memref<1024xi32, #tpu.memory_space<hbm>>) dst(%arg11 : memref<1024xi32, #tpu.memory_space<vmem>>)
            tpu.yield
          }) : () -> ()
          %dma_start3A_127 = arith.constant 0 : i32
          %dma_start3A_128 = arith.constant 0 : i32
          %dma_start3A_129 = tpu.memref_slice %arg2[%dma_start3A_127, %dma_start3A_128] : memref<50000x32xbf16, #tpu.memory_space<hbm>> -> memref<50000x32xbf16, #tpu.memory_space<hbm>>
          tpu.enqueue_indirect_dma source(%dma_start3A_129 : memref<50000x32xbf16, #tpu.memory_space<hbm>>) target(%arg13 : memref<1024x32xbf16, #tpu.memory_space<vmem>>) offsets(%arg9 : memref<1024xi32, #tpu.memory_space<vmem>>) semaphore(%arg18 : memref<!tpu.dma_semaphore, #tpu.memory_space<semaphore_mem>>)
        } else {
        }
        %dma_wait3A_112 = arith.constant 0 : i32
        %dma_wait3A_113 = arith.constant 0 : i32
        %dma_wait3A_114 = tpu.memref_slice %arg2[%dma_wait3A_112, %dma_wait3A_113] : memref<50000x32xbf16, #tpu.memory_space<hbm>> -> memref<50000x32xbf16, #tpu.memory_space<hbm>>
        tpu.wait_indirect_dma semaphore(%arg19 : memref<!tpu.dma_semaphore, #tpu.memory_space<semaphore_mem>>) src(%dma_wait3A_114 : memref<50000x32xbf16, #tpu.memory_space<hbm>>) dst(%arg14 : memref<1024x32xbf16, #tpu.memory_space<vmem>>)
        %dma_start3A_115 = arith.constant 0 : i32
        %dma_start3A_116 = arith.constant 0 : i32
        %dma_start3A_117 = tpu.memref_slice %arg17[%dma_start3A_115, %dma_start3A_116] : memref<50008x32xbf16, #tpu.memory_space<vmem_shared>> -> memref<50008x32xbf16, #tpu.memory_space<vmem_shared>>
        tpu.enqueue_indirect_dma source(%arg14 : memref<1024x32xbf16, #tpu.memory_space<vmem>>) target(%dma_start3A_117 : memref<50008x32xbf16, #tpu.memory_space<vmem_shared>>) offsets(%arg12 : memref<1024xi32, #tpu.memory_space<vmem>>) semaphore(%arg21 : memref<!tpu.dma_semaphore, #tpu.memory_space<semaphore_mem>>) {add = true}
      }
      %scan3A_44 = arith.constant 25 : i32
      %dma_wait3A = arith.constant 0 : i32
      %dma_wait3A_45 = arith.constant 0 : i32
      %dma_wait3A_46 = tpu.memref_slice %arg17[%dma_wait3A, %dma_wait3A_45] : memref<50008x32xbf16, #tpu.memory_space<vmem_shared>> -> memref<50008x32xbf16, #tpu.memory_space<vmem_shared>>
      tpu.wait_indirect_dma semaphore(%arg21 : memref<!tpu.dma_semaphore, #tpu.memory_space<semaphore_mem>>) src(%arg14 : memref<1024x32xbf16, #tpu.memory_space<vmem>>) dst(%dma_wait3A_46 : memref<50008x32xbf16, #tpu.memory_space<vmem_shared>>)
      %barrier3A_47 = arith.constant 0 : index
      tpu.barrier barrier_id(%barrier3A_47)
      %add3A_48 = arith.constant 0 : i32
      %add3A_49 = arith.addi %arg1, %add3A_48 : i32
      %lt3A_50 = arith.constant 50 : i32
      %lt3A_51 = arith.cmpi slt, %add3A_49, %lt3A_50 : i32
      %convert_element_type3A_52 = arith.extui %lt3A_51 : i1 to i32
      %cond3A_53 = arith.constant 0 : i32
      %cond3A_54 = arith.cmpi ne, %convert_element_type3A_52, %cond3A_53 : i32
      scf.if %cond3A_54 {
        %mul3A_77 = arith.constant 1000 : i32
        %mul3A_78 = arith.muli %add3A_49, %mul3A_77 : i32
        "tpu.region"() ({
          %run_scoped3A = tpu.sem_alloc : memref<!tpu.dma_semaphore, #tpu.memory_space<semaphore_mem>>
          %dma_start3A_81 = arith.constant 0 : i32
          %dma_start3A_82 = tpu.memref_slice %arg17[%mul3A_78, %dma_start3A_81] : memref<50008x32xbf16, #tpu.memory_space<vmem_shared>> -> memref<1000x32xbf16, #tpu.memory_space<vmem_shared>>
          %dma_start3A_83 = arith.constant 0 : i32
          %dma_start3A_84 = tpu.memref_slice %arg17[%mul3A_78, %dma_start3A_83] : memref<50008x32xbf16, #tpu.memory_space<vmem_shared>> -> memref<1000x32xbf16, #tpu.memory_space<vmem_shared>>
          tpu.enqueue_dma source(%dma_start3A_84 : memref<1000x32xbf16, #tpu.memory_space<vmem_shared>>) target(%arg16 : memref<1000x32xbf16, #tpu.memory_space<vmem>>) target_semaphore(%run_scoped3A : memref<!tpu.dma_semaphore, #tpu.memory_space<semaphore_mem>>)
          %dma_wait3A_85 = arith.constant 0 : i32
          %dma_wait3A_86 = tpu.memref_slice %arg17[%mul3A_78, %dma_wait3A_85] : memref<50008x32xbf16, #tpu.memory_space<vmem_shared>> -> memref<1000x32xbf16, #tpu.memory_space<vmem_shared>>
          %dma_wait3A_87 = arith.constant 0 : i32
          %dma_wait3A_88 = tpu.memref_slice %arg17[%mul3A_78, %dma_wait3A_87] : memref<50008x32xbf16, #tpu.memory_space<vmem_shared>> -> memref<1000x32xbf16, #tpu.memory_space<vmem_shared>>
          tpu.wait_dma2 semaphore(%run_scoped3A : memref<!tpu.dma_semaphore, #tpu.memory_space<semaphore_mem>>) src(%dma_wait3A_88 : memref<1000x32xbf16, #tpu.memory_space<vmem_shared>>) dst(%arg16 : memref<1000x32xbf16, #tpu.memory_space<vmem>>)
          tpu.yield
        }) : () -> ()
        %mul3A_79 = arith.constant 1000 : i32
        %mul3A_80 = arith.muli %add3A_49, %mul3A_79 : i32
        "tpu.region"() ({
          %run_scoped3A = tpu.sem_alloc : memref<!tpu.dma_semaphore, #tpu.memory_space<semaphore_mem>>
          %dma_start3A_81 = arith.constant 0 : i32
          %dma_start3A_82 = tpu.memref_slice %arg7[%mul3A_80, %dma_start3A_81] : memref<50000x32xbf16, #tpu.memory_space<hbm>> -> memref<1000x32xbf16, #tpu.memory_space<hbm>>
          %dma_start3A_83 = arith.constant 0 : i32
          %dma_start3A_84 = tpu.memref_slice %arg7[%mul3A_80, %dma_start3A_83] : memref<50000x32xbf16, #tpu.memory_space<hbm>> -> memref<1000x32xbf16, #tpu.memory_space<hbm>>
          tpu.enqueue_dma source(%arg16 : memref<1000x32xbf16, #tpu.memory_space<vmem>>) target(%dma_start3A_84 : memref<1000x32xbf16, #tpu.memory_space<hbm>>) target_semaphore(%run_scoped3A : memref<!tpu.dma_semaphore, #tpu.memory_space<semaphore_mem>>)
          %dma_wait3A_85 = arith.constant 0 : i32
          %dma_wait3A_86 = tpu.memref_slice %arg7[%mul3A_80, %dma_wait3A_85] : memref<50000x32xbf16, #tpu.memory_space<hbm>> -> memref<1000x32xbf16, #tpu.memory_space<hbm>>
          %dma_wait3A_87 = arith.constant 0 : i32
          %dma_wait3A_88 = tpu.memref_slice %arg7[%mul3A_80, %dma_wait3A_87] : memref<50000x32xbf16, #tpu.memory_space<hbm>> -> memref<1000x32xbf16, #tpu.memory_space<hbm>>
          tpu.wait_dma2 semaphore(%run_scoped3A : memref<!tpu.dma_semaphore, #tpu.memory_space<semaphore_mem>>) src(%arg16 : memref<1000x32xbf16, #tpu.memory_space<vmem>>) dst(%dma_wait3A_88 : memref<1000x32xbf16, #tpu.memory_space<hbm>>)
          tpu.yield
        }) : () -> ()
      } else {
      }
      %add3A_55 = arith.constant 16 : i32
      %add3A_56 = arith.addi %arg1, %add3A_55 : i32
      %lt3A_57 = arith.constant 50 : i32
      %lt3A_58 = arith.cmpi slt, %add3A_56, %lt3A_57 : i32
      %convert_element_type3A_59 = arith.extui %lt3A_58 : i1 to i32
      %cond3A_60 = arith.constant 0 : i32
      %cond3A_61 = arith.cmpi ne, %convert_element_type3A_59, %cond3A_60 : i32
      scf.if %cond3A_61 {
        %mul3A_77 = arith.constant 1000 : i32
        %mul3A_78 = arith.muli %add3A_56, %mul3A_77 : i32
        "tpu.region"() ({
          %run_scoped3A = tpu.sem_alloc : memref<!tpu.dma_semaphore, #tpu.memory_space<semaphore_mem>>
          %dma_start3A_81 = arith.constant 0 : i32
          %dma_start3A_82 = tpu.memref_slice %arg17[%mul3A_78, %dma_start3A_81] : memref<50008x32xbf16, #tpu.memory_space<vmem_shared>> -> memref<1000x32xbf16, #tpu.memory_space<vmem_shared>>
          %dma_start3A_83 = arith.constant 0 : i32
          %dma_start3A_84 = tpu.memref_slice %arg17[%mul3A_78, %dma_start3A_83] : memref<50008x32xbf16, #tpu.memory_space<vmem_shared>> -> memref<1000x32xbf16, #tpu.memory_space<vmem_shared>>
          tpu.enqueue_dma source(%dma_start3A_84 : memref<1000x32xbf16, #tpu.memory_space<vmem_shared>>) target(%arg16 : memref<1000x32xbf16, #tpu.memory_space<vmem>>) target_semaphore(%run_scoped3A : memref<!tpu.dma_semaphore, #tpu.memory_space<semaphore_mem>>)
          %dma_wait3A_85 = arith.constant 0 : i32
          %dma_wait3A_86 = tpu.memref_slice %arg17[%mul3A_78, %dma_wait3A_85] : memref<50008x32xbf16, #tpu.memory_space<vmem_shared>> -> memref<1000x32xbf16, #tpu.memory_space<vmem_shared>>
          %dma_wait3A_87 = arith.constant 0 : i32
          %dma_wait3A_88 = tpu.memref_slice %arg17[%mul3A_78, %dma_wait3A_87] : memref<50008x32xbf16, #tpu.memory_space<vmem_shared>> -> memref<1000x32xbf16, #tpu.memory_space<vmem_shared>>
          tpu.wait_dma2 semaphore(%run_scoped3A : memref<!tpu.dma_semaphore, #tpu.memory_space<semaphore_mem>>) src(%dma_wait3A_88 : memref<1000x32xbf16, #tpu.memory_space<vmem_shared>>) dst(%arg16 : memref<1000x32xbf16, #tpu.memory_space<vmem>>)
          tpu.yield
        }) : () -> ()
        %mul3A_79 = arith.constant 1000 : i32
        %mul3A_80 = arith.muli %add3A_56, %mul3A_79 : i32
        "tpu.region"() ({
          %run_scoped3A = tpu.sem_alloc : memref<!tpu.dma_semaphore, #tpu.memory_space<semaphore_mem>>
          %dma_start3A_81 = arith.constant 0 : i32
          %dma_start3A_82 = tpu.memref_slice %arg7[%mul3A_80, %dma_start3A_81] : memref<50000x32xbf16, #tpu.memory_space<hbm>> -> memref<1000x32xbf16, #tpu.memory_space<hbm>>
          %dma_start3A_83 = arith.constant 0 : i32
          %dma_start3A_84 = tpu.memref_slice %arg7[%mul3A_80, %dma_start3A_83] : memref<50000x32xbf16, #tpu.memory_space<hbm>> -> memref<1000x32xbf16, #tpu.memory_space<hbm>>
          tpu.enqueue_dma source(%arg16 : memref<1000x32xbf16, #tpu.memory_space<vmem>>) target(%dma_start3A_84 : memref<1000x32xbf16, #tpu.memory_space<hbm>>) target_semaphore(%run_scoped3A : memref<!tpu.dma_semaphore, #tpu.memory_space<semaphore_mem>>)
          %dma_wait3A_85 = arith.constant 0 : i32
          %dma_wait3A_86 = tpu.memref_slice %arg7[%mul3A_80, %dma_wait3A_85] : memref<50000x32xbf16, #tpu.memory_space<hbm>> -> memref<1000x32xbf16, #tpu.memory_space<hbm>>
          %dma_wait3A_87 = arith.constant 0 : i32
          %dma_wait3A_88 = tpu.memref_slice %arg7[%mul3A_80, %dma_wait3A_87] : memref<50000x32xbf16, #tpu.memory_space<hbm>> -> memref<1000x32xbf16, #tpu.memory_space<hbm>>
          tpu.wait_dma2 semaphore(%run_scoped3A : memref<!tpu.dma_semaphore, #tpu.memory_space<semaphore_mem>>) src(%arg16 : memref<1000x32xbf16, #tpu.memory_space<vmem>>) dst(%dma_wait3A_88 : memref<1000x32xbf16, #tpu.memory_space<hbm>>)
          tpu.yield
        }) : () -> ()
      } else {
      }
      %add3A_62 = arith.constant 32 : i32
      %add3A_63 = arith.addi %arg1, %add3A_62 : i32
      %lt3A_64 = arith.constant 50 : i32
      %lt3A_65 = arith.cmpi slt, %add3A_63, %lt3A_64 : i32
      %convert_element_type3A_66 = arith.extui %lt3A_65 : i1 to i32
      %cond3A_67 = arith.constant 0 : i32
      %cond3A_68 = arith.cmpi ne, %convert_element_type3A_66, %cond3A_67 : i32
      scf.if %cond3A_68 {
        %mul3A_77 = arith.constant 1000 : i32
        %mul3A_78 = arith.muli %add3A_63, %mul3A_77 : i32
        "tpu.region"() ({
          %run_scoped3A = tpu.sem_alloc : memref<!tpu.dma_semaphore, #tpu.memory_space<semaphore_mem>>
          %dma_start3A_81 = arith.constant 0 : i32
          %dma_start3A_82 = tpu.memref_slice %arg17[%mul3A_78, %dma_start3A_81] : memref<50008x32xbf16, #tpu.memory_space<vmem_shared>> -> memref<1000x32xbf16, #tpu.memory_space<vmem_shared>>
          %dma_start3A_83 = arith.constant 0 : i32
          %dma_start3A_84 = tpu.memref_slice %arg17[%mul3A_78, %dma_start3A_83] : memref<50008x32xbf16, #tpu.memory_space<vmem_shared>> -> memref<1000x32xbf16, #tpu.memory_space<vmem_shared>>
          tpu.enqueue_dma source(%dma_start3A_84 : memref<1000x32xbf16, #tpu.memory_space<vmem_shared>>) target(%arg16 : memref<1000x32xbf16, #tpu.memory_space<vmem>>) target_semaphore(%run_scoped3A : memref<!tpu.dma_semaphore, #tpu.memory_space<semaphore_mem>>)
          %dma_wait3A_85 = arith.constant 0 : i32
          %dma_wait3A_86 = tpu.memref_slice %arg17[%mul3A_78, %dma_wait3A_85] : memref<50008x32xbf16, #tpu.memory_space<vmem_shared>> -> memref<1000x32xbf16, #tpu.memory_space<vmem_shared>>
          %dma_wait3A_87 = arith.constant 0 : i32
          %dma_wait3A_88 = tpu.memref_slice %arg17[%mul3A_78, %dma_wait3A_87] : memref<50008x32xbf16, #tpu.memory_space<vmem_shared>> -> memref<1000x32xbf16, #tpu.memory_space<vmem_shared>>
          tpu.wait_dma2 semaphore(%run_scoped3A : memref<!tpu.dma_semaphore, #tpu.memory_space<semaphore_mem>>) src(%dma_wait3A_88 : memref<1000x32xbf16, #tpu.memory_space<vmem_shared>>) dst(%arg16 : memref<1000x32xbf16, #tpu.memory_space<vmem>>)
          tpu.yield
        }) : () -> ()
        %mul3A_79 = arith.constant 1000 : i32
        %mul3A_80 = arith.muli %add3A_63, %mul3A_79 : i32
        "tpu.region"() ({
          %run_scoped3A = tpu.sem_alloc : memref<!tpu.dma_semaphore, #tpu.memory_space<semaphore_mem>>
          %dma_start3A_81 = arith.constant 0 : i32
          %dma_start3A_82 = tpu.memref_slice %arg7[%mul3A_80, %dma_start3A_81] : memref<50000x32xbf16, #tpu.memory_space<hbm>> -> memref<1000x32xbf16, #tpu.memory_space<hbm>>
          %dma_start3A_83 = arith.constant 0 : i32
          %dma_start3A_84 = tpu.memref_slice %arg7[%mul3A_80, %dma_start3A_83] : memref<50000x32xbf16, #tpu.memory_space<hbm>> -> memref<1000x32xbf16, #tpu.memory_space<hbm>>
          tpu.enqueue_dma source(%arg16 : memref<1000x32xbf16, #tpu.memory_space<vmem>>) target(%dma_start3A_84 : memref<1000x32xbf16, #tpu.memory_space<hbm>>) target_semaphore(%run_scoped3A : memref<!tpu.dma_semaphore, #tpu.memory_space<semaphore_mem>>)
          %dma_wait3A_85 = arith.constant 0 : i32
          %dma_wait3A_86 = tpu.memref_slice %arg7[%mul3A_80, %dma_wait3A_85] : memref<50000x32xbf16, #tpu.memory_space<hbm>> -> memref<1000x32xbf16, #tpu.memory_space<hbm>>
          %dma_wait3A_87 = arith.constant 0 : i32
          %dma_wait3A_88 = tpu.memref_slice %arg7[%mul3A_80, %dma_wait3A_87] : memref<50000x32xbf16, #tpu.memory_space<hbm>> -> memref<1000x32xbf16, #tpu.memory_space<hbm>>
          tpu.wait_dma2 semaphore(%run_scoped3A : memref<!tpu.dma_semaphore, #tpu.memory_space<semaphore_mem>>) src(%arg16 : memref<1000x32xbf16, #tpu.memory_space<vmem>>) dst(%dma_wait3A_88 : memref<1000x32xbf16, #tpu.memory_space<hbm>>)
          tpu.yield
        }) : () -> ()
      } else {
      }
      %add3A_69 = arith.constant 48 : i32
      %add3A_70 = arith.addi %arg1, %add3A_69 : i32
      %lt3A_71 = arith.constant 50 : i32
      %lt3A_72 = arith.cmpi slt, %add3A_70, %lt3A_71 : i32
      %convert_element_type3A_73 = arith.extui %lt3A_72 : i1 to i32
      %cond3A_74 = arith.constant 0 : i32
      %cond3A_75 = arith.cmpi ne, %convert_element_type3A_73, %cond3A_74 : i32
      scf.if %cond3A_75 {
        %mul3A_77 = arith.constant 1000 : i32
        %mul3A_78 = arith.muli %add3A_70, %mul3A_77 : i32
        "tpu.region"() ({
          %run_scoped3A = tpu.sem_alloc : memref<!tpu.dma_semaphore, #tpu.memory_space<semaphore_mem>>
          %dma_start3A_81 = arith.constant 0 : i32
          %dma_start3A_82 = tpu.memref_slice %arg17[%mul3A_78, %dma_start3A_81] : memref<50008x32xbf16, #tpu.memory_space<vmem_shared>> -> memref<1000x32xbf16, #tpu.memory_space<vmem_shared>>
          %dma_start3A_83 = arith.constant 0 : i32
          %dma_start3A_84 = tpu.memref_slice %arg17[%mul3A_78, %dma_start3A_83] : memref<50008x32xbf16, #tpu.memory_space<vmem_shared>> -> memref<1000x32xbf16, #tpu.memory_space<vmem_shared>>
          tpu.enqueue_dma source(%dma_start3A_84 : memref<1000x32xbf16, #tpu.memory_space<vmem_shared>>) target(%arg16 : memref<1000x32xbf16, #tpu.memory_space<vmem>>) target_semaphore(%run_scoped3A : memref<!tpu.dma_semaphore, #tpu.memory_space<semaphore_mem>>)
          %dma_wait3A_85 = arith.constant 0 : i32
          %dma_wait3A_86 = tpu.memref_slice %arg17[%mul3A_78, %dma_wait3A_85] : memref<50008x32xbf16, #tpu.memory_space<vmem_shared>> -> memref<1000x32xbf16, #tpu.memory_space<vmem_shared>>
          %dma_wait3A_87 = arith.constant 0 : i32
          %dma_wait3A_88 = tpu.memref_slice %arg17[%mul3A_78, %dma_wait3A_87] : memref<50008x32xbf16, #tpu.memory_space<vmem_shared>> -> memref<1000x32xbf16, #tpu.memory_space<vmem_shared>>
          tpu.wait_dma2 semaphore(%run_scoped3A : memref<!tpu.dma_semaphore, #tpu.memory_space<semaphore_mem>>) src(%dma_wait3A_88 : memref<1000x32xbf16, #tpu.memory_space<vmem_shared>>) dst(%arg16 : memref<1000x32xbf16, #tpu.memory_space<vmem>>)
          tpu.yield
        }) : () -> ()
        %mul3A_79 = arith.constant 1000 : i32
        %mul3A_80 = arith.muli %add3A_70, %mul3A_79 : i32
        "tpu.region"() ({
          %run_scoped3A = tpu.sem_alloc : memref<!tpu.dma_semaphore, #tpu.memory_space<semaphore_mem>>
          %dma_start3A_81 = arith.constant 0 : i32
          %dma_start3A_82 = tpu.memref_slice %arg7[%mul3A_80, %dma_start3A_81] : memref<50000x32xbf16, #tpu.memory_space<hbm>> -> memref<1000x32xbf16, #tpu.memory_space<hbm>>
          %dma_start3A_83 = arith.constant 0 : i32
          %dma_start3A_84 = tpu.memref_slice %arg7[%mul3A_80, %dma_start3A_83] : memref<50000x32xbf16, #tpu.memory_space<hbm>> -> memref<1000x32xbf16, #tpu.memory_space<hbm>>
          tpu.enqueue_dma source(%arg16 : memref<1000x32xbf16, #tpu.memory_space<vmem>>) target(%dma_start3A_84 : memref<1000x32xbf16, #tpu.memory_space<hbm>>) target_semaphore(%run_scoped3A : memref<!tpu.dma_semaphore, #tpu.memory_space<semaphore_mem>>)
          %dma_wait3A_85 = arith.constant 0 : i32
          %dma_wait3A_86 = tpu.memref_slice %arg7[%mul3A_80, %dma_wait3A_85] : memref<50000x32xbf16, #tpu.memory_space<hbm>> -> memref<1000x32xbf16, #tpu.memory_space<hbm>>
          %dma_wait3A_87 = arith.constant 0 : i32
          %dma_wait3A_88 = tpu.memref_slice %arg7[%mul3A_80, %dma_wait3A_87] : memref<50000x32xbf16, #tpu.memory_space<hbm>> -> memref<1000x32xbf16, #tpu.memory_space<hbm>>
          tpu.wait_dma2 semaphore(%run_scoped3A : memref<!tpu.dma_semaphore, #tpu.memory_space<semaphore_mem>>) src(%arg16 : memref<1000x32xbf16, #tpu.memory_space<vmem>>) dst(%dma_wait3A_88 : memref<1000x32xbf16, #tpu.memory_space<hbm>>)
          tpu.yield
        }) : () -> ()
      } else {
      }
      %barrier3A_76 = arith.constant 0 : index
      tpu.barrier barrier_id(%barrier3A_76)
    } else {
    }
    %eq3A_2 = arith.constant 1 : i32
    %eq3A_3 = arith.cmpi eq, %arg0, %eq3A_2 : i32
    %convert_element_type3A_4 = arith.extui %eq3A_3 : i1 to i32
    %cond3A_5 = arith.constant 0 : i32
    %cond3A_6 = arith.cmpi ne, %convert_element_type3A_4, %cond3A_5 : i32
    scf.if %cond3A_6 {
      %add3A = arith.constant 0 : i32
      %add3A_7 = arith.addi %arg1, %add3A : i32
      %lt3A = arith.constant 50 : i32
      %lt3A_8 = arith.cmpi slt, %add3A_7, %lt3A : i32
      %convert_element_type3A_9 = arith.extui %lt3A_8 : i1 to i32
      %cond3A_10 = arith.constant 0 : i32
      %cond3A_11 = arith.cmpi ne, %convert_element_type3A_9, %cond3A_10 : i32
      scf.if %cond3A_11 {
        %mul3A_77 = arith.constant 1000 : i32
        %mul3A_78 = arith.muli %add3A_7, %mul3A_77 : i32
        "tpu.region"() ({
          %run_scoped3A = tpu.sem_alloc : memref<!tpu.dma_semaphore, #tpu.memory_space<semaphore_mem>>
          %dma_start3A_79 = arith.constant 0 : i32
          %dma_start3A_80 = tpu.memref_slice %arg17[%mul3A_78, %dma_start3A_79] : memref<50008x32xbf16, #tpu.memory_space<vmem_shared>> -> memref<1000x32xbf16, #tpu.memory_space<vmem_shared>>
          %dma_start3A_81 = arith.constant 0 : i32
          %dma_start3A_82 = tpu.memref_slice %arg17[%mul3A_78, %dma_start3A_81] : memref<50008x32xbf16, #tpu.memory_space<vmem_shared>> -> memref<1000x32xbf16, #tpu.memory_space<vmem_shared>>
          tpu.enqueue_dma source(%arg15 : memref<1000x32xbf16, #tpu.memory_space<vmem>>) target(%dma_start3A_82 : memref<1000x32xbf16, #tpu.memory_space<vmem_shared>>) target_semaphore(%run_scoped3A : memref<!tpu.dma_semaphore, #tpu.memory_space<semaphore_mem>>)
          %dma_wait3A_83 = arith.constant 0 : i32
          %dma_wait3A_84 = tpu.memref_slice %arg17[%mul3A_78, %dma_wait3A_83] : memref<50008x32xbf16, #tpu.memory_space<vmem_shared>> -> memref<1000x32xbf16, #tpu.memory_space<vmem_shared>>
          %dma_wait3A_85 = arith.constant 0 : i32
          %dma_wait3A_86 = tpu.memref_slice %arg17[%mul3A_78, %dma_wait3A_85] : memref<50008x32xbf16, #tpu.memory_space<vmem_shared>> -> memref<1000x32xbf16, #tpu.memory_space<vmem_shared>>
          tpu.wait_dma2 semaphore(%run_scoped3A : memref<!tpu.dma_semaphore, #tpu.memory_space<semaphore_mem>>) src(%arg15 : memref<1000x32xbf16, #tpu.memory_space<vmem>>) dst(%dma_wait3A_86 : memref<1000x32xbf16, #tpu.memory_space<vmem_shared>>)
          tpu.yield
        }) : () -> ()
      } else {
      }
      %add3A_12 = arith.constant 16 : i32
      %add3A_13 = arith.addi %arg1, %add3A_12 : i32
      %lt3A_14 = arith.constant 50 : i32
      %lt3A_15 = arith.cmpi slt, %add3A_13, %lt3A_14 : i32
      %convert_element_type3A_16 = arith.extui %lt3A_15 : i1 to i32
      %cond3A_17 = arith.constant 0 : i32
      %cond3A_18 = arith.cmpi ne, %convert_element_type3A_16, %cond3A_17 : i32
      scf.if %cond3A_18 {
        %mul3A_77 = arith.constant 1000 : i32
        %mul3A_78 = arith.muli %add3A_13, %mul3A_77 : i32
        "tpu.region"() ({
          %run_scoped3A = tpu.sem_alloc : memref<!tpu.dma_semaphore, #tpu.memory_space<semaphore_mem>>
          %dma_start3A_79 = arith.constant 0 : i32
          %dma_start3A_80 = tpu.memref_slice %arg17[%mul3A_78, %dma_start3A_79] : memref<50008x32xbf16, #tpu.memory_space<vmem_shared>> -> memref<1000x32xbf16, #tpu.memory_space<vmem_shared>>
          %dma_start3A_81 = arith.constant 0 : i32
          %dma_start3A_82 = tpu.memref_slice %arg17[%mul3A_78, %dma_start3A_81] : memref<50008x32xbf16, #tpu.memory_space<vmem_shared>> -> memref<1000x32xbf16, #tpu.memory_space<vmem_shared>>
          tpu.enqueue_dma source(%arg15 : memref<1000x32xbf16, #tpu.memory_space<vmem>>) target(%dma_start3A_82 : memref<1000x32xbf16, #tpu.memory_space<vmem_shared>>) target_semaphore(%run_scoped3A : memref<!tpu.dma_semaphore, #tpu.memory_space<semaphore_mem>>)
          %dma_wait3A_83 = arith.constant 0 : i32
          %dma_wait3A_84 = tpu.memref_slice %arg17[%mul3A_78, %dma_wait3A_83] : memref<50008x32xbf16, #tpu.memory_space<vmem_shared>> -> memref<1000x32xbf16, #tpu.memory_space<vmem_shared>>
          %dma_wait3A_85 = arith.constant 0 : i32
          %dma_wait3A_86 = tpu.memref_slice %arg17[%mul3A_78, %dma_wait3A_85] : memref<50008x32xbf16, #tpu.memory_space<vmem_shared>> -> memref<1000x32xbf16, #tpu.memory_space<vmem_shared>>
          tpu.wait_dma2 semaphore(%run_scoped3A : memref<!tpu.dma_semaphore, #tpu.memory_space<semaphore_mem>>) src(%arg15 : memref<1000x32xbf16, #tpu.memory_space<vmem>>) dst(%dma_wait3A_86 : memref<1000x32xbf16, #tpu.memory_space<vmem_shared>>)
          tpu.yield
        }) : () -> ()
      } else {
      }
      %add3A_19 = arith.constant 32 : i32
      %add3A_20 = arith.addi %arg1, %add3A_19 : i32
      %lt3A_21 = arith.constant 50 : i32
      %lt3A_22 = arith.cmpi slt, %add3A_20, %lt3A_21 : i32
      %convert_element_type3A_23 = arith.extui %lt3A_22 : i1 to i32
      %cond3A_24 = arith.constant 0 : i32
      %cond3A_25 = arith.cmpi ne, %convert_element_type3A_23, %cond3A_24 : i32
      scf.if %cond3A_25 {
        %mul3A_77 = arith.constant 1000 : i32
        %mul3A_78 = arith.muli %add3A_20, %mul3A_77 : i32
        "tpu.region"() ({
          %run_scoped3A = tpu.sem_alloc : memref<!tpu.dma_semaphore, #tpu.memory_space<semaphore_mem>>
          %dma_start3A_79 = arith.constant 0 : i32
          %dma_start3A_80 = tpu.memref_slice %arg17[%mul3A_78, %dma_start3A_79] : memref<50008x32xbf16, #tpu.memory_space<vmem_shared>> -> memref<1000x32xbf16, #tpu.memory_space<vmem_shared>>
          %dma_start3A_81 = arith.constant 0 : i32
          %dma_start3A_82 = tpu.memref_slice %arg17[%mul3A_78, %dma_start3A_81] : memref<50008x32xbf16, #tpu.memory_space<vmem_shared>> -> memref<1000x32xbf16, #tpu.memory_space<vmem_shared>>
          tpu.enqueue_dma source(%arg15 : memref<1000x32xbf16, #tpu.memory_space<vmem>>) target(%dma_start3A_82 : memref<1000x32xbf16, #tpu.memory_space<vmem_shared>>) target_semaphore(%run_scoped3A : memref<!tpu.dma_semaphore, #tpu.memory_space<semaphore_mem>>)
          %dma_wait3A_83 = arith.constant 0 : i32
          %dma_wait3A_84 = tpu.memref_slice %arg17[%mul3A_78, %dma_wait3A_83] : memref<50008x32xbf16, #tpu.memory_space<vmem_shared>> -> memref<1000x32xbf16, #tpu.memory_space<vmem_shared>>
          %dma_wait3A_85 = arith.constant 0 : i32
          %dma_wait3A_86 = tpu.memref_slice %arg17[%mul3A_78, %dma_wait3A_85] : memref<50008x32xbf16, #tpu.memory_space<vmem_shared>> -> memref<1000x32xbf16, #tpu.memory_space<vmem_shared>>
          tpu.wait_dma2 semaphore(%run_scoped3A : memref<!tpu.dma_semaphore, #tpu.memory_space<semaphore_mem>>) src(%arg15 : memref<1000x32xbf16, #tpu.memory_space<vmem>>) dst(%dma_wait3A_86 : memref<1000x32xbf16, #tpu.memory_space<vmem_shared>>)
          tpu.yield
        }) : () -> ()
      } else {
      }
      %add3A_26 = arith.constant 48 : i32
      %add3A_27 = arith.addi %arg1, %add3A_26 : i32
      %lt3A_28 = arith.constant 50 : i32
      %lt3A_29 = arith.cmpi slt, %add3A_27, %lt3A_28 : i32
      %convert_element_type3A_30 = arith.extui %lt3A_29 : i1 to i32
      %cond3A_31 = arith.constant 0 : i32
      %cond3A_32 = arith.cmpi ne, %convert_element_type3A_30, %cond3A_31 : i32
      scf.if %cond3A_32 {
        %mul3A_77 = arith.constant 1000 : i32
        %mul3A_78 = arith.muli %add3A_27, %mul3A_77 : i32
        "tpu.region"() ({
          %run_scoped3A = tpu.sem_alloc : memref<!tpu.dma_semaphore, #tpu.memory_space<semaphore_mem>>
          %dma_start3A_79 = arith.constant 0 : i32
          %dma_start3A_80 = tpu.memref_slice %arg17[%mul3A_78, %dma_start3A_79] : memref<50008x32xbf16, #tpu.memory_space<vmem_shared>> -> memref<1000x32xbf16, #tpu.memory_space<vmem_shared>>
          %dma_start3A_81 = arith.constant 0 : i32
          %dma_start3A_82 = tpu.memref_slice %arg17[%mul3A_78, %dma_start3A_81] : memref<50008x32xbf16, #tpu.memory_space<vmem_shared>> -> memref<1000x32xbf16, #tpu.memory_space<vmem_shared>>
          tpu.enqueue_dma source(%arg15 : memref<1000x32xbf16, #tpu.memory_space<vmem>>) target(%dma_start3A_82 : memref<1000x32xbf16, #tpu.memory_space<vmem_shared>>) target_semaphore(%run_scoped3A : memref<!tpu.dma_semaphore, #tpu.memory_space<semaphore_mem>>)
          %dma_wait3A_83 = arith.constant 0 : i32
          %dma_wait3A_84 = tpu.memref_slice %arg17[%mul3A_78, %dma_wait3A_83] : memref<50008x32xbf16, #tpu.memory_space<vmem_shared>> -> memref<1000x32xbf16, #tpu.memory_space<vmem_shared>>
          %dma_wait3A_85 = arith.constant 0 : i32
          %dma_wait3A_86 = tpu.memref_slice %arg17[%mul3A_78, %dma_wait3A_85] : memref<50008x32xbf16, #tpu.memory_space<vmem_shared>> -> memref<1000x32xbf16, #tpu.memory_space<vmem_shared>>
          tpu.wait_dma2 semaphore(%run_scoped3A : memref<!tpu.dma_semaphore, #tpu.memory_space<semaphore_mem>>) src(%arg15 : memref<1000x32xbf16, #tpu.memory_space<vmem>>) dst(%dma_wait3A_86 : memref<1000x32xbf16, #tpu.memory_space<vmem_shared>>)
          tpu.yield
        }) : () -> ()
      } else {
      }
      %barrier3A = arith.constant 0 : index
      tpu.barrier barrier_id(%barrier3A)
      %mul3A = arith.constant 50 : i32
      %mul3A_33 = arith.muli %arg1, %mul3A : i32
      %add3A_34 = arith.constant 0 : i32
      %add3A_35 = arith.addi %mul3A_33, %add3A_34 : i32
      %mul3A_36 = arith.constant 1024 : i32
      %mul3A_37 = arith.muli %add3A_35, %mul3A_36 : i32
      "tpu.region"() ({
        %run_scoped3A = tpu.sem_alloc : memref<!tpu.dma_semaphore, #tpu.memory_space<semaphore_mem>>
        %dma_start3A_77 = tpu.memref_slice %arg4[%mul3A_37] : memref<819200xi32, #tpu.memory_space<hbm>> -> memref<1024xi32, #tpu.memory_space<hbm>>
        %dma_start3A_78 = tpu.memref_slice %arg4[%mul3A_37] : memref<819200xi32, #tpu.memory_space<hbm>> -> memref<1024xi32, #tpu.memory_space<hbm>>
        tpu.enqueue_dma source(%dma_start3A_78 : memref<1024xi32, #tpu.memory_space<hbm>>) target(%arg9 : memref<1024xi32, #tpu.memory_space<vmem>>) target_semaphore(%run_scoped3A : memref<!tpu.dma_semaphore, #tpu.memory_space<semaphore_mem>>)
        %dma_wait3A_79 = tpu.memref_slice %arg4[%mul3A_37] : memref<819200xi32, #tpu.memory_space<hbm>> -> memref<1024xi32, #tpu.memory_space<hbm>>
        %dma_wait3A_80 = tpu.memref_slice %arg4[%mul3A_37] : memref<819200xi32, #tpu.memory_space<hbm>> -> memref<1024xi32, #tpu.memory_space<hbm>>
        tpu.wait_dma2 semaphore(%run_scoped3A : memref<!tpu.dma_semaphore, #tpu.memory_space<semaphore_mem>>) src(%dma_wait3A_80 : memref<1024xi32, #tpu.memory_space<hbm>>) dst(%arg9 : memref<1024xi32, #tpu.memory_space<vmem>>)
        tpu.yield
      }) : () -> ()
      "tpu.region"() ({
        %run_scoped3A = tpu.sem_alloc : memref<!tpu.dma_semaphore, #tpu.memory_space<semaphore_mem>>
        %dma_start3A_77 = tpu.memref_slice %arg5[%mul3A_37] : memref<819200xi32, #tpu.memory_space<hbm>> -> memref<1024xi32, #tpu.memory_space<hbm>>
        %dma_start3A_78 = tpu.memref_slice %arg5[%mul3A_37] : memref<819200xi32, #tpu.memory_space<hbm>> -> memref<1024xi32, #tpu.memory_space<hbm>>
        tpu.enqueue_dma source(%dma_start3A_78 : memref<1024xi32, #tpu.memory_space<hbm>>) target(%arg11 : memref<1024xi32, #tpu.memory_space<vmem>>) target_semaphore(%run_scoped3A : memref<!tpu.dma_semaphore, #tpu.memory_space<semaphore_mem>>)
        %dma_wait3A_79 = tpu.memref_slice %arg5[%mul3A_37] : memref<819200xi32, #tpu.memory_space<hbm>> -> memref<1024xi32, #tpu.memory_space<hbm>>
        %dma_wait3A_80 = tpu.memref_slice %arg5[%mul3A_37] : memref<819200xi32, #tpu.memory_space<hbm>> -> memref<1024xi32, #tpu.memory_space<hbm>>
        tpu.wait_dma2 semaphore(%run_scoped3A : memref<!tpu.dma_semaphore, #tpu.memory_space<semaphore_mem>>) src(%dma_wait3A_80 : memref<1024xi32, #tpu.memory_space<hbm>>) dst(%arg11 : memref<1024xi32, #tpu.memory_space<vmem>>)
        tpu.yield
      }) : () -> ()
      %dma_start3A = arith.constant 0 : i32
      %dma_start3A_38 = arith.constant 0 : i32
      %dma_start3A_39 = tpu.memref_slice %arg3[%dma_start3A, %dma_start3A_38] : memref<50000x32xbf16, #tpu.memory_space<hbm>> -> memref<50000x32xbf16, #tpu.memory_space<hbm>>
      tpu.enqueue_indirect_dma source(%dma_start3A_39 : memref<50000x32xbf16, #tpu.memory_space<hbm>>) target(%arg13 : memref<1024x32xbf16, #tpu.memory_space<vmem>>) offsets(%arg9 : memref<1024xi32, #tpu.memory_space<vmem>>) semaphore(%arg18 : memref<!tpu.dma_semaphore, #tpu.memory_space<semaphore_mem>>)
      %scan3A = arith.constant 0 : i32
      %scan3A_40 = arith.constant 0 : i32
      %scan3A_41 = arith.constant 25 : i32
      %scan3A_42 = arith.addi %scan3A_40, %scan3A_41 : i32
      %scan3A_43 = arith.constant 1 : i32
      scf.for %scan3A_77 = %scan3A_40 to %scan3A_42 step %scan3A_43  : i32 {
        %gt3A = arith.constant 0 : i32
        %gt3A_78 = arith.cmpi sgt, %scan3A_77, %gt3A : i32
        %convert_element_type3A_79 = arith.extui %gt3A_78 : i1 to i32
        %cond3A_80 = arith.constant 0 : i32
        %cond3A_81 = arith.cmpi ne, %convert_element_type3A_79, %cond3A_80 : i32
        scf.if %cond3A_81 {
          %dma_wait3A_118 = arith.constant 0 : i32
          %dma_wait3A_119 = arith.constant 0 : i32
          %dma_wait3A_120 = tpu.memref_slice %arg17[%dma_wait3A_118, %dma_wait3A_119] : memref<50008x32xbf16, #tpu.memory_space<vmem_shared>> -> memref<50008x32xbf16, #tpu.memory_space<vmem_shared>>
          tpu.wait_indirect_dma semaphore(%arg21 : memref<!tpu.dma_semaphore, #tpu.memory_space<semaphore_mem>>) src(%arg14 : memref<1024x32xbf16, #tpu.memory_space<vmem>>) dst(%dma_wait3A_120 : memref<50008x32xbf16, #tpu.memory_space<vmem_shared>>)
        } else {
        }
        %mul3A_82 = arith.constant 2 : i32
        %mul3A_83 = arith.muli %mul3A_82, %scan3A_77 : i32
        %add3A_84 = arith.constant 1 : i32
        %add3A_85 = arith.addi %mul3A_83, %add3A_84 : i32
        %mul3A_86 = arith.constant 50 : i32
        %mul3A_87 = arith.muli %arg1, %mul3A_86 : i32
        %add3A_88 = arith.addi %mul3A_87, %add3A_85 : i32
        %mul3A_89 = arith.constant 1024 : i32
        %mul3A_90 = arith.muli %add3A_88, %mul3A_89 : i32
        "tpu.region"() ({
          %run_scoped3A = tpu.sem_alloc : memref<!tpu.dma_semaphore, #tpu.memory_space<semaphore_mem>>
          %dma_start3A_118 = tpu.memref_slice %arg4[%mul3A_90] : memref<819200xi32, #tpu.memory_space<hbm>> -> memref<1024xi32, #tpu.memory_space<hbm>>
          %dma_start3A_119 = tpu.memref_slice %arg4[%mul3A_90] : memref<819200xi32, #tpu.memory_space<hbm>> -> memref<1024xi32, #tpu.memory_space<hbm>>
          tpu.enqueue_dma source(%dma_start3A_119 : memref<1024xi32, #tpu.memory_space<hbm>>) target(%arg10 : memref<1024xi32, #tpu.memory_space<vmem>>) target_semaphore(%run_scoped3A : memref<!tpu.dma_semaphore, #tpu.memory_space<semaphore_mem>>)
          %dma_wait3A_120 = tpu.memref_slice %arg4[%mul3A_90] : memref<819200xi32, #tpu.memory_space<hbm>> -> memref<1024xi32, #tpu.memory_space<hbm>>
          %dma_wait3A_121 = tpu.memref_slice %arg4[%mul3A_90] : memref<819200xi32, #tpu.memory_space<hbm>> -> memref<1024xi32, #tpu.memory_space<hbm>>
          tpu.wait_dma2 semaphore(%run_scoped3A : memref<!tpu.dma_semaphore, #tpu.memory_space<semaphore_mem>>) src(%dma_wait3A_121 : memref<1024xi32, #tpu.memory_space<hbm>>) dst(%arg10 : memref<1024xi32, #tpu.memory_space<vmem>>)
          tpu.yield
        }) : () -> ()
        "tpu.region"() ({
          %run_scoped3A = tpu.sem_alloc : memref<!tpu.dma_semaphore, #tpu.memory_space<semaphore_mem>>
          %dma_start3A_118 = tpu.memref_slice %arg5[%mul3A_90] : memref<819200xi32, #tpu.memory_space<hbm>> -> memref<1024xi32, #tpu.memory_space<hbm>>
          %dma_start3A_119 = tpu.memref_slice %arg5[%mul3A_90] : memref<819200xi32, #tpu.memory_space<hbm>> -> memref<1024xi32, #tpu.memory_space<hbm>>
          tpu.enqueue_dma source(%dma_start3A_119 : memref<1024xi32, #tpu.memory_space<hbm>>) target(%arg12 : memref<1024xi32, #tpu.memory_space<vmem>>) target_semaphore(%run_scoped3A : memref<!tpu.dma_semaphore, #tpu.memory_space<semaphore_mem>>)
          %dma_wait3A_120 = tpu.memref_slice %arg5[%mul3A_90] : memref<819200xi32, #tpu.memory_space<hbm>> -> memref<1024xi32, #tpu.memory_space<hbm>>
          %dma_wait3A_121 = tpu.memref_slice %arg5[%mul3A_90] : memref<819200xi32, #tpu.memory_space<hbm>> -> memref<1024xi32, #tpu.memory_space<hbm>>
          tpu.wait_dma2 semaphore(%run_scoped3A : memref<!tpu.dma_semaphore, #tpu.memory_space<semaphore_mem>>) src(%dma_wait3A_121 : memref<1024xi32, #tpu.memory_space<hbm>>) dst(%arg12 : memref<1024xi32, #tpu.memory_space<vmem>>)
          tpu.yield
        }) : () -> ()
        %dma_start3A_91 = arith.constant 0 : i32
        %dma_start3A_92 = arith.constant 0 : i32
        %dma_start3A_93 = tpu.memref_slice %arg3[%dma_start3A_91, %dma_start3A_92] : memref<50000x32xbf16, #tpu.memory_space<hbm>> -> memref<50000x32xbf16, #tpu.memory_space<hbm>>
        tpu.enqueue_indirect_dma source(%dma_start3A_93 : memref<50000x32xbf16, #tpu.memory_space<hbm>>) target(%arg14 : memref<1024x32xbf16, #tpu.memory_space<vmem>>) offsets(%arg10 : memref<1024xi32, #tpu.memory_space<vmem>>) semaphore(%arg19 : memref<!tpu.dma_semaphore, #tpu.memory_space<semaphore_mem>>)
        %dma_wait3A_94 = arith.constant 0 : i32
        %dma_wait3A_95 = arith.constant 0 : i32
        %dma_wait3A_96 = tpu.memref_slice %arg3[%dma_wait3A_94, %dma_wait3A_95] : memref<50000x32xbf16, #tpu.memory_space<hbm>> -> memref<50000x32xbf16, #tpu.memory_space<hbm>>
        tpu.wait_indirect_dma semaphore(%arg18 : memref<!tpu.dma_semaphore, #tpu.memory_space<semaphore_mem>>) src(%dma_wait3A_96 : memref<50000x32xbf16, #tpu.memory_space<hbm>>) dst(%arg13 : memref<1024x32xbf16, #tpu.memory_space<vmem>>)
        %dma_start3A_97 = arith.constant 0 : i32
        %dma_start3A_98 = arith.constant 0 : i32
        %dma_start3A_99 = tpu.memref_slice %arg17[%dma_start3A_97, %dma_start3A_98] : memref<50008x32xbf16, #tpu.memory_space<vmem_shared>> -> memref<50008x32xbf16, #tpu.memory_space<vmem_shared>>
        tpu.enqueue_indirect_dma source(%arg13 : memref<1024x32xbf16, #tpu.memory_space<vmem>>) target(%dma_start3A_99 : memref<50008x32xbf16, #tpu.memory_space<vmem_shared>>) offsets(%arg11 : memref<1024xi32, #tpu.memory_space<vmem>>) semaphore(%arg20 : memref<!tpu.dma_semaphore, #tpu.memory_space<semaphore_mem>>) {add = true}
        %dma_wait3A_100 = arith.constant 0 : i32
        %dma_wait3A_101 = arith.constant 0 : i32
        %dma_wait3A_102 = tpu.memref_slice %arg17[%dma_wait3A_100, %dma_wait3A_101] : memref<50008x32xbf16, #tpu.memory_space<vmem_shared>> -> memref<50008x32xbf16, #tpu.memory_space<vmem_shared>>
        tpu.wait_indirect_dma semaphore(%arg20 : memref<!tpu.dma_semaphore, #tpu.memory_space<semaphore_mem>>) src(%arg13 : memref<1024x32xbf16, #tpu.memory_space<vmem>>) dst(%dma_wait3A_102 : memref<50008x32xbf16, #tpu.memory_space<vmem_shared>>)
        %mul3A_103 = arith.constant 2 : i32
        %mul3A_104 = arith.muli %mul3A_103, %scan3A_77 : i32
        %add3A_105 = arith.constant 2 : i32
        %add3A_106 = arith.addi %mul3A_104, %add3A_105 : i32
        %lt3A_107 = arith.constant 50 : i32
        %lt3A_108 = arith.cmpi slt, %add3A_106, %lt3A_107 : i32
        %convert_element_type3A_109 = arith.extui %lt3A_108 : i1 to i32
        %cond3A_110 = arith.constant 0 : i32
        %cond3A_111 = arith.cmpi ne, %convert_element_type3A_109, %cond3A_110 : i32
        scf.if %cond3A_111 {
          %mul3A_118 = arith.constant 2 : i32
          %mul3A_119 = arith.muli %mul3A_118, %scan3A_77 : i32
          %add3A_120 = arith.constant 2 : i32
          %add3A_121 = arith.addi %mul3A_119, %add3A_120 : i32
          %mul3A_122 = arith.constant 50 : i32
          %mul3A_123 = arith.muli %arg1, %mul3A_122 : i32
          %add3A_124 = arith.addi %mul3A_123, %add3A_121 : i32
          %mul3A_125 = arith.constant 1024 : i32
          %mul3A_126 = arith.muli %add3A_124, %mul3A_125 : i32
          "tpu.region"() ({
            %run_scoped3A = tpu.sem_alloc : memref<!tpu.dma_semaphore, #tpu.memory_space<semaphore_mem>>
            %dma_start3A_130 = tpu.memref_slice %arg4[%mul3A_126] : memref<819200xi32, #tpu.memory_space<hbm>> -> memref<1024xi32, #tpu.memory_space<hbm>>
            %dma_start3A_131 = tpu.memref_slice %arg4[%mul3A_126] : memref<819200xi32, #tpu.memory_space<hbm>> -> memref<1024xi32, #tpu.memory_space<hbm>>
            tpu.enqueue_dma source(%dma_start3A_131 : memref<1024xi32, #tpu.memory_space<hbm>>) target(%arg9 : memref<1024xi32, #tpu.memory_space<vmem>>) target_semaphore(%run_scoped3A : memref<!tpu.dma_semaphore, #tpu.memory_space<semaphore_mem>>)
            %dma_wait3A_132 = tpu.memref_slice %arg4[%mul3A_126] : memref<819200xi32, #tpu.memory_space<hbm>> -> memref<1024xi32, #tpu.memory_space<hbm>>
            %dma_wait3A_133 = tpu.memref_slice %arg4[%mul3A_126] : memref<819200xi32, #tpu.memory_space<hbm>> -> memref<1024xi32, #tpu.memory_space<hbm>>
            tpu.wait_dma2 semaphore(%run_scoped3A : memref<!tpu.dma_semaphore, #tpu.memory_space<semaphore_mem>>) src(%dma_wait3A_133 : memref<1024xi32, #tpu.memory_space<hbm>>) dst(%arg9 : memref<1024xi32, #tpu.memory_space<vmem>>)
            tpu.yield
          }) : () -> ()
          "tpu.region"() ({
            %run_scoped3A = tpu.sem_alloc : memref<!tpu.dma_semaphore, #tpu.memory_space<semaphore_mem>>
            %dma_start3A_130 = tpu.memref_slice %arg5[%mul3A_126] : memref<819200xi32, #tpu.memory_space<hbm>> -> memref<1024xi32, #tpu.memory_space<hbm>>
            %dma_start3A_131 = tpu.memref_slice %arg5[%mul3A_126] : memref<819200xi32, #tpu.memory_space<hbm>> -> memref<1024xi32, #tpu.memory_space<hbm>>
            tpu.enqueue_dma source(%dma_start3A_131 : memref<1024xi32, #tpu.memory_space<hbm>>) target(%arg11 : memref<1024xi32, #tpu.memory_space<vmem>>) target_semaphore(%run_scoped3A : memref<!tpu.dma_semaphore, #tpu.memory_space<semaphore_mem>>)
            %dma_wait3A_132 = tpu.memref_slice %arg5[%mul3A_126] : memref<819200xi32, #tpu.memory_space<hbm>> -> memref<1024xi32, #tpu.memory_space<hbm>>
            %dma_wait3A_133 = tpu.memref_slice %arg5[%mul3A_126] : memref<819200xi32, #tpu.memory_space<hbm>> -> memref<1024xi32, #tpu.memory_space<hbm>>
            tpu.wait_dma2 semaphore(%run_scoped3A : memref<!tpu.dma_semaphore, #tpu.memory_space<semaphore_mem>>) src(%dma_wait3A_133 : memref<1024xi32, #tpu.memory_space<hbm>>) dst(%arg11 : memref<1024xi32, #tpu.memory_space<vmem>>)
            tpu.yield
          }) : () -> ()
          %dma_start3A_127 = arith.constant 0 : i32
          %dma_start3A_128 = arith.constant 0 : i32
          %dma_start3A_129 = tpu.memref_slice %arg3[%dma_start3A_127, %dma_start3A_128] : memref<50000x32xbf16, #tpu.memory_space<hbm>> -> memref<50000x32xbf16, #tpu.memory_space<hbm>>
          tpu.enqueue_indirect_dma source(%dma_start3A_129 : memref<50000x32xbf16, #tpu.memory_space<hbm>>) target(%arg13 : memref<1024x32xbf16, #tpu.memory_space<vmem>>) offsets(%arg9 : memref<1024xi32, #tpu.memory_space<vmem>>) semaphore(%arg18 : memref<!tpu.dma_semaphore, #tpu.memory_space<semaphore_mem>>)
        } else {
        }
        %dma_wait3A_112 = arith.constant 0 : i32
        %dma_wait3A_113 = arith.constant 0 : i32
        %dma_wait3A_114 = tpu.memref_slice %arg3[%dma_wait3A_112, %dma_wait3A_113] : memref<50000x32xbf16, #tpu.memory_space<hbm>> -> memref<50000x32xbf16, #tpu.memory_space<hbm>>
        tpu.wait_indirect_dma semaphore(%arg19 : memref<!tpu.dma_semaphore, #tpu.memory_space<semaphore_mem>>) src(%dma_wait3A_114 : memref<50000x32xbf16, #tpu.memory_space<hbm>>) dst(%arg14 : memref<1024x32xbf16, #tpu.memory_space<vmem>>)
        %dma_start3A_115 = arith.constant 0 : i32
        %dma_start3A_116 = arith.constant 0 : i32
        %dma_start3A_117 = tpu.memref_slice %arg17[%dma_start3A_115, %dma_start3A_116] : memref<50008x32xbf16, #tpu.memory_space<vmem_shared>> -> memref<50008x32xbf16, #tpu.memory_space<vmem_shared>>
        tpu.enqueue_indirect_dma source(%arg14 : memref<1024x32xbf16, #tpu.memory_space<vmem>>) target(%dma_start3A_117 : memref<50008x32xbf16, #tpu.memory_space<vmem_shared>>) offsets(%arg12 : memref<1024xi32, #tpu.memory_space<vmem>>) semaphore(%arg21 : memref<!tpu.dma_semaphore, #tpu.memory_space<semaphore_mem>>) {add = true}
      }
      %scan3A_44 = arith.constant 25 : i32
      %dma_wait3A = arith.constant 0 : i32
      %dma_wait3A_45 = arith.constant 0 : i32
      %dma_wait3A_46 = tpu.memref_slice %arg17[%dma_wait3A, %dma_wait3A_45] : memref<50008x32xbf16, #tpu.memory_space<vmem_shared>> -> memref<50008x32xbf16, #tpu.memory_space<vmem_shared>>
      tpu.wait_indirect_dma semaphore(%arg21 : memref<!tpu.dma_semaphore, #tpu.memory_space<semaphore_mem>>) src(%arg14 : memref<1024x32xbf16, #tpu.memory_space<vmem>>) dst(%dma_wait3A_46 : memref<50008x32xbf16, #tpu.memory_space<vmem_shared>>)
      %barrier3A_47 = arith.constant 0 : index
      tpu.barrier barrier_id(%barrier3A_47)
      %add3A_48 = arith.constant 0 : i32
      %add3A_49 = arith.addi %arg1, %add3A_48 : i32
      %lt3A_50 = arith.constant 50 : i32
      %lt3A_51 = arith.cmpi slt, %add3A_49, %lt3A_50 : i32
      %convert_element_type3A_52 = arith.extui %lt3A_51 : i1 to i32
      %cond3A_53 = arith.constant 0 : i32
      %cond3A_54 = arith.cmpi ne, %convert_element_type3A_52, %cond3A_53 : i32
      scf.if %cond3A_54 {
        %mul3A_77 = arith.constant 1000 : i32
        %mul3A_78 = arith.muli %add3A_49, %mul3A_77 : i32
        "tpu.region"() ({
          %run_scoped3A = tpu.sem_alloc : memref<!tpu.dma_semaphore, #tpu.memory_space<semaphore_mem>>
          %dma_start3A_81 = arith.constant 0 : i32
          %dma_start3A_82 = tpu.memref_slice %arg17[%mul3A_78, %dma_start3A_81] : memref<50008x32xbf16, #tpu.memory_space<vmem_shared>> -> memref<1000x32xbf16, #tpu.memory_space<vmem_shared>>
          %dma_start3A_83 = arith.constant 0 : i32
          %dma_start3A_84 = tpu.memref_slice %arg17[%mul3A_78, %dma_start3A_83] : memref<50008x32xbf16, #tpu.memory_space<vmem_shared>> -> memref<1000x32xbf16, #tpu.memory_space<vmem_shared>>
          tpu.enqueue_dma source(%dma_start3A_84 : memref<1000x32xbf16, #tpu.memory_space<vmem_shared>>) target(%arg16 : memref<1000x32xbf16, #tpu.memory_space<vmem>>) target_semaphore(%run_scoped3A : memref<!tpu.dma_semaphore, #tpu.memory_space<semaphore_mem>>)
          %dma_wait3A_85 = arith.constant 0 : i32
          %dma_wait3A_86 = tpu.memref_slice %arg17[%mul3A_78, %dma_wait3A_85] : memref<50008x32xbf16, #tpu.memory_space<vmem_shared>> -> memref<1000x32xbf16, #tpu.memory_space<vmem_shared>>
          %dma_wait3A_87 = arith.constant 0 : i32
          %dma_wait3A_88 = tpu.memref_slice %arg17[%mul3A_78, %dma_wait3A_87] : memref<50008x32xbf16, #tpu.memory_space<vmem_shared>> -> memref<1000x32xbf16, #tpu.memory_space<vmem_shared>>
          tpu.wait_dma2 semaphore(%run_scoped3A : memref<!tpu.dma_semaphore, #tpu.memory_space<semaphore_mem>>) src(%dma_wait3A_88 : memref<1000x32xbf16, #tpu.memory_space<vmem_shared>>) dst(%arg16 : memref<1000x32xbf16, #tpu.memory_space<vmem>>)
          tpu.yield
        }) : () -> ()
        %mul3A_79 = arith.constant 1000 : i32
        %mul3A_80 = arith.muli %add3A_49, %mul3A_79 : i32
        "tpu.region"() ({
          %run_scoped3A = tpu.sem_alloc : memref<!tpu.dma_semaphore, #tpu.memory_space<semaphore_mem>>
          %dma_start3A_81 = arith.constant 0 : i32
          %dma_start3A_82 = tpu.memref_slice %arg8[%mul3A_80, %dma_start3A_81] : memref<50000x32xbf16, #tpu.memory_space<hbm>> -> memref<1000x32xbf16, #tpu.memory_space<hbm>>
          %dma_start3A_83 = arith.constant 0 : i32
          %dma_start3A_84 = tpu.memref_slice %arg8[%mul3A_80, %dma_start3A_83] : memref<50000x32xbf16, #tpu.memory_space<hbm>> -> memref<1000x32xbf16, #tpu.memory_space<hbm>>
          tpu.enqueue_dma source(%arg16 : memref<1000x32xbf16, #tpu.memory_space<vmem>>) target(%dma_start3A_84 : memref<1000x32xbf16, #tpu.memory_space<hbm>>) target_semaphore(%run_scoped3A : memref<!tpu.dma_semaphore, #tpu.memory_space<semaphore_mem>>)
          %dma_wait3A_85 = arith.constant 0 : i32
          %dma_wait3A_86 = tpu.memref_slice %arg8[%mul3A_80, %dma_wait3A_85] : memref<50000x32xbf16, #tpu.memory_space<hbm>> -> memref<1000x32xbf16, #tpu.memory_space<hbm>>
          %dma_wait3A_87 = arith.constant 0 : i32
          %dma_wait3A_88 = tpu.memref_slice %arg8[%mul3A_80, %dma_wait3A_87] : memref<50000x32xbf16, #tpu.memory_space<hbm>> -> memref<1000x32xbf16, #tpu.memory_space<hbm>>
          tpu.wait_dma2 semaphore(%run_scoped3A : memref<!tpu.dma_semaphore, #tpu.memory_space<semaphore_mem>>) src(%arg16 : memref<1000x32xbf16, #tpu.memory_space<vmem>>) dst(%dma_wait3A_88 : memref<1000x32xbf16, #tpu.memory_space<hbm>>)
          tpu.yield
        }) : () -> ()
      } else {
      }
      %add3A_55 = arith.constant 16 : i32
      %add3A_56 = arith.addi %arg1, %add3A_55 : i32
      %lt3A_57 = arith.constant 50 : i32
      %lt3A_58 = arith.cmpi slt, %add3A_56, %lt3A_57 : i32
      %convert_element_type3A_59 = arith.extui %lt3A_58 : i1 to i32
      %cond3A_60 = arith.constant 0 : i32
      %cond3A_61 = arith.cmpi ne, %convert_element_type3A_59, %cond3A_60 : i32
      scf.if %cond3A_61 {
        %mul3A_77 = arith.constant 1000 : i32
        %mul3A_78 = arith.muli %add3A_56, %mul3A_77 : i32
        "tpu.region"() ({
          %run_scoped3A = tpu.sem_alloc : memref<!tpu.dma_semaphore, #tpu.memory_space<semaphore_mem>>
          %dma_start3A_81 = arith.constant 0 : i32
          %dma_start3A_82 = tpu.memref_slice %arg17[%mul3A_78, %dma_start3A_81] : memref<50008x32xbf16, #tpu.memory_space<vmem_shared>> -> memref<1000x32xbf16, #tpu.memory_space<vmem_shared>>
          %dma_start3A_83 = arith.constant 0 : i32
          %dma_start3A_84 = tpu.memref_slice %arg17[%mul3A_78, %dma_start3A_83] : memref<50008x32xbf16, #tpu.memory_space<vmem_shared>> -> memref<1000x32xbf16, #tpu.memory_space<vmem_shared>>
          tpu.enqueue_dma source(%dma_start3A_84 : memref<1000x32xbf16, #tpu.memory_space<vmem_shared>>) target(%arg16 : memref<1000x32xbf16, #tpu.memory_space<vmem>>) target_semaphore(%run_scoped3A : memref<!tpu.dma_semaphore, #tpu.memory_space<semaphore_mem>>)
          %dma_wait3A_85 = arith.constant 0 : i32
          %dma_wait3A_86 = tpu.memref_slice %arg17[%mul3A_78, %dma_wait3A_85] : memref<50008x32xbf16, #tpu.memory_space<vmem_shared>> -> memref<1000x32xbf16, #tpu.memory_space<vmem_shared>>
          %dma_wait3A_87 = arith.constant 0 : i32
          %dma_wait3A_88 = tpu.memref_slice %arg17[%mul3A_78, %dma_wait3A_87] : memref<50008x32xbf16, #tpu.memory_space<vmem_shared>> -> memref<1000x32xbf16, #tpu.memory_space<vmem_shared>>
          tpu.wait_dma2 semaphore(%run_scoped3A : memref<!tpu.dma_semaphore, #tpu.memory_space<semaphore_mem>>) src(%dma_wait3A_88 : memref<1000x32xbf16, #tpu.memory_space<vmem_shared>>) dst(%arg16 : memref<1000x32xbf16, #tpu.memory_space<vmem>>)
          tpu.yield
        }) : () -> ()
        %mul3A_79 = arith.constant 1000 : i32
        %mul3A_80 = arith.muli %add3A_56, %mul3A_79 : i32
        "tpu.region"() ({
          %run_scoped3A = tpu.sem_alloc : memref<!tpu.dma_semaphore, #tpu.memory_space<semaphore_mem>>
          %dma_start3A_81 = arith.constant 0 : i32
          %dma_start3A_82 = tpu.memref_slice %arg8[%mul3A_80, %dma_start3A_81] : memref<50000x32xbf16, #tpu.memory_space<hbm>> -> memref<1000x32xbf16, #tpu.memory_space<hbm>>
          %dma_start3A_83 = arith.constant 0 : i32
          %dma_start3A_84 = tpu.memref_slice %arg8[%mul3A_80, %dma_start3A_83] : memref<50000x32xbf16, #tpu.memory_space<hbm>> -> memref<1000x32xbf16, #tpu.memory_space<hbm>>
          tpu.enqueue_dma source(%arg16 : memref<1000x32xbf16, #tpu.memory_space<vmem>>) target(%dma_start3A_84 : memref<1000x32xbf16, #tpu.memory_space<hbm>>) target_semaphore(%run_scoped3A : memref<!tpu.dma_semaphore, #tpu.memory_space<semaphore_mem>>)
          %dma_wait3A_85 = arith.constant 0 : i32
          %dma_wait3A_86 = tpu.memref_slice %arg8[%mul3A_80, %dma_wait3A_85] : memref<50000x32xbf16, #tpu.memory_space<hbm>> -> memref<1000x32xbf16, #tpu.memory_space<hbm>>
          %dma_wait3A_87 = arith.constant 0 : i32
          %dma_wait3A_88 = tpu.memref_slice %arg8[%mul3A_80, %dma_wait3A_87] : memref<50000x32xbf16, #tpu.memory_space<hbm>> -> memref<1000x32xbf16, #tpu.memory_space<hbm>>
          tpu.wait_dma2 semaphore(%run_scoped3A : memref<!tpu.dma_semaphore, #tpu.memory_space<semaphore_mem>>) src(%arg16 : memref<1000x32xbf16, #tpu.memory_space<vmem>>) dst(%dma_wait3A_88 : memref<1000x32xbf16, #tpu.memory_space<hbm>>)
          tpu.yield
        }) : () -> ()
      } else {
      }
      %add3A_62 = arith.constant 32 : i32
      %add3A_63 = arith.addi %arg1, %add3A_62 : i32
      %lt3A_64 = arith.constant 50 : i32
      %lt3A_65 = arith.cmpi slt, %add3A_63, %lt3A_64 : i32
      %convert_element_type3A_66 = arith.extui %lt3A_65 : i1 to i32
      %cond3A_67 = arith.constant 0 : i32
      %cond3A_68 = arith.cmpi ne, %convert_element_type3A_66, %cond3A_67 : i32
      scf.if %cond3A_68 {
        %mul3A_77 = arith.constant 1000 : i32
        %mul3A_78 = arith.muli %add3A_63, %mul3A_77 : i32
        "tpu.region"() ({
          %run_scoped3A = tpu.sem_alloc : memref<!tpu.dma_semaphore, #tpu.memory_space<semaphore_mem>>
          %dma_start3A_81 = arith.constant 0 : i32
          %dma_start3A_82 = tpu.memref_slice %arg17[%mul3A_78, %dma_start3A_81] : memref<50008x32xbf16, #tpu.memory_space<vmem_shared>> -> memref<1000x32xbf16, #tpu.memory_space<vmem_shared>>
          %dma_start3A_83 = arith.constant 0 : i32
          %dma_start3A_84 = tpu.memref_slice %arg17[%mul3A_78, %dma_start3A_83] : memref<50008x32xbf16, #tpu.memory_space<vmem_shared>> -> memref<1000x32xbf16, #tpu.memory_space<vmem_shared>>
          tpu.enqueue_dma source(%dma_start3A_84 : memref<1000x32xbf16, #tpu.memory_space<vmem_shared>>) target(%arg16 : memref<1000x32xbf16, #tpu.memory_space<vmem>>) target_semaphore(%run_scoped3A : memref<!tpu.dma_semaphore, #tpu.memory_space<semaphore_mem>>)
          %dma_wait3A_85 = arith.constant 0 : i32
          %dma_wait3A_86 = tpu.memref_slice %arg17[%mul3A_78, %dma_wait3A_85] : memref<50008x32xbf16, #tpu.memory_space<vmem_shared>> -> memref<1000x32xbf16, #tpu.memory_space<vmem_shared>>
          %dma_wait3A_87 = arith.constant 0 : i32
          %dma_wait3A_88 = tpu.memref_slice %arg17[%mul3A_78, %dma_wait3A_87] : memref<50008x32xbf16, #tpu.memory_space<vmem_shared>> -> memref<1000x32xbf16, #tpu.memory_space<vmem_shared>>
          tpu.wait_dma2 semaphore(%run_scoped3A : memref<!tpu.dma_semaphore, #tpu.memory_space<semaphore_mem>>) src(%dma_wait3A_88 : memref<1000x32xbf16, #tpu.memory_space<vmem_shared>>) dst(%arg16 : memref<1000x32xbf16, #tpu.memory_space<vmem>>)
          tpu.yield
        }) : () -> ()
        %mul3A_79 = arith.constant 1000 : i32
        %mul3A_80 = arith.muli %add3A_63, %mul3A_79 : i32
        "tpu.region"() ({
          %run_scoped3A = tpu.sem_alloc : memref<!tpu.dma_semaphore, #tpu.memory_space<semaphore_mem>>
          %dma_start3A_81 = arith.constant 0 : i32
          %dma_start3A_82 = tpu.memref_slice %arg8[%mul3A_80, %dma_start3A_81] : memref<50000x32xbf16, #tpu.memory_space<hbm>> -> memref<1000x32xbf16, #tpu.memory_space<hbm>>
          %dma_start3A_83 = arith.constant 0 : i32
          %dma_start3A_84 = tpu.memref_slice %arg8[%mul3A_80, %dma_start3A_83] : memref<50000x32xbf16, #tpu.memory_space<hbm>> -> memref<1000x32xbf16, #tpu.memory_space<hbm>>
          tpu.enqueue_dma source(%arg16 : memref<1000x32xbf16, #tpu.memory_space<vmem>>) target(%dma_start3A_84 : memref<1000x32xbf16, #tpu.memory_space<hbm>>) target_semaphore(%run_scoped3A : memref<!tpu.dma_semaphore, #tpu.memory_space<semaphore_mem>>)
          %dma_wait3A_85 = arith.constant 0 : i32
          %dma_wait3A_86 = tpu.memref_slice %arg8[%mul3A_80, %dma_wait3A_85] : memref<50000x32xbf16, #tpu.memory_space<hbm>> -> memref<1000x32xbf16, #tpu.memory_space<hbm>>
          %dma_wait3A_87 = arith.constant 0 : i32
          %dma_wait3A_88 = tpu.memref_slice %arg8[%mul3A_80, %dma_wait3A_87] : memref<50000x32xbf16, #tpu.memory_space<hbm>> -> memref<1000x32xbf16, #tpu.memory_space<hbm>>
          tpu.wait_dma2 semaphore(%run_scoped3A : memref<!tpu.dma_semaphore, #tpu.memory_space<semaphore_mem>>) src(%arg16 : memref<1000x32xbf16, #tpu.memory_space<vmem>>) dst(%dma_wait3A_88 : memref<1000x32xbf16, #tpu.memory_space<hbm>>)
          tpu.yield
        }) : () -> ()
      } else {
      }
      %add3A_69 = arith.constant 48 : i32
      %add3A_70 = arith.addi %arg1, %add3A_69 : i32
      %lt3A_71 = arith.constant 50 : i32
      %lt3A_72 = arith.cmpi slt, %add3A_70, %lt3A_71 : i32
      %convert_element_type3A_73 = arith.extui %lt3A_72 : i1 to i32
      %cond3A_74 = arith.constant 0 : i32
      %cond3A_75 = arith.cmpi ne, %convert_element_type3A_73, %cond3A_74 : i32
      scf.if %cond3A_75 {
        %mul3A_77 = arith.constant 1000 : i32
        %mul3A_78 = arith.muli %add3A_70, %mul3A_77 : i32
        "tpu.region"() ({
          %run_scoped3A = tpu.sem_alloc : memref<!tpu.dma_semaphore, #tpu.memory_space<semaphore_mem>>
          %dma_start3A_81 = arith.constant 0 : i32
          %dma_start3A_82 = tpu.memref_slice %arg17[%mul3A_78, %dma_start3A_81] : memref<50008x32xbf16, #tpu.memory_space<vmem_shared>> -> memref<1000x32xbf16, #tpu.memory_space<vmem_shared>>
          %dma_start3A_83 = arith.constant 0 : i32
          %dma_start3A_84 = tpu.memref_slice %arg17[%mul3A_78, %dma_start3A_83] : memref<50008x32xbf16, #tpu.memory_space<vmem_shared>> -> memref<1000x32xbf16, #tpu.memory_space<vmem_shared>>
          tpu.enqueue_dma source(%dma_start3A_84 : memref<1000x32xbf16, #tpu.memory_space<vmem_shared>>) target(%arg16 : memref<1000x32xbf16, #tpu.memory_space<vmem>>) target_semaphore(%run_scoped3A : memref<!tpu.dma_semaphore, #tpu.memory_space<semaphore_mem>>)
          %dma_wait3A_85 = arith.constant 0 : i32
          %dma_wait3A_86 = tpu.memref_slice %arg17[%mul3A_78, %dma_wait3A_85] : memref<50008x32xbf16, #tpu.memory_space<vmem_shared>> -> memref<1000x32xbf16, #tpu.memory_space<vmem_shared>>
          %dma_wait3A_87 = arith.constant 0 : i32
          %dma_wait3A_88 = tpu.memref_slice %arg17[%mul3A_78, %dma_wait3A_87] : memref<50008x32xbf16, #tpu.memory_space<vmem_shared>> -> memref<1000x32xbf16, #tpu.memory_space<vmem_shared>>
          tpu.wait_dma2 semaphore(%run_scoped3A : memref<!tpu.dma_semaphore, #tpu.memory_space<semaphore_mem>>) src(%dma_wait3A_88 : memref<1000x32xbf16, #tpu.memory_space<vmem_shared>>) dst(%arg16 : memref<1000x32xbf16, #tpu.memory_space<vmem>>)
          tpu.yield
        }) : () -> ()
        %mul3A_79 = arith.constant 1000 : i32
        %mul3A_80 = arith.muli %add3A_70, %mul3A_79 : i32
        "tpu.region"() ({
          %run_scoped3A = tpu.sem_alloc : memref<!tpu.dma_semaphore, #tpu.memory_space<semaphore_mem>>
          %dma_start3A_81 = arith.constant 0 : i32
          %dma_start3A_82 = tpu.memref_slice %arg8[%mul3A_80, %dma_start3A_81] : memref<50000x32xbf16, #tpu.memory_space<hbm>> -> memref<1000x32xbf16, #tpu.memory_space<hbm>>
          %dma_start3A_83 = arith.constant 0 : i32
          %dma_start3A_84 = tpu.memref_slice %arg8[%mul3A_80, %dma_start3A_83] : memref<50000x32xbf16, #tpu.memory_space<hbm>> -> memref<1000x32xbf16, #tpu.memory_space<hbm>>
          tpu.enqueue_dma source(%arg16 : memref<1000x32xbf16, #tpu.memory_space<vmem>>) target(%dma_start3A_84 : memref<1000x32xbf16, #tpu.memory_space<hbm>>) target_semaphore(%run_scoped3A : memref<!tpu.dma_semaphore, #tpu.memory_space<semaphore_mem>>)
          %dma_wait3A_85 = arith.constant 0 : i32
          %dma_wait3A_86 = tpu.memref_slice %arg8[%mul3A_80, %dma_wait3A_85] : memref<50000x32xbf16, #tpu.memory_space<hbm>> -> memref<1000x32xbf16, #tpu.memory_space<hbm>>
          %dma_wait3A_87 = arith.constant 0 : i32
          %dma_wait3A_88 = tpu.memref_slice %arg8[%mul3A_80, %dma_wait3A_87] : memref<50000x32xbf16, #tpu.memory_space<hbm>> -> memref<1000x32xbf16, #tpu.memory_space<hbm>>
          tpu.wait_dma2 semaphore(%run_scoped3A : memref<!tpu.dma_semaphore, #tpu.memory_space<semaphore_mem>>) src(%arg16 : memref<1000x32xbf16, #tpu.memory_space<vmem>>) dst(%dma_wait3A_88 : memref<1000x32xbf16, #tpu.memory_space<hbm>>)
          tpu.yield
        }) : () -> ()
      } else {
      }
      %barrier3A_76 = arith.constant 0 : index
      tpu.barrier barrier_id(%barrier3A_76)
    } else {
    }
    return
  }
}

#map = affine_map<(d0, d1) -> (0)>
#map1 = affine_map<(d0, d1) -> (0, 0)>
module attributes {stable_mosaic.version = 14 : i64} {
  func.func @_cnt_body(%arg0: i32, %arg1: i32, %arg2: memref<819200xi32, #tpu.memory_space<hbm>>, %arg3: memref<1000x8xf32, #tpu.memory_space<hbm>>, %arg4: memref<1024x8xf32, #tpu.memory_space<hbm>>, %arg5: memref<50000x8xf32, #tpu.memory_space<hbm>>, %arg6: memref<50000x8xf32, #tpu.memory_space<hbm>>, %arg7: memref<1024xi32, #tpu.memory_space<vmem>>, %arg8: memref<1024xi32, #tpu.memory_space<vmem>>, %arg9: memref<1000x8xf32, #tpu.memory_space<vmem>>, %arg10: memref<1024x8xf32, #tpu.memory_space<vmem>>, %arg11: memref<50008x8xf32, #tpu.memory_space<vmem_shared>>, %arg12: memref<!tpu.dma_semaphore, #tpu.memory_space<semaphore_mem>>, %arg13: memref<!tpu.dma_semaphore, #tpu.memory_space<semaphore_mem>>) attributes {dimension_semantics = [#tpu.dimension_semantics<core_parallel>, #tpu.dimension_semantics<subcore_parallel>], iteration_bounds = array<i64: 2, 16>, scalar_prefetch = 0 : i64, scratch_operands = 7 : i64, tpu.core_type = #tpu.core_type<sc_vector_subcore>, window_params = [{transform_indices = #map}, {transform_indices = #map1}, {transform_indices = #map1}, {transform_indices = #map1}, {transform_indices = #map1}]} {
    "tpu.region"() ({
      %run_scoped3A = tpu.sem_alloc : memref<!tpu.dma_semaphore, #tpu.memory_space<semaphore_mem>>
      tpu.enqueue_dma source(%arg3 : memref<1000x8xf32, #tpu.memory_space<hbm>>) target(%arg9 : memref<1000x8xf32, #tpu.memory_space<vmem>>) target_semaphore(%run_scoped3A : memref<!tpu.dma_semaphore, #tpu.memory_space<semaphore_mem>>)
      tpu.wait_dma2 semaphore(%run_scoped3A : memref<!tpu.dma_semaphore, #tpu.memory_space<semaphore_mem>>) src(%arg3 : memref<1000x8xf32, #tpu.memory_space<hbm>>) dst(%arg9 : memref<1000x8xf32, #tpu.memory_space<vmem>>)
      tpu.yield
    }) : () -> ()
    "tpu.region"() ({
      %run_scoped3A = tpu.sem_alloc : memref<!tpu.dma_semaphore, #tpu.memory_space<semaphore_mem>>
      tpu.enqueue_dma source(%arg4 : memref<1024x8xf32, #tpu.memory_space<hbm>>) target(%arg10 : memref<1024x8xf32, #tpu.memory_space<vmem>>) target_semaphore(%run_scoped3A : memref<!tpu.dma_semaphore, #tpu.memory_space<semaphore_mem>>)
      tpu.wait_dma2 semaphore(%run_scoped3A : memref<!tpu.dma_semaphore, #tpu.memory_space<semaphore_mem>>) src(%arg4 : memref<1024x8xf32, #tpu.memory_space<hbm>>) dst(%arg10 : memref<1024x8xf32, #tpu.memory_space<vmem>>)
      tpu.yield
    }) : () -> ()
    %add3A = arith.constant 0 : i32
    %add3A_0 = arith.addi %arg1, %add3A : i32
    %lt3A = arith.constant 50 : i32
    %lt3A_1 = arith.cmpi slt, %add3A_0, %lt3A : i32
    %convert_element_type3A = arith.extui %lt3A_1 : i1 to i32
    %cond3A = arith.constant 0 : i32
    %cond3A_2 = arith.cmpi ne, %convert_element_type3A, %cond3A : i32
    scf.if %cond3A_2 {
      %mul3A_61 = arith.constant 1000 : i32
      %mul3A_62 = arith.muli %add3A_0, %mul3A_61 : i32
      "tpu.region"() ({
        %run_scoped3A = tpu.sem_alloc : memref<!tpu.dma_semaphore, #tpu.memory_space<semaphore_mem>>
        %dma_start3A_63 = arith.constant 0 : i32
        %dma_start3A_64 = tpu.memref_slice %arg11[%mul3A_62, %dma_start3A_63] : memref<50008x8xf32, #tpu.memory_space<vmem_shared>> -> memref<1000x8xf32, #tpu.memory_space<vmem_shared>>
        %dma_start3A_65 = arith.constant 0 : i32
        %dma_start3A_66 = tpu.memref_slice %arg11[%mul3A_62, %dma_start3A_65] : memref<50008x8xf32, #tpu.memory_space<vmem_shared>> -> memref<1000x8xf32, #tpu.memory_space<vmem_shared>>
        tpu.enqueue_dma source(%arg9 : memref<1000x8xf32, #tpu.memory_space<vmem>>) target(%dma_start3A_66 : memref<1000x8xf32, #tpu.memory_space<vmem_shared>>) target_semaphore(%run_scoped3A : memref<!tpu.dma_semaphore, #tpu.memory_space<semaphore_mem>>)
        %dma_wait3A_67 = arith.constant 0 : i32
        %dma_wait3A_68 = tpu.memref_slice %arg11[%mul3A_62, %dma_wait3A_67] : memref<50008x8xf32, #tpu.memory_space<vmem_shared>> -> memref<1000x8xf32, #tpu.memory_space<vmem_shared>>
        %dma_wait3A_69 = arith.constant 0 : i32
        %dma_wait3A_70 = tpu.memref_slice %arg11[%mul3A_62, %dma_wait3A_69] : memref<50008x8xf32, #tpu.memory_space<vmem_shared>> -> memref<1000x8xf32, #tpu.memory_space<vmem_shared>>
        tpu.wait_dma2 semaphore(%run_scoped3A : memref<!tpu.dma_semaphore, #tpu.memory_space<semaphore_mem>>) src(%arg9 : memref<1000x8xf32, #tpu.memory_space<vmem>>) dst(%dma_wait3A_70 : memref<1000x8xf32, #tpu.memory_space<vmem_shared>>)
        tpu.yield
      }) : () -> ()
    } else {
    }
    %add3A_3 = arith.constant 16 : i32
    %add3A_4 = arith.addi %arg1, %add3A_3 : i32
    %lt3A_5 = arith.constant 50 : i32
    %lt3A_6 = arith.cmpi slt, %add3A_4, %lt3A_5 : i32
    %convert_element_type3A_7 = arith.extui %lt3A_6 : i1 to i32
    %cond3A_8 = arith.constant 0 : i32
    %cond3A_9 = arith.cmpi ne, %convert_element_type3A_7, %cond3A_8 : i32
    scf.if %cond3A_9 {
      %mul3A_61 = arith.constant 1000 : i32
      %mul3A_62 = arith.muli %add3A_4, %mul3A_61 : i32
      "tpu.region"() ({
        %run_scoped3A = tpu.sem_alloc : memref<!tpu.dma_semaphore, #tpu.memory_space<semaphore_mem>>
        %dma_start3A_63 = arith.constant 0 : i32
        %dma_start3A_64 = tpu.memref_slice %arg11[%mul3A_62, %dma_start3A_63] : memref<50008x8xf32, #tpu.memory_space<vmem_shared>> -> memref<1000x8xf32, #tpu.memory_space<vmem_shared>>
        %dma_start3A_65 = arith.constant 0 : i32
        %dma_start3A_66 = tpu.memref_slice %arg11[%mul3A_62, %dma_start3A_65] : memref<50008x8xf32, #tpu.memory_space<vmem_shared>> -> memref<1000x8xf32, #tpu.memory_space<vmem_shared>>
        tpu.enqueue_dma source(%arg9 : memref<1000x8xf32, #tpu.memory_space<vmem>>) target(%dma_start3A_66 : memref<1000x8xf32, #tpu.memory_space<vmem_shared>>) target_semaphore(%run_scoped3A : memref<!tpu.dma_semaphore, #tpu.memory_space<semaphore_mem>>)
        %dma_wait3A_67 = arith.constant 0 : i32
        %dma_wait3A_68 = tpu.memref_slice %arg11[%mul3A_62, %dma_wait3A_67] : memref<50008x8xf32, #tpu.memory_space<vmem_shared>> -> memref<1000x8xf32, #tpu.memory_space<vmem_shared>>
        %dma_wait3A_69 = arith.constant 0 : i32
        %dma_wait3A_70 = tpu.memref_slice %arg11[%mul3A_62, %dma_wait3A_69] : memref<50008x8xf32, #tpu.memory_space<vmem_shared>> -> memref<1000x8xf32, #tpu.memory_space<vmem_shared>>
        tpu.wait_dma2 semaphore(%run_scoped3A : memref<!tpu.dma_semaphore, #tpu.memory_space<semaphore_mem>>) src(%arg9 : memref<1000x8xf32, #tpu.memory_space<vmem>>) dst(%dma_wait3A_70 : memref<1000x8xf32, #tpu.memory_space<vmem_shared>>)
        tpu.yield
      }) : () -> ()
    } else {
    }
    %add3A_10 = arith.constant 32 : i32
    %add3A_11 = arith.addi %arg1, %add3A_10 : i32
    %lt3A_12 = arith.constant 50 : i32
    %lt3A_13 = arith.cmpi slt, %add3A_11, %lt3A_12 : i32
    %convert_element_type3A_14 = arith.extui %lt3A_13 : i1 to i32
    %cond3A_15 = arith.constant 0 : i32
    %cond3A_16 = arith.cmpi ne, %convert_element_type3A_14, %cond3A_15 : i32
    scf.if %cond3A_16 {
      %mul3A_61 = arith.constant 1000 : i32
      %mul3A_62 = arith.muli %add3A_11, %mul3A_61 : i32
      "tpu.region"() ({
        %run_scoped3A = tpu.sem_alloc : memref<!tpu.dma_semaphore, #tpu.memory_space<semaphore_mem>>
        %dma_start3A_63 = arith.constant 0 : i32
        %dma_start3A_64 = tpu.memref_slice %arg11[%mul3A_62, %dma_start3A_63] : memref<50008x8xf32, #tpu.memory_space<vmem_shared>> -> memref<1000x8xf32, #tpu.memory_space<vmem_shared>>
        %dma_start3A_65 = arith.constant 0 : i32
        %dma_start3A_66 = tpu.memref_slice %arg11[%mul3A_62, %dma_start3A_65] : memref<50008x8xf32, #tpu.memory_space<vmem_shared>> -> memref<1000x8xf32, #tpu.memory_space<vmem_shared>>
        tpu.enqueue_dma source(%arg9 : memref<1000x8xf32, #tpu.memory_space<vmem>>) target(%dma_start3A_66 : memref<1000x8xf32, #tpu.memory_space<vmem_shared>>) target_semaphore(%run_scoped3A : memref<!tpu.dma_semaphore, #tpu.memory_space<semaphore_mem>>)
        %dma_wait3A_67 = arith.constant 0 : i32
        %dma_wait3A_68 = tpu.memref_slice %arg11[%mul3A_62, %dma_wait3A_67] : memref<50008x8xf32, #tpu.memory_space<vmem_shared>> -> memref<1000x8xf32, #tpu.memory_space<vmem_shared>>
        %dma_wait3A_69 = arith.constant 0 : i32
        %dma_wait3A_70 = tpu.memref_slice %arg11[%mul3A_62, %dma_wait3A_69] : memref<50008x8xf32, #tpu.memory_space<vmem_shared>> -> memref<1000x8xf32, #tpu.memory_space<vmem_shared>>
        tpu.wait_dma2 semaphore(%run_scoped3A : memref<!tpu.dma_semaphore, #tpu.memory_space<semaphore_mem>>) src(%arg9 : memref<1000x8xf32, #tpu.memory_space<vmem>>) dst(%dma_wait3A_70 : memref<1000x8xf32, #tpu.memory_space<vmem_shared>>)
        tpu.yield
      }) : () -> ()
    } else {
    }
    %add3A_17 = arith.constant 48 : i32
    %add3A_18 = arith.addi %arg1, %add3A_17 : i32
    %lt3A_19 = arith.constant 50 : i32
    %lt3A_20 = arith.cmpi slt, %add3A_18, %lt3A_19 : i32
    %convert_element_type3A_21 = arith.extui %lt3A_20 : i1 to i32
    %cond3A_22 = arith.constant 0 : i32
    %cond3A_23 = arith.cmpi ne, %convert_element_type3A_21, %cond3A_22 : i32
    scf.if %cond3A_23 {
      %mul3A_61 = arith.constant 1000 : i32
      %mul3A_62 = arith.muli %add3A_18, %mul3A_61 : i32
      "tpu.region"() ({
        %run_scoped3A = tpu.sem_alloc : memref<!tpu.dma_semaphore, #tpu.memory_space<semaphore_mem>>
        %dma_start3A_63 = arith.constant 0 : i32
        %dma_start3A_64 = tpu.memref_slice %arg11[%mul3A_62, %dma_start3A_63] : memref<50008x8xf32, #tpu.memory_space<vmem_shared>> -> memref<1000x8xf32, #tpu.memory_space<vmem_shared>>
        %dma_start3A_65 = arith.constant 0 : i32
        %dma_start3A_66 = tpu.memref_slice %arg11[%mul3A_62, %dma_start3A_65] : memref<50008x8xf32, #tpu.memory_space<vmem_shared>> -> memref<1000x8xf32, #tpu.memory_space<vmem_shared>>
        tpu.enqueue_dma source(%arg9 : memref<1000x8xf32, #tpu.memory_space<vmem>>) target(%dma_start3A_66 : memref<1000x8xf32, #tpu.memory_space<vmem_shared>>) target_semaphore(%run_scoped3A : memref<!tpu.dma_semaphore, #tpu.memory_space<semaphore_mem>>)
        %dma_wait3A_67 = arith.constant 0 : i32
        %dma_wait3A_68 = tpu.memref_slice %arg11[%mul3A_62, %dma_wait3A_67] : memref<50008x8xf32, #tpu.memory_space<vmem_shared>> -> memref<1000x8xf32, #tpu.memory_space<vmem_shared>>
        %dma_wait3A_69 = arith.constant 0 : i32
        %dma_wait3A_70 = tpu.memref_slice %arg11[%mul3A_62, %dma_wait3A_69] : memref<50008x8xf32, #tpu.memory_space<vmem_shared>> -> memref<1000x8xf32, #tpu.memory_space<vmem_shared>>
        tpu.wait_dma2 semaphore(%run_scoped3A : memref<!tpu.dma_semaphore, #tpu.memory_space<semaphore_mem>>) src(%arg9 : memref<1000x8xf32, #tpu.memory_space<vmem>>) dst(%dma_wait3A_70 : memref<1000x8xf32, #tpu.memory_space<vmem_shared>>)
        tpu.yield
      }) : () -> ()
    } else {
    }
    %barrier3A = arith.constant 0 : index
    tpu.barrier barrier_id(%barrier3A)
    %mul3A = arith.constant 16 : i32
    %mul3A_24 = arith.muli %arg0, %mul3A : i32
    %add3A_25 = arith.addi %mul3A_24, %arg1 : i32
    %mul3A_26 = arith.constant 25 : i32
    %mul3A_27 = arith.muli %add3A_25, %mul3A_26 : i32
    %add3A_28 = arith.constant 0 : i32
    %add3A_29 = arith.addi %mul3A_27, %add3A_28 : i32
    %mul3A_30 = arith.constant 1024 : i32
    %mul3A_31 = arith.muli %add3A_29, %mul3A_30 : i32
    "tpu.region"() ({
      %run_scoped3A = tpu.sem_alloc : memref<!tpu.dma_semaphore, #tpu.memory_space<semaphore_mem>>
      %dma_start3A_61 = tpu.memref_slice %arg2[%mul3A_31] : memref<819200xi32, #tpu.memory_space<hbm>> -> memref<1024xi32, #tpu.memory_space<hbm>>
      %dma_start3A_62 = tpu.memref_slice %arg2[%mul3A_31] : memref<819200xi32, #tpu.memory_space<hbm>> -> memref<1024xi32, #tpu.memory_space<hbm>>
      tpu.enqueue_dma source(%dma_start3A_62 : memref<1024xi32, #tpu.memory_space<hbm>>) target(%arg7 : memref<1024xi32, #tpu.memory_space<vmem>>) target_semaphore(%run_scoped3A : memref<!tpu.dma_semaphore, #tpu.memory_space<semaphore_mem>>)
      %dma_wait3A_63 = tpu.memref_slice %arg2[%mul3A_31] : memref<819200xi32, #tpu.memory_space<hbm>> -> memref<1024xi32, #tpu.memory_space<hbm>>
      %dma_wait3A_64 = tpu.memref_slice %arg2[%mul3A_31] : memref<819200xi32, #tpu.memory_space<hbm>> -> memref<1024xi32, #tpu.memory_space<hbm>>
      tpu.wait_dma2 semaphore(%run_scoped3A : memref<!tpu.dma_semaphore, #tpu.memory_space<semaphore_mem>>) src(%dma_wait3A_64 : memref<1024xi32, #tpu.memory_space<hbm>>) dst(%arg7 : memref<1024xi32, #tpu.memory_space<vmem>>)
      tpu.yield
    }) : () -> ()
    %dma_start3A = arith.constant 0 : i32
    %dma_start3A_32 = arith.constant 0 : i32
    %dma_start3A_33 = tpu.memref_slice %arg11[%dma_start3A, %dma_start3A_32] : memref<50008x8xf32, #tpu.memory_space<vmem_shared>> -> memref<50008x8xf32, #tpu.memory_space<vmem_shared>>
    tpu.enqueue_indirect_dma source(%arg10 : memref<1024x8xf32, #tpu.memory_space<vmem>>) target(%dma_start3A_33 : memref<50008x8xf32, #tpu.memory_space<vmem_shared>>) offsets(%arg7 : memref<1024xi32, #tpu.memory_space<vmem>>) semaphore(%arg12 : memref<!tpu.dma_semaphore, #tpu.memory_space<semaphore_mem>>) {add = true}
    %add3A_34 = arith.constant 1 : i32
    %add3A_35 = arith.addi %mul3A_27, %add3A_34 : i32
    %mul3A_36 = arith.constant 1024 : i32
    %mul3A_37 = arith.muli %add3A_35, %mul3A_36 : i32
    "tpu.region"() ({
      %run_scoped3A = tpu.sem_alloc : memref<!tpu.dma_semaphore, #tpu.memory_space<semaphore_mem>>
      %dma_start3A_61 = tpu.memref_slice %arg2[%mul3A_37] : memref<819200xi32, #tpu.memory_space<hbm>> -> memref<1024xi32, #tpu.memory_space<hbm>>
      %dma_start3A_62 = tpu.memref_slice %arg2[%mul3A_37] : memref<819200xi32, #tpu.memory_space<hbm>> -> memref<1024xi32, #tpu.memory_space<hbm>>
      tpu.enqueue_dma source(%dma_start3A_62 : memref<1024xi32, #tpu.memory_space<hbm>>) target(%arg8 : memref<1024xi32, #tpu.memory_space<vmem>>) target_semaphore(%run_scoped3A : memref<!tpu.dma_semaphore, #tpu.memory_space<semaphore_mem>>)
      %dma_wait3A_63 = tpu.memref_slice %arg2[%mul3A_37] : memref<819200xi32, #tpu.memory_space<hbm>> -> memref<1024xi32, #tpu.memory_space<hbm>>
      %dma_wait3A_64 = tpu.memref_slice %arg2[%mul3A_37] : memref<819200xi32, #tpu.memory_space<hbm>> -> memref<1024xi32, #tpu.memory_space<hbm>>
      tpu.wait_dma2 semaphore(%run_scoped3A : memref<!tpu.dma_semaphore, #tpu.memory_space<semaphore_mem>>) src(%dma_wait3A_64 : memref<1024xi32, #tpu.memory_space<hbm>>) dst(%arg8 : memref<1024xi32, #tpu.memory_space<vmem>>)
      tpu.yield
    }) : () -> ()
    %dma_start3A_38 = arith.constant 0 : i32
    %dma_start3A_39 = arith.constant 0 : i32
    %dma_start3A_40 = tpu.memref_slice %arg11[%dma_start3A_38, %dma_start3A_39] : memref<50008x8xf32, #tpu.memory_space<vmem_shared>> -> memref<50008x8xf32, #tpu.memory_space<vmem_shared>>
    tpu.enqueue_indirect_dma source(%arg10 : memref<1024x8xf32, #tpu.memory_space<vmem>>) target(%dma_start3A_40 : memref<50008x8xf32, #tpu.memory_space<vmem_shared>>) offsets(%arg8 : memref<1024xi32, #tpu.memory_space<vmem>>) semaphore(%arg13 : memref<!tpu.dma_semaphore, #tpu.memory_space<semaphore_mem>>) {add = true}
    %scan3A = arith.constant 0 : i32
    %scan3A_41 = arith.constant 1 : i32
    %scan3A_42 = arith.constant 12 : i32
    %scan3A_43 = arith.addi %scan3A_41, %scan3A_42 : i32
    %scan3A_44 = arith.constant 1 : i32
    scf.for %scan3A_61 = %scan3A_41 to %scan3A_43 step %scan3A_44  : i32 {
      %mul3A_62 = arith.constant 2 : i32
      %mul3A_63 = arith.muli %mul3A_62, %scan3A_61 : i32
      %add3A_64 = arith.constant 0 : i32
      %add3A_65 = arith.addi %mul3A_63, %add3A_64 : i32
      %lt3A_66 = arith.constant 25 : i32
      %lt3A_67 = arith.cmpi slt, %add3A_65, %lt3A_66 : i32
      %convert_element_type3A_68 = arith.extui %lt3A_67 : i1 to i32
      %cond3A_69 = arith.constant 0 : i32
      %cond3A_70 = arith.cmpi ne, %convert_element_type3A_68, %cond3A_69 : i32
      scf.if %cond3A_70 {
        %dma_wait3A_80 = arith.constant 0 : i32
        %dma_wait3A_81 = arith.constant 0 : i32
        %dma_wait3A_82 = tpu.memref_slice %arg11[%dma_wait3A_80, %dma_wait3A_81] : memref<50008x8xf32, #tpu.memory_space<vmem_shared>> -> memref<50008x8xf32, #tpu.memory_space<vmem_shared>>
        tpu.wait_indirect_dma semaphore(%arg12 : memref<!tpu.dma_semaphore, #tpu.memory_space<semaphore_mem>>) src(%arg10 : memref<1024x8xf32, #tpu.memory_space<vmem>>) dst(%dma_wait3A_82 : memref<50008x8xf32, #tpu.memory_space<vmem_shared>>)
        %add3A_83 = arith.addi %mul3A_27, %add3A_65 : i32
        %mul3A_84 = arith.constant 1024 : i32
        %mul3A_85 = arith.muli %add3A_83, %mul3A_84 : i32
        "tpu.region"() ({
          %run_scoped3A = tpu.sem_alloc : memref<!tpu.dma_semaphore, #tpu.memory_space<semaphore_mem>>
          %dma_start3A_89 = tpu.memref_slice %arg2[%mul3A_85] : memref<819200xi32, #tpu.memory_space<hbm>> -> memref<1024xi32, #tpu.memory_space<hbm>>
          %dma_start3A_90 = tpu.memref_slice %arg2[%mul3A_85] : memref<819200xi32, #tpu.memory_space<hbm>> -> memref<1024xi32, #tpu.memory_space<hbm>>
          tpu.enqueue_dma source(%dma_start3A_90 : memref<1024xi32, #tpu.memory_space<hbm>>) target(%arg7 : memref<1024xi32, #tpu.memory_space<vmem>>) target_semaphore(%run_scoped3A : memref<!tpu.dma_semaphore, #tpu.memory_space<semaphore_mem>>)
          %dma_wait3A_91 = tpu.memref_slice %arg2[%mul3A_85] : memref<819200xi32, #tpu.memory_space<hbm>> -> memref<1024xi32, #tpu.memory_space<hbm>>
          %dma_wait3A_92 = tpu.memref_slice %arg2[%mul3A_85] : memref<819200xi32, #tpu.memory_space<hbm>> -> memref<1024xi32, #tpu.memory_space<hbm>>
          tpu.wait_dma2 semaphore(%run_scoped3A : memref<!tpu.dma_semaphore, #tpu.memory_space<semaphore_mem>>) src(%dma_wait3A_92 : memref<1024xi32, #tpu.memory_space<hbm>>) dst(%arg7 : memref<1024xi32, #tpu.memory_space<vmem>>)
          tpu.yield
        }) : () -> ()
        %dma_start3A_86 = arith.constant 0 : i32
        %dma_start3A_87 = arith.constant 0 : i32
        %dma_start3A_88 = tpu.memref_slice %arg11[%dma_start3A_86, %dma_start3A_87] : memref<50008x8xf32, #tpu.memory_space<vmem_shared>> -> memref<50008x8xf32, #tpu.memory_space<vmem_shared>>
        tpu.enqueue_indirect_dma source(%arg10 : memref<1024x8xf32, #tpu.memory_space<vmem>>) target(%dma_start3A_88 : memref<50008x8xf32, #tpu.memory_space<vmem_shared>>) offsets(%arg7 : memref<1024xi32, #tpu.memory_space<vmem>>) semaphore(%arg12 : memref<!tpu.dma_semaphore, #tpu.memory_space<semaphore_mem>>) {add = true}
      } else {
      }
      %mul3A_71 = arith.constant 2 : i32
      %mul3A_72 = arith.muli %mul3A_71, %scan3A_61 : i32
      %add3A_73 = arith.constant 1 : i32
      %add3A_74 = arith.addi %mul3A_72, %add3A_73 : i32
      %lt3A_75 = arith.constant 25 : i32
      %lt3A_76 = arith.cmpi slt, %add3A_74, %lt3A_75 : i32
      %convert_element_type3A_77 = arith.extui %lt3A_76 : i1 to i32
      %cond3A_78 = arith.constant 0 : i32
      %cond3A_79 = arith.cmpi ne, %convert_element_type3A_77, %cond3A_78 : i32
      scf.if %cond3A_79 {
        %dma_wait3A_80 = arith.constant 0 : i32
        %dma_wait3A_81 = arith.constant 0 : i32
        %dma_wait3A_82 = tpu.memref_slice %arg11[%dma_wait3A_80, %dma_wait3A_81] : memref<50008x8xf32, #tpu.memory_space<vmem_shared>> -> memref<50008x8xf32, #tpu.memory_space<vmem_shared>>
        tpu.wait_indirect_dma semaphore(%arg13 : memref<!tpu.dma_semaphore, #tpu.memory_space<semaphore_mem>>) src(%arg10 : memref<1024x8xf32, #tpu.memory_space<vmem>>) dst(%dma_wait3A_82 : memref<50008x8xf32, #tpu.memory_space<vmem_shared>>)
        %add3A_83 = arith.addi %mul3A_27, %add3A_74 : i32
        %mul3A_84 = arith.constant 1024 : i32
        %mul3A_85 = arith.muli %add3A_83, %mul3A_84 : i32
        "tpu.region"() ({
          %run_scoped3A = tpu.sem_alloc : memref<!tpu.dma_semaphore, #tpu.memory_space<semaphore_mem>>
          %dma_start3A_89 = tpu.memref_slice %arg2[%mul3A_85] : memref<819200xi32, #tpu.memory_space<hbm>> -> memref<1024xi32, #tpu.memory_space<hbm>>
          %dma_start3A_90 = tpu.memref_slice %arg2[%mul3A_85] : memref<819200xi32, #tpu.memory_space<hbm>> -> memref<1024xi32, #tpu.memory_space<hbm>>
          tpu.enqueue_dma source(%dma_start3A_90 : memref<1024xi32, #tpu.memory_space<hbm>>) target(%arg8 : memref<1024xi32, #tpu.memory_space<vmem>>) target_semaphore(%run_scoped3A : memref<!tpu.dma_semaphore, #tpu.memory_space<semaphore_mem>>)
          %dma_wait3A_91 = tpu.memref_slice %arg2[%mul3A_85] : memref<819200xi32, #tpu.memory_space<hbm>> -> memref<1024xi32, #tpu.memory_space<hbm>>
          %dma_wait3A_92 = tpu.memref_slice %arg2[%mul3A_85] : memref<819200xi32, #tpu.memory_space<hbm>> -> memref<1024xi32, #tpu.memory_space<hbm>>
          tpu.wait_dma2 semaphore(%run_scoped3A : memref<!tpu.dma_semaphore, #tpu.memory_space<semaphore_mem>>) src(%dma_wait3A_92 : memref<1024xi32, #tpu.memory_space<hbm>>) dst(%arg8 : memref<1024xi32, #tpu.memory_space<vmem>>)
          tpu.yield
        }) : () -> ()
        %dma_start3A_86 = arith.constant 0 : i32
        %dma_start3A_87 = arith.constant 0 : i32
        %dma_start3A_88 = tpu.memref_slice %arg11[%dma_start3A_86, %dma_start3A_87] : memref<50008x8xf32, #tpu.memory_space<vmem_shared>> -> memref<50008x8xf32, #tpu.memory_space<vmem_shared>>
        tpu.enqueue_indirect_dma source(%arg10 : memref<1024x8xf32, #tpu.memory_space<vmem>>) target(%dma_start3A_88 : memref<50008x8xf32, #tpu.memory_space<vmem_shared>>) offsets(%arg8 : memref<1024xi32, #tpu.memory_space<vmem>>) semaphore(%arg13 : memref<!tpu.dma_semaphore, #tpu.memory_space<semaphore_mem>>) {add = true}
      } else {
      }
    }
    %scan3A_45 = arith.constant 12 : i32
    %dma_wait3A = arith.constant 0 : i32
    %dma_wait3A_46 = arith.constant 0 : i32
    %dma_wait3A_47 = tpu.memref_slice %arg11[%dma_wait3A, %dma_wait3A_46] : memref<50008x8xf32, #tpu.memory_space<vmem_shared>> -> memref<50008x8xf32, #tpu.memory_space<vmem_shared>>
    tpu.wait_indirect_dma semaphore(%arg12 : memref<!tpu.dma_semaphore, #tpu.memory_space<semaphore_mem>>) src(%arg10 : memref<1024x8xf32, #tpu.memory_space<vmem>>) dst(%dma_wait3A_47 : memref<50008x8xf32, #tpu.memory_space<vmem_shared>>)
    %dma_wait3A_48 = arith.constant 0 : i32
    %dma_wait3A_49 = arith.constant 0 : i32
    %dma_wait3A_50 = tpu.memref_slice %arg11[%dma_wait3A_48, %dma_wait3A_49] : memref<50008x8xf32, #tpu.memory_space<vmem_shared>> -> memref<50008x8xf32, #tpu.memory_space<vmem_shared>>
    tpu.wait_indirect_dma semaphore(%arg13 : memref<!tpu.dma_semaphore, #tpu.memory_space<semaphore_mem>>) src(%arg10 : memref<1024x8xf32, #tpu.memory_space<vmem>>) dst(%dma_wait3A_50 : memref<50008x8xf32, #tpu.memory_space<vmem_shared>>)
    %barrier3A_51 = arith.constant 0 : index
    tpu.barrier barrier_id(%barrier3A_51)
    %eq3A = arith.constant 0 : i32
    %eq3A_52 = arith.cmpi eq, %arg0, %eq3A : i32
    %convert_element_type3A_53 = arith.extui %eq3A_52 : i1 to i32
    %cond3A_54 = arith.constant 0 : i32
    %cond3A_55 = arith.cmpi ne, %convert_element_type3A_53, %cond3A_54 : i32
    scf.if %cond3A_55 {
      %add3A_61 = arith.constant 0 : i32
      %add3A_62 = arith.addi %arg1, %add3A_61 : i32
      %lt3A_63 = arith.constant 50 : i32
      %lt3A_64 = arith.cmpi slt, %add3A_62, %lt3A_63 : i32
      %convert_element_type3A_65 = arith.extui %lt3A_64 : i1 to i32
      %cond3A_66 = arith.constant 0 : i32
      %cond3A_67 = arith.cmpi ne, %convert_element_type3A_65, %cond3A_66 : i32
      scf.if %cond3A_67 {
        %mul3A_89 = arith.constant 1000 : i32
        %mul3A_90 = arith.muli %add3A_62, %mul3A_89 : i32
        "tpu.region"() ({
          %run_scoped3A = tpu.sem_alloc : memref<!tpu.dma_semaphore, #tpu.memory_space<semaphore_mem>>
          %dma_start3A_93 = arith.constant 0 : i32
          %dma_start3A_94 = tpu.memref_slice %arg11[%mul3A_90, %dma_start3A_93] : memref<50008x8xf32, #tpu.memory_space<vmem_shared>> -> memref<1000x8xf32, #tpu.memory_space<vmem_shared>>
          %dma_start3A_95 = arith.constant 0 : i32
          %dma_start3A_96 = tpu.memref_slice %arg11[%mul3A_90, %dma_start3A_95] : memref<50008x8xf32, #tpu.memory_space<vmem_shared>> -> memref<1000x8xf32, #tpu.memory_space<vmem_shared>>
          tpu.enqueue_dma source(%dma_start3A_96 : memref<1000x8xf32, #tpu.memory_space<vmem_shared>>) target(%arg9 : memref<1000x8xf32, #tpu.memory_space<vmem>>) target_semaphore(%run_scoped3A : memref<!tpu.dma_semaphore, #tpu.memory_space<semaphore_mem>>)
          %dma_wait3A_97 = arith.constant 0 : i32
          %dma_wait3A_98 = tpu.memref_slice %arg11[%mul3A_90, %dma_wait3A_97] : memref<50008x8xf32, #tpu.memory_space<vmem_shared>> -> memref<1000x8xf32, #tpu.memory_space<vmem_shared>>
          %dma_wait3A_99 = arith.constant 0 : i32
          %dma_wait3A_100 = tpu.memref_slice %arg11[%mul3A_90, %dma_wait3A_99] : memref<50008x8xf32, #tpu.memory_space<vmem_shared>> -> memref<1000x8xf32, #tpu.memory_space<vmem_shared>>
          tpu.wait_dma2 semaphore(%run_scoped3A : memref<!tpu.dma_semaphore, #tpu.memory_space<semaphore_mem>>) src(%dma_wait3A_100 : memref<1000x8xf32, #tpu.memory_space<vmem_shared>>) dst(%arg9 : memref<1000x8xf32, #tpu.memory_space<vmem>>)
          tpu.yield
        }) : () -> ()
        %mul3A_91 = arith.constant 1000 : i32
        %mul3A_92 = arith.muli %add3A_62, %mul3A_91 : i32
        "tpu.region"() ({
          %run_scoped3A = tpu.sem_alloc : memref<!tpu.dma_semaphore, #tpu.memory_space<semaphore_mem>>
          %dma_start3A_93 = arith.constant 0 : i32
          %dma_start3A_94 = tpu.memref_slice %arg5[%mul3A_92, %dma_start3A_93] : memref<50000x8xf32, #tpu.memory_space<hbm>> -> memref<1000x8xf32, #tpu.memory_space<hbm>>
          %dma_start3A_95 = arith.constant 0 : i32
          %dma_start3A_96 = tpu.memref_slice %arg5[%mul3A_92, %dma_start3A_95] : memref<50000x8xf32, #tpu.memory_space<hbm>> -> memref<1000x8xf32, #tpu.memory_space<hbm>>
          tpu.enqueue_dma source(%arg9 : memref<1000x8xf32, #tpu.memory_space<vmem>>) target(%dma_start3A_96 : memref<1000x8xf32, #tpu.memory_space<hbm>>) target_semaphore(%run_scoped3A : memref<!tpu.dma_semaphore, #tpu.memory_space<semaphore_mem>>)
          %dma_wait3A_97 = arith.constant 0 : i32
          %dma_wait3A_98 = tpu.memref_slice %arg5[%mul3A_92, %dma_wait3A_97] : memref<50000x8xf32, #tpu.memory_space<hbm>> -> memref<1000x8xf32, #tpu.memory_space<hbm>>
          %dma_wait3A_99 = arith.constant 0 : i32
          %dma_wait3A_100 = tpu.memref_slice %arg5[%mul3A_92, %dma_wait3A_99] : memref<50000x8xf32, #tpu.memory_space<hbm>> -> memref<1000x8xf32, #tpu.memory_space<hbm>>
          tpu.wait_dma2 semaphore(%run_scoped3A : memref<!tpu.dma_semaphore, #tpu.memory_space<semaphore_mem>>) src(%arg9 : memref<1000x8xf32, #tpu.memory_space<vmem>>) dst(%dma_wait3A_100 : memref<1000x8xf32, #tpu.memory_space<hbm>>)
          tpu.yield
        }) : () -> ()
      } else {
      }
      %add3A_68 = arith.constant 16 : i32
      %add3A_69 = arith.addi %arg1, %add3A_68 : i32
      %lt3A_70 = arith.constant 50 : i32
      %lt3A_71 = arith.cmpi slt, %add3A_69, %lt3A_70 : i32
      %convert_element_type3A_72 = arith.extui %lt3A_71 : i1 to i32
      %cond3A_73 = arith.constant 0 : i32
      %cond3A_74 = arith.cmpi ne, %convert_element_type3A_72, %cond3A_73 : i32
      scf.if %cond3A_74 {
        %mul3A_89 = arith.constant 1000 : i32
        %mul3A_90 = arith.muli %add3A_69, %mul3A_89 : i32
        "tpu.region"() ({
          %run_scoped3A = tpu.sem_alloc : memref<!tpu.dma_semaphore, #tpu.memory_space<semaphore_mem>>
          %dma_start3A_93 = arith.constant 0 : i32
          %dma_start3A_94 = tpu.memref_slice %arg11[%mul3A_90, %dma_start3A_93] : memref<50008x8xf32, #tpu.memory_space<vmem_shared>> -> memref<1000x8xf32, #tpu.memory_space<vmem_shared>>
          %dma_start3A_95 = arith.constant 0 : i32
          %dma_start3A_96 = tpu.memref_slice %arg11[%mul3A_90, %dma_start3A_95] : memref<50008x8xf32, #tpu.memory_space<vmem_shared>> -> memref<1000x8xf32, #tpu.memory_space<vmem_shared>>
          tpu.enqueue_dma source(%dma_start3A_96 : memref<1000x8xf32, #tpu.memory_space<vmem_shared>>) target(%arg9 : memref<1000x8xf32, #tpu.memory_space<vmem>>) target_semaphore(%run_scoped3A : memref<!tpu.dma_semaphore, #tpu.memory_space<semaphore_mem>>)
          %dma_wait3A_97 = arith.constant 0 : i32
          %dma_wait3A_98 = tpu.memref_slice %arg11[%mul3A_90, %dma_wait3A_97] : memref<50008x8xf32, #tpu.memory_space<vmem_shared>> -> memref<1000x8xf32, #tpu.memory_space<vmem_shared>>
          %dma_wait3A_99 = arith.constant 0 : i32
          %dma_wait3A_100 = tpu.memref_slice %arg11[%mul3A_90, %dma_wait3A_99] : memref<50008x8xf32, #tpu.memory_space<vmem_shared>> -> memref<1000x8xf32, #tpu.memory_space<vmem_shared>>
          tpu.wait_dma2 semaphore(%run_scoped3A : memref<!tpu.dma_semaphore, #tpu.memory_space<semaphore_mem>>) src(%dma_wait3A_100 : memref<1000x8xf32, #tpu.memory_space<vmem_shared>>) dst(%arg9 : memref<1000x8xf32, #tpu.memory_space<vmem>>)
          tpu.yield
        }) : () -> ()
        %mul3A_91 = arith.constant 1000 : i32
        %mul3A_92 = arith.muli %add3A_69, %mul3A_91 : i32
        "tpu.region"() ({
          %run_scoped3A = tpu.sem_alloc : memref<!tpu.dma_semaphore, #tpu.memory_space<semaphore_mem>>
          %dma_start3A_93 = arith.constant 0 : i32
          %dma_start3A_94 = tpu.memref_slice %arg5[%mul3A_92, %dma_start3A_93] : memref<50000x8xf32, #tpu.memory_space<hbm>> -> memref<1000x8xf32, #tpu.memory_space<hbm>>
          %dma_start3A_95 = arith.constant 0 : i32
          %dma_start3A_96 = tpu.memref_slice %arg5[%mul3A_92, %dma_start3A_95] : memref<50000x8xf32, #tpu.memory_space<hbm>> -> memref<1000x8xf32, #tpu.memory_space<hbm>>
          tpu.enqueue_dma source(%arg9 : memref<1000x8xf32, #tpu.memory_space<vmem>>) target(%dma_start3A_96 : memref<1000x8xf32, #tpu.memory_space<hbm>>) target_semaphore(%run_scoped3A : memref<!tpu.dma_semaphore, #tpu.memory_space<semaphore_mem>>)
          %dma_wait3A_97 = arith.constant 0 : i32
          %dma_wait3A_98 = tpu.memref_slice %arg5[%mul3A_92, %dma_wait3A_97] : memref<50000x8xf32, #tpu.memory_space<hbm>> -> memref<1000x8xf32, #tpu.memory_space<hbm>>
          %dma_wait3A_99 = arith.constant 0 : i32
          %dma_wait3A_100 = tpu.memref_slice %arg5[%mul3A_92, %dma_wait3A_99] : memref<50000x8xf32, #tpu.memory_space<hbm>> -> memref<1000x8xf32, #tpu.memory_space<hbm>>
          tpu.wait_dma2 semaphore(%run_scoped3A : memref<!tpu.dma_semaphore, #tpu.memory_space<semaphore_mem>>) src(%arg9 : memref<1000x8xf32, #tpu.memory_space<vmem>>) dst(%dma_wait3A_100 : memref<1000x8xf32, #tpu.memory_space<hbm>>)
          tpu.yield
        }) : () -> ()
      } else {
      }
      %add3A_75 = arith.constant 32 : i32
      %add3A_76 = arith.addi %arg1, %add3A_75 : i32
      %lt3A_77 = arith.constant 50 : i32
      %lt3A_78 = arith.cmpi slt, %add3A_76, %lt3A_77 : i32
      %convert_element_type3A_79 = arith.extui %lt3A_78 : i1 to i32
      %cond3A_80 = arith.constant 0 : i32
      %cond3A_81 = arith.cmpi ne, %convert_element_type3A_79, %cond3A_80 : i32
      scf.if %cond3A_81 {
        %mul3A_89 = arith.constant 1000 : i32
        %mul3A_90 = arith.muli %add3A_76, %mul3A_89 : i32
        "tpu.region"() ({
          %run_scoped3A = tpu.sem_alloc : memref<!tpu.dma_semaphore, #tpu.memory_space<semaphore_mem>>
          %dma_start3A_93 = arith.constant 0 : i32
          %dma_start3A_94 = tpu.memref_slice %arg11[%mul3A_90, %dma_start3A_93] : memref<50008x8xf32, #tpu.memory_space<vmem_shared>> -> memref<1000x8xf32, #tpu.memory_space<vmem_shared>>
          %dma_start3A_95 = arith.constant 0 : i32
          %dma_start3A_96 = tpu.memref_slice %arg11[%mul3A_90, %dma_start3A_95] : memref<50008x8xf32, #tpu.memory_space<vmem_shared>> -> memref<1000x8xf32, #tpu.memory_space<vmem_shared>>
          tpu.enqueue_dma source(%dma_start3A_96 : memref<1000x8xf32, #tpu.memory_space<vmem_shared>>) target(%arg9 : memref<1000x8xf32, #tpu.memory_space<vmem>>) target_semaphore(%run_scoped3A : memref<!tpu.dma_semaphore, #tpu.memory_space<semaphore_mem>>)
          %dma_wait3A_97 = arith.constant 0 : i32
          %dma_wait3A_98 = tpu.memref_slice %arg11[%mul3A_90, %dma_wait3A_97] : memref<50008x8xf32, #tpu.memory_space<vmem_shared>> -> memref<1000x8xf32, #tpu.memory_space<vmem_shared>>
          %dma_wait3A_99 = arith.constant 0 : i32
          %dma_wait3A_100 = tpu.memref_slice %arg11[%mul3A_90, %dma_wait3A_99] : memref<50008x8xf32, #tpu.memory_space<vmem_shared>> -> memref<1000x8xf32, #tpu.memory_space<vmem_shared>>
          tpu.wait_dma2 semaphore(%run_scoped3A : memref<!tpu.dma_semaphore, #tpu.memory_space<semaphore_mem>>) src(%dma_wait3A_100 : memref<1000x8xf32, #tpu.memory_space<vmem_shared>>) dst(%arg9 : memref<1000x8xf32, #tpu.memory_space<vmem>>)
          tpu.yield
        }) : () -> ()
        %mul3A_91 = arith.constant 1000 : i32
        %mul3A_92 = arith.muli %add3A_76, %mul3A_91 : i32
        "tpu.region"() ({
          %run_scoped3A = tpu.sem_alloc : memref<!tpu.dma_semaphore, #tpu.memory_space<semaphore_mem>>
          %dma_start3A_93 = arith.constant 0 : i32
          %dma_start3A_94 = tpu.memref_slice %arg5[%mul3A_92, %dma_start3A_93] : memref<50000x8xf32, #tpu.memory_space<hbm>> -> memref<1000x8xf32, #tpu.memory_space<hbm>>
          %dma_start3A_95 = arith.constant 0 : i32
          %dma_start3A_96 = tpu.memref_slice %arg5[%mul3A_92, %dma_start3A_95] : memref<50000x8xf32, #tpu.memory_space<hbm>> -> memref<1000x8xf32, #tpu.memory_space<hbm>>
          tpu.enqueue_dma source(%arg9 : memref<1000x8xf32, #tpu.memory_space<vmem>>) target(%dma_start3A_96 : memref<1000x8xf32, #tpu.memory_space<hbm>>) target_semaphore(%run_scoped3A : memref<!tpu.dma_semaphore, #tpu.memory_space<semaphore_mem>>)
          %dma_wait3A_97 = arith.constant 0 : i32
          %dma_wait3A_98 = tpu.memref_slice %arg5[%mul3A_92, %dma_wait3A_97] : memref<50000x8xf32, #tpu.memory_space<hbm>> -> memref<1000x8xf32, #tpu.memory_space<hbm>>
          %dma_wait3A_99 = arith.constant 0 : i32
          %dma_wait3A_100 = tpu.memref_slice %arg5[%mul3A_92, %dma_wait3A_99] : memref<50000x8xf32, #tpu.memory_space<hbm>> -> memref<1000x8xf32, #tpu.memory_space<hbm>>
          tpu.wait_dma2 semaphore(%run_scoped3A : memref<!tpu.dma_semaphore, #tpu.memory_space<semaphore_mem>>) src(%arg9 : memref<1000x8xf32, #tpu.memory_space<vmem>>) dst(%dma_wait3A_100 : memref<1000x8xf32, #tpu.memory_space<hbm>>)
          tpu.yield
        }) : () -> ()
      } else {
      }
      %add3A_82 = arith.constant 48 : i32
      %add3A_83 = arith.addi %arg1, %add3A_82 : i32
      %lt3A_84 = arith.constant 50 : i32
      %lt3A_85 = arith.cmpi slt, %add3A_83, %lt3A_84 : i32
      %convert_element_type3A_86 = arith.extui %lt3A_85 : i1 to i32
      %cond3A_87 = arith.constant 0 : i32
      %cond3A_88 = arith.cmpi ne, %convert_element_type3A_86, %cond3A_87 : i32
      scf.if %cond3A_88 {
        %mul3A_89 = arith.constant 1000 : i32
        %mul3A_90 = arith.muli %add3A_83, %mul3A_89 : i32
        "tpu.region"() ({
          %run_scoped3A = tpu.sem_alloc : memref<!tpu.dma_semaphore, #tpu.memory_space<semaphore_mem>>
          %dma_start3A_93 = arith.constant 0 : i32
          %dma_start3A_94 = tpu.memref_slice %arg11[%mul3A_90, %dma_start3A_93] : memref<50008x8xf32, #tpu.memory_space<vmem_shared>> -> memref<1000x8xf32, #tpu.memory_space<vmem_shared>>
          %dma_start3A_95 = arith.constant 0 : i32
          %dma_start3A_96 = tpu.memref_slice %arg11[%mul3A_90, %dma_start3A_95] : memref<50008x8xf32, #tpu.memory_space<vmem_shared>> -> memref<1000x8xf32, #tpu.memory_space<vmem_shared>>
          tpu.enqueue_dma source(%dma_start3A_96 : memref<1000x8xf32, #tpu.memory_space<vmem_shared>>) target(%arg9 : memref<1000x8xf32, #tpu.memory_space<vmem>>) target_semaphore(%run_scoped3A : memref<!tpu.dma_semaphore, #tpu.memory_space<semaphore_mem>>)
          %dma_wait3A_97 = arith.constant 0 : i32
          %dma_wait3A_98 = tpu.memref_slice %arg11[%mul3A_90, %dma_wait3A_97] : memref<50008x8xf32, #tpu.memory_space<vmem_shared>> -> memref<1000x8xf32, #tpu.memory_space<vmem_shared>>
          %dma_wait3A_99 = arith.constant 0 : i32
          %dma_wait3A_100 = tpu.memref_slice %arg11[%mul3A_90, %dma_wait3A_99] : memref<50008x8xf32, #tpu.memory_space<vmem_shared>> -> memref<1000x8xf32, #tpu.memory_space<vmem_shared>>
          tpu.wait_dma2 semaphore(%run_scoped3A : memref<!tpu.dma_semaphore, #tpu.memory_space<semaphore_mem>>) src(%dma_wait3A_100 : memref<1000x8xf32, #tpu.memory_space<vmem_shared>>) dst(%arg9 : memref<1000x8xf32, #tpu.memory_space<vmem>>)
          tpu.yield
        }) : () -> ()
        %mul3A_91 = arith.constant 1000 : i32
        %mul3A_92 = arith.muli %add3A_83, %mul3A_91 : i32
        "tpu.region"() ({
          %run_scoped3A = tpu.sem_alloc : memref<!tpu.dma_semaphore, #tpu.memory_space<semaphore_mem>>
          %dma_start3A_93 = arith.constant 0 : i32
          %dma_start3A_94 = tpu.memref_slice %arg5[%mul3A_92, %dma_start3A_93] : memref<50000x8xf32, #tpu.memory_space<hbm>> -> memref<1000x8xf32, #tpu.memory_space<hbm>>
          %dma_start3A_95 = arith.constant 0 : i32
          %dma_start3A_96 = tpu.memref_slice %arg5[%mul3A_92, %dma_start3A_95] : memref<50000x8xf32, #tpu.memory_space<hbm>> -> memref<1000x8xf32, #tpu.memory_space<hbm>>
          tpu.enqueue_dma source(%arg9 : memref<1000x8xf32, #tpu.memory_space<vmem>>) target(%dma_start3A_96 : memref<1000x8xf32, #tpu.memory_space<hbm>>) target_semaphore(%run_scoped3A : memref<!tpu.dma_semaphore, #tpu.memory_space<semaphore_mem>>)
          %dma_wait3A_97 = arith.constant 0 : i32
          %dma_wait3A_98 = tpu.memref_slice %arg5[%mul3A_92, %dma_wait3A_97] : memref<50000x8xf32, #tpu.memory_space<hbm>> -> memref<1000x8xf32, #tpu.memory_space<hbm>>
          %dma_wait3A_99 = arith.constant 0 : i32
          %dma_wait3A_100 = tpu.memref_slice %arg5[%mul3A_92, %dma_wait3A_99] : memref<50000x8xf32, #tpu.memory_space<hbm>> -> memref<1000x8xf32, #tpu.memory_space<hbm>>
          tpu.wait_dma2 semaphore(%run_scoped3A : memref<!tpu.dma_semaphore, #tpu.memory_space<semaphore_mem>>) src(%arg9 : memref<1000x8xf32, #tpu.memory_space<vmem>>) dst(%dma_wait3A_100 : memref<1000x8xf32, #tpu.memory_space<hbm>>)
          tpu.yield
        }) : () -> ()
      } else {
      }
    } else {
    }
    %eq3A_56 = arith.constant 1 : i32
    %eq3A_57 = arith.cmpi eq, %arg0, %eq3A_56 : i32
    %convert_element_type3A_58 = arith.extui %eq3A_57 : i1 to i32
    %cond3A_59 = arith.constant 0 : i32
    %cond3A_60 = arith.cmpi ne, %convert_element_type3A_58, %cond3A_59 : i32
    scf.if %cond3A_60 {
      %add3A_61 = arith.constant 0 : i32
      %add3A_62 = arith.addi %arg1, %add3A_61 : i32
      %lt3A_63 = arith.constant 50 : i32
      %lt3A_64 = arith.cmpi slt, %add3A_62, %lt3A_63 : i32
      %convert_element_type3A_65 = arith.extui %lt3A_64 : i1 to i32
      %cond3A_66 = arith.constant 0 : i32
      %cond3A_67 = arith.cmpi ne, %convert_element_type3A_65, %cond3A_66 : i32
      scf.if %cond3A_67 {
        %mul3A_89 = arith.constant 1000 : i32
        %mul3A_90 = arith.muli %add3A_62, %mul3A_89 : i32
        "tpu.region"() ({
          %run_scoped3A = tpu.sem_alloc : memref<!tpu.dma_semaphore, #tpu.memory_space<semaphore_mem>>
          %dma_start3A_93 = arith.constant 0 : i32
          %dma_start3A_94 = tpu.memref_slice %arg11[%mul3A_90, %dma_start3A_93] : memref<50008x8xf32, #tpu.memory_space<vmem_shared>> -> memref<1000x8xf32, #tpu.memory_space<vmem_shared>>
          %dma_start3A_95 = arith.constant 0 : i32
          %dma_start3A_96 = tpu.memref_slice %arg11[%mul3A_90, %dma_start3A_95] : memref<50008x8xf32, #tpu.memory_space<vmem_shared>> -> memref<1000x8xf32, #tpu.memory_space<vmem_shared>>
          tpu.enqueue_dma source(%dma_start3A_96 : memref<1000x8xf32, #tpu.memory_space<vmem_shared>>) target(%arg9 : memref<1000x8xf32, #tpu.memory_space<vmem>>) target_semaphore(%run_scoped3A : memref<!tpu.dma_semaphore, #tpu.memory_space<semaphore_mem>>)
          %dma_wait3A_97 = arith.constant 0 : i32
          %dma_wait3A_98 = tpu.memref_slice %arg11[%mul3A_90, %dma_wait3A_97] : memref<50008x8xf32, #tpu.memory_space<vmem_shared>> -> memref<1000x8xf32, #tpu.memory_space<vmem_shared>>
          %dma_wait3A_99 = arith.constant 0 : i32
          %dma_wait3A_100 = tpu.memref_slice %arg11[%mul3A_90, %dma_wait3A_99] : memref<50008x8xf32, #tpu.memory_space<vmem_shared>> -> memref<1000x8xf32, #tpu.memory_space<vmem_shared>>
          tpu.wait_dma2 semaphore(%run_scoped3A : memref<!tpu.dma_semaphore, #tpu.memory_space<semaphore_mem>>) src(%dma_wait3A_100 : memref<1000x8xf32, #tpu.memory_space<vmem_shared>>) dst(%arg9 : memref<1000x8xf32, #tpu.memory_space<vmem>>)
          tpu.yield
        }) : () -> ()
        %mul3A_91 = arith.constant 1000 : i32
        %mul3A_92 = arith.muli %add3A_62, %mul3A_91 : i32
        "tpu.region"() ({
          %run_scoped3A = tpu.sem_alloc : memref<!tpu.dma_semaphore, #tpu.memory_space<semaphore_mem>>
          %dma_start3A_93 = arith.constant 0 : i32
          %dma_start3A_94 = tpu.memref_slice %arg6[%mul3A_92, %dma_start3A_93] : memref<50000x8xf32, #tpu.memory_space<hbm>> -> memref<1000x8xf32, #tpu.memory_space<hbm>>
          %dma_start3A_95 = arith.constant 0 : i32
          %dma_start3A_96 = tpu.memref_slice %arg6[%mul3A_92, %dma_start3A_95] : memref<50000x8xf32, #tpu.memory_space<hbm>> -> memref<1000x8xf32, #tpu.memory_space<hbm>>
          tpu.enqueue_dma source(%arg9 : memref<1000x8xf32, #tpu.memory_space<vmem>>) target(%dma_start3A_96 : memref<1000x8xf32, #tpu.memory_space<hbm>>) target_semaphore(%run_scoped3A : memref<!tpu.dma_semaphore, #tpu.memory_space<semaphore_mem>>)
          %dma_wait3A_97 = arith.constant 0 : i32
          %dma_wait3A_98 = tpu.memref_slice %arg6[%mul3A_92, %dma_wait3A_97] : memref<50000x8xf32, #tpu.memory_space<hbm>> -> memref<1000x8xf32, #tpu.memory_space<hbm>>
          %dma_wait3A_99 = arith.constant 0 : i32
          %dma_wait3A_100 = tpu.memref_slice %arg6[%mul3A_92, %dma_wait3A_99] : memref<50000x8xf32, #tpu.memory_space<hbm>> -> memref<1000x8xf32, #tpu.memory_space<hbm>>
          tpu.wait_dma2 semaphore(%run_scoped3A : memref<!tpu.dma_semaphore, #tpu.memory_space<semaphore_mem>>) src(%arg9 : memref<1000x8xf32, #tpu.memory_space<vmem>>) dst(%dma_wait3A_100 : memref<1000x8xf32, #tpu.memory_space<hbm>>)
          tpu.yield
        }) : () -> ()
      } else {
      }
      %add3A_68 = arith.constant 16 : i32
      %add3A_69 = arith.addi %arg1, %add3A_68 : i32
      %lt3A_70 = arith.constant 50 : i32
      %lt3A_71 = arith.cmpi slt, %add3A_69, %lt3A_70 : i32
      %convert_element_type3A_72 = arith.extui %lt3A_71 : i1 to i32
      %cond3A_73 = arith.constant 0 : i32
      %cond3A_74 = arith.cmpi ne, %convert_element_type3A_72, %cond3A_73 : i32
      scf.if %cond3A_74 {
        %mul3A_89 = arith.constant 1000 : i32
        %mul3A_90 = arith.muli %add3A_69, %mul3A_89 : i32
        "tpu.region"() ({
          %run_scoped3A = tpu.sem_alloc : memref<!tpu.dma_semaphore, #tpu.memory_space<semaphore_mem>>
          %dma_start3A_93 = arith.constant 0 : i32
          %dma_start3A_94 = tpu.memref_slice %arg11[%mul3A_90, %dma_start3A_93] : memref<50008x8xf32, #tpu.memory_space<vmem_shared>> -> memref<1000x8xf32, #tpu.memory_space<vmem_shared>>
          %dma_start3A_95 = arith.constant 0 : i32
          %dma_start3A_96 = tpu.memref_slice %arg11[%mul3A_90, %dma_start3A_95] : memref<50008x8xf32, #tpu.memory_space<vmem_shared>> -> memref<1000x8xf32, #tpu.memory_space<vmem_shared>>
          tpu.enqueue_dma source(%dma_start3A_96 : memref<1000x8xf32, #tpu.memory_space<vmem_shared>>) target(%arg9 : memref<1000x8xf32, #tpu.memory_space<vmem>>) target_semaphore(%run_scoped3A : memref<!tpu.dma_semaphore, #tpu.memory_space<semaphore_mem>>)
          %dma_wait3A_97 = arith.constant 0 : i32
          %dma_wait3A_98 = tpu.memref_slice %arg11[%mul3A_90, %dma_wait3A_97] : memref<50008x8xf32, #tpu.memory_space<vmem_shared>> -> memref<1000x8xf32, #tpu.memory_space<vmem_shared>>
          %dma_wait3A_99 = arith.constant 0 : i32
          %dma_wait3A_100 = tpu.memref_slice %arg11[%mul3A_90, %dma_wait3A_99] : memref<50008x8xf32, #tpu.memory_space<vmem_shared>> -> memref<1000x8xf32, #tpu.memory_space<vmem_shared>>
          tpu.wait_dma2 semaphore(%run_scoped3A : memref<!tpu.dma_semaphore, #tpu.memory_space<semaphore_mem>>) src(%dma_wait3A_100 : memref<1000x8xf32, #tpu.memory_space<vmem_shared>>) dst(%arg9 : memref<1000x8xf32, #tpu.memory_space<vmem>>)
          tpu.yield
        }) : () -> ()
        %mul3A_91 = arith.constant 1000 : i32
        %mul3A_92 = arith.muli %add3A_69, %mul3A_91 : i32
        "tpu.region"() ({
          %run_scoped3A = tpu.sem_alloc : memref<!tpu.dma_semaphore, #tpu.memory_space<semaphore_mem>>
          %dma_start3A_93 = arith.constant 0 : i32
          %dma_start3A_94 = tpu.memref_slice %arg6[%mul3A_92, %dma_start3A_93] : memref<50000x8xf32, #tpu.memory_space<hbm>> -> memref<1000x8xf32, #tpu.memory_space<hbm>>
          %dma_start3A_95 = arith.constant 0 : i32
          %dma_start3A_96 = tpu.memref_slice %arg6[%mul3A_92, %dma_start3A_95] : memref<50000x8xf32, #tpu.memory_space<hbm>> -> memref<1000x8xf32, #tpu.memory_space<hbm>>
          tpu.enqueue_dma source(%arg9 : memref<1000x8xf32, #tpu.memory_space<vmem>>) target(%dma_start3A_96 : memref<1000x8xf32, #tpu.memory_space<hbm>>) target_semaphore(%run_scoped3A : memref<!tpu.dma_semaphore, #tpu.memory_space<semaphore_mem>>)
          %dma_wait3A_97 = arith.constant 0 : i32
          %dma_wait3A_98 = tpu.memref_slice %arg6[%mul3A_92, %dma_wait3A_97] : memref<50000x8xf32, #tpu.memory_space<hbm>> -> memref<1000x8xf32, #tpu.memory_space<hbm>>
          %dma_wait3A_99 = arith.constant 0 : i32
          %dma_wait3A_100 = tpu.memref_slice %arg6[%mul3A_92, %dma_wait3A_99] : memref<50000x8xf32, #tpu.memory_space<hbm>> -> memref<1000x8xf32, #tpu.memory_space<hbm>>
          tpu.wait_dma2 semaphore(%run_scoped3A : memref<!tpu.dma_semaphore, #tpu.memory_space<semaphore_mem>>) src(%arg9 : memref<1000x8xf32, #tpu.memory_space<vmem>>) dst(%dma_wait3A_100 : memref<1000x8xf32, #tpu.memory_space<hbm>>)
          tpu.yield
        }) : () -> ()
      } else {
      }
      %add3A_75 = arith.constant 32 : i32
      %add3A_76 = arith.addi %arg1, %add3A_75 : i32
      %lt3A_77 = arith.constant 50 : i32
      %lt3A_78 = arith.cmpi slt, %add3A_76, %lt3A_77 : i32
      %convert_element_type3A_79 = arith.extui %lt3A_78 : i1 to i32
      %cond3A_80 = arith.constant 0 : i32
      %cond3A_81 = arith.cmpi ne, %convert_element_type3A_79, %cond3A_80 : i32
      scf.if %cond3A_81 {
        %mul3A_89 = arith.constant 1000 : i32
        %mul3A_90 = arith.muli %add3A_76, %mul3A_89 : i32
        "tpu.region"() ({
          %run_scoped3A = tpu.sem_alloc : memref<!tpu.dma_semaphore, #tpu.memory_space<semaphore_mem>>
          %dma_start3A_93 = arith.constant 0 : i32
          %dma_start3A_94 = tpu.memref_slice %arg11[%mul3A_90, %dma_start3A_93] : memref<50008x8xf32, #tpu.memory_space<vmem_shared>> -> memref<1000x8xf32, #tpu.memory_space<vmem_shared>>
          %dma_start3A_95 = arith.constant 0 : i32
          %dma_start3A_96 = tpu.memref_slice %arg11[%mul3A_90, %dma_start3A_95] : memref<50008x8xf32, #tpu.memory_space<vmem_shared>> -> memref<1000x8xf32, #tpu.memory_space<vmem_shared>>
          tpu.enqueue_dma source(%dma_start3A_96 : memref<1000x8xf32, #tpu.memory_space<vmem_shared>>) target(%arg9 : memref<1000x8xf32, #tpu.memory_space<vmem>>) target_semaphore(%run_scoped3A : memref<!tpu.dma_semaphore, #tpu.memory_space<semaphore_mem>>)
          %dma_wait3A_97 = arith.constant 0 : i32
          %dma_wait3A_98 = tpu.memref_slice %arg11[%mul3A_90, %dma_wait3A_97] : memref<50008x8xf32, #tpu.memory_space<vmem_shared>> -> memref<1000x8xf32, #tpu.memory_space<vmem_shared>>
          %dma_wait3A_99 = arith.constant 0 : i32
          %dma_wait3A_100 = tpu.memref_slice %arg11[%mul3A_90, %dma_wait3A_99] : memref<50008x8xf32, #tpu.memory_space<vmem_shared>> -> memref<1000x8xf32, #tpu.memory_space<vmem_shared>>
          tpu.wait_dma2 semaphore(%run_scoped3A : memref<!tpu.dma_semaphore, #tpu.memory_space<semaphore_mem>>) src(%dma_wait3A_100 : memref<1000x8xf32, #tpu.memory_space<vmem_shared>>) dst(%arg9 : memref<1000x8xf32, #tpu.memory_space<vmem>>)
          tpu.yield
        }) : () -> ()
        %mul3A_91 = arith.constant 1000 : i32
        %mul3A_92 = arith.muli %add3A_76, %mul3A_91 : i32
        "tpu.region"() ({
          %run_scoped3A = tpu.sem_alloc : memref<!tpu.dma_semaphore, #tpu.memory_space<semaphore_mem>>
          %dma_start3A_93 = arith.constant 0 : i32
          %dma_start3A_94 = tpu.memref_slice %arg6[%mul3A_92, %dma_start3A_93] : memref<50000x8xf32, #tpu.memory_space<hbm>> -> memref<1000x8xf32, #tpu.memory_space<hbm>>
          %dma_start3A_95 = arith.constant 0 : i32
          %dma_start3A_96 = tpu.memref_slice %arg6[%mul3A_92, %dma_start3A_95] : memref<50000x8xf32, #tpu.memory_space<hbm>> -> memref<1000x8xf32, #tpu.memory_space<hbm>>
          tpu.enqueue_dma source(%arg9 : memref<1000x8xf32, #tpu.memory_space<vmem>>) target(%dma_start3A_96 : memref<1000x8xf32, #tpu.memory_space<hbm>>) target_semaphore(%run_scoped3A : memref<!tpu.dma_semaphore, #tpu.memory_space<semaphore_mem>>)
          %dma_wait3A_97 = arith.constant 0 : i32
          %dma_wait3A_98 = tpu.memref_slice %arg6[%mul3A_92, %dma_wait3A_97] : memref<50000x8xf32, #tpu.memory_space<hbm>> -> memref<1000x8xf32, #tpu.memory_space<hbm>>
          %dma_wait3A_99 = arith.constant 0 : i32
          %dma_wait3A_100 = tpu.memref_slice %arg6[%mul3A_92, %dma_wait3A_99] : memref<50000x8xf32, #tpu.memory_space<hbm>> -> memref<1000x8xf32, #tpu.memory_space<hbm>>
          tpu.wait_dma2 semaphore(%run_scoped3A : memref<!tpu.dma_semaphore, #tpu.memory_space<semaphore_mem>>) src(%arg9 : memref<1000x8xf32, #tpu.memory_space<vmem>>) dst(%dma_wait3A_100 : memref<1000x8xf32, #tpu.memory_space<hbm>>)
          tpu.yield
        }) : () -> ()
      } else {
      }
      %add3A_82 = arith.constant 48 : i32
      %add3A_83 = arith.addi %arg1, %add3A_82 : i32
      %lt3A_84 = arith.constant 50 : i32
      %lt3A_85 = arith.cmpi slt, %add3A_83, %lt3A_84 : i32
      %convert_element_type3A_86 = arith.extui %lt3A_85 : i1 to i32
      %cond3A_87 = arith.constant 0 : i32
      %cond3A_88 = arith.cmpi ne, %convert_element_type3A_86, %cond3A_87 : i32
      scf.if %cond3A_88 {
        %mul3A_89 = arith.constant 1000 : i32
        %mul3A_90 = arith.muli %add3A_83, %mul3A_89 : i32
        "tpu.region"() ({
          %run_scoped3A = tpu.sem_alloc : memref<!tpu.dma_semaphore, #tpu.memory_space<semaphore_mem>>
          %dma_start3A_93 = arith.constant 0 : i32
          %dma_start3A_94 = tpu.memref_slice %arg11[%mul3A_90, %dma_start3A_93] : memref<50008x8xf32, #tpu.memory_space<vmem_shared>> -> memref<1000x8xf32, #tpu.memory_space<vmem_shared>>
          %dma_start3A_95 = arith.constant 0 : i32
          %dma_start3A_96 = tpu.memref_slice %arg11[%mul3A_90, %dma_start3A_95] : memref<50008x8xf32, #tpu.memory_space<vmem_shared>> -> memref<1000x8xf32, #tpu.memory_space<vmem_shared>>
          tpu.enqueue_dma source(%dma_start3A_96 : memref<1000x8xf32, #tpu.memory_space<vmem_shared>>) target(%arg9 : memref<1000x8xf32, #tpu.memory_space<vmem>>) target_semaphore(%run_scoped3A : memref<!tpu.dma_semaphore, #tpu.memory_space<semaphore_mem>>)
          %dma_wait3A_97 = arith.constant 0 : i32
          %dma_wait3A_98 = tpu.memref_slice %arg11[%mul3A_90, %dma_wait3A_97] : memref<50008x8xf32, #tpu.memory_space<vmem_shared>> -> memref<1000x8xf32, #tpu.memory_space<vmem_shared>>
          %dma_wait3A_99 = arith.constant 0 : i32
          %dma_wait3A_100 = tpu.memref_slice %arg11[%mul3A_90, %dma_wait3A_99] : memref<50008x8xf32, #tpu.memory_space<vmem_shared>> -> memref<1000x8xf32, #tpu.memory_space<vmem_shared>>
          tpu.wait_dma2 semaphore(%run_scoped3A : memref<!tpu.dma_semaphore, #tpu.memory_space<semaphore_mem>>) src(%dma_wait3A_100 : memref<1000x8xf32, #tpu.memory_space<vmem_shared>>) dst(%arg9 : memref<1000x8xf32, #tpu.memory_space<vmem>>)
          tpu.yield
        }) : () -> ()
        %mul3A_91 = arith.constant 1000 : i32
        %mul3A_92 = arith.muli %add3A_83, %mul3A_91 : i32
        "tpu.region"() ({
          %run_scoped3A = tpu.sem_alloc : memref<!tpu.dma_semaphore, #tpu.memory_space<semaphore_mem>>
          %dma_start3A_93 = arith.constant 0 : i32
          %dma_start3A_94 = tpu.memref_slice %arg6[%mul3A_92, %dma_start3A_93] : memref<50000x8xf32, #tpu.memory_space<hbm>> -> memref<1000x8xf32, #tpu.memory_space<hbm>>
          %dma_start3A_95 = arith.constant 0 : i32
          %dma_start3A_96 = tpu.memref_slice %arg6[%mul3A_92, %dma_start3A_95] : memref<50000x8xf32, #tpu.memory_space<hbm>> -> memref<1000x8xf32, #tpu.memory_space<hbm>>
          tpu.enqueue_dma source(%arg9 : memref<1000x8xf32, #tpu.memory_space<vmem>>) target(%dma_start3A_96 : memref<1000x8xf32, #tpu.memory_space<hbm>>) target_semaphore(%run_scoped3A : memref<!tpu.dma_semaphore, #tpu.memory_space<semaphore_mem>>)
          %dma_wait3A_97 = arith.constant 0 : i32
          %dma_wait3A_98 = tpu.memref_slice %arg6[%mul3A_92, %dma_wait3A_97] : memref<50000x8xf32, #tpu.memory_space<hbm>> -> memref<1000x8xf32, #tpu.memory_space<hbm>>
          %dma_wait3A_99 = arith.constant 0 : i32
          %dma_wait3A_100 = tpu.memref_slice %arg6[%mul3A_92, %dma_wait3A_99] : memref<50000x8xf32, #tpu.memory_space<hbm>> -> memref<1000x8xf32, #tpu.memory_space<hbm>>
          tpu.wait_dma2 semaphore(%run_scoped3A : memref<!tpu.dma_semaphore, #tpu.memory_space<semaphore_mem>>) src(%arg9 : memref<1000x8xf32, #tpu.memory_space<vmem>>) dst(%dma_wait3A_100 : memref<1000x8xf32, #tpu.memory_space<hbm>>)
          tpu.yield
        }) : () -> ()
      } else {
      }
    } else {
    }
    return
  }
}

module attributes {stable_mosaic.version = 14 : i64} {
  func.func @_dense1_body(%arg0: i32, %arg1: memref<2000x32xbf16, #tpu.memory_space<vmem>>, %arg2: memref<2000x32xbf16, #tpu.memory_space<vmem>>, %arg3: memref<2000x8xf32, #tpu.memory_space<vmem>>, %arg4: memref<2000x8xf32, #tpu.memory_space<vmem>>, %arg5: memref<2000x64xf32, #tpu.memory_space<vmem>>, %arg6: memref<32x64xf32, #tpu.memory_space<vmem>>, %arg7: memref<32x64xf32, #tpu.memory_space<vmem>>, %arg8: memref<64x64xf32, #tpu.memory_space<vmem>>, %arg9: memref<8x64xf32, #tpu.memory_space<vmem>>, %arg10: memref<64x16xf32, #tpu.memory_space<vmem>>, %arg11: memref<64x16xf32, #tpu.memory_space<vmem>>, %arg12: memref<8x16xf32, #tpu.memory_space<vmem>>, %arg13: memref<2000x16xf32, #tpu.memory_space<vmem>>, %arg14: memref<2000x16xf32, #tpu.memory_space<vmem>>) attributes {dimension_semantics = [#tpu.dimension_semantics<arbitrary>], iteration_bounds = array<i64: 25>, scalar_prefetch = 0 : i64, scratch_operands = 0 : i64, tpu.core_type = #tpu.core_type<tc>, window_params = [{transform_indices = @transform_0, window_bounds = array<i64: 2000, 32>}, {transform_indices = @transform_1, window_bounds = array<i64: 2000, 32>}, {transform_indices = @transform_2, window_bounds = array<i64: 2000, 8>}, {transform_indices = @transform_3, window_bounds = array<i64: 2000, 8>}, {transform_indices = @transform_4, window_bounds = array<i64: 2000, 64>}, {pipeline_mode = #tpu.pipeline_mode<synchronous>, transform_indices = @transform_5, window_bounds = array<i64: 32, 64>}, {pipeline_mode = #tpu.pipeline_mode<synchronous>, transform_indices = @transform_6, window_bounds = array<i64: 32, 64>}, {pipeline_mode = #tpu.pipeline_mode<synchronous>, transform_indices = @transform_7, window_bounds = array<i64: 64, 64>}, {pipeline_mode = #tpu.pipeline_mode<synchronous>, transform_indices = @transform_8, window_bounds = array<i64: 8, 64>}, {pipeline_mode = #tpu.pipeline_mode<synchronous>, transform_indices = @transform_9, window_bounds = array<i64: 64, 16>}, {pipeline_mode = #tpu.pipeline_mode<synchronous>, transform_indices = @transform_10, window_bounds = array<i64: 64, 16>}, {pipeline_mode = #tpu.pipeline_mode<synchronous>, transform_indices = @transform_11, window_bounds = array<i64: 8, 16>}, {transform_indices = @transform_12, window_bounds = array<i64: 2000, 16>}, {transform_indices = @transform_13, window_bounds = array<i64: 2000, 16>}]} {
    %get3A = arith.constant 0 : index
    %get3A_0 = arith.constant 0 : index
    %get3A_1 = vector.load %arg3[%get3A, %get3A_0] : memref<2000x8xf32, #tpu.memory_space<vmem>>, vector<2000x1xf32>
    %get3A_2 = arith.constant 0 : index
    %get3A_3 = arith.constant 0 : index
    %get3A_4 = vector.load %arg4[%get3A_2, %get3A_3] : memref<2000x8xf32, #tpu.memory_space<vmem>>, vector<2000x1xf32>
    %add3A = arith.addf %get3A_1, %get3A_4 : vector<2000x1xf32>
    %max3A = arith.constant 1.000000e+00 : f32
    %max3A_5 = vector.broadcast %max3A : f32 to vector<2000x1xf32>
    %max3A_6 = arith.maximumf %add3A, %max3A_5 : vector<2000x1xf32>
    %div3A = arith.constant 1.000000e+00 : f32
    %div3A_7 = vector.broadcast %div3A : f32 to vector<2000x1xf32>
    %div3A_8 = arith.divf %div3A_7, %max3A_6 : vector<2000x1xf32>
    %get3A_9 = arith.constant 0 : index
    %get3A_10 = arith.constant 0 : index
    %get3A_11 = vector.load %arg1[%get3A_9, %get3A_10] : memref<2000x32xbf16, #tpu.memory_space<vmem>>, vector<2000x32xbf16>
    %convert_element_type3A = arith.extf %get3A_11 : vector<2000x32xbf16> to vector<2000x32xf32>
    %mul3A = vector.broadcast %div3A_8 : vector<2000x1xf32> to vector<2000x32xf32>
    %mul3A_12 = arith.mulf %convert_element_type3A, %mul3A : vector<2000x32xf32>
    %get3A_13 = arith.constant 0 : index
    %get3A_14 = arith.constant 0 : index
    %get3A_15 = vector.load %arg6[%get3A_13, %get3A_14] : memref<32x64xf32, #tpu.memory_space<vmem>>, vector<32x64xf32>
    %dot_general3A = arith.constant dense<0.000000e+00> : vector<2000x64xf32>
    %dot_general3A_16 = tpu.matmul %mul3A_12, %get3A_15, %dot_general3A {dimension_numbers = #tpu.dot_dimension_numbers<[1], [0], [0], [1], [0, 0, 1, 1], [], []>, transpose_lhs_hint = false} : vector<2000x32xf32>, vector<32x64xf32>, vector<2000x64xf32> -> vector<2000x64xf32>
    %get3A_17 = arith.constant 0 : index
    %get3A_18 = arith.constant 0 : index
    %get3A_19 = vector.load %arg2[%get3A_17, %get3A_18] : memref<2000x32xbf16, #tpu.memory_space<vmem>>, vector<2000x32xbf16>
    %convert_element_type3A_20 = arith.extf %get3A_19 : vector<2000x32xbf16> to vector<2000x32xf32>
    %mul3A_21 = vector.broadcast %div3A_8 : vector<2000x1xf32> to vector<2000x32xf32>
    %mul3A_22 = arith.mulf %convert_element_type3A_20, %mul3A_21 : vector<2000x32xf32>
    %get3A_23 = arith.constant 0 : index
    %get3A_24 = arith.constant 0 : index
    %get3A_25 = vector.load %arg7[%get3A_23, %get3A_24] : memref<32x64xf32, #tpu.memory_space<vmem>>, vector<32x64xf32>
    %dot_general3A_26 = arith.constant dense<0.000000e+00> : vector<2000x64xf32>
    %dot_general3A_27 = tpu.matmul %mul3A_22, %get3A_25, %dot_general3A_26 {dimension_numbers = #tpu.dot_dimension_numbers<[1], [0], [0], [1], [0, 0, 1, 1], [], []>, transpose_lhs_hint = false} : vector<2000x32xf32>, vector<32x64xf32>, vector<2000x64xf32> -> vector<2000x64xf32>
    %add3A_28 = arith.addf %dot_general3A_16, %dot_general3A_27 : vector<2000x64xf32>
    %get3A_29 = arith.constant 0 : index
    %get3A_30 = arith.constant 0 : index
    %get3A_31 = vector.load %arg5[%get3A_29, %get3A_30] : memref<2000x64xf32, #tpu.memory_space<vmem>>, vector<2000x64xf32>
    %get3A_32 = arith.constant 0 : index
    %get3A_33 = arith.constant 0 : index
    %get3A_34 = vector.load %arg8[%get3A_32, %get3A_33] : memref<64x64xf32, #tpu.memory_space<vmem>>, vector<64x64xf32>
    %dot_general3A_35 = arith.constant dense<0.000000e+00> : vector<2000x64xf32>
    %dot_general3A_36 = tpu.matmul %get3A_31, %get3A_34, %dot_general3A_35 {dimension_numbers = #tpu.dot_dimension_numbers<[1], [0], [0], [1], [0, 0, 1, 1], [], []>, transpose_lhs_hint = false} : vector<2000x64xf32>, vector<64x64xf32>, vector<2000x64xf32> -> vector<2000x64xf32>
    %add3A_37 = arith.addf %add3A_28, %dot_general3A_36 : vector<2000x64xf32>
    %get3A_38 = arith.constant 0 : index
    %get3A_39 = arith.constant 0 : index
    %get3A_40 = vector.load %arg9[%get3A_38, %get3A_39] : memref<8x64xf32, #tpu.memory_space<vmem>>, vector<1x64xf32>
    %add3A_41 = vector.broadcast %get3A_40 : vector<1x64xf32> to vector<2000x64xf32>
    %add3A_42 = arith.addf %add3A_37, %add3A_41 : vector<2000x64xf32>
    %max3A_43 = arith.constant 0.000000e+00 : f32
    %max3A_44 = vector.broadcast %max3A_43 : f32 to vector<2000x64xf32>
    %max3A_45 = arith.maximumf %add3A_42, %max3A_44 : vector<2000x64xf32>
    %get3A_46 = arith.constant 0 : index
    %get3A_47 = arith.constant 0 : index
    %get3A_48 = vector.load %arg10[%get3A_46, %get3A_47] : memref<64x16xf32, #tpu.memory_space<vmem>>, vector<64x16xf32>
    %dot_general3A_49 = arith.constant dense<0.000000e+00> : vector<2000x16xf32>
    %dot_general3A_50 = tpu.matmul %max3A_45, %get3A_48, %dot_general3A_49 {dimension_numbers = #tpu.dot_dimension_numbers<[1], [0], [0], [1], [0, 0, 1, 1], [], []>, transpose_lhs_hint = false} : vector<2000x64xf32>, vector<64x16xf32>, vector<2000x16xf32> -> vector<2000x16xf32>
    %swap3A = arith.constant 0 : index
    %swap3A_51 = arith.constant 0 : index
    %swap3A_52 = vector.load %arg13[%swap3A, %swap3A_51] : memref<2000x16xf32, #tpu.memory_space<vmem>>, vector<2000x16xf32>
    tpu.vector_store %arg13[%swap3A, %swap3A_51], %dot_general3A_50 {strides = array<i32>} : memref<2000x16xf32, #tpu.memory_space<vmem>>, vector<2000x16xf32>,
    %get3A_53 = arith.constant 0 : index
    %get3A_54 = arith.constant 0 : index
    %get3A_55 = vector.load %arg11[%get3A_53, %get3A_54] : memref<64x16xf32, #tpu.memory_space<vmem>>, vector<64x16xf32>
    %dot_general3A_56 = arith.constant dense<0.000000e+00> : vector<2000x16xf32>
    %dot_general3A_57 = tpu.matmul %max3A_45, %get3A_55, %dot_general3A_56 {dimension_numbers = #tpu.dot_dimension_numbers<[1], [0], [0], [1], [0, 0, 1, 1], [], []>, transpose_lhs_hint = false} : vector<2000x64xf32>, vector<64x16xf32>, vector<2000x16xf32> -> vector<2000x16xf32>
    %get3A_58 = arith.constant 0 : index
    %get3A_59 = arith.constant 0 : index
    %get3A_60 = vector.load %arg12[%get3A_58, %get3A_59] : memref<8x16xf32, #tpu.memory_space<vmem>>, vector<1x16xf32>
    %add3A_61 = vector.broadcast %get3A_60 : vector<1x16xf32> to vector<2000x16xf32>
    %add3A_62 = arith.addf %dot_general3A_57, %add3A_61 : vector<2000x16xf32>
    %swap3A_63 = arith.constant 0 : index
    %swap3A_64 = arith.constant 0 : index
    %swap3A_65 = vector.load %arg14[%swap3A_63, %swap3A_64] : memref<2000x16xf32, #tpu.memory_space<vmem>>, vector<2000x16xf32>
    tpu.vector_store %arg14[%swap3A_63, %swap3A_64], %add3A_62 {strides = array<i32>} : memref<2000x16xf32, #tpu.memory_space<vmem>>, vector<2000x16xf32>,
    return
  }
  func.func @transform_0(%arg0: i32) -> (i32, i32) {
    %c0_i32 = arith.constant 0 : i32
    %c0_i32_0 = arith.constant 0 : i32
    return %arg0, %c0_i32 : i32, i32
  }
  func.func @transform_1(%arg0: i32) -> (i32, i32) {
    %c0_i32 = arith.constant 0 : i32
    %c0_i32_0 = arith.constant 0 : i32
    return %arg0, %c0_i32 : i32, i32
  }
  func.func @transform_2(%arg0: i32) -> (i32, i32) {
    %c0_i32 = arith.constant 0 : i32
    %c0_i32_0 = arith.constant 0 : i32
    return %arg0, %c0_i32 : i32, i32
  }
  func.func @transform_3(%arg0: i32) -> (i32, i32) {
    %c0_i32 = arith.constant 0 : i32
    %c0_i32_0 = arith.constant 0 : i32
    return %arg0, %c0_i32 : i32, i32
  }
  func.func @transform_4(%arg0: i32) -> (i32, i32) {
    %c0_i32 = arith.constant 0 : i32
    %c0_i32_0 = arith.constant 0 : i32
    return %arg0, %c0_i32 : i32, i32
  }
  func.func @transform_5(%arg0: i32) -> (i32, i32) {
    %c0_i32 = arith.constant 0 : i32
    %c0_i32_0 = arith.constant 0 : i32
    %c0_i32_1 = arith.constant 0 : i32
    return %c0_i32, %c0_i32_0 : i32, i32
  }
  func.func @transform_6(%arg0: i32) -> (i32, i32) {
    %c0_i32 = arith.constant 0 : i32
    %c0_i32_0 = arith.constant 0 : i32
    %c0_i32_1 = arith.constant 0 : i32
    return %c0_i32, %c0_i32_0 : i32, i32
  }
  func.func @transform_7(%arg0: i32) -> (i32, i32) {
    %c0_i32 = arith.constant 0 : i32
    %c0_i32_0 = arith.constant 0 : i32
    %c0_i32_1 = arith.constant 0 : i32
    return %c0_i32, %c0_i32_0 : i32, i32
  }
  func.func @transform_8(%arg0: i32) -> (i32, i32) {
    %c0_i32 = arith.constant 0 : i32
    %c0_i32_0 = arith.constant 0 : i32
    %c0_i32_1 = arith.constant 0 : i32
    return %c0_i32, %c0_i32_0 : i32, i32
  }
  func.func @transform_9(%arg0: i32) -> (i32, i32) {
    %c0_i32 = arith.constant 0 : i32
    %c0_i32_0 = arith.constant 0 : i32
    %c0_i32_1 = arith.constant 0 : i32
    return %c0_i32, %c0_i32_0 : i32, i32
  }
  func.func @transform_10(%arg0: i32) -> (i32, i32) {
    %c0_i32 = arith.constant 0 : i32
    %c0_i32_0 = arith.constant 0 : i32
    %c0_i32_1 = arith.constant 0 : i32
    return %c0_i32, %c0_i32_0 : i32, i32
  }
  func.func @transform_11(%arg0: i32) -> (i32, i32) {
    %c0_i32 = arith.constant 0 : i32
    %c0_i32_0 = arith.constant 0 : i32
    %c0_i32_1 = arith.constant 0 : i32
    return %c0_i32, %c0_i32_0 : i32, i32
  }
  func.func @transform_12(%arg0: i32) -> (i32, i32) {
    %c0_i32 = arith.constant 0 : i32
    %c0_i32_0 = arith.constant 0 : i32
    return %arg0, %c0_i32 : i32, i32
  }
  func.func @transform_13(%arg0: i32) -> (i32, i32) {
    %c0_i32 = arith.constant 0 : i32
    %c0_i32_0 = arith.constant 0 : i32
    return %arg0, %c0_i32 : i32, i32
  }
}

module attributes {stable_mosaic.version = 14 : i64} {
  func.func @_dense2_body(%arg0: i32, %arg1: memref<2000x16xf32, #tpu.memory_space<vmem>>, %arg2: memref<2000x16xf32, #tpu.memory_space<vmem>>, %arg3: memref<2000x8xf32, #tpu.memory_space<vmem>>, %arg4: memref<2000x8xf32, #tpu.memory_space<vmem>>, %arg5: memref<2000x16xf32, #tpu.memory_space<vmem>>, %arg6: memref<2000x16xf32, #tpu.memory_space<vmem>>) attributes {dimension_semantics = [#tpu.dimension_semantics<arbitrary>], iteration_bounds = array<i64: 25>, scalar_prefetch = 0 : i64, scratch_operands = 0 : i64, tpu.core_type = #tpu.core_type<tc>, window_params = [{transform_indices = @transform_0, window_bounds = array<i64: 2000, 16>}, {transform_indices = @transform_1, window_bounds = array<i64: 2000, 16>}, {transform_indices = @transform_2, window_bounds = array<i64: 2000, 8>}, {transform_indices = @transform_3, window_bounds = array<i64: 2000, 8>}, {transform_indices = @transform_4, window_bounds = array<i64: 2000, 16>}, {transform_indices = @transform_5, window_bounds = array<i64: 2000, 16>}]} {
    %get3A = arith.constant 0 : index
    %get3A_0 = arith.constant 0 : index
    %get3A_1 = vector.load %arg3[%get3A, %get3A_0] : memref<2000x8xf32, #tpu.memory_space<vmem>>, vector<2000x1xf32>
    %get3A_2 = arith.constant 0 : index
    %get3A_3 = arith.constant 0 : index
    %get3A_4 = vector.load %arg4[%get3A_2, %get3A_3] : memref<2000x8xf32, #tpu.memory_space<vmem>>, vector<2000x1xf32>
    %add3A = arith.addf %get3A_1, %get3A_4 : vector<2000x1xf32>
    %max3A = arith.constant 1.000000e+00 : f32
    %max3A_5 = vector.broadcast %max3A : f32 to vector<2000x1xf32>
    %max3A_6 = arith.maximumf %add3A, %max3A_5 : vector<2000x1xf32>
    %div3A = arith.constant 1.000000e+00 : f32
    %div3A_7 = vector.broadcast %div3A : f32 to vector<2000x1xf32>
    %div3A_8 = arith.divf %div3A_7, %max3A_6 : vector<2000x1xf32>
    %get3A_9 = arith.constant 0 : index
    %get3A_10 = arith.constant 0 : index
    %get3A_11 = vector.load %arg1[%get3A_9, %get3A_10] : memref<2000x16xf32, #tpu.memory_space<vmem>>, vector<2000x16xf32>
    %get3A_12 = arith.constant 0 : index
    %get3A_13 = arith.constant 0 : index
    %get3A_14 = vector.load %arg2[%get3A_12, %get3A_13] : memref<2000x16xf32, #tpu.memory_space<vmem>>, vector<2000x16xf32>
    %add3A_15 = arith.addf %get3A_11, %get3A_14 : vector<2000x16xf32>
    %mul3A = vector.broadcast %div3A_8 : vector<2000x1xf32> to vector<2000x16xf32>
    %mul3A_16 = arith.mulf %add3A_15, %mul3A : vector<2000x16xf32>
    %get3A_17 = arith.constant 0 : index
    %get3A_18 = arith.constant 0 : index
    %get3A_19 = vector.load %arg5[%get3A_17, %get3A_18] : memref<2000x16xf32, #tpu.memory_space<vmem>>, vector<2000x16xf32>
    %add3A_20 = arith.addf %mul3A_16, %get3A_19 : vector<2000x16xf32>
    %swap3A = arith.constant 0 : index
    %swap3A_21 = arith.constant 0 : index
    %swap3A_22 = vector.load %arg6[%swap3A, %swap3A_21] : memref<2000x16xf32, #tpu.memory_space<vmem>>, vector<2000x16xf32>
    tpu.vector_store %arg6[%swap3A, %swap3A_21], %add3A_20 {strides = array<i32>} : memref<2000x16xf32, #tpu.memory_space<vmem>>, vector<2000x16xf32>,
    return
  }
  func.func @transform_0(%arg0: i32) -> (i32, i32) {
    %c0_i32 = arith.constant 0 : i32
    %c0_i32_0 = arith.constant 0 : i32
    return %arg0, %c0_i32 : i32, i32
  }
  func.func @transform_1(%arg0: i32) -> (i32, i32) {
    %c0_i32 = arith.constant 0 : i32
    %c0_i32_0 = arith.constant 0 : i32
    return %arg0, %c0_i32 : i32, i32
  }
  func.func @transform_2(%arg0: i32) -> (i32, i32) {
    %c0_i32 = arith.constant 0 : i32
    %c0_i32_0 = arith.constant 0 : i32
    return %arg0, %c0_i32 : i32, i32
  }
  func.func @transform_3(%arg0: i32) -> (i32, i32) {
    %c0_i32 = arith.constant 0 : i32
    %c0_i32_0 = arith.constant 0 : i32
    return %arg0, %c0_i32 : i32, i32
  }
  func.func @transform_4(%arg0: i32) -> (i32, i32) {
    %c0_i32 = arith.constant 0 : i32
    %c0_i32_0 = arith.constant 0 : i32
    return %arg0, %c0_i32 : i32, i32
  }
  func.func @transform_5(%arg0: i32) -> (i32, i32) {
    %c0_i32 = arith.constant 0 : i32
    %c0_i32_0 = arith.constant 0 : i32
    return %arg0, %c0_i32 : i32, i32
  }
}

</mosaic_0001>

<sc_bundles>
// kernel: kernel.10.cloned.1.call-start
scs
__scs_entry_jumppad:
0x0: {  	(pc) =	sbr.rel $0x88, $3  }
0x1: {  	(tag) =	ssettag $0x0;
	lr =	simm.s32 $0x1  }
0x2: {  	[smem:$0x3F99] =	sst lr;
	_ =	strace $0xD0000000  }
0x3: {  	_ = 	snop  }
0x4: {  	_ = 	snop  }
0x5: {  	_ = 	snop  }
0x6: {  	_ = 	snop  }
0x7: {  	_ = 	snop  }
__scs_overlays_trampoline_lowered:
0x8: {  	[smem:$0x3FA8] =	sst s0  }
0x9: {  	[smem:$0x3FA9] =	sst s1  }
0xa: {  	[smem:$0x3FAA] =	sst s2  }
0xb: {  	[smem:$0x3FAB] =	sst s3  }
0xc: {  	[smem:$0x3FAC] =	sst s4  }
0xd: {  	[smem:$0x3FAD] =	sst s5  }
0xe: {  	[smem:$0x3FAE] =	sst s6  }
0xf: {  	[smem:$0x3FAF] =	sst s7  }
0x10: {  	[smem:$0x3FB0] =	sst s8  }
0x11: {  	[smem:$0x3FB1] =	sst s9;
	s0 =	simm.s32 @!p0 $0x0  }
0x12: {  	s1 =	sld [smem:$0x3F97];
	s0 =	simm.s32 @p0 $0x1  }
0x13: {  	[smem:$0x3FB2] =	sst s0;
	s0 =	simm.s32 @!p1 $0x0  }
0x14: {  	s2 =	sld [smem:$0x3F96];
	s0 =	simm.s32 @p1 $0x1  }
0x15: {  	[smem:$0x3FB3] =	sst s0;
	s0 =	simm.s32 @!p2 $0x0  }
0x16: {  	s3 =	sld [smem:$0x3FDB];
	s0 =	simm.s32 @p2 $0x1  }
0x17: {  	s4 =	simm.s32 $0x1BF5;
	[smem:$0x3FB5] =	sst s0  }
0x18: {  	s0 =	sld [smem:$0x3F98];
	_ =	swait.ge [sflag:s4], $0x0  }
0x19: {  	s7 =	sld [smem:$0x3F99]  }
0x1a: {  	s8 =	sadd.s32 $0xFFFFE003, lr  }
0x1b: {  	s9 =	sadd.s32 $0xFFFFFEF7, lr;
	s5 =	simm.s32 $0xFFFFFFFF;
	p2 =	slt.u32 s8, $0xFFFFF086  }
0x1c: {  	p1 =	slt.u32 s9, $0xF7A;
	s5 =	simm.s32 @!p2 $0x0  }
0x1d: {  	s5 =	simm.s32 @p1 $0x1;
	p0 =	seq.s32 s7, s2  }
0x1e: {  	s7 =	smul.u32 @!p0 $0xF7A, s2;
	p2 =	seq.s32 @!p0 s5, $0x0  }
0x1f: {  	s9 =	smul.u32 $0xF7A, s1;
	s8 =	simm.s32 @!p0 $0x1BF5;
	p2 =	por !p2, p0  }
0x20: {  	[sflag:s8] =	ssyncset.s32 @!p0 $0xFFFFF086;
	s6 =	sadd.s32 @!p0 s3, s7;
	s7 =	simm.s32 @!p0 $0x108  }
0x21: {  	s3 =	sadd.s32 s3, s9;
	s6 =	sadd.s32 @!p0 $0x88, s6;
	s7 =	simm.s32 @p2 $0x1082  }
0x22: {  	[simem:s7], [sflag:s8] =	dma.local @!p0 [hbm:s6], $0xF7A  }
0x23: {  	s9 =	sor.u32 $0xD0000000, s2;
	s6 =	simm.s32 $0x108;
	_ =	swait.ge @!p0 [sflag:s8], $0x0  }
0x24: {  	s3 =	sadd.s32 $0x88, s3;
	s6 =	simm.s32 @!p1 $0x1082;
	[sflag:s4] =	ssyncset.s32 $0xFFFFF086  }
0x25: {  	[simem:s6], [sflag:s4] =	dma.local [hbm:s3], $0xF7A  }
0x26: {  	[smem:$0x3F99] =	sst s1;
	(tag) =	ssettag s2;
	_ =	strace s9  }
0x27: {  	s1 =	sld [smem:$0x3FA9]  }
0x28: {  	s2 =	sld [smem:$0x3FAA]  }
0x29: {  	s4 =	sld [smem:$0x3FAC]  }
0x2a: {  	p0 =	seq.s32 s5, $0x0;
	s5 =	sld [smem:$0x3FAD]  }
0x2b: {  	s6 =	sld [smem:$0x3FAE]  }
0x2c: {  	s7 =	sld [smem:$0x3FAF]  }
0x2d: {  	s3 =	simm.s32 $0x108;
	s8 =	sld [smem:$0x3FB0]  }
0x2e: {  	s3 =	simm.s32 @!p0 $0x1082;
	s9 =	sld [smem:$0x3FB1]  }
0x2f: {  	lr =	sadd.s32 s0, s3;
	s0 =	sld [smem:$0x3FA8]  }
0x30: {  	s3 =	sld [smem:$0x3FAB]  }
0x31: {  	[smem:$0x3FB4] =	sst s10  }
0x32: {  	s10 =	sld [smem:$0x3FB2];
	_ =	sdelay $0x3  }
0x33: {  	p0 =	seq.s32 s10, $0x1;
	s10 =	sld [smem:$0x3FB4];
	_ =	sdelay $0x3  }
0x34: {  	[smem:$0x3FB4] =	sst s10  }
0x35: {  	s10 =	sld [smem:$0x3FB3];
	_ =	sdelay $0x3  }
0x36: {  	p1 =	seq.s32 s10, $0x1;
	s10 =	sld [smem:$0x3FB4];
	_ =	sdelay $0x3  }
0x37: {  	[smem:$0x3FB4] =	sst s10  }
0x38: {  	s10 =	sld [smem:$0x3FB5]  }
0x39: {  	_ = 	snop;
	(pc) =	sbr.ind lr, $3  }
0x3a: {  	_ = 	snop  }
0x3b: {  	_ = 	snop  }
0x3c: {  	p2 =	seq.s32 s10, $0x1;
	s10 =	sld [smem:$0x3FB4]  }
0x3d: {  	_ =	shalt  }
0x3e: {  	_ =	shalt  }
0x3f: {  	_ =	shalt  }
0x40: {  	_ =	shalt  }
0x41: {  	_ =	shalt  }
0x42: {  	_ =	shalt  }
0x43: {  	_ =	shalt  }
0x44: {  	_ =	shalt  }
0x45: {  	_ =	shalt  }
0x46: {  	_ =	shalt  }
0x47: {  	_ =	shalt  }
0x48: {  	_ =	shalt  }
0x49: {  	_ =	shalt  }
0x4a: {  	_ =	shalt  }
0x4b: {  	_ =	shalt  }
0x4c: {  	_ =	shalt  }
0x4d: {  	_ =	shalt  }
0x4e: {  	_ =	shalt  }
0x4f: {  	_ =	shalt  }
0x50: {  	_ =	shalt  }
0x51: {  	_ =	shalt  }
0x52: {  	_ =	shalt  }
0x53: {  	_ =	shalt  }
0x54: {  	_ =	shalt  }
0x55: {  	_ =	shalt  }
0x56: {  	_ =	shalt  }
0x57: {  	_ =	shalt  }
0x58: {  	_ =	shalt  }
0x59: {  	_ =	shalt  }
0x5a: {  	_ =	shalt  }
0x5b: {  	_ =	shalt  }
0x5c: {  	_ =	shalt  }
0x5d: {  	_ =	shalt  }
0x5e: {  	_ =	shalt  }
0x5f: {  	_ =	shalt  }
0x60: {  	_ =	shalt  }
0x61: {  	_ =	shalt  }
0x62: {  	_ =	shalt  }
0x63: {  	_ =	shalt  }
0x64: {  	_ =	shalt  }
0x65: {  	_ =	shalt  }
0x66: {  	_ =	shalt  }
0x67: {  	_ =	shalt  }
0x68: {  	_ =	shalt  }
0x69: {  	_ =	shalt  }
0x6a: {  	_ =	shalt  }
0x6b: {  	_ =	shalt  }
0x6c: {  	_ =	shalt  }
0x6d: {  	_ =	shalt  }
0x6e: {  	_ =	shalt  }
0x6f: {  	_ =	shalt  }
0x70: {  	_ =	shalt  }
0x71: {  	_ =	shalt  }
0x72: {  	_ =	shalt  }
0x73: {  	_ =	shalt  }
0x74: {  	_ =	shalt  }
0x75: {  	_ =	shalt  }
0x76: {  	_ =	shalt  }
0x77: {  	_ =	shalt  }
0x78: {  	_ =	shalt  }
0x79: {  	_ =	shalt  }
0x7a: {  	_ =	shalt  }
0x7b: {  	_ =	shalt  }
0x7c: {  	_ =	shalt  }
0x7d: {  	_ =	shalt  }
0x7e: {  	_ =	shalt  }
0x7f: {  	_ =	shalt  }
0x80: {  	_ =	shalt  }
0x81: {  	_ =	shalt  }
0x82: {  	_ =	shalt  }
0x83: {  	_ =	shalt  }
0x84: {  	_ =	shalt  }
0x85: {  	_ =	shalt  }
0x86: {  	_ =	shalt  }
0x87: {  	_ =	shalt  }
.Lfunc_end0:
.L_simem_size_0:
called_computation.1_lowered:
.L_overlay_start_0:
0x88: {  	s2 =	sld [smem:$0x3FD9]  }
0x89: {  	s3 =	sld [smem:$0x3FFE];
	_ =	sdelay $0x1  }
0x8a: {  	s1 =	srdreg.scid  }
0x8b: {  	s0 =	sand.u32 $0x1, s1  }
0x8c: {  	s17 =	sshll.u32 s0, $0xA;
	s2 =	sadd.s32 s3, s2  }
0x8d: {  	s2 =	sadd.s32 s2, s17  }
0x8e: {  	[smem:$0x3FC0] =	sst s2  }
0x8f: {  	_ = 	snop  }
0x90: {  	s2 =	sld [smem:$0x3FD0];
	(tm) =	ssettm $0x1  }
0x91: {  	s18 =	sld [smem:$0x3FFB];
	_ =	sdelay $0x3  }
0x92: {  	_ =	strace s18  }
0x93: {  	s3 =	sld [smem:$0x3FFC];
	_ =	sdelay $0x3  }
0x94: {  	_ =	strace s3  }
0x95: {  	s3 =	sld [smem:$0x3FFD];
	_ =	sdelay $0x3  }
0x96: {  	_ =	strace s3  }
0x97: {  	_ =	strace $0x8FFFFFFF  }
0x98: {  	s19 =	sld [smem:$0x3FDB];
	_ =	sdelay $0x1  }
0x99: {  	s4 =	simm.s32 $_scs_section_size  }
0x9a: {  	s5 =	simm.s32 $_size__tile_overlayer_lowered;
	s6 =	simm.s32 $_tile_overlayer_lowered  }
0x9b: {  	s22 =	simm.s32 $0x1BFF;
	s21 =	sshll.u32 s6, $0x1;
	s3 =	sadd.s32 s4, s19  }
0x9c: {  	s7 =	simm.s32 $0x0;
	s20 =	sshll.u32 s5, $0x1;
	s5 =	sadd.s32 s21, s3  }
0x9d: {  	[timem:s7], [sflag:s22] =	dma.local [hbm:s5], s20  }
0x9e: {  	_ =	swait.ge [sflag:s22], s20  }
0x9f: {  	s4 =	ssub.s32 $0x0, s20;
	[sflag:s22] =	ssyncset.done $0x0  }
0xa0: {  	[sflag:s22] =	ssyncadd.s32 s4;
	_ =	sdelay $0x1  }
0xa1: {  	s23 =	simm.s32 $0x1B8B  }
0xa2: {  	_ =	swait.ge [sflag:s23], $0x1  }
0xa3: {  	[sflag:s23] =	ssyncset.done $0x0  }
0xa4: {  	s25 =	simm.s32 $0x1B8E;
	s24 =	sld [smem:$0x3FFE];
	[sflag:s23] =	ssyncadd.s32 $0xFFFFFFFF  }
0xa5: {  	s26 =	simm.s32 $execute0_lowered;
	[smem:$0x3FD2] =	sst s25  }
0xa6: {  	s5 =	sshll.u32 s26, $0x1;
	_ =	strace $0x80000046;
	[dreg:$0x1] =	wrdreg $0xFFFFFFFF  }
0xa7: {  	s28 =	simm.s32 $_size_execute0_lowered;
	s3 =	sadd.s32 s3, s5;
	[dreg:$0x0] =	wrdreg $0x0  }
0xa8: {  	s5 =	sshll.u32 s28, $0x1;
	[dreg:$0x2] =	wrdreg s3  }
0xa9: {  	[dreg:$0x3] =	wrdreg s5  }
0xaa: {  	[dreg:$0x4] =	wrdreg $0xC0  }
0xab: {  	_ =	task [dreg:s7], $0x5FFFF  }
0xac: {  	[dreg:$0x1] =	wrdreg $0xFFFFFFFF  }
0xad: {  	[dreg:$0x0] =	wrdreg $0x60  }
0xae: {  	[dreg:$0x2] =	wrdreg s2  }
0xaf: {  	[dreg:$0x3] =	wrdreg s24  }
0xb0: {  	[dreg:$0x4] =	wrdreg $0x10D000  }
0xb1: {  	[dreg:$0x5] =	wrdreg $0xA  }
0xb2: {  	_ =	task.clear_ibuf [dreg:s7], $0x6FFFF;
	_ =	strace $0x90000046  }
0xb3: {  	s29 =	simm.s32 $0xA;
	_ =	strace $0x80000048  }
0xb4: {  	_ =	swait.ge [sflag:s29], $0x1  }
0xb5: {  	[sflag:s29] =	ssyncadd.s32 $0xFFFFFFFF  }
0xb6: {  	_ =	strace $0x90000048  }
0xb7: {  	_ =	sfence  }
0xb8: {  	s30 =	sld [smem:$0x0];
	_ =	sdelay $0x2  }
0xb9: {  	s31 =	sshll.u32 s1, $0xD;
	s1 =	sshrl.u32 s1, $0x2  }
0xba: {  	s3 =	sand.u32 $0x4000, s31;
	s1 =	sadd.s32 s1, s30  }
0xbb: {  	s0 =	sor.u32 s3, s0;
	s1 =	sshll.u32 s1, $0x11  }
0xbc: {  	s0 =	sor.u32 s1, s0  }
0xbd: {  	s0 =	sadd.s32 $0x8F2B, s0  }
0xbe: {  	[sflag:s0] =	ssyncadd.remote.s32 $0x1  }
0xbf: {  	_ =	sfence.sel $0xFFFF  }
0xc0: {  	[dreg:$0x0] =	wrdreg $0xFFFFFFFF;
	(pc) =	sbr.abs _section_cstart, $3  }
0xc1: {  	[dreg:$0x1] =	wrdreg $0xFFFFFFFF  }
0xc2: {  	_ =	task.clear_ibuf [dreg:s7], $0x2FFFF;
	_ =	strace $0x9FFFFFFF  }
0xc3: {  	(tm) =	ssettm $0x7FFFFFFF  }
tec
execute0_lowered:
.L_overlay_start_1:
0x0: {  	(tag) =	ssettag $0x1  }
0x1: {  	s1 =	rddreg [dreg:$0x0]  }
0x2: {  	s0 =	rddreg [dreg:$0x1]  }
0x3: {  	s2 =	rddreg [dreg:$0x2]  }
0x4: {  	s3 =	simm.s32 $0x0;
	s19 =	srdreg.scid;
	s24 =	stileid.u32  }
0x5: {  	s28 =	simm.s32 $0x400;
	s29 =	simm.s32 $0x1000;
	s30 =	simm.s32 $0xC00  }
0x6: {  	s31 =	simm.s32 $0x5000;
	[smem:$0x7FF] =	sst s3;
	s4 =	sadd.s32 $0xC7000, s0  }
0x7: {  	s5 =	sadd.s32 $0xF9000, s0;
	s6 =	sadd.s32 $0xE0000, s0;
	s7 =	sadd.s32 $0xDF800, s0  }
0x8: {  	s25 =	sadd.s32 $0x12A800, s0;
	s26 =	sadd.s32 $0x112000, s0;
	s20 =	sand.u32 $0x1, s19  }
0x9: {  	s8 =	smul.u32 $0xFA00, s24;
	s11 =	sor.u32 $0x10, s24;
	s12 =	sor.u32 $0x20, s24  }
0xa: {  	s13 =	sor.u32 $0x30, s24;
	s15 =	smul.u32 $0x1900, s24;
	p1 =	sgt.u32 s24, $0x1  }
0xb: {  	p2 =	slt.u32 s24, $0x2;
	_ =	strace $0x80000047;
	s10 =	smul.u32 $0xFA00, s11  }
0xc: {  	[dreg:$0x4] =	wrdreg s7;
	s7 =	ssub.s32 $0x2, s20;
	s21 =	smul.u32 $0xFA00, s12  }
0xd: {  	p0 =	seq.s32 s20, $0x1;
	s20 =	smul.u32 $0xFA00, s13;
	[dreg:$0x5] =	wrdreg s25  }
0xe: {  	[dreg:$0x6] =	wrdreg s26;
	s9 =	sshrl.u32 s7, $0x1;
	s8 =	sshrl.u32 s8, $0x2  }
0xf: {  	s14 =	sor.u32 $0x80, s15;
	s22 =	sadd.s32 $0x100, s15;
	s7 =	ssub.s32 s7, s9  }
0x10: {  	s18 =	sshrl.u32 s10, $0x2;
	s0 =	sshrl.u32 s21, $0x2;
	s16 =	sadd.s32 s5, s14  }
0x11: {  	s9 =	sadd.s32 s5, s15;
	s14 =	sadd.s32 s6, s14;
	[dreg:$0x7] =	wrdreg s16  }
0x12: {  	s10 =	sadd.s32 s6, s15;
	s23 =	sadd.s32 s5, s22;
	[dreg:$0x8] =	wrdreg s14  }
0x13: {  	s17 =	sadd.s32 s8, s2;
	[dreg:$0x9] =	wrdreg s23;
	s14 =	sadd.s32 s6, s22  }
0x14: {  	s16 =	smul.u32 $0x7D00, s24;
	s18 =	sadd.s32 s18, s2;
	s19 =	sadd.s32 s0, s2  }
0x15: {  	s22 =	sshrl.u32 s20, $0x2;
	s23 =	smul.u32 $0x7D00, s11;
	s24 =	simm.s32 $0x9000  }
0x16: {  	[dreg:$0xa] =	wrdreg s14;
	s14 =	sadd.s32 $0x1880, s15;
	s20 =	sadd.s32 s22, s2  }
0x17: {  	s5 =	sadd.s32 s5, s14;
	s15 =	sadd.s32 s6, s14;
	s14 =	sshrl.u32 s16, $0x1  }
0x18: {  	s11 =	sshrl.u32 s23, $0x1;
	s6 =	sshrl.u32 s23, $0x4;
	[dreg:$0xb] =	wrdreg s5  }
0x19: {  	[dreg:$0xc] =	wrdreg s15;
	s21 =	sadd.s32 s14, s2;
	s15 =	smul.u32 $0x7D00, s12  }
0x1a: {  	s5 =	sshrl.u32 s16, $0x4;
	s16 =	smul.u32 $0x7D00, s13;
	s22 =	sadd.s32 s11, s2  }
0x1b: {  	s14 =	sadd.s32 s25, s5;
	s5 =	sadd.s32 s26, s5;
	s12 =	sshrl.u32 s15, $0x1  }
0x1c: {  	s0 =	sshrl.u32 s15, $0x4;
	s13 =	sshrl.u32 s16, $0x1;
	[dreg:$0xf] =	wrdreg s14  }
0x1d: {  	s8 =	sshrl.u32 s16, $0x4;
	[dreg:$0x10] =	wrdreg s5;
	s15 =	sadd.s32 s25, s6  }
0x1e: {  	s16 =	sadd.s32 s26, s6;
	s5 =	smax.u32 s7, $0x1;
	[dreg:$0xe] =	wrdreg s8  }
0x1f: {  	s7 =	simm.s32 $0x3;
	s6 =	simm.s32 $0x4;
	[dreg:$0x11] =	wrdreg s15  }
.Ltmp0:
0x20: {  	s11 =	sadd.s32 s13, s2;
	[dreg:$0x12] =	wrdreg s16;
	(pc) =	sbr.rel .LBB2_1-.Ltmp0, $4  }
0x21: {  	s23 =	sadd.s32 s12, s2;
	s25 =	sadd.s32 s25, s0;
	[dreg:$0xd] =	wrdreg s11  }
0x22: {  	s0 =	sadd.s32 s26, s0;
	s26 =	simm.s32 $0x800;
	[dreg:$0x13] =	wrdreg s25  }
0x23: {  	s8 =	simm.s32 $0x2;
	s12 =	simm.s32 $0x0;
	[dreg:$0x14] =	wrdreg s0  }
0x24: {  	s25 =	simm.s32 $0x5;
	s0 =	simm.s32 $0x1;
	s11 =	simm.s32 $0xCE80  }
.LBB2_8:
0x25: {  	s14 =	rddreg [dreg:$0xd]  }
0x26: {  	[tilespmem:s11], [sflag:$0x5] =	stream.linear.gather [spmem:s14], $0x3E80, $0x38;
	[tilespmem:$0x1D058] =	vst v63  }
0x27: {  	_ =	swait.ge [sflag:s25], $0x3E80  }
0x28: {  	[sflag:s25] =	ssyncset.done $0x0;
	s16 =	rddreg [dreg:$0xe]  }
0x29: {  	s13 =	sadd.s32 s13, s16;
	[sflag:s25] =	ssyncadd.s32 $0xFFFFC180  }
0x2a: {  	[hbm4b:s13+s3] =	stream.linear.scatter [tilespmem:s11], [sflag:$0x5], $0x3E80, $0x38;
	[tilespmem:$0x1D058] =	vst v63  }
0x2b: {  	_ =	swait.ge [sflag:s25], $0x3E80  }
0x2c: {  	[sflag:s25] =	ssyncset.done $0x0  }
0x2d: {  	[sflag:s25] =	ssyncadd.s32 $0xFFFFC180  }
.LBB2_9:
0x2e: {  	s12 =	sadd.s32 $0x1, s12  }
0x2f: {  	p3 =	sne.s32 s12, s5  }
.Ltmp1:
0x30: {  	_ = 	snop;
	(pc) =	sbr.rel @!p3 .LBB2_10-.Ltmp1, $2  }
0x31: {  	_ =	sdelay $0x1  }
0x32: {  	[bflag:$0x0] =	sbarrier.arrive $0xFFFF;
	_ =	sdelay $0x1  }
.LBB2_1:
0x33: {  	s13 =	rddreg [dreg:$0x4]  }
0x34: {  	[tilespmem:s24], [sflag:$0x5] =	stream.linear.gather [hbm4b:s13+s3], $0x3E80, $0x38;
	[tilespmem:$0x1D058] =	vst v63  }
0x35: {  	_ =	swait.ge [sflag:s25], $0x3E80  }
0x36: {  	[sflag:s25] =	ssyncset.done $0x0  }
0x37: {  	[sflag:s25] =	ssyncadd.s32 $0xFFFFC180  }
0x38: {  	[spmem:s17] =	stream.linear.scatter [tilespmem:s24], [sflag:$0x5], $0x3E80, $0x38;
	[tilespmem:$0x1D058] =	vst v63  }
0x39: {  	_ =	swait.ge [sflag:s25], $0x3E80  }
0x3a: {  	[sflag:s25] =	ssyncset.done $0x0  }
0x3b: {  	[sflag:s25] =	ssyncadd.s32 $0xFFFFC180  }
0x3c: {  	[spmem:s18] =	stream.linear.scatter [tilespmem:s24], [sflag:$0x5], $0x3E80, $0x38;
	[tilespmem:$0x1D058] =	vst v63  }
0x3d: {  	_ =	swait.ge [sflag:s25], $0x3E80  }
0x3e: {  	[sflag:s25] =	ssyncset.done $0x0  }
.Ltmp2:
0x3f: {  	[sflag:s25] =	ssyncadd.s32 $0xFFFFC180;
	(pc) =	sbr.rel @!p0 .LBB2_2-.Ltmp2, $4  }
0x40: {  	[spmem:s19] =	stream.linear.scatter [tilespmem:s24], [sflag:$0x5], $0x3E80, $0x38;
	[tilespmem:$0x1D058] =	vst v63  }
0x41: {  	_ =	swait.ge [sflag:s25], $0x3E80  }
0x42: {  	[sflag:s25] =	ssyncset.done $0x0  }
0x43: {  	[sflag:s25] =	ssyncadd.s32 $0xFFFFC180  }
0x44: {  	s13 =	simm.s32 @!p1 $0x9000  }
0x45: {  	[spmem:s20] =	stream.linear.scatter @!p1 [tilespmem:s13], [sflag:$0x5], $0x3E80, $0x38;
	[tilespmem:$0x1D058] =	vst v63  }
0x46: {  	s13 =	simm.s32 @!p1 $0x5  }
0x47: {  	_ =	swait.ge @!p1 [sflag:s13], $0x3E80  }
0x48: {  	[sflag:s13] =	ssyncset.done @!p1 $0x0  }
0x49: {  	[sflag:s13] =	ssyncadd.s32 @!p1 $0xFFFFC180  }
0x4a: {  	[bflag:$0x0] =	sbarrier.arrive $0xFFFF  }
0x4b: {  	[tilespmem:s3], [sflag:$0x5] =	stream.linear.gather [hbm4b:s9+s3], $0x400, $0x38;
	[tilespmem:$0x1D058] =	vst v63  }
0x4c: {  	_ =	swait.ge [sflag:s25], $0x400  }
0x4d: {  	[sflag:s25] =	ssyncset.done $0x0  }
0x4e: {  	[sflag:s25] =	ssyncadd.s32 $0xFFFFFC00  }
0x4f: {  	[tilespmem:s26], [sflag:$0x5] =	stream.linear.gather [hbm4b:s10+s3], $0x400, $0x38;
	[tilespmem:$0x1D058] =	vst v63  }
0x50: {  	_ =	swait.ge [sflag:s25], $0x400  }
0x51: {  	[sflag:s25] =	ssyncset.done $0x0  }
0x52: {  	[sflag:s25] =	ssyncadd.s32 $0xFFFFFC00  }
0x53: {  	[tilespmem:s29], [sflag:$0x1] =	stream.indirect.gather [hbm4b:s4+s28], $0x10, s3, s28, $0xb8;
	[tilespmem:$0x1D058] =	vst v63  }
0x54: {  	s15 =	rddreg [dreg:$0x7]  }
0x55: {  	[tilespmem:s28], [sflag:$0x5] =	stream.linear.gather [hbm4b:s15+s3], $0x400, $0x38;
	[tilespmem:$0x1D058] =	vst v63  }
0x56: {  	_ =	swait.ge [sflag:s25], $0x400  }
0x57: {  	[sflag:s25] =	ssyncset.done $0x0  }
0x58: {  	s16 =	rddreg [dreg:$0x8];
	[sflag:s25] =	ssyncadd.s32 $0xFFFFFC00  }
0x59: {  	[tilespmem:s30], [sflag:$0x5] =	stream.linear.gather [hbm4b:s16+s3], $0x400, $0x38;
	[tilespmem:$0x1D058] =	vst v63  }
0x5a: {  	_ =	swait.ge [sflag:s25], $0x400  }
0x5b: {  	[sflag:s25] =	ssyncset.done $0x0  }
0x5c: {  	[sflag:s25] =	ssyncadd.s32 $0xFFFFFC00  }
0x5d: {  	[tilespmem:s31], [sflag:$0x2] =	stream.indirect.gather [hbm4b:s4+s28], $0x10, s28, s28, $0xb8;
	[tilespmem:$0x1D058] =	vst v63  }
0x5e: {  	_ =	swait.ge [sflag:s0], $0x4000  }
0x5f: {  	[sflag:s0] =	ssyncset.done $0x0  }
0x60: {  	[sflag:s0] =	ssyncadd.s32 $0xFFFFC000  }
0x61: {  	[spmem:s2] =	stream.indirect.scatter.add.bf16 [tilespmem:s29], [sflag:$0x3], $0x10, s26, s28, $0xb8;
	[tilespmem:$0x1D058] =	vst v63  }
0x62: {  	_ =	swait.ge [sflag:s7], $0x4000  }
0x63: {  	[sflag:s7] =	ssyncset.done $0x0  }
0x64: {  	s14 =	rddreg [dreg:$0x9];
	[sflag:s7] =	ssyncadd.s32 $0xFFFFC000  }
0x65: {  	[tilespmem:s3], [sflag:$0x5] =	stream.linear.gather [hbm4b:s14+s3], $0x400, $0x38;
	[tilespmem:$0x1D058] =	vst v63  }
0x66: {  	_ =	swait.ge [sflag:s25], $0x400  }
0x67: {  	[sflag:s25] =	ssyncset.done $0x0  }
0x68: {  	s15 =	rddreg [dreg:$0xa];
	[sflag:s25] =	ssyncadd.s32 $0xFFFFFC00  }
0x69: {  	[tilespmem:s26], [sflag:$0x5] =	stream.linear.gather [hbm4b:s15+s3], $0x400, $0x38;
	[tilespmem:$0x1D058] =	vst v63  }
0x6a: {  	_ =	swait.ge [sflag:s25], $0x400  }
0x6b: {  	[sflag:s25] =	ssyncset.done $0x0  }
0x6c: {  	[sflag:s25] =	ssyncadd.s32 $0xFFFFFC00  }
0x6d: {  	[tilespmem:s29], [sflag:$0x1] =	stream.indirect.gather [hbm4b:s4+s28], $0x10, s3, s28, $0xb8;
	[tilespmem:$0x1D058] =	vst v63  }
0x6e: {  	_ =	swait.ge [sflag:s8], $0x4000  }
0x6f: {  	[sflag:s8] =	ssyncset.done $0x0  }
0x70: {  	[sflag:s8] =	ssyncadd.s32 $0xFFFFC000  }
0x71: {  	[spmem:s2] =	stream.indirect.scatter.add.bf16 [tilespmem:s31], [sflag:$0x4], $0x10, s30, s28, $0xb8;
	[tilespmem:$0x1D058] =	vst v63  }
0x72: {  	_ =	swait.ge [sflag:s6], $0x4000  }
0x73: {  	s13 =	sadd.s32 $0xFFFFE900, s9;
	[sflag:s6] =	ssyncset.done $0x0  }
0x74: {  	s14 =	sadd.s32 $0x1880, s13;
	[sflag:s6] =	ssyncadd.s32 $0xFFFFC000  }
0x75: {  	[tilespmem:s28], [sflag:$0x5] =	stream.linear.gather [hbm4b:s14+s3], $0x400, $0x38;
	[tilespmem:$0x1D058] =	vst v63  }
0x76: {  	_ =	swait.ge [sflag:s25], $0x400  }
0x77: {  	s16 =	sadd.s32 $0xFFFFE900, s10;
	[sflag:s25] =	ssyncset.done $0x0  }
0x78: {  	s15 =	sadd.s32 $0x1880, s16;
	[sflag:s25] =	ssyncadd.s32 $0xFFFFFC00  }
0x79: {  	[tilespmem:s30], [sflag:$0x5] =	stream.linear.gather [hbm4b:s15+s3], $0x400, $0x38;
	[tilespmem:$0x1D058] =	vst v63  }
0x7a: {  	_ =	swait.ge [sflag:s25], $0x400  }
0x7b: {  	[sflag:s25] =	ssyncset.done $0x0  }
0x7c: {  	[sflag:s25] =	ssyncadd.s32 $0xFFFFFC00  }
0x7d: {  	[tilespmem:s31], [sflag:$0x2] =	stream.indirect.gather [hbm4b:s4+s28], $0x10, s28, s28, $0xb8;
	[tilespmem:$0x1D058] =	vst v63  }
0x7e: {  	_ =	swait.ge [sflag:s0], $0x4000  }
0x7f: {  	[sflag:s0] =	ssyncset.done $0x0  }
0x80: {  	[sflag:s0] =	ssyncadd.s32 $0xFFFFC000  }
0x81: {  	[spmem:s2] =	stream.indirect.scatter.add.bf16 [tilespmem:s29], [sflag:$0x3], $0x10, s26, s28, $0xb8;
	[tilespmem:$0x1D058] =	vst v63  }
0x82: {  	_ =	swait.ge [sflag:s7], $0x4000  }
0x83: {  	[sflag:s7] =	ssyncset.done $0x0  }
0x84: {  	s13 =	sadd.s32 $0x1900, s13;
	[sflag:s7] =	ssyncadd.s32 $0xFFFFC000  }
0x85: {  	[tilespmem:s3], [sflag:$0x5] =	stream.linear.gather [hbm4b:s13+s3], $0x400, $0x38;
	[tilespmem:$0x1D058] =	vst v63  }
0x86: {  	_ =	swait.ge [sflag:s25], $0x400  }
0x87: {  	[sflag:s25] =	ssyncset.done $0x0  }
0x88: {  	s16 =	sadd.s32 $0x1900, s16;
	[sflag:s25] =	ssyncadd.s32 $0xFFFFFC00  }
0x89: {  	[tilespmem:s26], [sflag:$0x5] =	stream.linear.gather [hbm4b:s16+s3], $0x400, $0x38;
	[tilespmem:$0x1D058] =	vst v63  }
0x8a: {  	_ =	swait.ge [sflag:s25], $0x400  }
0x8b: {  	[sflag:s25] =	ssyncset.done $0x0  }
0x8c: {  	[sflag:s25] =	ssyncadd.s32 $0xFFFFFC00  }
0x8d: {  	[tilespmem:s29], [sflag:$0x1] =	stream.indirect.gather [hbm4b:s4+s28], $0x10, s3, s28, $0xb8;
	[tilespmem:$0x1D058] =	vst v63  }
0x8e: {  	_ =	swait.ge [sflag:s8], $0x4000  }
0x8f: {  	[sflag:s8] =	ssyncset.done $0x0  }
0x90: {  	s13 =	simm.s32 $0xFFFFEA00;
	[sflag:s8] =	ssyncadd.s32 $0xFFFFC000  }
.LBB2_6:
0x91: {  	[spmem:s2] =	stream.indirect.scatter.add.bf16 [tilespmem:s31], [sflag:$0x4], $0x10, s30, s28, $0xb8;
	[tilespmem:$0x1D058] =	vst v63  }
0x92: {  	s14 =	smov.u32 s13  }
0x93: {  	p3 =	sne.s32 s13, $0xFFFFFF00;
	s13 =	sadd.s32 $0x100, s13;
	_ =	swait.ge [sflag:s6], $0x4000  }
0x94: {  	s15 =	sadd.s32 s14, s9;
	[sflag:s6] =	ssyncset.done $0x0  }
0x95: {  	s16 =	sadd.s32 $0x1880, s15;
	[sflag:s6] =	ssyncadd.s32 $0xFFFFC000  }
0x96: {  	[tilespmem:s28], [sflag:$0x5] =	stream.linear.gather [hbm4b:s16+s3], $0x400, $0x38;
	[tilespmem:$0x1D058] =	vst v63  }
0x97: {  	_ =	swait.ge [sflag:s25], $0x400  }
0x98: {  	s14 =	sadd.s32 s14, s10;
	[sflag:s25] =	ssyncset.done $0x0  }
0x99: {  	s16 =	sadd.s32 $0x1880, s14;
	[sflag:s25] =	ssyncadd.s32 $0xFFFFFC00  }
0x9a: {  	[tilespmem:s30], [sflag:$0x5] =	stream.linear.gather [hbm4b:s16+s3], $0x400, $0x38;
	[tilespmem:$0x1D058] =	vst v63  }
0x9b: {  	_ =	swait.ge [sflag:s25], $0x400  }
0x9c: {  	[sflag:s25] =	ssyncset.done $0x0  }
0x9d: {  	[sflag:s25] =	ssyncadd.s32 $0xFFFFFC00  }
0x9e: {  	[tilespmem:s31], [sflag:$0x2] =	stream.indirect.gather [hbm4b:s4+s28], $0x10, s28, s28, $0xb8;
	[tilespmem:$0x1D058] =	vst v63  }
0x9f: {  	_ =	swait.ge [sflag:s0], $0x4000  }
0xa0: {  	[sflag:s0] =	ssyncset.done $0x0  }
0xa1: {  	[sflag:s0] =	ssyncadd.s32 $0xFFFFC000  }
0xa2: {  	[spmem:s2] =	stream.indirect.scatter.add.bf16 [tilespmem:s29], [sflag:$0x3], $0x10, s26, s28, $0xb8;
	[tilespmem:$0x1D058] =	vst v63  }
0xa3: {  	_ =	swait.ge [sflag:s7], $0x4000  }
0xa4: {  	[sflag:s7] =	ssyncset.done $0x0  }
0xa5: {  	s15 =	sadd.s32 $0x1900, s15;
	[sflag:s7] =	ssyncadd.s32 $0xFFFFC000  }
0xa6: {  	[tilespmem:s3], [sflag:$0x5] =	stream.linear.gather [hbm4b:s15+s3], $0x400, $0x38;
	[tilespmem:$0x1D058] =	vst v63  }
0xa7: {  	_ =	swait.ge [sflag:s25], $0x400  }
0xa8: {  	[sflag:s25] =	ssyncset.done $0x0  }
0xa9: {  	s14 =	sadd.s32 $0x1900, s14;
	[sflag:s25] =	ssyncadd.s32 $0xFFFFFC00  }
0xaa: {  	[tilespmem:s26], [sflag:$0x5] =	stream.linear.gather [hbm4b:s14+s3], $0x400, $0x38;
	[tilespmem:$0x1D058] =	vst v63  }
0xab: {  	_ =	swait.ge [sflag:s25], $0x400  }
0xac: {  	[sflag:s25] =	ssyncset.done $0x0  }
.Ltmp3:
0xad: {  	[sflag:s25] =	ssyncadd.s32 $0xFFFFFC00;
	(pc) =	sbr.rel @p3 .LBB2_6-.Ltmp3, $4  }
0xae: {  	[tilespmem:s29], [sflag:$0x1] =	stream.indirect.gather [hbm4b:s4+s28], $0x10, s3, s28, $0xb8;
	[tilespmem:$0x1D058] =	vst v63  }
0xaf: {  	_ =	swait.ge [sflag:s8], $0x4000  }
0xb0: {  	[sflag:s8] =	ssyncset.done $0x0  }
0xb1: {  	[sflag:s8] =	ssyncadd.s32 $0xFFFFC000  }
0xb2: {  	[spmem:s2] =	stream.indirect.scatter.add.bf16 [tilespmem:s31], [sflag:$0x4], $0x10, s30, s28, $0xb8;
	[tilespmem:$0x1D058] =	vst v63  }
0xb3: {  	_ =	swait.ge [sflag:s6], $0x4000  }
0xb4: {  	[sflag:s6] =	ssyncset.done $0x0  }
0xb5: {  	s13 =	rddreg [dreg:$0xb];
	[sflag:s6] =	ssyncadd.s32 $0xFFFFC000  }
0xb6: {  	[tilespmem:s28], [sflag:$0x5] =	stream.linear.gather [hbm4b:s13+s3], $0x400, $0x38;
	[tilespmem:$0x1D058] =	vst v63  }
0xb7: {  	_ =	swait.ge [sflag:s25], $0x400  }
0xb8: {  	[sflag:s25] =	ssyncset.done $0x0  }
0xb9: {  	s16 =	rddreg [dreg:$0xc];
	[sflag:s25] =	ssyncadd.s32 $0xFFFFFC00  }
0xba: {  	[tilespmem:s30], [sflag:$0x5] =	stream.linear.gather [hbm4b:s16+s3], $0x400, $0x38;
	[tilespmem:$0x1D058] =	vst v63  }
0xbb: {  	_ =	swait.ge [sflag:s25], $0x400  }
0xbc: {  	[sflag:s25] =	ssyncset.done $0x0  }
0xbd: {  	[sflag:s25] =	ssyncadd.s32 $0xFFFFFC00  }
0xbe: {  	[tilespmem:s31], [sflag:$0x2] =	stream.indirect.gather [hbm4b:s4+s28], $0x10, s28, s28, $0xb8;
	[tilespmem:$0x1D058] =	vst v63  }
0xbf: {  	_ =	swait.ge [sflag:s0], $0x4000  }
0xc0: {  	[sflag:s0] =	ssyncset.done $0x0  }
0xc1: {  	[sflag:s0] =	ssyncadd.s32 $0xFFFFC000  }
0xc2: {  	[spmem:s2] =	stream.indirect.scatter.add.bf16 [tilespmem:s29], [sflag:$0x3], $0x10, s26, s28, $0xb8;
	[tilespmem:$0x1D058] =	vst v63  }
0xc3: {  	_ =	swait.ge [sflag:s7], $0x4000  }
0xc4: {  	[sflag:s7] =	ssyncset.done $0x0  }
0xc5: {  	[sflag:s7] =	ssyncadd.s32 $0xFFFFC000  }
0xc6: {  	_ =	swait.ge [sflag:s8], $0x4000  }
0xc7: {  	[sflag:s8] =	ssyncset.done $0x0  }
0xc8: {  	[sflag:s8] =	ssyncadd.s32 $0xFFFFC000  }
0xc9: {  	[spmem:s2] =	stream.indirect.scatter.add.bf16 [tilespmem:s31], [sflag:$0x4], $0x10, s30, s28, $0xb8;
	[tilespmem:$0x1D058] =	vst v63  }
0xca: {  	_ =	swait.ge [sflag:s6], $0x4000  }
0xcb: {  	[sflag:s6] =	ssyncset.done $0x0  }
0xcc: {  	[sflag:s6] =	ssyncadd.s32 $0xFFFFC000  }
0xcd: {  	[bflag:$0x0] =	sbarrier.arrive $0xFFFF  }
0xce: {  	[tilespmem:s11], [sflag:$0x5] =	stream.linear.gather [spmem:s21], $0x3E80, $0x38;
	[tilespmem:$0x1D058] =	vst v63  }
0xcf: {  	_ =	swait.ge [sflag:s25], $0x3E80  }
0xd0: {  	[sflag:s25] =	ssyncset.done $0x0  }
0xd1: {  	s14 =	rddreg [dreg:$0x10];
	[sflag:s25] =	ssyncadd.s32 $0xFFFFC180  }
0xd2: {  	[hbm4b:s14+s3] =	stream.linear.scatter [tilespmem:s11], [sflag:$0x5], $0x3E80, $0x38;
	[tilespmem:$0x1D058] =	vst v63  }
0xd3: {  	_ =	swait.ge [sflag:s25], $0x3E80  }
0xd4: {  	[sflag:s25] =	ssyncset.done $0x0  }
0xd5: {  	[sflag:s25] =	ssyncadd.s32 $0xFFFFC180  }
0xd6: {  	[tilespmem:s11], [sflag:$0x5] =	stream.linear.gather [spmem:s22], $0x3E80, $0x38;
	[tilespmem:$0x1D058] =	vst v63  }
0xd7: {  	_ =	swait.ge [sflag:s25], $0x3E80  }
0xd8: {  	[sflag:s25] =	ssyncset.done $0x0  }
0xd9: {  	s15 =	rddreg [dreg:$0x12];
	[sflag:s25] =	ssyncadd.s32 $0xFFFFC180  }
0xda: {  	[hbm4b:s15+s3] =	stream.linear.scatter [tilespmem:s11], [sflag:$0x5], $0x3E80, $0x38;
	[tilespmem:$0x1D058] =	vst v63  }
0xdb: {  	_ =	swait.ge [sflag:s25], $0x3E80  }
0xdc: {  	[sflag:s25] =	ssyncset.done $0x0  }
0xdd: {  	[sflag:s25] =	ssyncadd.s32 $0xFFFFC180  }
0xde: {  	[tilespmem:s11], [sflag:$0x5] =	stream.linear.gather [spmem:s23], $0x3E80, $0x38;
	[tilespmem:$0x1D058] =	vst v63  }
0xdf: {  	_ =	swait.ge [sflag:s25], $0x3E80  }
0xe0: {  	[sflag:s25] =	ssyncset.done $0x0  }
0xe1: {  	s16 =	rddreg [dreg:$0x14];
	[sflag:s25] =	ssyncadd.s32 $0xFFFFC180  }
0xe2: {  	[hbm4b:s16+s3] =	stream.linear.scatter [tilespmem:s11], [sflag:$0x5], $0x3E80, $0x38;
	[tilespmem:$0x1D058] =	vst v63  }
.Ltmp4:
0xe3: {  	_ = 	snop;
	(pc) =	sbr.rel @p1 .LBB2_9-.Ltmp4, $4  }
.Ltmp5:
0xe4: {  	_ = 	snop;
	(pc) =	sbr.rel @!p1 .LBB2_8-.Ltmp5, $4  }
0xe5: {  	_ =	swait.ge [sflag:s25], $0x3E80  }
0xe6: {  	[sflag:s25] =	ssyncset.done $0x0  }
0xe7: {  	s13 =	rddreg [dreg:$0x6];
	[sflag:s25] =	ssyncadd.s32 $0xFFFFC180  }
0xe8: {  	_ = 	snop  }
.LBB2_2:
0xe9: {  	s13 =	simm.s32 @!p1 $0x9000  }
0xea: {  	[spmem:s20] =	stream.linear.scatter @!p1 [tilespmem:s13], [sflag:$0x5], $0x3E80, $0x38;
	[tilespmem:$0x1D058] =	vst v63  }
0xeb: {  	s13 =	simm.s32 @!p1 $0x5  }
0xec: {  	_ =	swait.ge @!p1 [sflag:s13], $0x3E80  }
0xed: {  	[sflag:s13] =	ssyncset.done @!p1 $0x0  }
0xee: {  	[sflag:s13] =	ssyncadd.s32 @!p1 $0xFFFFC180  }
0xef: {  	[bflag:$0x0] =	sbarrier.arrive $0xFFFF  }
0xf0: {  	[tilespmem:s3], [sflag:$0x5] =	stream.linear.gather [hbm4b:s9+s3], $0x400, $0x38;
	[tilespmem:$0x1D058] =	vst v63  }
0xf1: {  	_ =	swait.ge [sflag:s25], $0x400  }
0xf2: {  	[sflag:s25] =	ssyncset.done $0x0  }
0xf3: {  	[sflag:s25] =	ssyncadd.s32 $0xFFFFFC00  }
0xf4: {  	[tilespmem:s26], [sflag:$0x5] =	stream.linear.gather [hbm4b:s10+s3], $0x400, $0x38;
	[tilespmem:$0x1D058] =	vst v63  }
0xf5: {  	_ =	swait.ge [sflag:s25], $0x400  }
0xf6: {  	[sflag:s25] =	ssyncset.done $0x0  }
0xf7: {  	[sflag:s25] =	ssyncadd.s32 $0xFFFFFC00  }
0xf8: {  	[tilespmem:s29], [sflag:$0x1] =	stream.indirect.gather [hbm4b:s1+s28], $0x10, s3, s28, $0xb8;
	[tilespmem:$0x1D058] =	vst v63  }
0xf9: {  	s15 =	rddreg [dreg:$0x7]  }
0xfa: {  	[tilespmem:s28], [sflag:$0x5] =	stream.linear.gather [hbm4b:s15+s3], $0x400, $0x38;
	[tilespmem:$0x1D058] =	vst v63  }
0xfb: {  	_ =	swait.ge [sflag:s25], $0x400  }
0xfc: {  	[sflag:s25] =	ssyncset.done $0x0  }
0xfd: {  	s16 =	rddreg [dreg:$0x8];
	[sflag:s25] =	ssyncadd.s32 $0xFFFFFC00  }
0xfe: {  	[tilespmem:s30], [sflag:$0x5] =	stream.linear.gather [hbm4b:s16+s3], $0x400, $0x38;
	[tilespmem:$0x1D058] =	vst v63  }
0xff: {  	_ =	swait.ge [sflag:s25], $0x400  }
0x100: {  	[sflag:s25] =	ssyncset.done $0x0  }
0x101: {  	[sflag:s25] =	ssyncadd.s32 $0xFFFFFC00  }
0x102: {  	[tilespmem:s31], [sflag:$0x2] =	stream.indirect.gather [hbm4b:s1+s28], $0x10, s28, s28, $0xb8;
	[tilespmem:$0x1D058] =	vst v63  }
0x103: {  	_ =	swait.ge [sflag:s0], $0x4000  }
0x104: {  	[sflag:s0] =	ssyncset.done $0x0  }
0x105: {  	[sflag:s0] =	ssyncadd.s32 $0xFFFFC000  }
0x106: {  	[spmem:s2] =	stream.indirect.scatter.add.bf16 [tilespmem:s29], [sflag:$0x3], $0x10, s26, s28, $0xb8;
	[tilespmem:$0x1D058] =	vst v63  }
0x107: {  	_ =	swait.ge [sflag:s7], $0x4000  }
0x108: {  	[sflag:s7] =	ssyncset.done $0x0  }
0x109: {  	s14 =	rddreg [dreg:$0x9];
	[sflag:s7] =	ssyncadd.s32 $0xFFFFC000  }
0x10a: {  	[tilespmem:s3], [sflag:$0x5] =	stream.linear.gather [hbm4b:s14+s3], $0x400, $0x38;
	[tilespmem:$0x1D058] =	vst v63  }
0x10b: {  	_ =	swait.ge [sflag:s25], $0x400  }
0x10c: {  	[sflag:s25] =	ssyncset.done $0x0  }
0x10d: {  	s15 =	rddreg [dreg:$0xa];
	[sflag:s25] =	ssyncadd.s32 $0xFFFFFC00  }
0x10e: {  	[tilespmem:s26], [sflag:$0x5] =	stream.linear.gather [hbm4b:s15+s3], $0x400, $0x38;
	[tilespmem:$0x1D058] =	vst v63  }
0x10f: {  	_ =	swait.ge [sflag:s25], $0x400  }
0x110: {  	[sflag:s25] =	ssyncset.done $0x0  }
0x111: {  	[sflag:s25] =	ssyncadd.s32 $0xFFFFFC00  }
0x112: {  	[tilespmem:s29], [sflag:$0x1] =	stream.indirect.gather [hbm4b:s1+s28], $0x10, s3, s28, $0xb8;
	[tilespmem:$0x1D058] =	vst v63  }
0x113: {  	_ =	swait.ge [sflag:s8], $0x4000  }
0x114: {  	[sflag:s8] =	ssyncset.done $0x0  }
0x115: {  	[sflag:s8] =	ssyncadd.s32 $0xFFFFC000  }
0x116: {  	[spmem:s2] =	stream.indirect.scatter.add.bf16 [tilespmem:s31], [sflag:$0x4], $0x10, s30, s28, $0xb8;
	[tilespmem:$0x1D058] =	vst v63  }
0x117: {  	_ =	swait.ge [sflag:s6], $0x4000  }
0x118: {  	s13 =	sadd.s32 $0xFFFFE900, s9;
	[sflag:s6] =	ssyncset.done $0x0  }
0x119: {  	s14 =	sadd.s32 $0x1880, s13;
	[sflag:s6] =	ssyncadd.s32 $0xFFFFC000  }
0x11a: {  	[tilespmem:s28], [sflag:$0x5] =	stream.linear.gather [hbm4b:s14+s3], $0x400, $0x38;
	[tilespmem:$0x1D058] =	vst v63  }
0x11b: {  	_ =	swait.ge [sflag:s25], $0x400  }
0x11c: {  	s16 =	sadd.s32 $0xFFFFE900, s10;
	[sflag:s25] =	ssyncset.done $0x0  }
0x11d: {  	s15 =	sadd.s32 $0x1880, s16;
	[sflag:s25] =	ssyncadd.s32 $0xFFFFFC00  }
0x11e: {  	[tilespmem:s30], [sflag:$0x5] =	stream.linear.gather [hbm4b:s15+s3], $0x400, $0x38;
	[tilespmem:$0x1D058] =	vst v63  }
0x11f: {  	_ =	swait.ge [sflag:s25], $0x400  }
0x120: {  	[sflag:s25] =	ssyncset.done $0x0  }
0x121: {  	[sflag:s25] =	ssyncadd.s32 $0xFFFFFC00  }
0x122: {  	[tilespmem:s31], [sflag:$0x2] =	stream.indirect.gather [hbm4b:s1+s28], $0x10, s28, s28, $0xb8;
	[tilespmem:$0x1D058] =	vst v63  }
0x123: {  	_ =	swait.ge [sflag:s0], $0x4000  }
0x124: {  	[sflag:s0] =	ssyncset.done $0x0  }
0x125: {  	[sflag:s0] =	ssyncadd.s32 $0xFFFFC000  }
0x126: {  	[spmem:s2] =	stream.indirect.scatter.add.bf16 [tilespmem:s29], [sflag:$0x3], $0x10, s26, s28, $0xb8;
	[tilespmem:$0x1D058] =	vst v63  }
0x127: {  	_ =	swait.ge [sflag:s7], $0x4000  }
0x128: {  	[sflag:s7] =	ssyncset.done $0x0  }
0x129: {  	s13 =	sadd.s32 $0x1900, s13;
	[sflag:s7] =	ssyncadd.s32 $0xFFFFC000  }
0x12a: {  	[tilespmem:s3], [sflag:$0x5] =	stream.linear.gather [hbm4b:s13+s3], $0x400, $0x38;
	[tilespmem:$0x1D058] =	vst v63  }
0x12b: {  	_ =	swait.ge [sflag:s25], $0x400  }
0x12c: {  	[sflag:s25] =	ssyncset.done $0x0  }
0x12d: {  	s16 =	sadd.s32 $0x1900, s16;
	[sflag:s25] =	ssyncadd.s32 $0xFFFFFC00  }
0x12e: {  	[tilespmem:s26], [sflag:$0x5] =	stream.linear.gather [hbm4b:s16+s3], $0x400, $0x38;
	[tilespmem:$0x1D058] =	vst v63  }
0x12f: {  	_ =	swait.ge [sflag:s25], $0x400  }
0x130: {  	[sflag:s25] =	ssyncset.done $0x0  }
0x131: {  	[sflag:s25] =	ssyncadd.s32 $0xFFFFFC00  }
0x132: {  	[tilespmem:s29], [sflag:$0x1] =	stream.indirect.gather [hbm4b:s1+s28], $0x10, s3, s28, $0xb8;
	[tilespmem:$0x1D058] =	vst v63  }
0x133: {  	_ =	swait.ge [sflag:s8], $0x4000  }
0x134: {  	[sflag:s8] =	ssyncset.done $0x0  }
0x135: {  	s13 =	simm.s32 $0xFFFFEA00;
	[sflag:s8] =	ssyncadd.s32 $0xFFFFC000  }
.LBB2_3:
0x136: {  	[spmem:s2] =	stream.indirect.scatter.add.bf16 [tilespmem:s31], [sflag:$0x4], $0x10, s30, s28, $0xb8;
	[tilespmem:$0x1D058] =	vst v63  }
0x137: {  	s14 =	smov.u32 s13  }
0x138: {  	p3 =	sne.s32 s13, $0xFFFFFF00;
	s13 =	sadd.s32 $0x100, s13;
	_ =	swait.ge [sflag:s6], $0x4000  }
0x139: {  	s15 =	sadd.s32 s14, s9;
	[sflag:s6] =	ssyncset.done $0x0  }
0x13a: {  	s16 =	sadd.s32 $0x1880, s15;
	[sflag:s6] =	ssyncadd.s32 $0xFFFFC000  }
0x13b: {  	[tilespmem:s28], [sflag:$0x5] =	stream.linear.gather [hbm4b:s16+s3], $0x400, $0x38;
	[tilespmem:$0x1D058] =	vst v63  }
0x13c: {  	_ =	swait.ge [sflag:s25], $0x400  }
0x13d: {  	s14 =	sadd.s32 s14, s10;
	[sflag:s25] =	ssyncset.done $0x0  }
0x13e: {  	s16 =	sadd.s32 $0x1880, s14;
	[sflag:s25] =	ssyncadd.s32 $0xFFFFFC00  }
0x13f: {  	[tilespmem:s30], [sflag:$0x5] =	stream.linear.gather [hbm4b:s16+s3], $0x400, $0x38;
	[tilespmem:$0x1D058] =	vst v63  }
0x140: {  	_ =	swait.ge [sflag:s25], $0x400  }
0x141: {  	[sflag:s25] =	ssyncset.done $0x0  }
0x142: {  	[sflag:s25] =	ssyncadd.s32 $0xFFFFFC00  }
0x143: {  	[tilespmem:s31], [sflag:$0x2] =	stream.indirect.gather [hbm4b:s1+s28], $0x10, s28, s28, $0xb8;
	[tilespmem:$0x1D058] =	vst v63  }
0x144: {  	_ =	swait.ge [sflag:s0], $0x4000  }
0x145: {  	[sflag:s0] =	ssyncset.done $0x0  }
0x146: {  	[sflag:s0] =	ssyncadd.s32 $0xFFFFC000  }
0x147: {  	[spmem:s2] =	stream.indirect.scatter.add.bf16 [tilespmem:s29], [sflag:$0x3], $0x10, s26, s28, $0xb8;
	[tilespmem:$0x1D058] =	vst v63  }
0x148: {  	_ =	swait.ge [sflag:s7], $0x4000  }
0x149: {  	[sflag:s7] =	ssyncset.done $0x0  }
0x14a: {  	s15 =	sadd.s32 $0x1900, s15;
	[sflag:s7] =	ssyncadd.s32 $0xFFFFC000  }
0x14b: {  	[tilespmem:s3], [sflag:$0x5] =	stream.linear.gather [hbm4b:s15+s3], $0x400, $0x38;
	[tilespmem:$0x1D058] =	vst v63  }
0x14c: {  	_ =	swait.ge [sflag:s25], $0x400  }
0x14d: {  	[sflag:s25] =	ssyncset.done $0x0  }
0x14e: {  	s14 =	sadd.s32 $0x1900, s14;
	[sflag:s25] =	ssyncadd.s32 $0xFFFFFC00  }
0x14f: {  	[tilespmem:s26], [sflag:$0x5] =	stream.linear.gather [hbm4b:s14+s3], $0x400, $0x38;
	[tilespmem:$0x1D058] =	vst v63  }
0x150: {  	_ =	swait.ge [sflag:s25], $0x400  }
0x151: {  	[sflag:s25] =	ssyncset.done $0x0  }
.Ltmp6:
0x152: {  	[sflag:s25] =	ssyncadd.s32 $0xFFFFFC00;
	(pc) =	sbr.rel @p3 .LBB2_3-.Ltmp6, $4  }
0x153: {  	[tilespmem:s29], [sflag:$0x1] =	stream.indirect.gather [hbm4b:s1+s28], $0x10, s3, s28, $0xb8;
	[tilespmem:$0x1D058] =	vst v63  }
0x154: {  	_ =	swait.ge [sflag:s8], $0x4000  }
0x155: {  	[sflag:s8] =	ssyncset.done $0x0  }
0x156: {  	[sflag:s8] =	ssyncadd.s32 $0xFFFFC000  }
0x157: {  	[spmem:s2] =	stream.indirect.scatter.add.bf16 [tilespmem:s31], [sflag:$0x4], $0x10, s30, s28, $0xb8;
	[tilespmem:$0x1D058] =	vst v63  }
0x158: {  	_ =	swait.ge [sflag:s6], $0x4000  }
0x159: {  	[sflag:s6] =	ssyncset.done $0x0  }
0x15a: {  	s13 =	rddreg [dreg:$0xb];
	[sflag:s6] =	ssyncadd.s32 $0xFFFFC000  }
0x15b: {  	[tilespmem:s28], [sflag:$0x5] =	stream.linear.gather [hbm4b:s13+s3], $0x400, $0x38;
	[tilespmem:$0x1D058] =	vst v63  }
0x15c: {  	_ =	swait.ge [sflag:s25], $0x400  }
0x15d: {  	[sflag:s25] =	ssyncset.done $0x0  }
0x15e: {  	s16 =	rddreg [dreg:$0xc];
	[sflag:s25] =	ssyncadd.s32 $0xFFFFFC00  }
0x15f: {  	[tilespmem:s30], [sflag:$0x5] =	stream.linear.gather [hbm4b:s16+s3], $0x400, $0x38;
	[tilespmem:$0x1D058] =	vst v63  }
0x160: {  	_ =	swait.ge [sflag:s25], $0x400  }
0x161: {  	[sflag:s25] =	ssyncset.done $0x0  }
0x162: {  	[sflag:s25] =	ssyncadd.s32 $0xFFFFFC00  }
0x163: {  	[tilespmem:s31], [sflag:$0x2] =	stream.indirect.gather [hbm4b:s1+s28], $0x10, s28, s28, $0xb8;
	[tilespmem:$0x1D058] =	vst v63  }
0x164: {  	_ =	swait.ge [sflag:s0], $0x4000  }
0x165: {  	[sflag:s0] =	ssyncset.done $0x0  }
0x166: {  	[sflag:s0] =	ssyncadd.s32 $0xFFFFC000  }
0x167: {  	[spmem:s2] =	stream.indirect.scatter.add.bf16 [tilespmem:s29], [sflag:$0x3], $0x10, s26, s28, $0xb8;
	[tilespmem:$0x1D058] =	vst v63  }
0x168: {  	_ =	swait.ge [sflag:s7], $0x4000  }
0x169: {  	[sflag:s7] =	ssyncset.done $0x0  }
0x16a: {  	[sflag:s7] =	ssyncadd.s32 $0xFFFFC000  }
0x16b: {  	_ =	swait.ge [sflag:s8], $0x4000  }
0x16c: {  	[sflag:s8] =	ssyncset.done $0x0  }
0x16d: {  	[sflag:s8] =	ssyncadd.s32 $0xFFFFC000  }
0x16e: {  	[spmem:s2] =	stream.indirect.scatter.add.bf16 [tilespmem:s31], [sflag:$0x4], $0x10, s30, s28, $0xb8;
	[tilespmem:$0x1D058] =	vst v63  }
0x16f: {  	_ =	swait.ge [sflag:s6], $0x4000  }
0x170: {  	[sflag:s6] =	ssyncset.done $0x0  }
0x171: {  	[sflag:s6] =	ssyncadd.s32 $0xFFFFC000  }
0x172: {  	[bflag:$0x0] =	sbarrier.arrive $0xFFFF  }
0x173: {  	[tilespmem:s11], [sflag:$0x5] =	stream.linear.gather [spmem:s21], $0x3E80, $0x38;
	[tilespmem:$0x1D058] =	vst v63  }
0x174: {  	_ =	swait.ge [sflag:s25], $0x3E80  }
0x175: {  	[sflag:s25] =	ssyncset.done $0x0  }
0x176: {  	s14 =	rddreg [dreg:$0xf];
	[sflag:s25] =	ssyncadd.s32 $0xFFFFC180  }
0x177: {  	[hbm4b:s14+s3] =	stream.linear.scatter [tilespmem:s11], [sflag:$0x5], $0x3E80, $0x38;
	[tilespmem:$0x1D058] =	vst v63  }
0x178: {  	_ =	swait.ge [sflag:s25], $0x3E80  }
0x179: {  	[sflag:s25] =	ssyncset.done $0x0  }
0x17a: {  	[sflag:s25] =	ssyncadd.s32 $0xFFFFC180  }
0x17b: {  	[tilespmem:s11], [sflag:$0x5] =	stream.linear.gather [spmem:s22], $0x3E80, $0x38;
	[tilespmem:$0x1D058] =	vst v63  }
0x17c: {  	_ =	swait.ge [sflag:s25], $0x3E80  }
0x17d: {  	[sflag:s25] =	ssyncset.done $0x0  }
0x17e: {  	s15 =	rddreg [dreg:$0x11];
	[sflag:s25] =	ssyncadd.s32 $0xFFFFC180  }
0x17f: {  	[hbm4b:s15+s3] =	stream.linear.scatter [tilespmem:s11], [sflag:$0x5], $0x3E80, $0x38;
	[tilespmem:$0x1D058] =	vst v63  }
0x180: {  	_ =	swait.ge [sflag:s25], $0x3E80  }
0x181: {  	[sflag:s25] =	ssyncset.done $0x0  }
0x182: {  	[sflag:s25] =	ssyncadd.s32 $0xFFFFC180  }
0x183: {  	[tilespmem:s11], [sflag:$0x5] =	stream.linear.gather [spmem:s23], $0x3E80, $0x38;
	[tilespmem:$0x1D058] =	vst v63  }
0x184: {  	_ =	swait.ge [sflag:s25], $0x3E80  }
0x185: {  	[sflag:s25] =	ssyncset.done $0x0  }
0x186: {  	s16 =	rddreg [dreg:$0x13];
	[sflag:s25] =	ssyncadd.s32 $0xFFFFC180  }
0x187: {  	[hbm4b:s16+s3] =	stream.linear.scatter [tilespmem:s11], [sflag:$0x5], $0x3E80, $0x38;
	[tilespmem:$0x1D058] =	vst v63  }
.Ltmp7:
0x188: {  	_ = 	snop;
	(pc) =	sbr.rel @p2 .LBB2_8-.Ltmp7, $4  }
.Ltmp8:
0x189: {  	_ = 	snop;
	(pc) =	sbr.rel @!p2 .LBB2_9-.Ltmp8, $4  }
0x18a: {  	_ =	swait.ge [sflag:s25], $0x3E80  }
0x18b: {  	[sflag:s25] =	ssyncset.done $0x0  }
0x18c: {  	s13 =	rddreg [dreg:$0x5];
	[sflag:s25] =	ssyncadd.s32 $0xFFFFC180  }
0x18d: {  	_ = 	snop  }
.LBB2_10:
0x18e: {  	_ =	sfence.sel $0x180000  }
0x18f: {  	[bflag:$0x0] =	sbarrier.arrive $0xFFFF  }
0x190: {  	_ =	strace $0x90000047  }
0x191: {  	s0 =	stileid.u32;
	[bflag:$0x2] =	sbarrier.arrive $0xFFFF  }
0x192: {  	p0 =	sne.s32 s0, $0x0;
	s0 =	rddreg [dreg:$0x3]  }
0x193: {  	s0 =	sadd.s32 @!p0 $0x100000, s0  }
0x194: {  	[sflag:s0] =	ssyncadd.tile.s32 @!p0 $0x1;
	_ =	shalt  }
.Lfunc_end2:
_tile_overlayer_lowered:
.L_overlay_start_2:
0x195: {  	(tag) =	ssettag $0x2  }
0x196: {  	s0 =	rddreg [dreg:$0x0];
	s2 =	stileid.u32  }
0x197: {  	s1 =	rddreg [dreg:$0x1];
	p0 =	sne.s32 s2, $0x0  }
0x198: {  	s3 =	rddreg [dreg:$0x2];
	[bflag:$0x3] =	sbarrier.arrive $0xFFFF;
	s2 =	simm.s32 @!p0 $0x1C05  }
0x199: {  	[timem:s3], [sflag:s2] =	dma.local @!p0 [hbm:s0], s1  }
0x19a: {  	s0 =	simm.s32 @!p0 $0x5  }
0x19b: {  	_ =	swait.ge @!p0 [sflag:s0], s1  }
0x19c: {  	s1 =	ssub.s32 @!p0 $0x0, s1;
	[sflag:s0] =	ssyncset.done @!p0 $0x0  }
0x19d: {  	[sflag:s0] =	ssyncadd.s32 @!p0 s1  }
0x19e: {  	[bflag:$0x3] =	sbarrier.arrive $0xFFFF  }
0x19f: {  	_ =	shalt  }

// kernel: kernel.13.cloned.1.call-start
scs
__scs_entry_jumppad:
0x0: {  	(pc) =	sbr.rel $0x88, $3  }
0x1: {  	(tag) =	ssettag $0x0;
	lr =	simm.s32 $0x1  }
0x2: {  	[smem:$0x3F99] =	sst lr;
	_ =	strace $0xD0000000  }
0x3: {  	_ = 	snop  }
0x4: {  	_ = 	snop  }
0x5: {  	_ = 	snop  }
0x6: {  	_ = 	snop  }
0x7: {  	_ = 	snop  }
__scs_overlays_trampoline_lowered:
0x8: {  	[smem:$0x3FA8] =	sst s0  }
0x9: {  	[smem:$0x3FA9] =	sst s1  }
0xa: {  	[smem:$0x3FAA] =	sst s2  }
0xb: {  	[smem:$0x3FAB] =	sst s3  }
0xc: {  	[smem:$0x3FAC] =	sst s4  }
0xd: {  	[smem:$0x3FAD] =	sst s5  }
0xe: {  	[smem:$0x3FAE] =	sst s6  }
0xf: {  	[smem:$0x3FAF] =	sst s7  }
0x10: {  	[smem:$0x3FB0] =	sst s8  }
0x11: {  	[smem:$0x3FB1] =	sst s9;
	s0 =	simm.s32 @!p0 $0x0  }
0x12: {  	s1 =	sld [smem:$0x3F97];
	s0 =	simm.s32 @p0 $0x1  }
0x13: {  	[smem:$0x3FB2] =	sst s0;
	s0 =	simm.s32 @!p1 $0x0  }
0x14: {  	s2 =	sld [smem:$0x3F96];
	s0 =	simm.s32 @p1 $0x1  }
0x15: {  	[smem:$0x3FB3] =	sst s0;
	s0 =	simm.s32 @!p2 $0x0  }
0x16: {  	s3 =	sld [smem:$0x3FDB];
	s0 =	simm.s32 @p2 $0x1  }
0x17: {  	s4 =	simm.s32 $0x1BF5;
	[smem:$0x3FB5] =	sst s0  }
0x18: {  	s0 =	sld [smem:$0x3F98];
	_ =	swait.ge [sflag:s4], $0x0  }
0x19: {  	s7 =	sld [smem:$0x3F99]  }
0x1a: {  	s8 =	sadd.s32 $0xFFFFE003, lr  }
0x1b: {  	s9 =	sadd.s32 $0xFFFFFEF7, lr;
	s5 =	simm.s32 $0xFFFFFFFF;
	p2 =	slt.u32 s8, $0xFFFFF086  }
0x1c: {  	p1 =	slt.u32 s9, $0xF7A;
	s5 =	simm.s32 @!p2 $0x0  }
0x1d: {  	s5 =	simm.s32 @p1 $0x1;
	p0 =	seq.s32 s7, s2  }
0x1e: {  	s7 =	smul.u32 @!p0 $0xF7A, s2;
	p2 =	seq.s32 @!p0 s5, $0x0  }
0x1f: {  	s9 =	smul.u32 $0xF7A, s1;
	s8 =	simm.s32 @!p0 $0x1BF5;
	p2 =	por !p2, p0  }
0x20: {  	[sflag:s8] =	ssyncset.s32 @!p0 $0xFFFFF086;
	s6 =	sadd.s32 @!p0 s3, s7;
	s7 =	simm.s32 @!p0 $0x108  }
0x21: {  	s3 =	sadd.s32 s3, s9;
	s6 =	sadd.s32 @!p0 $0x88, s6;
	s7 =	simm.s32 @p2 $0x1082  }
0x22: {  	[simem:s7], [sflag:s8] =	dma.local @!p0 [hbm:s6], $0xF7A  }
0x23: {  	s9 =	sor.u32 $0xD0000000, s2;
	s6 =	simm.s32 $0x108;
	_ =	swait.ge @!p0 [sflag:s8], $0x0  }
0x24: {  	s3 =	sadd.s32 $0x88, s3;
	s6 =	simm.s32 @!p1 $0x1082;
	[sflag:s4] =	ssyncset.s32 $0xFFFFF086  }
0x25: {  	[simem:s6], [sflag:s4] =	dma.local [hbm:s3], $0xF7A  }
0x26: {  	[smem:$0x3F99] =	sst s1;
	(tag) =	ssettag s2;
	_ =	strace s9  }
0x27: {  	s1 =	sld [smem:$0x3FA9]  }
0x28: {  	s2 =	sld [smem:$0x3FAA]  }
0x29: {  	s4 =	sld [smem:$0x3FAC]  }
0x2a: {  	p0 =	seq.s32 s5, $0x0;
	s5 =	sld [smem:$0x3FAD]  }
0x2b: {  	s6 =	sld [smem:$0x3FAE]  }
0x2c: {  	s7 =	sld [smem:$0x3FAF]  }
0x2d: {  	s3 =	simm.s32 $0x108;
	s8 =	sld [smem:$0x3FB0]  }
0x2e: {  	s3 =	simm.s32 @!p0 $0x1082;
	s9 =	sld [smem:$0x3FB1]  }
0x2f: {  	lr =	sadd.s32 s0, s3;
	s0 =	sld [smem:$0x3FA8]  }
0x30: {  	s3 =	sld [smem:$0x3FAB]  }
0x31: {  	[smem:$0x3FB4] =	sst s10  }
0x32: {  	s10 =	sld [smem:$0x3FB2];
	_ =	sdelay $0x3  }
0x33: {  	p0 =	seq.s32 s10, $0x1;
	s10 =	sld [smem:$0x3FB4];
	_ =	sdelay $0x3  }
0x34: {  	[smem:$0x3FB4] =	sst s10  }
0x35: {  	s10 =	sld [smem:$0x3FB3];
	_ =	sdelay $0x3  }
0x36: {  	p1 =	seq.s32 s10, $0x1;
	s10 =	sld [smem:$0x3FB4];
	_ =	sdelay $0x3  }
0x37: {  	[smem:$0x3FB4] =	sst s10  }
0x38: {  	s10 =	sld [smem:$0x3FB5]  }
0x39: {  	_ = 	snop;
	(pc) =	sbr.ind lr, $3  }
0x3a: {  	_ = 	snop  }
0x3b: {  	_ = 	snop  }
0x3c: {  	p2 =	seq.s32 s10, $0x1;
	s10 =	sld [smem:$0x3FB4]  }
0x3d: {  	_ =	shalt  }
0x3e: {  	_ =	shalt  }
0x3f: {  	_ =	shalt  }
0x40: {  	_ =	shalt  }
0x41: {  	_ =	shalt  }
0x42: {  	_ =	shalt  }
0x43: {  	_ =	shalt  }
0x44: {  	_ =	shalt  }
0x45: {  	_ =	shalt  }
0x46: {  	_ =	shalt  }
0x47: {  	_ =	shalt  }
0x48: {  	_ =	shalt  }
0x49: {  	_ =	shalt  }
0x4a: {  	_ =	shalt  }
0x4b: {  	_ =	shalt  }
0x4c: {  	_ =	shalt  }
0x4d: {  	_ =	shalt  }
0x4e: {  	_ =	shalt  }
0x4f: {  	_ =	shalt  }
0x50: {  	_ =	shalt  }
0x51: {  	_ =	shalt  }
0x52: {  	_ =	shalt  }
0x53: {  	_ =	shalt  }
0x54: {  	_ =	shalt  }
0x55: {  	_ =	shalt  }
0x56: {  	_ =	shalt  }
0x57: {  	_ =	shalt  }
0x58: {  	_ =	shalt  }
0x59: {  	_ =	shalt  }
0x5a: {  	_ =	shalt  }
0x5b: {  	_ =	shalt  }
0x5c: {  	_ =	shalt  }
0x5d: {  	_ =	shalt  }
0x5e: {  	_ =	shalt  }
0x5f: {  	_ =	shalt  }
0x60: {  	_ =	shalt  }
0x61: {  	_ =	shalt  }
0x62: {  	_ =	shalt  }
0x63: {  	_ =	shalt  }
0x64: {  	_ =	shalt  }
0x65: {  	_ =	shalt  }
0x66: {  	_ =	shalt  }
0x67: {  	_ =	shalt  }
0x68: {  	_ =	shalt  }
0x69: {  	_ =	shalt  }
0x6a: {  	_ =	shalt  }
0x6b: {  	_ =	shalt  }
0x6c: {  	_ =	shalt  }
0x6d: {  	_ =	shalt  }
0x6e: {  	_ =	shalt  }
0x6f: {  	_ =	shalt  }
0x70: {  	_ =	shalt  }
0x71: {  	_ =	shalt  }
0x72: {  	_ =	shalt  }
0x73: {  	_ =	shalt  }
0x74: {  	_ =	shalt  }
0x75: {  	_ =	shalt  }
0x76: {  	_ =	shalt  }
0x77: {  	_ =	shalt  }
0x78: {  	_ =	shalt  }
0x79: {  	_ =	shalt  }
0x7a: {  	_ =	shalt  }
0x7b: {  	_ =	shalt  }
0x7c: {  	_ =	shalt  }
0x7d: {  	_ =	shalt  }
0x7e: {  	_ =	shalt  }
0x7f: {  	_ =	shalt  }
0x80: {  	_ =	shalt  }
0x81: {  	_ =	shalt  }
0x82: {  	_ =	shalt  }
0x83: {  	_ =	shalt  }
0x84: {  	_ =	shalt  }
0x85: {  	_ =	shalt  }
0x86: {  	_ =	shalt  }
0x87: {  	_ =	shalt  }
.Lfunc_end0:
.L_simem_size_0:
called_computation.2_lowered:
.L_overlay_start_0:
0x88: {  	s2 =	sld [smem:$0x3FD9]  }
0x89: {  	s3 =	sld [smem:$0x3FFE];
	_ =	sdelay $0x1  }
0x8a: {  	s1 =	srdreg.scid  }
0x8b: {  	s0 =	sand.u32 $0x1, s1  }
0x8c: {  	s17 =	sshll.u32 s0, $0xA;
	s2 =	sadd.s32 s3, s2  }
0x8d: {  	s2 =	sadd.s32 s2, s17  }
0x8e: {  	[smem:$0x3FC0] =	sst s2  }
0x8f: {  	_ = 	snop  }
0x90: {  	s2 =	sld [smem:$0x3FD0];
	(tm) =	ssettm $0x1  }
0x91: {  	s18 =	sld [smem:$0x3FFB];
	_ =	sdelay $0x3  }
0x92: {  	_ =	strace s18  }
0x93: {  	s3 =	sld [smem:$0x3FFC];
	_ =	sdelay $0x3  }
0x94: {  	_ =	strace s3  }
0x95: {  	s3 =	sld [smem:$0x3FFD];
	_ =	sdelay $0x3  }
0x96: {  	_ =	strace s3  }
0x97: {  	_ =	strace $0x8FFFFFFF  }
0x98: {  	s19 =	sld [smem:$0x3FDB];
	_ =	sdelay $0x1  }
0x99: {  	s4 =	simm.s32 $_scs_section_size  }
0x9a: {  	s5 =	simm.s32 $_size__tile_overlayer_lowered;
	s6 =	simm.s32 $_tile_overlayer_lowered  }
0x9b: {  	s22 =	simm.s32 $0x1BFF;
	s21 =	sshll.u32 s6, $0x1;
	s3 =	sadd.s32 s4, s19  }
0x9c: {  	s7 =	simm.s32 $0x0;
	s20 =	sshll.u32 s5, $0x1;
	s5 =	sadd.s32 s21, s3  }
0x9d: {  	[timem:s7], [sflag:s22] =	dma.local [hbm:s5], s20  }
0x9e: {  	_ =	swait.ge [sflag:s22], s20  }
0x9f: {  	s4 =	ssub.s32 $0x0, s20;
	[sflag:s22] =	ssyncset.done $0x0  }
0xa0: {  	[sflag:s22] =	ssyncadd.s32 s4;
	_ =	sdelay $0x1  }
0xa1: {  	s23 =	simm.s32 $0x1B8B  }
0xa2: {  	_ =	swait.ge [sflag:s23], $0x1  }
0xa3: {  	[sflag:s23] =	ssyncset.done $0x0  }
0xa4: {  	s25 =	simm.s32 $0x1B8E;
	s24 =	sld [smem:$0x3FFE];
	[sflag:s23] =	ssyncadd.s32 $0xFFFFFFFF  }
0xa5: {  	s26 =	simm.s32 $execute0_lowered;
	[smem:$0x3FD2] =	sst s25  }
0xa6: {  	s5 =	sshll.u32 s26, $0x1;
	_ =	strace $0x8000004C;
	[dreg:$0x1] =	wrdreg $0xFFFFFFFF  }
0xa7: {  	s28 =	simm.s32 $_size_execute0_lowered;
	s3 =	sadd.s32 s3, s5;
	[dreg:$0x0] =	wrdreg $0x0  }
0xa8: {  	s5 =	sshll.u32 s28, $0x1;
	[dreg:$0x2] =	wrdreg s3  }
0xa9: {  	[dreg:$0x3] =	wrdreg s5  }
0xaa: {  	[dreg:$0x4] =	wrdreg $0xC0  }
0xab: {  	_ =	task [dreg:s7], $0x5FFFF  }
0xac: {  	[dreg:$0x1] =	wrdreg $0xFFFFFFFF  }
0xad: {  	[dreg:$0x0] =	wrdreg $0x60  }
0xae: {  	[dreg:$0x2] =	wrdreg s2  }
0xaf: {  	[dreg:$0x3] =	wrdreg s24  }
0xb0: {  	[dreg:$0x4] =	wrdreg $0xCE800  }
0xb1: {  	[dreg:$0x5] =	wrdreg $0x9  }
0xb2: {  	_ =	task.clear_ibuf [dreg:s7], $0x6FFFF;
	_ =	strace $0x9000004C  }
0xb3: {  	s29 =	simm.s32 $0x9;
	_ =	strace $0x8000004E  }
0xb4: {  	_ =	swait.ge [sflag:s29], $0x1  }
0xb5: {  	[sflag:s29] =	ssyncadd.s32 $0xFFFFFFFF  }
0xb6: {  	_ =	strace $0x9000004E  }
0xb7: {  	_ =	sfence  }
0xb8: {  	s30 =	sld [smem:$0x0];
	_ =	sdelay $0x2  }
0xb9: {  	s31 =	sshll.u32 s1, $0xD;
	s1 =	sshrl.u32 s1, $0x2  }
0xba: {  	s3 =	sand.u32 $0x4000, s31;
	s1 =	sadd.s32 s1, s30  }
0xbb: {  	s0 =	sor.u32 s3, s0;
	s1 =	sshll.u32 s1, $0x11  }
0xbc: {  	s0 =	sor.u32 s1, s0  }
0xbd: {  	s0 =	sadd.s32 $0x8F2B, s0  }
0xbe: {  	[sflag:s0] =	ssyncadd.remote.s32 $0x1  }
0xbf: {  	_ =	sfence.sel $0xFFFF  }
0xc0: {  	[dreg:$0x0] =	wrdreg $0xFFFFFFFF;
	(pc) =	sbr.abs _section_cstart, $3  }
0xc1: {  	[dreg:$0x1] =	wrdreg $0xFFFFFFFF  }
0xc2: {  	_ =	task.clear_ibuf [dreg:s7], $0x2FFFF;
	_ =	strace $0x9FFFFFFF  }
0xc3: {  	(tm) =	ssettm $0x7FFFFFFF  }
tec
execute0_lowered:
.L_overlay_start_1:
0x0: {  	(tag) =	ssettag $0x1  }
0x1: {  	s1 =	rddreg [dreg:$0x0]  }
0x2: {  	s0 =	rddreg [dreg:$0x1]  }
0x3: {  	s2 =	rddreg [dreg:$0x2];
	s3 =	simm.s32 $0x0;
	s20 =	srdreg.scid  }
0x4: {  	s26 =	stileid.u32;
	s29 =	simm.s32 $0x400;
	s30 =	simm.s32 $0x1000  }
0x5: {  	s31 =	simm.s32 $0xC00;
	[smem:$0x7FF] =	sst s3;
	s4 =	sadd.s32 $0xF9000, s0  }
0x6: {  	s5 =	sadd.s32 $0xE0000, s0;
	s6 =	sadd.s32 $0x112000, s0;
	s25 =	sadd.s32 $0x12B000, s0  }
0x7: {  	s7 =	smul.u32 $0xFA00, s26;
	s8 =	sor.u32 $0x10, s26;
	s10 =	sor.u32 $0x20, s26  }
0x8: {  	s28 =	sadd.s32 $0x112800, s0;
	s23 =	sor.u32 $0x30, s26;
	s24 =	smul.u32 $0x19, s26  }
0x9: {  	p1 =	sgt.u32 s26, $0x1;
	p2 =	slt.u32 s26, $0x2;
	_ =	strace $0x8000004D  }
0xa: {  	[dreg:$0x4] =	wrdreg s6;
	s6 =	sand.u32 $0x1, s20;
	s9 =	smul.u32 $0xFA00, s8  }
0xb: {  	s20 =	smul.u32 $0xFA00, s10;
	[dreg:$0x5] =	wrdreg s25;
	s11 =	sshll.u32 s6, $0x4  }
0xc: {  	[dreg:$0x6] =	wrdreg s28;
	s22 =	smul.u32 $0x190, s6;
	s11 =	sor.u32 s26, s11  }
0xd: {  	s12 =	ssub.s32 $0x2, s6;
	s7 =	sshrl.u32 s7, $0x2;
	s13 =	smul.u32 $0xC80, s11  }
0xe: {  	p0 =	seq.s32 s6, $0x1;
	s18 =	sadd.s32 s24, s22;
	s22 =	smul.u32 $0xFA00, s23  }
0xf: {  	s21 =	sshrl.u32 s12, $0x1;
	s9 =	sshrl.u32 s9, $0x2;
	s24 =	smul.u32 $0x3E80, s8  }
0x10: {  	s0 =	ssub.s32 s12, s21;
	s8 =	sshrl.u32 s20, $0x2;
	s11 =	smul.u32 $0x3E80, s10  }
0x11: {  	s6 =	sshll.u32 s18, $0x7;
	s18 =	sadd.s32 s7, s2;
	s14 =	sadd.s32 s4, s13  }
0x12: {  	s15 =	sadd.s32 s5, s13;
	s16 =	sadd.s32 $0x80, s13;
	[dreg:$0x7] =	wrdreg s14  }
0x13: {  	s13 =	sadd.s32 $0x100, s13;
	[dreg:$0x8] =	wrdreg s15;
	s17 =	sadd.s32 s4, s16  }
0x14: {  	s19 =	sadd.s32 s5, s16;
	s21 =	sadd.s32 s4, s13;
	[dreg:$0x9] =	wrdreg s17  }
0x15: {  	s13 =	sadd.s32 s5, s13;
	s15 =	sadd.s32 $0x200, s6;
	[dreg:$0xa] =	wrdreg s19  }
0x16: {  	s6 =	sadd.s32 $0x180, s6;
	[dreg:$0xb] =	wrdreg s21;
	s14 =	sadd.s32 s15, s4  }
0x17: {  	s15 =	sadd.s32 s15, s5;
	s16 =	sadd.s32 s6, s4;
	s17 =	sadd.s32 s6, s5  }
0x18: {  	s19 =	sadd.s32 s9, s2;
	s4 =	sshrl.u32 s22, $0x2;
	s9 =	smul.u32 $0x3E80, s26  }
0x19: {  	s5 =	sshrl.u32 s24, $0x3;
	s21 =	sadd.s32 s4, s2;
	s4 =	sshrl.u32 s11, $0x3  }
0x1a: {  	s22 =	sadd.s32 s9, s2;
	s12 =	sshrl.u32 s9, $0x3;
	s9 =	smul.u32 $0x3E80, s23  }
0x1b: {  	s23 =	sadd.s32 s24, s2;
	s24 =	sadd.s32 s11, s2;
	s11 =	sadd.s32 s25, s12  }
0x1c: {  	s20 =	sadd.s32 s8, s2;
	s6 =	sadd.s32 s28, s12;
	[dreg:$0xe] =	wrdreg s11  }
0x1d: {  	s8 =	simm.s32 $0x4;
	s12 =	sadd.s32 s25, s5;
	[dreg:$0xf] =	wrdreg s6  }
0x1e: {  	s26 =	simm.s32 $0x9000;
	s5 =	sadd.s32 s28, s5;
	[dreg:$0x10] =	wrdreg s12  }
0x1f: {  	s25 =	sadd.s32 s25, s4;
	s4 =	sadd.s32 s28, s4;
	[dreg:$0x11] =	wrdreg s5  }
.Ltmp0:
0x20: {  	s28 =	simm.s32 $0x800;
	[dreg:$0x12] =	wrdreg s25;
	(pc) =	sbr.rel .LBB2_1-.Ltmp0, $4  }
0x21: {  	s10 =	sadd.s32 s9, s2;
	s7 =	sshrl.u32 s9, $0x3;
	[dreg:$0x13] =	wrdreg s4  }
0x22: {  	s25 =	smax.u32 s0, $0x1;
	s6 =	simm.s32 $0x5;
	s0 =	simm.s32 $0x5000  }
0x23: {  	s4 =	simm.s32 $0x1;
	s5 =	simm.s32 $0x2;
	[dreg:$0xc] =	wrdreg s10  }
0x24: {  	s9 =	simm.s32 $0x0;
	[dreg:$0xd] =	wrdreg s7;
	s7 =	simm.s32 $0x3  }
.LBB2_6:
0x25: {  	s11 =	rddreg [dreg:$0xc]  }
0x26: {  	[tilespmem:s26], [sflag:$0x5] =	stream.linear.gather [spmem:s11], $0x3E80, $0x38;
	[tilespmem:$0x191D8] =	vst v63  }
0x27: {  	_ =	swait.ge [sflag:s6], $0x3E80  }
0x28: {  	[sflag:s6] =	ssyncset.done $0x0;
	s12 =	rddreg [dreg:$0xd]  }
0x29: {  	s10 =	sadd.s32 s10, s12;
	[sflag:s6] =	ssyncadd.s32 $0xFFFFC180  }
0x2a: {  	[hbm4b:s10+s3] =	stream.linear.scatter [tilespmem:s26], [sflag:$0x5], $0x3E80, $0x38;
	[tilespmem:$0x191D8] =	vst v63  }
0x2b: {  	_ =	swait.ge [sflag:s6], $0x3E80  }
0x2c: {  	[sflag:s6] =	ssyncset.done $0x0  }
0x2d: {  	[sflag:s6] =	ssyncadd.s32 $0xFFFFC180  }
.LBB2_7:
0x2e: {  	s9 =	sadd.s32 $0x1, s9  }
0x2f: {  	p3 =	sne.s32 s9, s25  }
.Ltmp1:
0x30: {  	_ = 	snop;
	(pc) =	sbr.rel @!p3 .LBB2_8-.Ltmp1, $1  }
0x31: {  	_ =	sdelay $0x3  }
.LBB2_1:
0x32: {  	s10 =	rddreg [dreg:$0x4]  }
0x33: {  	[tilespmem:s26], [sflag:$0x5] =	stream.linear.gather [hbm4b:s10+s3], $0x3E80, $0x38;
	[tilespmem:$0x191D8] =	vst v63  }
0x34: {  	_ =	swait.ge [sflag:s6], $0x3E80  }
0x35: {  	[sflag:s6] =	ssyncset.done $0x0  }
0x36: {  	[sflag:s6] =	ssyncadd.s32 $0xFFFFC180  }
0x37: {  	[spmem:s18] =	stream.linear.scatter [tilespmem:s26], [sflag:$0x5], $0x3E80, $0x38;
	[tilespmem:$0x191D8] =	vst v63  }
0x38: {  	_ =	swait.ge [sflag:s6], $0x3E80  }
0x39: {  	[sflag:s6] =	ssyncset.done $0x0  }
0x3a: {  	[sflag:s6] =	ssyncadd.s32 $0xFFFFC180  }
0x3b: {  	[spmem:s19] =	stream.linear.scatter [tilespmem:s26], [sflag:$0x5], $0x3E80, $0x38;
	[tilespmem:$0x191D8] =	vst v63  }
0x3c: {  	_ =	swait.ge [sflag:s6], $0x3E80  }
0x3d: {  	[sflag:s6] =	ssyncset.done $0x0  }
0x3e: {  	[sflag:s6] =	ssyncadd.s32 $0xFFFFC180  }
0x3f: {  	[spmem:s20] =	stream.linear.scatter [tilespmem:s26], [sflag:$0x5], $0x3E80, $0x38;
	[tilespmem:$0x191D8] =	vst v63  }
0x40: {  	_ =	swait.ge [sflag:s6], $0x3E80  }
0x41: {  	[sflag:s6] =	ssyncset.done $0x0  }
0x42: {  	s10 =	simm.s32 @!p1 $0x9000;
	[sflag:s6] =	ssyncadd.s32 $0xFFFFC180  }
0x43: {  	[spmem:s21] =	stream.linear.scatter @!p1 [tilespmem:s10], [sflag:$0x5], $0x3E80, $0x38;
	[tilespmem:$0x191D8] =	vst v63  }
0x44: {  	s10 =	simm.s32 @!p1 $0x5  }
0x45: {  	_ =	swait.ge @!p1 [sflag:s10], $0x3E80  }
0x46: {  	[sflag:s10] =	ssyncset.done @!p1 $0x0  }
0x47: {  	[sflag:s10] =	ssyncadd.s32 @!p1 $0xFFFFC180  }
0x48: {  	[bflag:$0x0] =	sbarrier.arrive $0xFFFF  }
0x49: {  	s12 =	rddreg [dreg:$0x7]  }
0x4a: {  	[tilespmem:s3], [sflag:$0x5] =	stream.linear.gather [hbm4b:s12+s3], $0x400, $0x38;
	[tilespmem:$0x191D8] =	vst v63  }
0x4b: {  	_ =	swait.ge [sflag:s6], $0x400  }
0x4c: {  	[sflag:s6] =	ssyncset.done $0x0  }
0x4d: {  	s11 =	rddreg [dreg:$0x8];
	[sflag:s6] =	ssyncadd.s32 $0xFFFFFC00  }
0x4e: {  	[tilespmem:s28], [sflag:$0x5] =	stream.linear.gather [hbm4b:s11+s3], $0x400, $0x38;
	[tilespmem:$0x191D8] =	vst v63  }
0x4f: {  	_ =	swait.ge [sflag:s6], $0x400  }
0x50: {  	[sflag:s6] =	ssyncset.done $0x0  }
0x51: {  	[sflag:s6] =	ssyncadd.s32 $0xFFFFFC00  }
0x52: {  	[tilespmem:s30], [sflag:$0x1] =	stream.indirect.gather [hbm4b:s1+s29], $0x10, s3, s29, $0xb8;
	[tilespmem:$0x191D8] =	vst v63  }
0x53: {  	s12 =	rddreg [dreg:$0x9]  }
0x54: {  	[tilespmem:s29], [sflag:$0x5] =	stream.linear.gather [hbm4b:s12+s3], $0x400, $0x38;
	[tilespmem:$0x191D8] =	vst v63  }
0x55: {  	_ =	swait.ge [sflag:s6], $0x400  }
0x56: {  	[sflag:s6] =	ssyncset.done $0x0  }
0x57: {  	s11 =	rddreg [dreg:$0xa];
	[sflag:s6] =	ssyncadd.s32 $0xFFFFFC00  }
0x58: {  	[tilespmem:s31], [sflag:$0x5] =	stream.linear.gather [hbm4b:s11+s3], $0x400, $0x38;
	[tilespmem:$0x191D8] =	vst v63  }
0x59: {  	_ =	swait.ge [sflag:s6], $0x400  }
0x5a: {  	[sflag:s6] =	ssyncset.done $0x0  }
0x5b: {  	[sflag:s6] =	ssyncadd.s32 $0xFFFFFC00  }
0x5c: {  	[tilespmem:s0], [sflag:$0x2] =	stream.indirect.gather [hbm4b:s1+s29], $0x10, s29, s29, $0xb8;
	[tilespmem:$0x191D8] =	vst v63  }
0x5d: {  	_ =	swait.ge [sflag:s4], $0x4000  }
0x5e: {  	[sflag:s4] =	ssyncset.done $0x0  }
0x5f: {  	[sflag:s4] =	ssyncadd.s32 $0xFFFFC000  }
0x60: {  	[spmem:s2] =	stream.indirect.scatter.add.f32 [tilespmem:s30], [sflag:$0x3], $0x10, s28, s29, $0xb8;
	[tilespmem:$0x191D8] =	vst v63  }
0x61: {  	_ =	swait.ge [sflag:s7], $0x4000  }
0x62: {  	[sflag:s7] =	ssyncset.done $0x0  }
0x63: {  	s12 =	rddreg [dreg:$0xb];
	[sflag:s7] =	ssyncadd.s32 $0xFFFFC000  }
0x64: {  	[tilespmem:s3], [sflag:$0x5] =	stream.linear.gather [hbm4b:s12+s3], $0x400, $0x38;
	[tilespmem:$0x191D8] =	vst v63  }
0x65: {  	_ =	swait.ge [sflag:s6], $0x400  }
0x66: {  	[sflag:s6] =	ssyncset.done $0x0  }
0x67: {  	[sflag:s6] =	ssyncadd.s32 $0xFFFFFC00  }
0x68: {  	[tilespmem:s28], [sflag:$0x5] =	stream.linear.gather [hbm4b:s13+s3], $0x400, $0x38;
	[tilespmem:$0x191D8] =	vst v63  }
0x69: {  	_ =	swait.ge [sflag:s6], $0x400  }
0x6a: {  	[sflag:s6] =	ssyncset.done $0x0  }
0x6b: {  	[sflag:s6] =	ssyncadd.s32 $0xFFFFFC00  }
0x6c: {  	[tilespmem:s30], [sflag:$0x1] =	stream.indirect.gather [hbm4b:s1+s29], $0x10, s3, s29, $0xb8;
	[tilespmem:$0x191D8] =	vst v63  }
0x6d: {  	_ =	swait.ge [sflag:s5], $0x4000  }
0x6e: {  	[sflag:s5] =	ssyncset.done $0x0  }
0x6f: {  	[sflag:s5] =	ssyncadd.s32 $0xFFFFC000  }
0x70: {  	[spmem:s2] =	stream.indirect.scatter.add.f32 [tilespmem:s0], [sflag:$0x4], $0x10, s31, s29, $0xb8;
	[tilespmem:$0x191D8] =	vst v63  }
0x71: {  	_ =	swait.ge [sflag:s8], $0x4000  }
0x72: {  	[sflag:s8] =	ssyncset.done $0x0  }
0x73: {  	s11 =	sadd.s32 $0x0, s16;
	[sflag:s8] =	ssyncadd.s32 $0xFFFFC000  }
0x74: {  	[tilespmem:s29], [sflag:$0x5] =	stream.linear.gather [hbm4b:s11+s3], $0x400, $0x38;
	[tilespmem:$0x191D8] =	vst v63  }
0x75: {  	_ =	swait.ge [sflag:s6], $0x400  }
0x76: {  	[sflag:s6] =	ssyncset.done $0x0  }
0x77: {  	s12 =	sadd.s32 $0x0, s17;
	[sflag:s6] =	ssyncadd.s32 $0xFFFFFC00  }
0x78: {  	[tilespmem:s31], [sflag:$0x5] =	stream.linear.gather [hbm4b:s12+s3], $0x400, $0x38;
	[tilespmem:$0x191D8] =	vst v63  }
0x79: {  	_ =	swait.ge [sflag:s6], $0x400  }
0x7a: {  	[sflag:s6] =	ssyncset.done $0x0  }
0x7b: {  	[sflag:s6] =	ssyncadd.s32 $0xFFFFFC00  }
0x7c: {  	[tilespmem:s0], [sflag:$0x2] =	stream.indirect.gather [hbm4b:s1+s29], $0x10, s29, s29, $0xb8;
	[tilespmem:$0x191D8] =	vst v63  }
0x7d: {  	_ =	swait.ge [sflag:s4], $0x4000  }
0x7e: {  	[sflag:s4] =	ssyncset.done $0x0  }
0x7f: {  	[sflag:s4] =	ssyncadd.s32 $0xFFFFC000  }
0x80: {  	[spmem:s2] =	stream.indirect.scatter.add.f32 [tilespmem:s30], [sflag:$0x3], $0x10, s28, s29, $0xb8;
	[tilespmem:$0x191D8] =	vst v63  }
0x81: {  	_ =	swait.ge [sflag:s7], $0x4000  }
0x82: {  	[sflag:s7] =	ssyncset.done $0x0  }
0x83: {  	s11 =	sadd.s32 $0x0, s14;
	[sflag:s7] =	ssyncadd.s32 $0xFFFFC000  }
0x84: {  	[tilespmem:s3], [sflag:$0x5] =	stream.linear.gather [hbm4b:s11+s3], $0x400, $0x38;
	[tilespmem:$0x191D8] =	vst v63  }
0x85: {  	_ =	swait.ge [sflag:s6], $0x400  }
0x86: {  	[sflag:s6] =	ssyncset.done $0x0  }
0x87: {  	s12 =	sadd.s32 $0x0, s15;
	[sflag:s6] =	ssyncadd.s32 $0xFFFFFC00  }
0x88: {  	[tilespmem:s28], [sflag:$0x5] =	stream.linear.gather [hbm4b:s12+s3], $0x400, $0x38;
	[tilespmem:$0x191D8] =	vst v63  }
0x89: {  	_ =	swait.ge [sflag:s6], $0x400  }
0x8a: {  	[sflag:s6] =	ssyncset.done $0x0  }
0x8b: {  	[sflag:s6] =	ssyncadd.s32 $0xFFFFFC00  }
0x8c: {  	[tilespmem:s30], [sflag:$0x1] =	stream.indirect.gather [hbm4b:s1+s29], $0x10, s3, s29, $0xb8;
	[tilespmem:$0x191D8] =	vst v63  }
0x8d: {  	_ =	swait.ge [sflag:s5], $0x4000  }
0x8e: {  	[sflag:s5] =	ssyncset.done $0x0  }
0x8f: {  	s10 =	simm.s32 $0x100;
	[sflag:s5] =	ssyncadd.s32 $0xFFFFC000  }
.LBB2_2:
0x90: {  	[spmem:s2] =	stream.indirect.scatter.add.f32 [tilespmem:s0], [sflag:$0x4], $0x10, s31, s29, $0xb8;
	[tilespmem:$0x191D8] =	vst v63  }
0x91: {  	s11 =	smov.u32 s10  }
0x92: {  	p3 =	sne.s32 s10, $0xA00;
	s10 =	sadd.s32 $0x100, s10;
	_ =	swait.ge [sflag:s8], $0x4000  }
0x93: {  	[sflag:s8] =	ssyncset.done $0x0  }
0x94: {  	s12 =	sadd.s32 s11, s16;
	[sflag:s8] =	ssyncadd.s32 $0xFFFFC000  }
0x95: {  	[tilespmem:s29], [sflag:$0x5] =	stream.linear.gather [hbm4b:s12+s3], $0x400, $0x38;
	[tilespmem:$0x191D8] =	vst v63  }
0x96: {  	_ =	swait.ge [sflag:s6], $0x400  }
0x97: {  	[sflag:s6] =	ssyncset.done $0x0  }
0x98: {  	s12 =	sadd.s32 s11, s17;
	[sflag:s6] =	ssyncadd.s32 $0xFFFFFC00  }
0x99: {  	[tilespmem:s31], [sflag:$0x5] =	stream.linear.gather [hbm4b:s12+s3], $0x400, $0x38;
	[tilespmem:$0x191D8] =	vst v63  }
0x9a: {  	_ =	swait.ge [sflag:s6], $0x400  }
0x9b: {  	[sflag:s6] =	ssyncset.done $0x0  }
0x9c: {  	[sflag:s6] =	ssyncadd.s32 $0xFFFFFC00  }
0x9d: {  	[tilespmem:s0], [sflag:$0x2] =	stream.indirect.gather [hbm4b:s1+s29], $0x10, s29, s29, $0xb8;
	[tilespmem:$0x191D8] =	vst v63  }
0x9e: {  	_ =	swait.ge [sflag:s4], $0x4000  }
0x9f: {  	[sflag:s4] =	ssyncset.done $0x0  }
0xa0: {  	[sflag:s4] =	ssyncadd.s32 $0xFFFFC000  }
0xa1: {  	[spmem:s2] =	stream.indirect.scatter.add.f32 [tilespmem:s30], [sflag:$0x3], $0x10, s28, s29, $0xb8;
	[tilespmem:$0x191D8] =	vst v63  }
0xa2: {  	_ =	swait.ge [sflag:s7], $0x4000  }
0xa3: {  	[sflag:s7] =	ssyncset.done $0x0  }
0xa4: {  	s12 =	sadd.s32 s11, s14;
	[sflag:s7] =	ssyncadd.s32 $0xFFFFC000  }
0xa5: {  	[tilespmem:s3], [sflag:$0x5] =	stream.linear.gather [hbm4b:s12+s3], $0x400, $0x38;
	[tilespmem:$0x191D8] =	vst v63  }
0xa6: {  	_ =	swait.ge [sflag:s6], $0x400  }
0xa7: {  	[sflag:s6] =	ssyncset.done $0x0  }
0xa8: {  	s11 =	sadd.s32 s11, s15;
	[sflag:s6] =	ssyncadd.s32 $0xFFFFFC00  }
0xa9: {  	[tilespmem:s28], [sflag:$0x5] =	stream.linear.gather [hbm4b:s11+s3], $0x400, $0x38;
	[tilespmem:$0x191D8] =	vst v63  }
0xaa: {  	_ =	swait.ge [sflag:s6], $0x400  }
0xab: {  	[sflag:s6] =	ssyncset.done $0x0  }
.Ltmp2:
0xac: {  	[sflag:s6] =	ssyncadd.s32 $0xFFFFFC00;
	(pc) =	sbr.rel @p3 .LBB2_2-.Ltmp2, $4  }
0xad: {  	[tilespmem:s30], [sflag:$0x1] =	stream.indirect.gather [hbm4b:s1+s29], $0x10, s3, s29, $0xb8;
	[tilespmem:$0x191D8] =	vst v63  }
0xae: {  	_ =	swait.ge [sflag:s5], $0x4000  }
0xaf: {  	[sflag:s5] =	ssyncset.done $0x0  }
0xb0: {  	[sflag:s5] =	ssyncadd.s32 $0xFFFFC000  }
0xb1: {  	[spmem:s2] =	stream.indirect.scatter.add.f32 [tilespmem:s0], [sflag:$0x4], $0x10, s31, s29, $0xb8;
	[tilespmem:$0x191D8] =	vst v63  }
0xb2: {  	_ =	swait.ge [sflag:s8], $0x4000  }
0xb3: {  	[sflag:s8] =	ssyncset.done $0x0  }
0xb4: {  	[sflag:s8] =	ssyncadd.s32 $0xFFFFC000  }
0xb5: {  	_ =	swait.ge [sflag:s4], $0x4000  }
0xb6: {  	[sflag:s4] =	ssyncset.done $0x0  }
0xb7: {  	[sflag:s4] =	ssyncadd.s32 $0xFFFFC000  }
0xb8: {  	[spmem:s2] =	stream.indirect.scatter.add.f32 [tilespmem:s30], [sflag:$0x3], $0x10, s28, s29, $0xb8;
	[tilespmem:$0x191D8] =	vst v63  }
0xb9: {  	_ =	swait.ge [sflag:s7], $0x4000  }
0xba: {  	[sflag:s7] =	ssyncset.done $0x0  }
0xbb: {  	[sflag:s7] =	ssyncadd.s32 $0xFFFFC000  }
.Ltmp3:
0xbc: {  	[bflag:$0x0] =	sbarrier.arrive $0xFFFF;
	(pc) =	sbr.rel @!p0 .LBB2_4-.Ltmp3, $4  }
0xbd: {  	[tilespmem:s26], [sflag:$0x5] =	stream.linear.gather [spmem:s22], $0x3E80, $0x38;
	[tilespmem:$0x191D8] =	vst v63  }
0xbe: {  	_ =	swait.ge [sflag:s6], $0x3E80  }
0xbf: {  	[sflag:s6] =	ssyncset.done $0x0  }
0xc0: {  	[sflag:s6] =	ssyncadd.s32 $0xFFFFC180  }
0xc1: {  	s10 =	rddreg [dreg:$0xf]  }
0xc2: {  	[hbm4b:s10+s3] =	stream.linear.scatter [tilespmem:s26], [sflag:$0x5], $0x3E80, $0x38;
	[tilespmem:$0x191D8] =	vst v63  }
0xc3: {  	_ =	swait.ge [sflag:s6], $0x3E80  }
0xc4: {  	[sflag:s6] =	ssyncset.done $0x0  }
0xc5: {  	[sflag:s6] =	ssyncadd.s32 $0xFFFFC180  }
0xc6: {  	[tilespmem:s26], [sflag:$0x5] =	stream.linear.gather [spmem:s23], $0x3E80, $0x38;
	[tilespmem:$0x191D8] =	vst v63  }
0xc7: {  	_ =	swait.ge [sflag:s6], $0x3E80  }
0xc8: {  	[sflag:s6] =	ssyncset.done $0x0  }
0xc9: {  	s11 =	rddreg [dreg:$0x11];
	[sflag:s6] =	ssyncadd.s32 $0xFFFFC180  }
0xca: {  	[hbm4b:s11+s3] =	stream.linear.scatter [tilespmem:s26], [sflag:$0x5], $0x3E80, $0x38;
	[tilespmem:$0x191D8] =	vst v63  }
0xcb: {  	_ =	swait.ge [sflag:s6], $0x3E80  }
0xcc: {  	[sflag:s6] =	ssyncset.done $0x0  }
0xcd: {  	[sflag:s6] =	ssyncadd.s32 $0xFFFFC180  }
0xce: {  	[tilespmem:s26], [sflag:$0x5] =	stream.linear.gather [spmem:s24], $0x3E80, $0x38;
	[tilespmem:$0x191D8] =	vst v63  }
0xcf: {  	_ =	swait.ge [sflag:s6], $0x3E80  }
0xd0: {  	[sflag:s6] =	ssyncset.done $0x0  }
0xd1: {  	s12 =	rddreg [dreg:$0x13];
	[sflag:s6] =	ssyncadd.s32 $0xFFFFC180  }
0xd2: {  	[hbm4b:s12+s3] =	stream.linear.scatter [tilespmem:s26], [sflag:$0x5], $0x3E80, $0x38;
	[tilespmem:$0x191D8] =	vst v63  }
.Ltmp4:
0xd3: {  	_ = 	snop;
	(pc) =	sbr.rel @p1 .LBB2_7-.Ltmp4, $4  }
.Ltmp5:
0xd4: {  	_ = 	snop;
	(pc) =	sbr.rel @!p1 .LBB2_6-.Ltmp5, $4  }
0xd5: {  	_ =	swait.ge [sflag:s6], $0x3E80  }
0xd6: {  	[sflag:s6] =	ssyncset.done $0x0  }
0xd7: {  	s10 =	rddreg [dreg:$0x6];
	[sflag:s6] =	ssyncadd.s32 $0xFFFFC180  }
0xd8: {  	_ = 	snop  }
.LBB2_4:
0xd9: {  	s10 =	rddreg [dreg:$0xe]  }
0xda: {  	[hbm4b:s10+s3] =	stream.linear.scatter [tilespmem:s26], [sflag:$0x5], $0x3E80, $0x38;
	[tilespmem:$0x191D8] =	vst v63  }
0xdb: {  	_ =	swait.ge [sflag:s6], $0x3E80  }
0xdc: {  	[sflag:s6] =	ssyncset.done $0x0  }
0xdd: {  	[sflag:s6] =	ssyncadd.s32 $0xFFFFC180  }
0xde: {  	[tilespmem:s26], [sflag:$0x5] =	stream.linear.gather [spmem:s23], $0x3E80, $0x38;
	[tilespmem:$0x191D8] =	vst v63  }
0xdf: {  	_ =	swait.ge [sflag:s6], $0x3E80  }
0xe0: {  	[sflag:s6] =	ssyncset.done $0x0  }
0xe1: {  	s11 =	rddreg [dreg:$0x10];
	[sflag:s6] =	ssyncadd.s32 $0xFFFFC180  }
0xe2: {  	[hbm4b:s11+s3] =	stream.linear.scatter [tilespmem:s26], [sflag:$0x5], $0x3E80, $0x38;
	[tilespmem:$0x191D8] =	vst v63  }
0xe3: {  	_ =	swait.ge [sflag:s6], $0x3E80  }
0xe4: {  	[sflag:s6] =	ssyncset.done $0x0  }
0xe5: {  	[sflag:s6] =	ssyncadd.s32 $0xFFFFC180  }
0xe6: {  	[tilespmem:s26], [sflag:$0x5] =	stream.linear.gather [spmem:s24], $0x3E80, $0x38;
	[tilespmem:$0x191D8] =	vst v63  }
0xe7: {  	_ =	swait.ge [sflag:s6], $0x3E80  }
0xe8: {  	[sflag:s6] =	ssyncset.done $0x0  }
0xe9: {  	s12 =	rddreg [dreg:$0x12];
	[sflag:s6] =	ssyncadd.s32 $0xFFFFC180  }
0xea: {  	[hbm4b:s12+s3] =	stream.linear.scatter [tilespmem:s26], [sflag:$0x5], $0x3E80, $0x38;
	[tilespmem:$0x191D8] =	vst v63  }
.Ltmp6:
0xeb: {  	_ = 	snop;
	(pc) =	sbr.rel @p2 .LBB2_6-.Ltmp6, $4  }
.Ltmp7:
0xec: {  	_ = 	snop;
	(pc) =	sbr.rel @!p2 .LBB2_7-.Ltmp7, $4  }
0xed: {  	_ =	swait.ge [sflag:s6], $0x3E80  }
0xee: {  	[sflag:s6] =	ssyncset.done $0x0  }
0xef: {  	s10 =	rddreg [dreg:$0x5];
	[sflag:s6] =	ssyncadd.s32 $0xFFFFC180  }
0xf0: {  	_ = 	snop  }
.LBB2_8:
0xf1: {  	_ =	sfence.sel $0x180000  }
0xf2: {  	[bflag:$0x0] =	sbarrier.arrive $0xFFFF  }
0xf3: {  	_ =	strace $0x9000004D  }
0xf4: {  	s0 =	stileid.u32;
	[bflag:$0x2] =	sbarrier.arrive $0xFFFF  }
0xf5: {  	p0 =	sne.s32 s0, $0x0;
	s0 =	rddreg [dreg:$0x3]  }
0xf6: {  	s0 =	sadd.s32 @!p0 $0x100000, s0  }
0xf7: {  	[sflag:s0] =	ssyncadd.tile.s32 @!p0 $0x1;
	_ =	shalt  }
.Lfunc_end2:
_tile_overlayer_lowered:
.L_overlay_start_2:
0xf8: {  	(tag) =	ssettag $0x2  }
0xf9: {  	s0 =	rddreg [dreg:$0x0];
	s2 =	stileid.u32  }
0xfa: {  	s1 =	rddreg [dreg:$0x1];
	p0 =	sne.s32 s2, $0x0  }
0xfb: {  	s3 =	rddreg [dreg:$0x2];
	[bflag:$0x3] =	sbarrier.arrive $0xFFFF;
	s2 =	simm.s32 @!p0 $0x1C05  }
0xfc: {  	[timem:s3], [sflag:s2] =	dma.local @!p0 [hbm:s0], s1  }
0xfd: {  	s0 =	simm.s32 @!p0 $0x5  }
0xfe: {  	_ =	swait.ge @!p0 [sflag:s0], s1  }
0xff: {  	s1 =	ssub.s32 @!p0 $0x0, s1;
	[sflag:s0] =	ssyncset.done @!p0 $0x0  }
0x100: {  	[sflag:s0] =	ssyncadd.s32 @!p0 s1  }
0x101: {  	[bflag:$0x3] =	sbarrier.arrive $0xFFFF  }
0x102: {  	_ =	shalt  }

// kernel: kernel.7.cloned.1.call-start
scs
__scs_entry_jumppad:
0x0: {  	(pc) =	sbr.rel $0x88, $3  }
0x1: {  	(tag) =	ssettag $0x0;
	lr =	simm.s32 $0x1  }
0x2: {  	[smem:$0x3F99] =	sst lr;
	_ =	strace $0xD0000000  }
0x3: {  	_ = 	snop  }
0x4: {  	_ = 	snop  }
0x5: {  	_ = 	snop  }
0x6: {  	_ = 	snop  }
0x7: {  	_ = 	snop  }
__scs_overlays_trampoline_lowered:
0x8: {  	[smem:$0x3FA8] =	sst s0  }
0x9: {  	[smem:$0x3FA9] =	sst s1  }
0xa: {  	[smem:$0x3FAA] =	sst s2  }
0xb: {  	[smem:$0x3FAB] =	sst s3  }
0xc: {  	[smem:$0x3FAC] =	sst s4  }
0xd: {  	[smem:$0x3FAD] =	sst s5  }
0xe: {  	[smem:$0x3FAE] =	sst s6  }
0xf: {  	[smem:$0x3FAF] =	sst s7  }
0x10: {  	[smem:$0x3FB0] =	sst s8  }
0x11: {  	[smem:$0x3FB1] =	sst s9;
	s0 =	simm.s32 @!p0 $0x0  }
0x12: {  	s1 =	sld [smem:$0x3F97];
	s0 =	simm.s32 @p0 $0x1  }
0x13: {  	[smem:$0x3FB2] =	sst s0;
	s0 =	simm.s32 @!p1 $0x0  }
0x14: {  	s2 =	sld [smem:$0x3F96];
	s0 =	simm.s32 @p1 $0x1  }
0x15: {  	[smem:$0x3FB3] =	sst s0;
	s0 =	simm.s32 @!p2 $0x0  }
0x16: {  	s3 =	sld [smem:$0x3FDB];
	s0 =	simm.s32 @p2 $0x1  }
0x17: {  	s4 =	simm.s32 $0x1BF5;
	[smem:$0x3FB5] =	sst s0  }
0x18: {  	s0 =	sld [smem:$0x3F98];
	_ =	swait.ge [sflag:s4], $0x0  }
0x19: {  	s7 =	sld [smem:$0x3F99]  }
0x1a: {  	s8 =	sadd.s32 $0xFFFFE003, lr  }
0x1b: {  	s9 =	sadd.s32 $0xFFFFFEF7, lr;
	s5 =	simm.s32 $0xFFFFFFFF;
	p2 =	slt.u32 s8, $0xFFFFF086  }
0x1c: {  	p1 =	slt.u32 s9, $0xF7A;
	s5 =	simm.s32 @!p2 $0x0  }
0x1d: {  	s5 =	simm.s32 @p1 $0x1;
	p0 =	seq.s32 s7, s2  }
0x1e: {  	s7 =	smul.u32 @!p0 $0xF7A, s2;
	p2 =	seq.s32 @!p0 s5, $0x0  }
0x1f: {  	s9 =	smul.u32 $0xF7A, s1;
	s8 =	simm.s32 @!p0 $0x1BF5;
	p2 =	por !p2, p0  }
0x20: {  	[sflag:s8] =	ssyncset.s32 @!p0 $0xFFFFF086;
	s6 =	sadd.s32 @!p0 s3, s7;
	s7 =	simm.s32 @!p0 $0x108  }
0x21: {  	s3 =	sadd.s32 s3, s9;
	s6 =	sadd.s32 @!p0 $0x88, s6;
	s7 =	simm.s32 @p2 $0x1082  }
0x22: {  	[simem:s7], [sflag:s8] =	dma.local @!p0 [hbm:s6], $0xF7A  }
0x23: {  	s9 =	sor.u32 $0xD0000000, s2;
	s6 =	simm.s32 $0x108;
	_ =	swait.ge @!p0 [sflag:s8], $0x0  }
0x24: {  	s3 =	sadd.s32 $0x88, s3;
	s6 =	simm.s32 @!p1 $0x1082;
	[sflag:s4] =	ssyncset.s32 $0xFFFFF086  }
0x25: {  	[simem:s6], [sflag:s4] =	dma.local [hbm:s3], $0xF7A  }
0x26: {  	[smem:$0x3F99] =	sst s1;
	(tag) =	ssettag s2;
	_ =	strace s9  }
0x27: {  	s1 =	sld [smem:$0x3FA9]  }
0x28: {  	s2 =	sld [smem:$0x3FAA]  }
0x29: {  	s4 =	sld [smem:$0x3FAC]  }
0x2a: {  	p0 =	seq.s32 s5, $0x0;
	s5 =	sld [smem:$0x3FAD]  }
0x2b: {  	s6 =	sld [smem:$0x3FAE]  }
0x2c: {  	s7 =	sld [smem:$0x3FAF]  }
0x2d: {  	s3 =	simm.s32 $0x108;
	s8 =	sld [smem:$0x3FB0]  }
0x2e: {  	s3 =	simm.s32 @!p0 $0x1082;
	s9 =	sld [smem:$0x3FB1]  }
0x2f: {  	lr =	sadd.s32 s0, s3;
	s0 =	sld [smem:$0x3FA8]  }
0x30: {  	s3 =	sld [smem:$0x3FAB]  }
0x31: {  	[smem:$0x3FB4] =	sst s10  }
0x32: {  	s10 =	sld [smem:$0x3FB2];
	_ =	sdelay $0x3  }
0x33: {  	p0 =	seq.s32 s10, $0x1;
	s10 =	sld [smem:$0x3FB4];
	_ =	sdelay $0x3  }
0x34: {  	[smem:$0x3FB4] =	sst s10  }
0x35: {  	s10 =	sld [smem:$0x3FB3];
	_ =	sdelay $0x3  }
0x36: {  	p1 =	seq.s32 s10, $0x1;
	s10 =	sld [smem:$0x3FB4];
	_ =	sdelay $0x3  }
0x37: {  	[smem:$0x3FB4] =	sst s10  }
0x38: {  	s10 =	sld [smem:$0x3FB5]  }
0x39: {  	_ = 	snop;
	(pc) =	sbr.ind lr, $3  }
0x3a: {  	_ = 	snop  }
0x3b: {  	_ = 	snop  }
0x3c: {  	p2 =	seq.s32 s10, $0x1;
	s10 =	sld [smem:$0x3FB4]  }
0x3d: {  	_ =	shalt  }
0x3e: {  	_ =	shalt  }
0x3f: {  	_ =	shalt  }
0x40: {  	_ =	shalt  }
0x41: {  	_ =	shalt  }
0x42: {  	_ =	shalt  }
0x43: {  	_ =	shalt  }
0x44: {  	_ =	shalt  }
0x45: {  	_ =	shalt  }
0x46: {  	_ =	shalt  }
0x47: {  	_ =	shalt  }
0x48: {  	_ =	shalt  }
0x49: {  	_ =	shalt  }
0x4a: {  	_ =	shalt  }
0x4b: {  	_ =	shalt  }
0x4c: {  	_ =	shalt  }
0x4d: {  	_ =	shalt  }
0x4e: {  	_ =	shalt  }
0x4f: {  	_ =	shalt  }
0x50: {  	_ =	shalt  }
0x51: {  	_ =	shalt  }
0x52: {  	_ =	shalt  }
0x53: {  	_ =	shalt  }
0x54: {  	_ =	shalt  }
0x55: {  	_ =	shalt  }
0x56: {  	_ =	shalt  }
0x57: {  	_ =	shalt  }
0x58: {  	_ =	shalt  }
0x59: {  	_ =	shalt  }
0x5a: {  	_ =	shalt  }
0x5b: {  	_ =	shalt  }
0x5c: {  	_ =	shalt  }
0x5d: {  	_ =	shalt  }
0x5e: {  	_ =	shalt  }
0x5f: {  	_ =	shalt  }
0x60: {  	_ =	shalt  }
0x61: {  	_ =	shalt  }
0x62: {  	_ =	shalt  }
0x63: {  	_ =	shalt  }
0x64: {  	_ =	shalt  }
0x65: {  	_ =	shalt  }
0x66: {  	_ =	shalt  }
0x67: {  	_ =	shalt  }
0x68: {  	_ =	shalt  }
0x69: {  	_ =	shalt  }
0x6a: {  	_ =	shalt  }
0x6b: {  	_ =	shalt  }
0x6c: {  	_ =	shalt  }
0x6d: {  	_ =	shalt  }
0x6e: {  	_ =	shalt  }
0x6f: {  	_ =	shalt  }
0x70: {  	_ =	shalt  }
0x71: {  	_ =	shalt  }
0x72: {  	_ =	shalt  }
0x73: {  	_ =	shalt  }
0x74: {  	_ =	shalt  }
0x75: {  	_ =	shalt  }
0x76: {  	_ =	shalt  }
0x77: {  	_ =	shalt  }
0x78: {  	_ =	shalt  }
0x79: {  	_ =	shalt  }
0x7a: {  	_ =	shalt  }
0x7b: {  	_ =	shalt  }
0x7c: {  	_ =	shalt  }
0x7d: {  	_ =	shalt  }
0x7e: {  	_ =	shalt  }
0x7f: {  	_ =	shalt  }
0x80: {  	_ =	shalt  }
0x81: {  	_ =	shalt  }
0x82: {  	_ =	shalt  }
0x83: {  	_ =	shalt  }
0x84: {  	_ =	shalt  }
0x85: {  	_ =	shalt  }
0x86: {  	_ =	shalt  }
0x87: {  	_ =	shalt  }
.Lfunc_end0:
.L_simem_size_0:
called_computation_lowered:
.L_overlay_start_0:
0x88: {  	s2 =	sld [smem:$0x3FD9]  }
0x89: {  	s3 =	sld [smem:$0x3FFE];
	_ =	sdelay $0x1  }
0x8a: {  	s1 =	srdreg.scid  }
0x8b: {  	s0 =	sand.u32 $0x1, s1  }
0x8c: {  	s17 =	sshll.u32 s0, $0xA;
	s2 =	sadd.s32 s3, s2  }
0x8d: {  	s2 =	sadd.s32 s2, s17  }
0x8e: {  	[smem:$0x3FC0] =	sst s2  }
0x8f: {  	_ = 	snop  }
0x90: {  	(tm) =	ssettm $0x1  }
0x91: {  	s18 =	sld [smem:$0x3FFB];
	_ =	sdelay $0x3  }
0x92: {  	_ =	strace s18  }
0x93: {  	s2 =	sld [smem:$0x3FFC];
	_ =	sdelay $0x3  }
0x94: {  	_ =	strace s2  }
0x95: {  	s2 =	sld [smem:$0x3FFD];
	_ =	sdelay $0x3  }
0x96: {  	_ =	strace s2  }
0x97: {  	_ =	strace $0x8FFFFFFF  }
0x98: {  	s19 =	sld [smem:$0x3FDB];
	_ =	sdelay $0x1  }
0x99: {  	s20 =	simm.s32 $_scs_section_size  }
0x9a: {  	s4 =	simm.s32 $_size__tile_overlayer_lowered;
	s5 =	simm.s32 $_tile_overlayer_lowered  }
0x9b: {  	s6 =	simm.s32 $0x1BFF;
	s21 =	sshll.u32 s5, $0x1;
	s3 =	sadd.s32 s20, s19  }
0x9c: {  	s22 =	simm.s32 $0x0;
	s4 =	sshll.u32 s4, $0x1;
	s5 =	sadd.s32 s21, s3  }
0x9d: {  	[timem:s22], [sflag:s6] =	dma.local [hbm:s5], s4  }
0x9e: {  	_ =	swait.ge [sflag:s6], s4  }
0x9f: {  	s4 =	ssub.s32 $0x0, s4;
	[sflag:s6] =	ssyncset.done $0x0  }
0xa0: {  	[sflag:s6] =	ssyncadd.s32 s4;
	_ =	sdelay $0x1  }
0xa1: {  	s23 =	simm.s32 $0x1B8B  }
0xa2: {  	_ =	swait.ge [sflag:s23], $0x1  }
0xa3: {  	[sflag:s23] =	ssyncset.done $0x0  }
0xa4: {  	[sflag:s23] =	ssyncadd.s32 $0xFFFFFFFF  }
0xa5: {  	s4 =	sld [smem:$0x0]  }
0xa6: {  	s5 =	sand.u32 $0xFFFFFFFE, s1  }
0xa7: {  	p0 =	sne.s32 s1, s5  }
0xa8: {  	s5 =	sshll.u32 @p0 s5, $0xE  }
0xa9: {  	s5 =	sadd.s32 @p0 $0x11B8D, s5;
	s6 =	sshll.u32 @p0 s4, $0x11  }
0xaa: {  	s5 =	sor.u32 @p0 s6, s5  }
0xab: {  	[sflag:s5] =	ssyncadd.remote.s32 @p0 $0x1;
	_ =	sdelay $0x1  }
0xac: {  	s5 =	simm.s32 @p0 $0x1B8D  }
0xad: {  	_ =	swait.eq @p0 [sflag:s5], $0x1  }
0xae: {  	[sflag:s5] =	ssyncadd.s32 @p0 $0xFFFFFFFF  }
0xaf: {  	s6 =	sshll.u32 @!p0 s1, $0xE  }
0xb0: {  	s6 =	sor.u32 @!p0 $0x4000, s6;
	s5 =	simm.s32 @!p0 $0x1B8D  }
0xb1: {  	s4 =	sshll.u32 @!p0 s4, $0x11;
	s6 =	sadd.s32 @!p0 $0x11B8D, s6;
	_ =	swait.eq @!p0 [sflag:s5], $0x1  }
0xb2: {  	s4 =	sor.u32 @!p0 s4, s6;
	[sflag:s5] =	ssyncadd.s32 @!p0 $0xFFFFFFFF  }
0xb3: {  	s25 =	simm.s32 $0x1B8E;
	s24 =	sld [smem:$0x3FFE];
	[sflag:s4] =	ssyncadd.remote.s32 @!p0 $0x1  }
0xb4: {  	s26 =	simm.s32 $execute0_lowered;
	[smem:$0x3FD2] =	sst s25  }
0xb5: {  	s5 =	sshll.u32 s26, $0x1;
	_ =	strace $0x80000049;
	[dreg:$0x1] =	wrdreg $0xFFFFFFFF  }
0xb6: {  	s28 =	simm.s32 $_size_execute0_lowered;
	s3 =	sadd.s32 s3, s5;
	[dreg:$0x0] =	wrdreg $0x0  }
0xb7: {  	s5 =	sshll.u32 s28, $0x1;
	[dreg:$0x2] =	wrdreg s3  }
0xb8: {  	[dreg:$0x3] =	wrdreg s5  }
0xb9: {  	[dreg:$0x4] =	wrdreg $0xC0  }
0xba: {  	_ =	task [dreg:s22], $0x5FFFF  }
0xbb: {  	[dreg:$0x1] =	wrdreg $0xFFFFFFFF  }
0xbc: {  	[dreg:$0x0] =	wrdreg $0x60  }
0xbd: {  	[dreg:$0x2] =	wrdreg s24  }
0xbe: {  	[dreg:$0x3] =	wrdreg $0x47400  }
0xbf: {  	[dreg:$0x4] =	wrdreg $0x9  }
0xc0: {  	_ =	task.clear_ibuf [dreg:s22], $0x5FFFF;
	_ =	strace $0x90000049  }
0xc1: {  	s29 =	simm.s32 $0x9;
	_ =	strace $0x8000004B  }
0xc2: {  	_ =	swait.ge [sflag:s29], $0x1  }
0xc3: {  	[sflag:s29] =	ssyncadd.s32 $0xFFFFFFFF  }
0xc4: {  	_ =	strace $0x9000004B  }
0xc5: {  	_ =	sfence  }
0xc6: {  	s30 =	sld [smem:$0x0];
	_ =	sdelay $0x2  }
0xc7: {  	s31 =	sshll.u32 s1, $0xD;
	s1 =	sshrl.u32 s1, $0x2  }
0xc8: {  	s4 =	sand.u32 $0x4000, s31;
	s1 =	sadd.s32 s1, s30  }
0xc9: {  	s0 =	sor.u32 s4, s0;
	s1 =	sshll.u32 s1, $0x11  }
0xca: {  	s0 =	sor.u32 s1, s0  }
0xcb: {  	s0 =	sadd.s32 $0x8F2B, s0  }
0xcc: {  	[sflag:s0] =	ssyncadd.remote.s32 $0x1  }
0xcd: {  	_ =	sfence.sel $0xFFFF  }
0xce: {  	[dreg:$0x0] =	wrdreg $0xFFFFFFFF;
	(pc) =	sbr.abs _section_cstart, $3  }
0xcf: {  	[dreg:$0x1] =	wrdreg $0xFFFFFFFF  }
0xd0: {  	_ =	task.clear_ibuf [dreg:s22], $0x2FFFF;
	_ =	strace $0x9FFFFFFF  }
0xd1: {  	(tm) =	ssettm $0x7FFFFFFF  }
tec
execute0_lowered:
.L_overlay_start_1:
0x0: {  	(tag) =	ssettag $0x1  }
0x1: {  	s0 =	rddreg [dreg:$0x0]  }
0x2: {  	s1 =	rddreg [dreg:$0x1];
	s2 =	simm.s32 $0x0;
	s5 =	srdreg.scid  }
0x3: {  	s20 =	stileid.u32;
	s30 =	simm.s32 $0x800;
	s31 =	simm.s32 $0x3  }
0x4: {  	[smem:$0x7FF] =	sst s2;
	s3 =	sadd.s32 $0xE0000, s0;
	s4 =	sadd.s32 $0x143400, s0  }
0x5: {  	s6 =	sand.u32 $0x1, s5;
	s5 =	sadd.s32 $0x143000, s0;
	s8 =	smul.u32 $0x7D00, s20  }
0x6: {  	s23 =	sadd.s32 $0x14FC00, s0;
	s13 =	sor.u32 $0x10, s20;
	s16 =	smul.u32 $0x1F40, s20  }
0x7: {  	s24 =	sadd.s32 $0x143800, s0;
	s15 =	sor.u32 $0x20, s20;
	s19 =	smul.u32 $0x7D00, s13  }
0x8: {  	p1 =	sgt.u32 s20, $0x1;
	s7 =	ssub.s32 $0x2, s6;
	s10 =	smul.u32 $0x7D00, s15  }
0x9: {  	s9 =	sshll.u32 s6, $0x4;
	p0 =	seq.s32 s6, $0x1;
	s6 =	smul.u32 $0x190, s6  }
0xa: {  	p2 =	slt.u32 s20, $0x2;
	s15 =	smul.u32 $0x1F40, s15;
	s12 =	sor.u32 s20, s9  }
0xb: {  	_ =	strace $0x8000004A;
	s17 =	sshrl.u32 s7, $0x1;
	s14 =	smul.u32 $0x6400, s12  }
0xc: {  	s18 =	sshrl.u32 s8, $0x2;
	s26 =	sshrl.u32 s16, $0x3;
	s12 =	smul.u32 $0xC80, s12  }
0xd: {  	s0 =	ssub.s32 s7, s17;
	s8 =	sadd.s32 s18, s1;
	s18 =	smul.u32 $0x1F40, s13  }
0xe: {  	s17 =	sor.u32 $0x30, s20;
	s7 =	sshrl.u32 s19, $0x2;
	s19 =	smul.u32 $0x19, s20  }
0xf: {  	s21 =	sshrl.u32 s10, $0x2;
	s11 =	smul.u32 $0x7D00, s17;
	s9 =	sadd.s32 s7, s1  }
0x10: {  	s10 =	sadd.s32 s21, s1;
	s17 =	smul.u32 $0x1F40, s17;
	s25 =	sshrl.u32 s14, $0x3  }
0x11: {  	s12 =	sadd.s32 s3, s12;
	s14 =	sadd.s32 s16, s1;
	s16 =	sadd.s32 s23, s26  }
0x12: {  	s6 =	sadd.s32 s19, s6;
	s22 =	sshrl.u32 s11, $0x2;
	s7 =	sadd.s32 s3, s25  }
0x13: {  	[dreg:$0x3] =	wrdreg s16;
	s16 =	sadd.s32 s18, s1;
	s6 =	sshll.u32 s6, $0x7  }
0x14: {  	s19 =	sadd.s32 s17, s1;
	s21 =	sshrl.u32 s17, $0x3;
	s25 =	sadd.s32 s24, s26  }
0x15: {  	s29 =	sadd.s32 $0xC00, s12;
	s17 =	simm.s32 $0x2;
	[dreg:$0x5] =	wrdreg s19  }
0x16: {  	s11 =	sadd.s32 s22, s1;
	s13 =	sadd.s32 $0x80, s7;
	[dreg:$0x6] =	wrdreg s21  }
0x17: {  	s22 =	sshrl.u32 s18, $0x3;
	s3 =	sadd.s32 s6, s3;
	[dreg:$0x7] =	wrdreg s25  }
0x18: {  	s21 =	smov.u32 s23;
	s25 =	smax.u32 s0, $0x1;
	s0 =	simm.s32 $0x2740  }
.Ltmp0:
0x19: {  	s6 =	simm.s32 $0x0;
	s18 =	sadd.s32 s23, s22;
	(pc) =	sbr.rel .LBB2_1-.Ltmp0, $4  }
0x1a: {  	s26 =	sadd.s32 s24, s22;
	s22 =	smov.u32 s24;
	s28 =	sadd.s32 $0x180, s3  }
0x1b: {  	[dreg:$0x4] =	wrdreg s18;
	s18 =	sadd.s32 s15, s1;
	s15 =	sshrl.u32 s15, $0x3  }
0x1c: {  	[dreg:$0x8] =	wrdreg s26;
	s26 =	sadd.s32 $0x100, s3;
	s3 =	simm.s32 $0x400  }
0x1d: {  	s23 =	sadd.s32 s23, s15;
	s24 =	sadd.s32 s24, s15;
	s15 =	simm.s32 $0x1  }
.LBB2_6:
0x1e: {  	s19 =	rddreg [dreg:$0x5]  }
0x1f: {  	[tilespmem:s30], [sflag:$0x3] =	stream.linear.gather [spmem:s19], $0x1F40, $0x38;
	[tilespmem:$0xA8F0] =	vst v63  }
0x20: {  	_ =	swait.ge [sflag:s31], $0x1F40  }
0x21: {  	[sflag:s31] =	ssyncset.done $0x0;
	s20 =	rddreg [dreg:$0x6]  }
0x22: {  	s7 =	sadd.s32 s7, s20;
	[sflag:s31] =	ssyncadd.s32 $0xFFFFE0C0  }
0x23: {  	[hbm4b:s7+s2] =	stream.linear.scatter [tilespmem:s30], [sflag:$0x3], $0x1F40, $0x38;
	[tilespmem:$0xA8F0] =	vst v63  }
0x24: {  	_ =	swait.ge [sflag:s31], $0x1F40  }
0x25: {  	[sflag:s31] =	ssyncset.done $0x0  }
0x26: {  	[sflag:s31] =	ssyncadd.s32 $0xFFFFE0C0  }
.LBB2_7:
0x27: {  	s6 =	sadd.s32 $0x1, s6  }
0x28: {  	p3 =	sne.s32 s6, s25  }
.Ltmp1:
0x29: {  	_ = 	snop;
	(pc) =	sbr.rel @!p3 .LBB2_8-.Ltmp1, $1  }
0x2a: {  	_ =	sdelay $0x3  }
.LBB2_1:
0x2b: {  	[tilespmem:s30], [sflag:$0x3] =	stream.linear.gather [hbm4b:s4+s2], $0x1F40, $0x38;
	[tilespmem:$0xA8F0] =	vst v63  }
0x2c: {  	_ =	swait.ge [sflag:s31], $0x1F40  }
0x2d: {  	[sflag:s31] =	ssyncset.done $0x0  }
0x2e: {  	[sflag:s31] =	ssyncadd.s32 $0xFFFFE0C0  }
0x2f: {  	[tilespmem:s0], [sflag:$0x3] =	stream.linear.gather [hbm4b:s5+s2], $0x2000, $0x38;
	[tilespmem:$0xA8F0] =	vst v63  }
0x30: {  	_ =	swait.ge [sflag:s31], $0x2000  }
0x31: {  	[sflag:s31] =	ssyncset.done $0x0  }
0x32: {  	[sflag:s31] =	ssyncadd.s32 $0xFFFFE000  }
0x33: {  	[spmem:s8] =	stream.linear.scatter [tilespmem:s30], [sflag:$0x3], $0x1F40, $0x38;
	[tilespmem:$0xA8F0] =	vst v63  }
0x34: {  	_ =	swait.ge [sflag:s31], $0x1F40  }
0x35: {  	[sflag:s31] =	ssyncset.done $0x0  }
0x36: {  	[sflag:s31] =	ssyncadd.s32 $0xFFFFE0C0  }
0x37: {  	[spmem:s9] =	stream.linear.scatter [tilespmem:s30], [sflag:$0x3], $0x1F40, $0x38;
	[tilespmem:$0xA8F0] =	vst v63  }
0x38: {  	_ =	swait.ge [sflag:s31], $0x1F40  }
0x39: {  	[sflag:s31] =	ssyncset.done $0x0  }
0x3a: {  	[sflag:s31] =	ssyncadd.s32 $0xFFFFE0C0  }
0x3b: {  	[spmem:s10] =	stream.linear.scatter [tilespmem:s30], [sflag:$0x3], $0x1F40, $0x38;
	[tilespmem:$0xA8F0] =	vst v63  }
0x3c: {  	_ =	swait.ge [sflag:s31], $0x1F40  }
0x3d: {  	[sflag:s31] =	ssyncset.done $0x0  }
0x3e: {  	s7 =	simm.s32 @!p1 $0x800;
	[sflag:s31] =	ssyncadd.s32 $0xFFFFE0C0  }
0x3f: {  	[spmem:s11] =	stream.linear.scatter @!p1 [tilespmem:s7], [sflag:$0x3], $0x1F40, $0x38;
	[tilespmem:$0xA8F0] =	vst v63  }
0x40: {  	s7 =	simm.s32 @!p1 $0x3  }
0x41: {  	_ =	swait.ge @!p1 [sflag:s7], $0x1F40  }
0x42: {  	[sflag:s7] =	ssyncset.done @!p1 $0x0  }
0x43: {  	[sflag:s7] =	ssyncadd.s32 @!p1 $0xFFFFE0C0  }
0x44: {  	[bflag:$0x0] =	sbarrier.arrive $0xFFFF  }
0x45: {  	[tilespmem:s2], [sflag:$0x3] =	stream.linear.gather [hbm4b:s12+s2], $0x400, $0x38;
	[tilespmem:$0xA8F0] =	vst v63  }
0x46: {  	_ =	swait.ge [sflag:s31], $0x400  }
0x47: {  	[sflag:s31] =	ssyncset.done $0x0  }
0x48: {  	[sflag:s31] =	ssyncadd.s32 $0xFFFFFC00  }
0x49: {  	[spmem:s1] =	stream.indirect.scatter.add.f32 [tilespmem:s0], [sflag:$0x1], $0x8, s2, s3, $0xb8;
	[tilespmem:$0xA8F0] =	vst v63  }
0x4a: {  	_ = 	snop  }
0x4b: {  	[tilespmem:s3], [sflag:$0x3] =	stream.linear.gather [hbm4b:s13+s2], $0x400, $0x38;
	[tilespmem:$0xA8F0] =	vst v63  }
0x4c: {  	_ =	swait.ge [sflag:s31], $0x400  }
0x4d: {  	[sflag:s31] =	ssyncset.done $0x0  }
0x4e: {  	[sflag:s31] =	ssyncadd.s32 $0xFFFFFC00  }
0x4f: {  	[spmem:s1] =	stream.indirect.scatter.add.f32 [tilespmem:s0], [sflag:$0x2], $0x8, s3, s3, $0xb8;
	[tilespmem:$0xA8F0] =	vst v63  }
0x50: {  	_ =	swait.ge [sflag:s15], $0x2000  }
0x51: {  	[sflag:s15] =	ssyncset.done $0x0  }
0x52: {  	s19 =	sadd.s32 $0x0, s26;
	[sflag:s15] =	ssyncadd.s32 $0xFFFFE000  }
0x53: {  	[tilespmem:s2], [sflag:$0x3] =	stream.linear.gather [hbm4b:s19+s2], $0x400, $0x38;
	[tilespmem:$0xA8F0] =	vst v63  }
0x54: {  	_ =	swait.ge [sflag:s31], $0x400  }
0x55: {  	[sflag:s31] =	ssyncset.done $0x0  }
0x56: {  	[sflag:s31] =	ssyncadd.s32 $0xFFFFFC00  }
0x57: {  	[spmem:s1] =	stream.indirect.scatter.add.f32 [tilespmem:s0], [sflag:$0x1], $0x8, s2, s3, $0xb8;
	[tilespmem:$0xA8F0] =	vst v63  }
0x58: {  	_ =	swait.ge [sflag:s17], $0x2000  }
0x59: {  	[sflag:s17] =	ssyncset.done $0x0  }
0x5a: {  	s20 =	sadd.s32 $0x0, s28;
	[sflag:s17] =	ssyncadd.s32 $0xFFFFE000  }
0x5b: {  	[tilespmem:s3], [sflag:$0x3] =	stream.linear.gather [hbm4b:s20+s2], $0x400, $0x38;
	[tilespmem:$0xA8F0] =	vst v63  }
0x5c: {  	_ =	swait.ge [sflag:s31], $0x400  }
0x5d: {  	[sflag:s31] =	ssyncset.done $0x0  }
0x5e: {  	s7 =	simm.s32 $0x100;
	[sflag:s31] =	ssyncadd.s32 $0xFFFFFC00  }
.LBB2_2:
0x5f: {  	[spmem:s1] =	stream.indirect.scatter.add.f32 [tilespmem:s0], [sflag:$0x2], $0x8, s3, s3, $0xb8;
	[tilespmem:$0xA8F0] =	vst v63  }
0x60: {  	s19 =	smov.u32 s7  }
0x61: {  	p3 =	sne.s32 s7, $0xA00;
	s7 =	sadd.s32 $0x100, s7;
	_ =	swait.ge [sflag:s15], $0x2000  }
0x62: {  	[sflag:s15] =	ssyncset.done $0x0  }
0x63: {  	s20 =	sadd.s32 s19, s26;
	[sflag:s15] =	ssyncadd.s32 $0xFFFFE000  }
0x64: {  	[tilespmem:s2], [sflag:$0x3] =	stream.linear.gather [hbm4b:s20+s2], $0x400, $0x38;
	[tilespmem:$0xA8F0] =	vst v63  }
0x65: {  	_ =	swait.ge [sflag:s31], $0x400  }
0x66: {  	[sflag:s31] =	ssyncset.done $0x0  }
0x67: {  	[sflag:s31] =	ssyncadd.s32 $0xFFFFFC00  }
0x68: {  	[spmem:s1] =	stream.indirect.scatter.add.f32 [tilespmem:s0], [sflag:$0x1], $0x8, s2, s3, $0xb8;
	[tilespmem:$0xA8F0] =	vst v63  }
0x69: {  	_ =	swait.ge [sflag:s17], $0x2000  }
0x6a: {  	[sflag:s17] =	ssyncset.done $0x0  }
.Ltmp2:
0x6b: {  	s19 =	sadd.s32 s19, s28;
	[sflag:s17] =	ssyncadd.s32 $0xFFFFE000;
	(pc) =	sbr.rel @p3 .LBB2_2-.Ltmp2, $4  }
0x6c: {  	[tilespmem:s3], [sflag:$0x3] =	stream.linear.gather [hbm4b:s19+s2], $0x400, $0x38;
	[tilespmem:$0xA8F0] =	vst v63  }
0x6d: {  	_ =	swait.ge [sflag:s31], $0x400  }
0x6e: {  	[sflag:s31] =	ssyncset.done $0x0  }
0x6f: {  	[sflag:s31] =	ssyncadd.s32 $0xFFFFFC00  }
0x70: {  	[spmem:s1] =	stream.indirect.scatter.add.f32 [tilespmem:s0], [sflag:$0x2], $0x8, s3, s3, $0xb8;
	[tilespmem:$0xA8F0] =	vst v63  }
0x71: {  	_ =	swait.ge [sflag:s15], $0x2000  }
0x72: {  	[sflag:s15] =	ssyncset.done $0x0  }
0x73: {  	[sflag:s15] =	ssyncadd.s32 $0xFFFFE000  }
0x74: {  	[tilespmem:s2], [sflag:$0x3] =	stream.linear.gather [hbm4b:s29+s2], $0x400, $0x38;
	[tilespmem:$0xA8F0] =	vst v63  }
0x75: {  	_ =	swait.ge [sflag:s31], $0x400  }
0x76: {  	[sflag:s31] =	ssyncset.done $0x0  }
0x77: {  	[sflag:s31] =	ssyncadd.s32 $0xFFFFFC00  }
0x78: {  	[spmem:s1] =	stream.indirect.scatter.add.f32 [tilespmem:s0], [sflag:$0x1], $0x8, s2, s3, $0xb8;
	[tilespmem:$0xA8F0] =	vst v63  }
0x79: {  	_ =	swait.ge [sflag:s15], $0x2000  }
0x7a: {  	[sflag:s15] =	ssyncset.done $0x0  }
0x7b: {  	[sflag:s15] =	ssyncadd.s32 $0xFFFFE000  }
0x7c: {  	_ =	swait.ge [sflag:s17], $0x2000  }
0x7d: {  	[sflag:s17] =	ssyncset.done $0x0  }
0x7e: {  	[sflag:s17] =	ssyncadd.s32 $0xFFFFE000  }
.Ltmp3:
0x7f: {  	[bflag:$0x0] =	sbarrier.arrive $0xFFFF;
	(pc) =	sbr.rel @!p0 .LBB2_4-.Ltmp3, $4  }
0x80: {  	[tilespmem:s30], [sflag:$0x3] =	stream.linear.gather [spmem:s14], $0x1F40, $0x38;
	[tilespmem:$0xA8F0] =	vst v63  }
0x81: {  	_ =	swait.ge [sflag:s31], $0x1F40  }
0x82: {  	[sflag:s31] =	ssyncset.done $0x0  }
0x83: {  	[sflag:s31] =	ssyncadd.s32 $0xFFFFE0C0  }
0x84: {  	s7 =	rddreg [dreg:$0x7]  }
0x85: {  	[hbm4b:s7+s2] =	stream.linear.scatter [tilespmem:s30], [sflag:$0x3], $0x1F40, $0x38;
	[tilespmem:$0xA8F0] =	vst v63  }
0x86: {  	_ =	swait.ge [sflag:s31], $0x1F40  }
0x87: {  	[sflag:s31] =	ssyncset.done $0x0  }
0x88: {  	[sflag:s31] =	ssyncadd.s32 $0xFFFFE0C0  }
0x89: {  	[tilespmem:s30], [sflag:$0x3] =	stream.linear.gather [spmem:s16], $0x1F40, $0x38;
	[tilespmem:$0xA8F0] =	vst v63  }
0x8a: {  	_ =	swait.ge [sflag:s31], $0x1F40  }
0x8b: {  	[sflag:s31] =	ssyncset.done $0x0  }
0x8c: {  	s20 =	rddreg [dreg:$0x8];
	[sflag:s31] =	ssyncadd.s32 $0xFFFFE0C0  }
0x8d: {  	[hbm4b:s20+s2] =	stream.linear.scatter [tilespmem:s30], [sflag:$0x3], $0x1F40, $0x38;
	[tilespmem:$0xA8F0] =	vst v63  }
0x8e: {  	_ =	swait.ge [sflag:s31], $0x1F40  }
0x8f: {  	[sflag:s31] =	ssyncset.done $0x0  }
0x90: {  	[sflag:s31] =	ssyncadd.s32 $0xFFFFE0C0  }
0x91: {  	[tilespmem:s30], [sflag:$0x3] =	stream.linear.gather [spmem:s18], $0x1F40, $0x38;
	[tilespmem:$0xA8F0] =	vst v63  }
0x92: {  	_ =	swait.ge [sflag:s31], $0x1F40  }
0x93: {  	[sflag:s31] =	ssyncset.done $0x0  }
0x94: {  	[sflag:s31] =	ssyncadd.s32 $0xFFFFE0C0  }
0x95: {  	[hbm4b:s24+s2] =	stream.linear.scatter [tilespmem:s30], [sflag:$0x3], $0x1F40, $0x38;
	[tilespmem:$0xA8F0] =	vst v63  }
.Ltmp4:
0x96: {  	_ = 	snop;
	(pc) =	sbr.rel @p1 .LBB2_7-.Ltmp4, $4  }
.Ltmp5:
0x97: {  	_ = 	snop;
	(pc) =	sbr.rel @!p1 .LBB2_6-.Ltmp5, $4  }
0x98: {  	_ =	swait.ge [sflag:s31], $0x1F40  }
0x99: {  	[sflag:s31] =	ssyncset.done $0x0  }
0x9a: {  	s7 =	smov.u32 s22;
	[sflag:s31] =	ssyncadd.s32 $0xFFFFE0C0  }
0x9b: {  	_ = 	snop  }
.LBB2_4:
0x9c: {  	s7 =	rddreg [dreg:$0x3]  }
0x9d: {  	[hbm4b:s7+s2] =	stream.linear.scatter [tilespmem:s30], [sflag:$0x3], $0x1F40, $0x38;
	[tilespmem:$0xA8F0] =	vst v63  }
0x9e: {  	_ =	swait.ge [sflag:s31], $0x1F40  }
0x9f: {  	[sflag:s31] =	ssyncset.done $0x0  }
0xa0: {  	[sflag:s31] =	ssyncadd.s32 $0xFFFFE0C0  }
0xa1: {  	[tilespmem:s30], [sflag:$0x3] =	stream.linear.gather [spmem:s16], $0x1F40, $0x38;
	[tilespmem:$0xA8F0] =	vst v63  }
0xa2: {  	_ =	swait.ge [sflag:s31], $0x1F40  }
0xa3: {  	[sflag:s31] =	ssyncset.done $0x0  }
0xa4: {  	s20 =	rddreg [dreg:$0x4];
	[sflag:s31] =	ssyncadd.s32 $0xFFFFE0C0  }
0xa5: {  	[hbm4b:s20+s2] =	stream.linear.scatter [tilespmem:s30], [sflag:$0x3], $0x1F40, $0x38;
	[tilespmem:$0xA8F0] =	vst v63  }
0xa6: {  	_ =	swait.ge [sflag:s31], $0x1F40  }
0xa7: {  	[sflag:s31] =	ssyncset.done $0x0  }
0xa8: {  	[sflag:s31] =	ssyncadd.s32 $0xFFFFE0C0  }
0xa9: {  	[tilespmem:s30], [sflag:$0x3] =	stream.linear.gather [spmem:s18], $0x1F40, $0x38;
	[tilespmem:$0xA8F0] =	vst v63  }
0xaa: {  	_ =	swait.ge [sflag:s31], $0x1F40  }
0xab: {  	[sflag:s31] =	ssyncset.done $0x0  }
0xac: {  	[sflag:s31] =	ssyncadd.s32 $0xFFFFE0C0  }
0xad: {  	[hbm4b:s23+s2] =	stream.linear.scatter [tilespmem:s30], [sflag:$0x3], $0x1F40, $0x38;
	[tilespmem:$0xA8F0] =	vst v63  }
.Ltmp6:
0xae: {  	_ = 	snop;
	(pc) =	sbr.rel @p2 .LBB2_6-.Ltmp6, $4  }
.Ltmp7:
0xaf: {  	_ = 	snop;
	(pc) =	sbr.rel @!p2 .LBB2_7-.Ltmp7, $4  }
0xb0: {  	_ =	swait.ge [sflag:s31], $0x1F40  }
0xb1: {  	[sflag:s31] =	ssyncset.done $0x0  }
0xb2: {  	s7 =	smov.u32 s21;
	[sflag:s31] =	ssyncadd.s32 $0xFFFFE0C0  }
0xb3: {  	_ = 	snop  }
.LBB2_8:
0xb4: {  	_ =	sfence.sel $0x180000  }
0xb5: {  	[bflag:$0x0] =	sbarrier.arrive $0xFFFF  }
0xb6: {  	_ =	strace $0x9000004A  }
0xb7: {  	s0 =	stileid.u32;
	[bflag:$0x2] =	sbarrier.arrive $0xFFFF  }
0xb8: {  	p0 =	sne.s32 s0, $0x0;
	s0 =	rddreg [dreg:$0x2]  }
0xb9: {  	s0 =	sadd.s32 @!p0 $0x100000, s0  }
0xba: {  	[sflag:s0] =	ssyncadd.tile.s32 @!p0 $0x1;
	_ =	shalt  }
.Lfunc_end2:
_tile_overlayer_lowered:
.L_overlay_start_2:
0xbb: {  	(tag) =	ssettag $0x2  }
0xbc: {  	s0 =	rddreg [dreg:$0x0];
	s2 =	stileid.u32  }
0xbd: {  	s1 =	rddreg [dreg:$0x1];
	p0 =	sne.s32 s2, $0x0  }
0xbe: {  	s3 =	rddreg [dreg:$0x2];
	[bflag:$0x3] =	sbarrier.arrive $0xFFFF;
	s2 =	simm.s32 @!p0 $0x1C03  }
0xbf: {  	[timem:s3], [sflag:s2] =	dma.local @!p0 [hbm:s0], s1  }
0xc0: {  	s0 =	simm.s32 @!p0 $0x3  }
0xc1: {  	_ =	swait.ge @!p0 [sflag:s0], s1  }
0xc2: {  	s1 =	ssub.s32 @!p0 $0x0, s1;
	[sflag:s0] =	ssyncset.done @!p0 $0x0  }
0xc3: {  	[sflag:s0] =	ssyncadd.s32 @!p0 s1  }
0xc4: {  	[bflag:$0x3] =	sbarrier.arrive $0xFFFF  }
0xc5: {  	_ =	shalt  }

</sc_bundles>
